<compile_context>
chip_gen: v7x
topology: tpu7x:2x2x1
jax: 0.10.2.dev20260603
libtpu: 0.0.44.dev20260713+nightly
codegen_flags: <defaults>
</compile_context>

<pallas_src>
import math

import jax
import jax.numpy as jnp
from jax import lax
from jax.experimental import pallas as pl
from jax.experimental.pallas import tpu as pltpu
from jax.experimental.pallas import tpu_sc as plsc

_NCB = 4
_V = 100000
_D = 128
_B = 1024
_S = 200
_N = _B * _S
_NC = 2
_NS = 16
_NW = _NC * _NS
_RW = _N // _NW
_BPW = _B // _NW
_C = 40
_CPB = _S // _C
_CHUNKS = _RW // _C
_LANES = 16
_VPR = _D // _LANES
_SCALE = math.sqrt(_D)


def _sc_body(x_hbm, w_hbm, out_hbm,
             idx_v, gb0, gb1, ob0, ob1,
             gsem0, gsem1, osem0, osem1, isem):
    wid = lax.axis_index("s") * _NC + lax.axis_index("c")
    base = wid * _RW

    gbufs = (gb0, gb1)
    obufs = (ob0, ob1)
    gsems = (gsem0, gsem1)
    osems = (osem0, osem1)

    pltpu.async_copy(x_hbm.at[pl.ds(wid * _BPW, _BPW)], idx_v, isem).wait()

    def issue_gathers(g, b):
        bb = lax.div(g, _CPB)
        s0 = lax.rem(g, _CPB) * _C
        for cb in range(_NCB):
            pltpu.async_copy(
                w_hbm.at[pl.ds(cb * _V, _V)].at[
                    idx_v.at[bb, pl.ds(cb * _S + s0, _C)]],
                gbufs[b].at[cb],
                gsems[b])

    def wait_gathers(b):
        for cb in range(_NCB):
            pltpu.make_async_copy(
                w_hbm.at[pl.ds(0, _C)], gbufs[b].at[cb], gsems[b]).wait()

    def issue_store(g, b):
        pltpu.async_copy(
            obufs[b], out_hbm.at[pl.ds(base + g * _C, _C)], osems[b])

    def wait_store(b):
        pltpu.make_async_copy(
            obufs[b], out_hbm.at[pl.ds(0, _C)], osems[b]).wait()

    def compute(b):
        gb, ob = gbufs[b], obufs[b]

        @pl.loop(0, _C)
        def _(r):
            for c in range(_VPR):
                s = pl.ds(c * _LANES, _LANES)
                v = (gb[0, r, s] + gb[1, r, s]) + (gb[2, r, s] + gb[3, r, s])
                ob[r, s] = v * _SCALE

    issue_gathers(0, 0)
    issue_gathers(1, 1)

    for b in range(2):
        wait_gathers(b)
        compute(b)
        issue_store(b, b)
        issue_gathers(b + 2, b)

    @pl.loop(2, _CHUNKS - 2, step=2)
    def _(g0):
        for b in range(2):
            g = g0 + b
            wait_gathers(b)
            wait_store(b)
            compute(b)
            issue_store(g, b)
            issue_gathers(g + 2, b)

    for b in range(2):
        g = _CHUNKS - 2 + b
        wait_gathers(b)
        wait_store(b)
        compute(b)
        issue_store(g, b)

    wait_store(0)
    wait_store(1)


def kernel(x, W):
    x_flat = x.reshape(_B, _NCB * _S)
    w_flat = W.reshape(_NCB * _V, _D)

    mesh = plsc.VectorSubcoreMesh(core_axis_name="c", subcore_axis_name="s")
    out = pl.kernel(
        _sc_body,
        out_type=jax.ShapeDtypeStruct((_N, _D), jnp.float32),
        mesh=mesh,
        compiler_params=pltpu.CompilerParams(use_tc_tiling_on_sc=False),
        scratch_types=[
            pltpu.VMEM((_BPW, _NCB * _S), jnp.int32),
            pltpu.VMEM((_NCB, _C, _D), jnp.float32),
            pltpu.VMEM((_NCB, _C, _D), jnp.float32),
            pltpu.VMEM((_C, _D), jnp.float32),
            pltpu.VMEM((_C, _D), jnp.float32),
            pltpu.SemaphoreType.DMA,
            pltpu.SemaphoreType.DMA,
            pltpu.SemaphoreType.DMA,
            pltpu.SemaphoreType.DMA,
            pltpu.SemaphoreType.DMA,
        ],
    )(x_flat, w_flat)
    return out.reshape(_B, _S, _D)

# --- scband reference (transcript-rebuilt; emitter-appended) ---
"""Pipeline reference for scband-multi-codes-embedding-52115133169728 (READ-ONLY COPY).

The authoritative reference and input builder live on the scoring server;
editing this copy changes nothing except your own understanding.
"""

import jax, jax.numpy as jnp
import numpy as np
import math

NUM_CODEBOOKS = 4
VOCAB = 100000
D_MODEL = 128
PAD_IDX = 0
BATCH = 1024
SEQ = 200

def setup_inputs(seed: int = 0) -> dict:
    key = jax.random.key(seed)
    k_x, k_w = jax.random.split(key)
    # indices: [batch, num_codebooks, seq_len]
    x = jax.random.randint(k_x, (BATCH, NUM_CODEBOOKS, SEQ), 0, VOCAB, dtype=jnp.int32)
    # stacked embedding tables: [num_codebooks, vocab, d_model]
    W = jax.random.normal(k_w, (NUM_CODEBOOKS, VOCAB, D_MODEL), dtype=jnp.float32)
    # padding_idx row initialized to zero (nn.Embedding semantics)
    W = W.at[:, PAD_IDX, :].set(0.0)
    return {"x": x, "W": W}

def reference(x, W):
    scale = math.sqrt(D_MODEL)
    out = jnp.zeros((x.shape[0], x.shape[2], D_MODEL), dtype=W.dtype)
    for i in range(NUM_CODEBOOKS):
        # enforce padding_idx row = 0 (kept at zero in torch; never updated)
        tbl = W[i].at[PAD_IDX].set(0.0)
        out = out + jnp.take(tbl, x[:, i, :], axis=0)
    return out * scale

if __name__ == "__main__":
    import jax
    _d = setup_inputs()
    print(jax.jit(kernel)(*tuple(_d.values())))

</pallas_src>

<mosaic_0001>
#map = affine_map<(d0, d1) -> (0, 0)>
module attributes {stable_mosaic.version = 14 : i64} {
  func.func @_sc_body(%arg0: i32, %arg1: i32, %arg2: memref<1024x800xi32, #tpu.memory_space<hbm>>, %arg3: memref<400000x128xf32, #tpu.memory_space<hbm>>, %arg4: memref<204800x128xf32, #tpu.memory_space<hbm>>, %arg5: memref<32x800xi32, #tpu.memory_space<vmem>>, %arg6: memref<4x40x128xf32, #tpu.memory_space<vmem>>, %arg7: memref<4x40x128xf32, #tpu.memory_space<vmem>>, %arg8: memref<40x128xf32, #tpu.memory_space<vmem>>, %arg9: memref<40x128xf32, #tpu.memory_space<vmem>>, %arg10: memref<!tpu.dma_semaphore, #tpu.memory_space<semaphore_mem>>, %arg11: memref<!tpu.dma_semaphore, #tpu.memory_space<semaphore_mem>>, %arg12: memref<!tpu.dma_semaphore, #tpu.memory_space<semaphore_mem>>, %arg13: memref<!tpu.dma_semaphore, #tpu.memory_space<semaphore_mem>>, %arg14: memref<!tpu.dma_semaphore, #tpu.memory_space<semaphore_mem>>) attributes {dimension_semantics = [#tpu.dimension_semantics<core_parallel>, #tpu.dimension_semantics<subcore_parallel>], iteration_bounds = array<i64: 2, 16>, scalar_prefetch = 0 : i64, scratch_operands = 10 : i64, tpu.core_type = #tpu.core_type<sc_vector_subcore>, window_params = [{transform_indices = #map}, {transform_indices = #map}, {transform_indices = #map}]} {
    %mul3A = arith.constant 2 : i32
    %mul3A_0 = arith.muli %arg1, %mul3A : i32
    %add3A = arith.addi %mul3A_0, %arg0 : i32
    %mul3A_1 = arith.constant 6400 : i32
    %mul3A_2 = arith.muli %add3A, %mul3A_1 : i32
    %mul3A_3 = arith.constant 32 : i32
    %mul3A_4 = arith.muli %add3A, %mul3A_3 : i32
    %dma_start3A = arith.constant 0 : i32
    %dma_start3A_5 = tpu.memref_slice %arg2[%mul3A_4, %dma_start3A] : memref<1024x800xi32, #tpu.memory_space<hbm>> -> memref<32x800xi32, #tpu.memory_space<hbm>>
    %dma_start3A_6 = arith.constant 0 : i32
    %dma_start3A_7 = tpu.memref_slice %arg2[%mul3A_4, %dma_start3A_6] : memref<1024x800xi32, #tpu.memory_space<hbm>> -> memref<32x800xi32, #tpu.memory_space<hbm>>
    tpu.enqueue_dma source(%dma_start3A_7 : memref<32x800xi32, #tpu.memory_space<hbm>>) target(%arg5 : memref<32x800xi32, #tpu.memory_space<vmem>>) target_semaphore(%arg14 : memref<!tpu.dma_semaphore, #tpu.memory_space<semaphore_mem>>)
    %dma_wait3A = arith.constant 0 : i32
    %dma_wait3A_8 = tpu.memref_slice %arg2[%mul3A_4, %dma_wait3A] : memref<1024x800xi32, #tpu.memory_space<hbm>> -> memref<32x800xi32, #tpu.memory_space<hbm>>
    %dma_wait3A_9 = arith.constant 0 : i32
    %dma_wait3A_10 = tpu.memref_slice %arg2[%mul3A_4, %dma_wait3A_9] : memref<1024x800xi32, #tpu.memory_space<hbm>> -> memref<32x800xi32, #tpu.memory_space<hbm>>
    tpu.wait_dma2 semaphore(%arg14 : memref<!tpu.dma_semaphore, #tpu.memory_space<semaphore_mem>>) src(%dma_wait3A_10 : memref<32x800xi32, #tpu.memory_space<hbm>>) dst(%arg5 : memref<32x800xi32, #tpu.memory_space<vmem>>)
    %div3A = arith.constant 0 : i32
    %div3A_11 = arith.constant 5 : i32
    %div3A_12 = arith.divsi %div3A, %div3A_11 : i32
    %rem3A = arith.constant 0 : i32
    %rem3A_13 = arith.constant 5 : i32
    %rem3A_14 = arith.remsi %rem3A, %rem3A_13 : i32
    %mul3A_15 = arith.constant 40 : i32
    %mul3A_16 = arith.muli %rem3A_14, %mul3A_15 : i32
    %add3A_17 = arith.constant 0 : i32
    %add3A_18 = arith.addi %add3A_17, %mul3A_16 : i32
    %dma_start3A_19 = arith.constant 0 : i32
    %dma_start3A_20 = arith.constant 0 : i32
    %dma_start3A_21 = arith.constant 0 : i32
    %dma_start3A_22 = tpu.memref_slice %arg6[%dma_start3A_19, %dma_start3A_20, %dma_start3A_21] : memref<4x40x128xf32, #tpu.memory_space<vmem>> -> memref<1x40x128xf32, #tpu.memory_space<vmem>>
    %dma_start3A_23 = tpu.memref_squeeze %dma_start3A_22 : memref<1x40x128xf32, #tpu.memory_space<vmem>> -> memref<40x128xf32, #tpu.memory_space<vmem>>
    %dma_start3A_24 = tpu.memref_slice %arg5[%div3A_12, %add3A_18] : memref<32x800xi32, #tpu.memory_space<vmem>> -> memref<1x40xi32, #tpu.memory_space<vmem>>
    %dma_start3A_25 = tpu.memref_squeeze %dma_start3A_24 : memref<1x40xi32, #tpu.memory_space<vmem>> -> memref<40xi32, #tpu.memory_space<vmem>>
    %dma_start3A_26 = arith.constant 0 : i32
    %dma_start3A_27 = arith.constant 0 : i32
    %dma_start3A_28 = tpu.memref_slice %arg3[%dma_start3A_26, %dma_start3A_27] : memref<400000x128xf32, #tpu.memory_space<hbm>> -> memref<100000x128xf32, #tpu.memory_space<hbm>>
    %dma_start3A_29 = arith.constant 0 : i32
    %dma_start3A_30 = arith.constant 0 : i32
    %dma_start3A_31 = tpu.memref_slice %dma_start3A_28[%dma_start3A_29, %dma_start3A_30] : memref<100000x128xf32, #tpu.memory_space<hbm>> -> memref<100000x128xf32, #tpu.memory_space<hbm>>
    tpu.enqueue_indirect_dma source(%dma_start3A_31 : memref<100000x128xf32, #tpu.memory_space<hbm>>) target(%dma_start3A_23 : memref<40x128xf32, #tpu.memory_space<vmem>>) offsets(%dma_start3A_25 : memref<40xi32, #tpu.memory_space<vmem>>) semaphore(%arg10 : memref<!tpu.dma_semaphore, #tpu.memory_space<semaphore_mem>>)
    %add3A_32 = arith.constant 200 : i32
    %add3A_33 = arith.addi %add3A_32, %mul3A_16 : i32
    %dma_start3A_34 = arith.constant 1 : i32
    %dma_start3A_35 = arith.constant 0 : i32
    %dma_start3A_36 = arith.constant 0 : i32
    %dma_start3A_37 = tpu.memref_slice %arg6[%dma_start3A_34, %dma_start3A_35, %dma_start3A_36] : memref<4x40x128xf32, #tpu.memory_space<vmem>> -> memref<1x40x128xf32, #tpu.memory_space<vmem>>
    %dma_start3A_38 = tpu.memref_squeeze %dma_start3A_37 : memref<1x40x128xf32, #tpu.memory_space<vmem>> -> memref<40x128xf32, #tpu.memory_space<vmem>>
    %dma_start3A_39 = tpu.memref_slice %arg5[%div3A_12, %add3A_33] : memref<32x800xi32, #tpu.memory_space<vmem>> -> memref<1x40xi32, #tpu.memory_space<vmem>>
    %dma_start3A_40 = tpu.memref_squeeze %dma_start3A_39 : memref<1x40xi32, #tpu.memory_space<vmem>> -> memref<40xi32, #tpu.memory_space<vmem>>
    %dma_start3A_41 = arith.constant 100000 : i32
    %dma_start3A_42 = arith.constant 0 : i32
    %dma_start3A_43 = tpu.memref_slice %arg3[%dma_start3A_41, %dma_start3A_42] : memref<400000x128xf32, #tpu.memory_space<hbm>> -> memref<100000x128xf32, #tpu.memory_space<hbm>>
    %dma_start3A_44 = arith.constant 0 : i32
    %dma_start3A_45 = arith.constant 0 : i32
    %dma_start3A_46 = tpu.memref_slice %dma_start3A_43[%dma_start3A_44, %dma_start3A_45] : memref<100000x128xf32, #tpu.memory_space<hbm>> -> memref<100000x128xf32, #tpu.memory_space<hbm>>
    tpu.enqueue_indirect_dma source(%dma_start3A_46 : memref<100000x128xf32, #tpu.memory_space<hbm>>) target(%dma_start3A_38 : memref<40x128xf32, #tpu.memory_space<vmem>>) offsets(%dma_start3A_40 : memref<40xi32, #tpu.memory_space<vmem>>) semaphore(%arg10 : memref<!tpu.dma_semaphore, #tpu.memory_space<semaphore_mem>>)
    %add3A_47 = arith.constant 400 : i32
    %add3A_48 = arith.addi %add3A_47, %mul3A_16 : i32
    %dma_start3A_49 = arith.constant 2 : i32
    %dma_start3A_50 = arith.constant 0 : i32
    %dma_start3A_51 = arith.constant 0 : i32
    %dma_start3A_52 = tpu.memref_slice %arg6[%dma_start3A_49, %dma_start3A_50, %dma_start3A_51] : memref<4x40x128xf32, #tpu.memory_space<vmem>> -> memref<1x40x128xf32, #tpu.memory_space<vmem>>
    %dma_start3A_53 = tpu.memref_squeeze %dma_start3A_52 : memref<1x40x128xf32, #tpu.memory_space<vmem>> -> memref<40x128xf32, #tpu.memory_space<vmem>>
    %dma_start3A_54 = tpu.memref_slice %arg5[%div3A_12, %add3A_48] : memref<32x800xi32, #tpu.memory_space<vmem>> -> memref<1x40xi32, #tpu.memory_space<vmem>>
    %dma_start3A_55 = tpu.memref_squeeze %dma_start3A_54 : memref<1x40xi32, #tpu.memory_space<vmem>> -> memref<40xi32, #tpu.memory_space<vmem>>
    %dma_start3A_56 = arith.constant 200000 : i32
    %dma_start3A_57 = arith.constant 0 : i32
    %dma_start3A_58 = tpu.memref_slice %arg3[%dma_start3A_56, %dma_start3A_57] : memref<400000x128xf32, #tpu.memory_space<hbm>> -> memref<100000x128xf32, #tpu.memory_space<hbm>>
    %dma_start3A_59 = arith.constant 0 : i32
    %dma_start3A_60 = arith.constant 0 : i32
    %dma_start3A_61 = tpu.memref_slice %dma_start3A_58[%dma_start3A_59, %dma_start3A_60] : memref<100000x128xf32, #tpu.memory_space<hbm>> -> memref<100000x128xf32, #tpu.memory_space<hbm>>
    tpu.enqueue_indirect_dma source(%dma_start3A_61 : memref<100000x128xf32, #tpu.memory_space<hbm>>) target(%dma_start3A_53 : memref<40x128xf32, #tpu.memory_space<vmem>>) offsets(%dma_start3A_55 : memref<40xi32, #tpu.memory_space<vmem>>) semaphore(%arg10 : memref<!tpu.dma_semaphore, #tpu.memory_space<semaphore_mem>>)
    %add3A_62 = arith.constant 600 : i32
    %add3A_63 = arith.addi %add3A_62, %mul3A_16 : i32
    %dma_start3A_64 = arith.constant 3 : i32
    %dma_start3A_65 = arith.constant 0 : i32
    %dma_start3A_66 = arith.constant 0 : i32
    %dma_start3A_67 = tpu.memref_slice %arg6[%dma_start3A_64, %dma_start3A_65, %dma_start3A_66] : memref<4x40x128xf32, #tpu.memory_space<vmem>> -> memref<1x40x128xf32, #tpu.memory_space<vmem>>
    %dma_start3A_68 = tpu.memref_squeeze %dma_start3A_67 : memref<1x40x128xf32, #tpu.memory_space<vmem>> -> memref<40x128xf32, #tpu.memory_space<vmem>>
    %dma_start3A_69 = tpu.memref_slice %arg5[%div3A_12, %add3A_63] : memref<32x800xi32, #tpu.memory_space<vmem>> -> memref<1x40xi32, #tpu.memory_space<vmem>>
    %dma_start3A_70 = tpu.memref_squeeze %dma_start3A_69 : memref<1x40xi32, #tpu.memory_space<vmem>> -> memref<40xi32, #tpu.memory_space<vmem>>
    %dma_start3A_71 = arith.constant 300000 : i32
    %dma_start3A_72 = arith.constant 0 : i32
    %dma_start3A_73 = tpu.memref_slice %arg3[%dma_start3A_71, %dma_start3A_72] : memref<400000x128xf32, #tpu.memory_space<hbm>> -> memref<100000x128xf32, #tpu.memory_space<hbm>>
    %dma_start3A_74 = arith.constant 0 : i32
    %dma_start3A_75 = arith.constant 0 : i32
    %dma_start3A_76 = tpu.memref_slice %dma_start3A_73[%dma_start3A_74, %dma_start3A_75] : memref<100000x128xf32, #tpu.memory_space<hbm>> -> memref<100000x128xf32, #tpu.memory_space<hbm>>
    tpu.enqueue_indirect_dma source(%dma_start3A_76 : memref<100000x128xf32, #tpu.memory_space<hbm>>) target(%dma_start3A_68 : memref<40x128xf32, #tpu.memory_space<vmem>>) offsets(%dma_start3A_70 : memref<40xi32, #tpu.memory_space<vmem>>) semaphore(%arg10 : memref<!tpu.dma_semaphore, #tpu.memory_space<semaphore_mem>>)
    %div3A_77 = arith.constant 1 : i32
    %div3A_78 = arith.constant 5 : i32
    %div3A_79 = arith.divsi %div3A_77, %div3A_78 : i32
    %rem3A_80 = arith.constant 1 : i32
    %rem3A_81 = arith.constant 5 : i32
    %rem3A_82 = arith.remsi %rem3A_80, %rem3A_81 : i32
    %mul3A_83 = arith.constant 40 : i32
    %mul3A_84 = arith.muli %rem3A_82, %mul3A_83 : i32
    %add3A_85 = arith.constant 0 : i32
    %add3A_86 = arith.addi %add3A_85, %mul3A_84 : i32
    %dma_start3A_87 = arith.constant 0 : i32
    %dma_start3A_88 = arith.constant 0 : i32
    %dma_start3A_89 = arith.constant 0 : i32
    %dma_start3A_90 = tpu.memref_slice %arg7[%dma_start3A_87, %dma_start3A_88, %dma_start3A_89] : memref<4x40x128xf32, #tpu.memory_space<vmem>> -> memref<1x40x128xf32, #tpu.memory_space<vmem>>
    %dma_start3A_91 = tpu.memref_squeeze %dma_start3A_90 : memref<1x40x128xf32, #tpu.memory_space<vmem>> -> memref<40x128xf32, #tpu.memory_space<vmem>>
    %dma_start3A_92 = tpu.memref_slice %arg5[%div3A_79, %add3A_86] : memref<32x800xi32, #tpu.memory_space<vmem>> -> memref<1x40xi32, #tpu.memory_space<vmem>>
    %dma_start3A_93 = tpu.memref_squeeze %dma_start3A_92 : memref<1x40xi32, #tpu.memory_space<vmem>> -> memref<40xi32, #tpu.memory_space<vmem>>
    %dma_start3A_94 = arith.constant 0 : i32
    %dma_start3A_95 = arith.constant 0 : i32
    %dma_start3A_96 = tpu.memref_slice %arg3[%dma_start3A_94, %dma_start3A_95] : memref<400000x128xf32, #tpu.memory_space<hbm>> -> memref<100000x128xf32, #tpu.memory_space<hbm>>
    %dma_start3A_97 = arith.constant 0 : i32
    %dma_start3A_98 = arith.constant 0 : i32
    %dma_start3A_99 = tpu.memref_slice %dma_start3A_96[%dma_start3A_97, %dma_start3A_98] : memref<100000x128xf32, #tpu.memory_space<hbm>> -> memref<100000x128xf32, #tpu.memory_space<hbm>>
    tpu.enqueue_indirect_dma source(%dma_start3A_99 : memref<100000x128xf32, #tpu.memory_space<hbm>>) target(%dma_start3A_91 : memref<40x128xf32, #tpu.memory_space<vmem>>) offsets(%dma_start3A_93 : memref<40xi32, #tpu.memory_space<vmem>>) semaphore(%arg11 : memref<!tpu.dma_semaphore, #tpu.memory_space<semaphore_mem>>)
    %add3A_100 = arith.constant 200 : i32
    %add3A_101 = arith.addi %add3A_100, %mul3A_84 : i32
    %dma_start3A_102 = arith.constant 1 : i32
    %dma_start3A_103 = arith.constant 0 : i32
    %dma_start3A_104 = arith.constant 0 : i32
    %dma_start3A_105 = tpu.memref_slice %arg7[%dma_start3A_102, %dma_start3A_103, %dma_start3A_104] : memref<4x40x128xf32, #tpu.memory_space<vmem>> -> memref<1x40x128xf32, #tpu.memory_space<vmem>>
    %dma_start3A_106 = tpu.memref_squeeze %dma_start3A_105 : memref<1x40x128xf32, #tpu.memory_space<vmem>> -> memref<40x128xf32, #tpu.memory_space<vmem>>
    %dma_start3A_107 = tpu.memref_slice %arg5[%div3A_79, %add3A_101] : memref<32x800xi32, #tpu.memory_space<vmem>> -> memref<1x40xi32, #tpu.memory_space<vmem>>
    %dma_start3A_108 = tpu.memref_squeeze %dma_start3A_107 : memref<1x40xi32, #tpu.memory_space<vmem>> -> memref<40xi32, #tpu.memory_space<vmem>>
    %dma_start3A_109 = arith.constant 100000 : i32
    %dma_start3A_110 = arith.constant 0 : i32
    %dma_start3A_111 = tpu.memref_slice %arg3[%dma_start3A_109, %dma_start3A_110] : memref<400000x128xf32, #tpu.memory_space<hbm>> -> memref<100000x128xf32, #tpu.memory_space<hbm>>
    %dma_start3A_112 = arith.constant 0 : i32
    %dma_start3A_113 = arith.constant 0 : i32
    %dma_start3A_114 = tpu.memref_slice %dma_start3A_111[%dma_start3A_112, %dma_start3A_113] : memref<100000x128xf32, #tpu.memory_space<hbm>> -> memref<100000x128xf32, #tpu.memory_space<hbm>>
    tpu.enqueue_indirect_dma source(%dma_start3A_114 : memref<100000x128xf32, #tpu.memory_space<hbm>>) target(%dma_start3A_106 : memref<40x128xf32, #tpu.memory_space<vmem>>) offsets(%dma_start3A_108 : memref<40xi32, #tpu.memory_space<vmem>>) semaphore(%arg11 : memref<!tpu.dma_semaphore, #tpu.memory_space<semaphore_mem>>)
    %add3A_115 = arith.constant 400 : i32
    %add3A_116 = arith.addi %add3A_115, %mul3A_84 : i32
    %dma_start3A_117 = arith.constant 2 : i32
    %dma_start3A_118 = arith.constant 0 : i32
    %dma_start3A_119 = arith.constant 0 : i32
    %dma_start3A_120 = tpu.memref_slice %arg7[%dma_start3A_117, %dma_start3A_118, %dma_start3A_119] : memref<4x40x128xf32, #tpu.memory_space<vmem>> -> memref<1x40x128xf32, #tpu.memory_space<vmem>>
    %dma_start3A_121 = tpu.memref_squeeze %dma_start3A_120 : memref<1x40x128xf32, #tpu.memory_space<vmem>> -> memref<40x128xf32, #tpu.memory_space<vmem>>
    %dma_start3A_122 = tpu.memref_slice %arg5[%div3A_79, %add3A_116] : memref<32x800xi32, #tpu.memory_space<vmem>> -> memref<1x40xi32, #tpu.memory_space<vmem>>
    %dma_start3A_123 = tpu.memref_squeeze %dma_start3A_122 : memref<1x40xi32, #tpu.memory_space<vmem>> -> memref<40xi32, #tpu.memory_space<vmem>>
    %dma_start3A_124 = arith.constant 200000 : i32
    %dma_start3A_125 = arith.constant 0 : i32
    %dma_start3A_126 = tpu.memref_slice %arg3[%dma_start3A_124, %dma_start3A_125] : memref<400000x128xf32, #tpu.memory_space<hbm>> -> memref<100000x128xf32, #tpu.memory_space<hbm>>
    %dma_start3A_127 = arith.constant 0 : i32
    %dma_start3A_128 = arith.constant 0 : i32
    %dma_start3A_129 = tpu.memref_slice %dma_start3A_126[%dma_start3A_127, %dma_start3A_128] : memref<100000x128xf32, #tpu.memory_space<hbm>> -> memref<100000x128xf32, #tpu.memory_space<hbm>>
    tpu.enqueue_indirect_dma source(%dma_start3A_129 : memref<100000x128xf32, #tpu.memory_space<hbm>>) target(%dma_start3A_121 : memref<40x128xf32, #tpu.memory_space<vmem>>) offsets(%dma_start3A_123 : memref<40xi32, #tpu.memory_space<vmem>>) semaphore(%arg11 : memref<!tpu.dma_semaphore, #tpu.memory_space<semaphore_mem>>)
    %add3A_130 = arith.constant 600 : i32
    %add3A_131 = arith.addi %add3A_130, %mul3A_84 : i32
    %dma_start3A_132 = arith.constant 3 : i32
    %dma_start3A_133 = arith.constant 0 : i32
    %dma_start3A_134 = arith.constant 0 : i32
    %dma_start3A_135 = tpu.memref_slice %arg7[%dma_start3A_132, %dma_start3A_133, %dma_start3A_134] : memref<4x40x128xf32, #tpu.memory_space<vmem>> -> memref<1x40x128xf32, #tpu.memory_space<vmem>>
    %dma_start3A_136 = tpu.memref_squeeze %dma_start3A_135 : memref<1x40x128xf32, #tpu.memory_space<vmem>> -> memref<40x128xf32, #tpu.memory_space<vmem>>
    %dma_start3A_137 = tpu.memref_slice %arg5[%div3A_79, %add3A_131] : memref<32x800xi32, #tpu.memory_space<vmem>> -> memref<1x40xi32, #tpu.memory_space<vmem>>
    %dma_start3A_138 = tpu.memref_squeeze %dma_start3A_137 : memref<1x40xi32, #tpu.memory_space<vmem>> -> memref<40xi32, #tpu.memory_space<vmem>>
    %dma_start3A_139 = arith.constant 300000 : i32
    %dma_start3A_140 = arith.constant 0 : i32
    %dma_start3A_141 = tpu.memref_slice %arg3[%dma_start3A_139, %dma_start3A_140] : memref<400000x128xf32, #tpu.memory_space<hbm>> -> memref<100000x128xf32, #tpu.memory_space<hbm>>
    %dma_start3A_142 = arith.constant 0 : i32
    %dma_start3A_143 = arith.constant 0 : i32
    %dma_start3A_144 = tpu.memref_slice %dma_start3A_141[%dma_start3A_142, %dma_start3A_143] : memref<100000x128xf32, #tpu.memory_space<hbm>> -> memref<100000x128xf32, #tpu.memory_space<hbm>>
    tpu.enqueue_indirect_dma source(%dma_start3A_144 : memref<100000x128xf32, #tpu.memory_space<hbm>>) target(%dma_start3A_136 : memref<40x128xf32, #tpu.memory_space<vmem>>) offsets(%dma_start3A_138 : memref<40xi32, #tpu.memory_space<vmem>>) semaphore(%arg11 : memref<!tpu.dma_semaphore, #tpu.memory_space<semaphore_mem>>)
    %dma_wait3A_145 = arith.constant 0 : i32
    %dma_wait3A_146 = arith.constant 0 : i32
    %dma_wait3A_147 = arith.constant 0 : i32
    %dma_wait3A_148 = tpu.memref_slice %arg6[%dma_wait3A_145, %dma_wait3A_146, %dma_wait3A_147] : memref<4x40x128xf32, #tpu.memory_space<vmem>> -> memref<1x40x128xf32, #tpu.memory_space<vmem>>
    %dma_wait3A_149 = tpu.memref_squeeze %dma_wait3A_148 : memref<1x40x128xf32, #tpu.memory_space<vmem>> -> memref<40x128xf32, #tpu.memory_space<vmem>>
    %dma_wait3A_150 = arith.constant 0 : i32
    %dma_wait3A_151 = arith.constant 0 : i32
    %dma_wait3A_152 = tpu.memref_slice %arg3[%dma_wait3A_150, %dma_wait3A_151] : memref<400000x128xf32, #tpu.memory_space<hbm>> -> memref<40x128xf32, #tpu.memory_space<hbm>>
    %dma_wait3A_153 = arith.constant 0 : i32
    %dma_wait3A_154 = arith.constant 0 : i32
    %dma_wait3A_155 = tpu.memref_slice %arg6[%dma_wait3A_145, %dma_wait3A_153, %dma_wait3A_154] : memref<4x40x128xf32, #tpu.memory_space<vmem>> -> memref<1x40x128xf32, #tpu.memory_space<vmem>>
    %dma_wait3A_156 = tpu.memref_squeeze %dma_wait3A_155 : memref<1x40x128xf32, #tpu.memory_space<vmem>> -> memref<40x128xf32, #tpu.memory_space<vmem>>
    %dma_wait3A_157 = arith.constant 0 : i32
    %dma_wait3A_158 = arith.constant 0 : i32
    %dma_wait3A_159 = tpu.memref_slice %arg3[%dma_wait3A_157, %dma_wait3A_158] : memref<400000x128xf32, #tpu.memory_space<hbm>> -> memref<40x128xf32, #tpu.memory_space<hbm>>
    tpu.wait_dma2 semaphore(%arg10 : memref<!tpu.dma_semaphore, #tpu.memory_space<semaphore_mem>>) src(%dma_wait3A_159 : memref<40x128xf32, #tpu.memory_space<hbm>>) dst(%dma_wait3A_156 : memref<40x128xf32, #tpu.memory_space<vmem>>)
    %dma_wait3A_160 = arith.constant 1 : i32
    %dma_wait3A_161 = arith.constant 0 : i32
    %dma_wait3A_162 = arith.constant 0 : i32
    %dma_wait3A_163 = tpu.memref_slice %arg6[%dma_wait3A_160, %dma_wait3A_161, %dma_wait3A_162] : memref<4x40x128xf32, #tpu.memory_space<vmem>> -> memref<1x40x128xf32, #tpu.memory_space<vmem>>
    %dma_wait3A_164 = tpu.memref_squeeze %dma_wait3A_163 : memref<1x40x128xf32, #tpu.memory_space<vmem>> -> memref<40x128xf32, #tpu.memory_space<vmem>>
    %dma_wait3A_165 = arith.constant 0 : i32
    %dma_wait3A_166 = arith.constant 0 : i32
    %dma_wait3A_167 = tpu.memref_slice %arg3[%dma_wait3A_165, %dma_wait3A_166] : memref<400000x128xf32, #tpu.memory_space<hbm>> -> memref<40x128xf32, #tpu.memory_space<hbm>>
    %dma_wait3A_168 = arith.constant 0 : i32
    %dma_wait3A_169 = arith.constant 0 : i32
    %dma_wait3A_170 = tpu.memref_slice %arg6[%dma_wait3A_160, %dma_wait3A_168, %dma_wait3A_169] : memref<4x40x128xf32, #tpu.memory_space<vmem>> -> memref<1x40x128xf32, #tpu.memory_space<vmem>>
    %dma_wait3A_171 = tpu.memref_squeeze %dma_wait3A_170 : memref<1x40x128xf32, #tpu.memory_space<vmem>> -> memref<40x128xf32, #tpu.memory_space<vmem>>
    %dma_wait3A_172 = arith.constant 0 : i32
    %dma_wait3A_173 = arith.constant 0 : i32
    %dma_wait3A_174 = tpu.memref_slice %arg3[%dma_wait3A_172, %dma_wait3A_173] : memref<400000x128xf32, #tpu.memory_space<hbm>> -> memref<40x128xf32, #tpu.memory_space<hbm>>
    tpu.wait_dma2 semaphore(%arg10 : memref<!tpu.dma_semaphore, #tpu.memory_space<semaphore_mem>>) src(%dma_wait3A_174 : memref<40x128xf32, #tpu.memory_space<hbm>>) dst(%dma_wait3A_171 : memref<40x128xf32, #tpu.memory_space<vmem>>)
    %dma_wait3A_175 = arith.constant 2 : i32
    %dma_wait3A_176 = arith.constant 0 : i32
    %dma_wait3A_177 = arith.constant 0 : i32
    %dma_wait3A_178 = tpu.memref_slice %arg6[%dma_wait3A_175, %dma_wait3A_176, %dma_wait3A_177] : memref<4x40x128xf32, #tpu.memory_space<vmem>> -> memref<1x40x128xf32, #tpu.memory_space<vmem>>
    %dma_wait3A_179 = tpu.memref_squeeze %dma_wait3A_178 : memref<1x40x128xf32, #tpu.memory_space<vmem>> -> memref<40x128xf32, #tpu.memory_space<vmem>>
    %dma_wait3A_180 = arith.constant 0 : i32
    %dma_wait3A_181 = arith.constant 0 : i32
    %dma_wait3A_182 = tpu.memref_slice %arg3[%dma_wait3A_180, %dma_wait3A_181] : memref<400000x128xf32, #tpu.memory_space<hbm>> -> memref<40x128xf32, #tpu.memory_space<hbm>>
    %dma_wait3A_183 = arith.constant 0 : i32
    %dma_wait3A_184 = arith.constant 0 : i32
    %dma_wait3A_185 = tpu.memref_slice %arg6[%dma_wait3A_175, %dma_wait3A_183, %dma_wait3A_184] : memref<4x40x128xf32, #tpu.memory_space<vmem>> -> memref<1x40x128xf32, #tpu.memory_space<vmem>>
    %dma_wait3A_186 = tpu.memref_squeeze %dma_wait3A_185 : memref<1x40x128xf32, #tpu.memory_space<vmem>> -> memref<40x128xf32, #tpu.memory_space<vmem>>
    %dma_wait3A_187 = arith.constant 0 : i32
    %dma_wait3A_188 = arith.constant 0 : i32
    %dma_wait3A_189 = tpu.memref_slice %arg3[%dma_wait3A_187, %dma_wait3A_188] : memref<400000x128xf32, #tpu.memory_space<hbm>> -> memref<40x128xf32, #tpu.memory_space<hbm>>
    tpu.wait_dma2 semaphore(%arg10 : memref<!tpu.dma_semaphore, #tpu.memory_space<semaphore_mem>>) src(%dma_wait3A_189 : memref<40x128xf32, #tpu.memory_space<hbm>>) dst(%dma_wait3A_186 : memref<40x128xf32, #tpu.memory_space<vmem>>)
    %dma_wait3A_190 = arith.constant 3 : i32
    %dma_wait3A_191 = arith.constant 0 : i32
    %dma_wait3A_192 = arith.constant 0 : i32
    %dma_wait3A_193 = tpu.memref_slice %arg6[%dma_wait3A_190, %dma_wait3A_191, %dma_wait3A_192] : memref<4x40x128xf32, #tpu.memory_space<vmem>> -> memref<1x40x128xf32, #tpu.memory_space<vmem>>
    %dma_wait3A_194 = tpu.memref_squeeze %dma_wait3A_193 : memref<1x40x128xf32, #tpu.memory_space<vmem>> -> memref<40x128xf32, #tpu.memory_space<vmem>>
    %dma_wait3A_195 = arith.constant 0 : i32
    %dma_wait3A_196 = arith.constant 0 : i32
    %dma_wait3A_197 = tpu.memref_slice %arg3[%dma_wait3A_195, %dma_wait3A_196] : memref<400000x128xf32, #tpu.memory_space<hbm>> -> memref<40x128xf32, #tpu.memory_space<hbm>>
    %dma_wait3A_198 = arith.constant 0 : i32
    %dma_wait3A_199 = arith.constant 0 : i32
    %dma_wait3A_200 = tpu.memref_slice %arg6[%dma_wait3A_190, %dma_wait3A_198, %dma_wait3A_199] : memref<4x40x128xf32, #tpu.memory_space<vmem>> -> memref<1x40x128xf32, #tpu.memory_space<vmem>>
    %dma_wait3A_201 = tpu.memref_squeeze %dma_wait3A_200 : memref<1x40x128xf32, #tpu.memory_space<vmem>> -> memref<40x128xf32, #tpu.memory_space<vmem>>
    %dma_wait3A_202 = arith.constant 0 : i32
    %dma_wait3A_203 = arith.constant 0 : i32
    %dma_wait3A_204 = tpu.memref_slice %arg3[%dma_wait3A_202, %dma_wait3A_203] : memref<400000x128xf32, #tpu.memory_space<hbm>> -> memref<40x128xf32, #tpu.memory_space<hbm>>
    tpu.wait_dma2 semaphore(%arg10 : memref<!tpu.dma_semaphore, #tpu.memory_space<semaphore_mem>>) src(%dma_wait3A_204 : memref<40x128xf32, #tpu.memory_space<hbm>>) dst(%dma_wait3A_201 : memref<40x128xf32, #tpu.memory_space<vmem>>)
    %scan3A = arith.constant 0 : i32
    %scan3A_205 = arith.constant 40 : i32
    %scan3A_206 = arith.addi %scan3A, %scan3A_205 : i32
    %scan3A_207 = arith.constant 1 : i32
    scf.for %scan3A_593 = %scan3A to %scan3A_206 step %scan3A_207  : i32 {
      %mul3A_594 = arith.constant 1 : i32
      %mul3A_595 = arith.muli %scan3A_593, %mul3A_594 : i32
      %add3A_596 = arith.constant 0 : i32
      %add3A_597 = arith.addi %add3A_596, %mul3A_595 : i32
      %get3A = arith.constant 0 : i32
      %get3A_598 = arith.index_cast %get3A : i32 to index
      %get3A_599 = arith.index_cast %add3A_597 : i32 to index
      %get3A_600 = arith.constant 0 : index
      %get3A_601 = tpu.vector_load %arg6[%get3A_598, %get3A_599, %get3A_600] {strides = array<i32>} : memref<4x40x128xf32, #tpu.memory_space<vmem>>, vector<1x1x16xf32>,
      %get3A_602 = vector.shape_cast %get3A_601 : vector<1x1x16xf32> to vector<16xf32>
      %get3A_603 = arith.constant 1 : i32
      %get3A_604 = arith.index_cast %get3A_603 : i32 to index
      %get3A_605 = arith.index_cast %add3A_597 : i32 to index
      %get3A_606 = arith.constant 0 : index
      %get3A_607 = tpu.vector_load %arg6[%get3A_604, %get3A_605, %get3A_606] {strides = array<i32>} : memref<4x40x128xf32, #tpu.memory_space<vmem>>, vector<1x1x16xf32>,
      %get3A_608 = vector.shape_cast %get3A_607 : vector<1x1x16xf32> to vector<16xf32>
      %add3A_609 = arith.addf %get3A_602, %get3A_608 : vector<16xf32>
      %get3A_610 = arith.constant 2 : i32
      %get3A_611 = arith.index_cast %get3A_610 : i32 to index
      %get3A_612 = arith.index_cast %add3A_597 : i32 to index
      %get3A_613 = arith.constant 0 : index
      %get3A_614 = tpu.vector_load %arg6[%get3A_611, %get3A_612, %get3A_613] {strides = array<i32>} : memref<4x40x128xf32, #tpu.memory_space<vmem>>, vector<1x1x16xf32>,
      %get3A_615 = vector.shape_cast %get3A_614 : vector<1x1x16xf32> to vector<16xf32>
      %get3A_616 = arith.constant 3 : i32
      %get3A_617 = arith.index_cast %get3A_616 : i32 to index
      %get3A_618 = arith.index_cast %add3A_597 : i32 to index
      %get3A_619 = arith.constant 0 : index
      %get3A_620 = tpu.vector_load %arg6[%get3A_617, %get3A_618, %get3A_619] {strides = array<i32>} : memref<4x40x128xf32, #tpu.memory_space<vmem>>, vector<1x1x16xf32>,
      %get3A_621 = vector.shape_cast %get3A_620 : vector<1x1x16xf32> to vector<16xf32>
      %add3A_622 = arith.addf %get3A_615, %get3A_621 : vector<16xf32>
      %add3A_623 = arith.addf %add3A_609, %add3A_622 : vector<16xf32>
      %mul3A_624 = arith.constant 11.3137083 : f32
      %mul3A_625 = vector.broadcast %mul3A_624 : f32 to vector<16xf32>
      %mul3A_626 = arith.mulf %add3A_623, %mul3A_625 : vector<16xf32>
      %swap3A = arith.index_cast %add3A_597 : i32 to index
      %swap3A_627 = arith.constant 0 : index
      %swap3A_628 = tpu.vector_load %arg8[%swap3A, %swap3A_627] {strides = array<i32>} : memref<40x128xf32, #tpu.memory_space<vmem>>, vector<1x16xf32>,
      %swap3A_629 = vector.shape_cast %swap3A_628 : vector<1x16xf32> to vector<16xf32>
      %swap3A_630 = vector.shape_cast %mul3A_626 : vector<16xf32> to vector<1x16xf32>
      tpu.vector_store %arg8[%swap3A, %swap3A_627], %swap3A_630 {strides = array<i32>} : memref<40x128xf32, #tpu.memory_space<vmem>>, vector<1x16xf32>,
      %get3A_631 = arith.constant 0 : i32
      %get3A_632 = arith.index_cast %get3A_631 : i32 to index
      %get3A_633 = arith.index_cast %add3A_597 : i32 to index
      %get3A_634 = arith.constant 16 : index
      %get3A_635 = tpu.vector_load %arg6[%get3A_632, %get3A_633, %get3A_634] {strides = array<i32>} : memref<4x40x128xf32, #tpu.memory_space<vmem>>, vector<1x1x16xf32>,
      %get3A_636 = vector.shape_cast %get3A_635 : vector<1x1x16xf32> to vector<16xf32>
      %get3A_637 = arith.constant 1 : i32
      %get3A_638 = arith.index_cast %get3A_637 : i32 to index
      %get3A_639 = arith.index_cast %add3A_597 : i32 to index
      %get3A_640 = arith.constant 16 : index
      %get3A_641 = tpu.vector_load %arg6[%get3A_638, %get3A_639, %get3A_640] {strides = array<i32>} : memref<4x40x128xf32, #tpu.memory_space<vmem>>, vector<1x1x16xf32>,
      %get3A_642 = vector.shape_cast %get3A_641 : vector<1x1x16xf32> to vector<16xf32>
      %add3A_643 = arith.addf %get3A_636, %get3A_642 : vector<16xf32>
      %get3A_644 = arith.constant 2 : i32
      %get3A_645 = arith.index_cast %get3A_644 : i32 to index
      %get3A_646 = arith.index_cast %add3A_597 : i32 to index
      %get3A_647 = arith.constant 16 : index
      %get3A_648 = tpu.vector_load %arg6[%get3A_645, %get3A_646, %get3A_647] {strides = array<i32>} : memref<4x40x128xf32, #tpu.memory_space<vmem>>, vector<1x1x16xf32>,
      %get3A_649 = vector.shape_cast %get3A_648 : vector<1x1x16xf32> to vector<16xf32>
      %get3A_650 = arith.constant 3 : i32
      %get3A_651 = arith.index_cast %get3A_650 : i32 to index
      %get3A_652 = arith.index_cast %add3A_597 : i32 to index
      %get3A_653 = arith.constant 16 : index
      %get3A_654 = tpu.vector_load %arg6[%get3A_651, %get3A_652, %get3A_653] {strides = array<i32>} : memref<4x40x128xf32, #tpu.memory_space<vmem>>, vector<1x1x16xf32>,
      %get3A_655 = vector.shape_cast %get3A_654 : vector<1x1x16xf32> to vector<16xf32>
      %add3A_656 = arith.addf %get3A_649, %get3A_655 : vector<16xf32>
      %add3A_657 = arith.addf %add3A_643, %add3A_656 : vector<16xf32>
      %mul3A_658 = arith.constant 11.3137083 : f32
      %mul3A_659 = vector.broadcast %mul3A_658 : f32 to vector<16xf32>
      %mul3A_660 = arith.mulf %add3A_657, %mul3A_659 : vector<16xf32>
      %swap3A_661 = arith.index_cast %add3A_597 : i32 to index
      %swap3A_662 = arith.constant 16 : index
      %swap3A_663 = tpu.vector_load %arg8[%swap3A_661, %swap3A_662] {strides = array<i32>} : memref<40x128xf32, #tpu.memory_space<vmem>>, vector<1x16xf32>,
      %swap3A_664 = vector.shape_cast %swap3A_663 : vector<1x16xf32> to vector<16xf32>
      %swap3A_665 = vector.shape_cast %mul3A_660 : vector<16xf32> to vector<1x16xf32>
      tpu.vector_store %arg8[%swap3A_661, %swap3A_662], %swap3A_665 {strides = array<i32>} : memref<40x128xf32, #tpu.memory_space<vmem>>, vector<1x16xf32>,
      %get3A_666 = arith.constant 0 : i32
      %get3A_667 = arith.index_cast %get3A_666 : i32 to index
      %get3A_668 = arith.index_cast %add3A_597 : i32 to index
      %get3A_669 = arith.constant 32 : index
      %get3A_670 = tpu.vector_load %arg6[%get3A_667, %get3A_668, %get3A_669] {strides = array<i32>} : memref<4x40x128xf32, #tpu.memory_space<vmem>>, vector<1x1x16xf32>,
      %get3A_671 = vector.shape_cast %get3A_670 : vector<1x1x16xf32> to vector<16xf32>
      %get3A_672 = arith.constant 1 : i32
      %get3A_673 = arith.index_cast %get3A_672 : i32 to index
      %get3A_674 = arith.index_cast %add3A_597 : i32 to index
      %get3A_675 = arith.constant 32 : index
      %get3A_676 = tpu.vector_load %arg6[%get3A_673, %get3A_674, %get3A_675] {strides = array<i32>} : memref<4x40x128xf32, #tpu.memory_space<vmem>>, vector<1x1x16xf32>,
      %get3A_677 = vector.shape_cast %get3A_676 : vector<1x1x16xf32> to vector<16xf32>
      %add3A_678 = arith.addf %get3A_671, %get3A_677 : vector<16xf32>
      %get3A_679 = arith.constant 2 : i32
      %get3A_680 = arith.index_cast %get3A_679 : i32 to index
      %get3A_681 = arith.index_cast %add3A_597 : i32 to index
      %get3A_682 = arith.constant 32 : index
      %get3A_683 = tpu.vector_load %arg6[%get3A_680, %get3A_681, %get3A_682] {strides = array<i32>} : memref<4x40x128xf32, #tpu.memory_space<vmem>>, vector<1x1x16xf32>,
      %get3A_684 = vector.shape_cast %get3A_683 : vector<1x1x16xf32> to vector<16xf32>
      %get3A_685 = arith.constant 3 : i32
      %get3A_686 = arith.index_cast %get3A_685 : i32 to index
      %get3A_687 = arith.index_cast %add3A_597 : i32 to index
      %get3A_688 = arith.constant 32 : index
      %get3A_689 = tpu.vector_load %arg6[%get3A_686, %get3A_687, %get3A_688] {strides = array<i32>} : memref<4x40x128xf32, #tpu.memory_space<vmem>>, vector<1x1x16xf32>,
      %get3A_690 = vector.shape_cast %get3A_689 : vector<1x1x16xf32> to vector<16xf32>
      %add3A_691 = arith.addf %get3A_684, %get3A_690 : vector<16xf32>
      %add3A_692 = arith.addf %add3A_678, %add3A_691 : vector<16xf32>
      %mul3A_693 = arith.constant 11.3137083 : f32
      %mul3A_694 = vector.broadcast %mul3A_693 : f32 to vector<16xf32>
      %mul3A_695 = arith.mulf %add3A_692, %mul3A_694 : vector<16xf32>
      %swap3A_696 = arith.index_cast %add3A_597 : i32 to index
      %swap3A_697 = arith.constant 32 : index
      %swap3A_698 = tpu.vector_load %arg8[%swap3A_696, %swap3A_697] {strides = array<i32>} : memref<40x128xf32, #tpu.memory_space<vmem>>, vector<1x16xf32>,
      %swap3A_699 = vector.shape_cast %swap3A_698 : vector<1x16xf32> to vector<16xf32>
      %swap3A_700 = vector.shape_cast %mul3A_695 : vector<16xf32> to vector<1x16xf32>
      tpu.vector_store %arg8[%swap3A_696, %swap3A_697], %swap3A_700 {strides = array<i32>} : memref<40x128xf32, #tpu.memory_space<vmem>>, vector<1x16xf32>,
      %get3A_701 = arith.constant 0 : i32
      %get3A_702 = arith.index_cast %get3A_701 : i32 to index
      %get3A_703 = arith.index_cast %add3A_597 : i32 to index
      %get3A_704 = arith.constant 48 : index
      %get3A_705 = tpu.vector_load %arg6[%get3A_702, %get3A_703, %get3A_704] {strides = array<i32>} : memref<4x40x128xf32, #tpu.memory_space<vmem>>, vector<1x1x16xf32>,
      %get3A_706 = vector.shape_cast %get3A_705 : vector<1x1x16xf32> to vector<16xf32>
      %get3A_707 = arith.constant 1 : i32
      %get3A_708 = arith.index_cast %get3A_707 : i32 to index
      %get3A_709 = arith.index_cast %add3A_597 : i32 to index
      %get3A_710 = arith.constant 48 : index
      %get3A_711 = tpu.vector_load %arg6[%get3A_708, %get3A_709, %get3A_710] {strides = array<i32>} : memref<4x40x128xf32, #tpu.memory_space<vmem>>, vector<1x1x16xf32>,
      %get3A_712 = vector.shape_cast %get3A_711 : vector<1x1x16xf32> to vector<16xf32>
      %add3A_713 = arith.addf %get3A_706, %get3A_712 : vector<16xf32>
      %get3A_714 = arith.constant 2 : i32
      %get3A_715 = arith.index_cast %get3A_714 : i32 to index
      %get3A_716 = arith.index_cast %add3A_597 : i32 to index
      %get3A_717 = arith.constant 48 : index
      %get3A_718 = tpu.vector_load %arg6[%get3A_715, %get3A_716, %get3A_717] {strides = array<i32>} : memref<4x40x128xf32, #tpu.memory_space<vmem>>, vector<1x1x16xf32>,
      %get3A_719 = vector.shape_cast %get3A_718 : vector<1x1x16xf32> to vector<16xf32>
      %get3A_720 = arith.constant 3 : i32
      %get3A_721 = arith.index_cast %get3A_720 : i32 to index
      %get3A_722 = arith.index_cast %add3A_597 : i32 to index
      %get3A_723 = arith.constant 48 : index
      %get3A_724 = tpu.vector_load %arg6[%get3A_721, %get3A_722, %get3A_723] {strides = array<i32>} : memref<4x40x128xf32, #tpu.memory_space<vmem>>, vector<1x1x16xf32>,
      %get3A_725 = vector.shape_cast %get3A_724 : vector<1x1x16xf32> to vector<16xf32>
      %add3A_726 = arith.addf %get3A_719, %get3A_725 : vector<16xf32>
      %add3A_727 = arith.addf %add3A_713, %add3A_726 : vector<16xf32>
      %mul3A_728 = arith.constant 11.3137083 : f32
      %mul3A_729 = vector.broadcast %mul3A_728 : f32 to vector<16xf32>
      %mul3A_730 = arith.mulf %add3A_727, %mul3A_729 : vector<16xf32>
      %swap3A_731 = arith.index_cast %add3A_597 : i32 to index
      %swap3A_732 = arith.constant 48 : index
      %swap3A_733 = tpu.vector_load %arg8[%swap3A_731, %swap3A_732] {strides = array<i32>} : memref<40x128xf32, #tpu.memory_space<vmem>>, vector<1x16xf32>,
      %swap3A_734 = vector.shape_cast %swap3A_733 : vector<1x16xf32> to vector<16xf32>
      %swap3A_735 = vector.shape_cast %mul3A_730 : vector<16xf32> to vector<1x16xf32>
      tpu.vector_store %arg8[%swap3A_731, %swap3A_732], %swap3A_735 {strides = array<i32>} : memref<40x128xf32, #tpu.memory_space<vmem>>, vector<1x16xf32>,
      %get3A_736 = arith.constant 0 : i32
      %get3A_737 = arith.index_cast %get3A_736 : i32 to index
      %get3A_738 = arith.index_cast %add3A_597 : i32 to index
      %get3A_739 = arith.constant 64 : index
      %get3A_740 = tpu.vector_load %arg6[%get3A_737, %get3A_738, %get3A_739] {strides = array<i32>} : memref<4x40x128xf32, #tpu.memory_space<vmem>>, vector<1x1x16xf32>,
      %get3A_741 = vector.shape_cast %get3A_740 : vector<1x1x16xf32> to vector<16xf32>
      %get3A_742 = arith.constant 1 : i32
      %get3A_743 = arith.index_cast %get3A_742 : i32 to index
      %get3A_744 = arith.index_cast %add3A_597 : i32 to index
      %get3A_745 = arith.constant 64 : index
      %get3A_746 = tpu.vector_load %arg6[%get3A_743, %get3A_744, %get3A_745] {strides = array<i32>} : memref<4x40x128xf32, #tpu.memory_space<vmem>>, vector<1x1x16xf32>,
      %get3A_747 = vector.shape_cast %get3A_746 : vector<1x1x16xf32> to vector<16xf32>
      %add3A_748 = arith.addf %get3A_741, %get3A_747 : vector<16xf32>
      %get3A_749 = arith.constant 2 : i32
      %get3A_750 = arith.index_cast %get3A_749 : i32 to index
      %get3A_751 = arith.index_cast %add3A_597 : i32 to index
      %get3A_752 = arith.constant 64 : index
      %get3A_753 = tpu.vector_load %arg6[%get3A_750, %get3A_751, %get3A_752] {strides = array<i32>} : memref<4x40x128xf32, #tpu.memory_space<vmem>>, vector<1x1x16xf32>,
      %get3A_754 = vector.shape_cast %get3A_753 : vector<1x1x16xf32> to vector<16xf32>
      %get3A_755 = arith.constant 3 : i32
      %get3A_756 = arith.index_cast %get3A_755 : i32 to index
      %get3A_757 = arith.index_cast %add3A_597 : i32 to index
      %get3A_758 = arith.constant 64 : index
      %get3A_759 = tpu.vector_load %arg6[%get3A_756, %get3A_757, %get3A_758] {strides = array<i32>} : memref<4x40x128xf32, #tpu.memory_space<vmem>>, vector<1x1x16xf32>,
      %get3A_760 = vector.shape_cast %get3A_759 : vector<1x1x16xf32> to vector<16xf32>
      %add3A_761 = arith.addf %get3A_754, %get3A_760 : vector<16xf32>
      %add3A_762 = arith.addf %add3A_748, %add3A_761 : vector<16xf32>
      %mul3A_763 = arith.constant 11.3137083 : f32
      %mul3A_764 = vector.broadcast %mul3A_763 : f32 to vector<16xf32>
      %mul3A_765 = arith.mulf %add3A_762, %mul3A_764 : vector<16xf32>
      %swap3A_766 = arith.index_cast %add3A_597 : i32 to index
      %swap3A_767 = arith.constant 64 : index
      %swap3A_768 = tpu.vector_load %arg8[%swap3A_766, %swap3A_767] {strides = array<i32>} : memref<40x128xf32, #tpu.memory_space<vmem>>, vector<1x16xf32>,
      %swap3A_769 = vector.shape_cast %swap3A_768 : vector<1x16xf32> to vector<16xf32>
      %swap3A_770 = vector.shape_cast %mul3A_765 : vector<16xf32> to vector<1x16xf32>
      tpu.vector_store %arg8[%swap3A_766, %swap3A_767], %swap3A_770 {strides = array<i32>} : memref<40x128xf32, #tpu.memory_space<vmem>>, vector<1x16xf32>,
      %get3A_771 = arith.constant 0 : i32
      %get3A_772 = arith.index_cast %get3A_771 : i32 to index
      %get3A_773 = arith.index_cast %add3A_597 : i32 to index
      %get3A_774 = arith.constant 80 : index
      %get3A_775 = tpu.vector_load %arg6[%get3A_772, %get3A_773, %get3A_774] {strides = array<i32>} : memref<4x40x128xf32, #tpu.memory_space<vmem>>, vector<1x1x16xf32>,
      %get3A_776 = vector.shape_cast %get3A_775 : vector<1x1x16xf32> to vector<16xf32>
      %get3A_777 = arith.constant 1 : i32
      %get3A_778 = arith.index_cast %get3A_777 : i32 to index
      %get3A_779 = arith.index_cast %add3A_597 : i32 to index
      %get3A_780 = arith.constant 80 : index
      %get3A_781 = tpu.vector_load %arg6[%get3A_778, %get3A_779, %get3A_780] {strides = array<i32>} : memref<4x40x128xf32, #tpu.memory_space<vmem>>, vector<1x1x16xf32>,
      %get3A_782 = vector.shape_cast %get3A_781 : vector<1x1x16xf32> to vector<16xf32>
      %add3A_783 = arith.addf %get3A_776, %get3A_782 : vector<16xf32>
      %get3A_784 = arith.constant 2 : i32
      %get3A_785 = arith.index_cast %get3A_784 : i32 to index
      %get3A_786 = arith.index_cast %add3A_597 : i32 to index
      %get3A_787 = arith.constant 80 : index
      %get3A_788 = tpu.vector_load %arg6[%get3A_785, %get3A_786, %get3A_787] {strides = array<i32>} : memref<4x40x128xf32, #tpu.memory_space<vmem>>, vector<1x1x16xf32>,
      %get3A_789 = vector.shape_cast %get3A_788 : vector<1x1x16xf32> to vector<16xf32>
      %get3A_790 = arith.constant 3 : i32
      %get3A_791 = arith.index_cast %get3A_790 : i32 to index
      %get3A_792 = arith.index_cast %add3A_597 : i32 to index
      %get3A_793 = arith.constant 80 : index
      %get3A_794 = tpu.vector_load %arg6[%get3A_791, %get3A_792, %get3A_793] {strides = array<i32>} : memref<4x40x128xf32, #tpu.memory_space<vmem>>, vector<1x1x16xf32>,
      %get3A_795 = vector.shape_cast %get3A_794 : vector<1x1x16xf32> to vector<16xf32>
      %add3A_796 = arith.addf %get3A_789, %get3A_795 : vector<16xf32>
      %add3A_797 = arith.addf %add3A_783, %add3A_796 : vector<16xf32>
      %mul3A_798 = arith.constant 11.3137083 : f32
      %mul3A_799 = vector.broadcast %mul3A_798 : f32 to vector<16xf32>
      %mul3A_800 = arith.mulf %add3A_797, %mul3A_799 : vector<16xf32>
      %swap3A_801 = arith.index_cast %add3A_597 : i32 to index
      %swap3A_802 = arith.constant 80 : index
      %swap3A_803 = tpu.vector_load %arg8[%swap3A_801, %swap3A_802] {strides = array<i32>} : memref<40x128xf32, #tpu.memory_space<vmem>>, vector<1x16xf32>,
      %swap3A_804 = vector.shape_cast %swap3A_803 : vector<1x16xf32> to vector<16xf32>
      %swap3A_805 = vector.shape_cast %mul3A_800 : vector<16xf32> to vector<1x16xf32>
      tpu.vector_store %arg8[%swap3A_801, %swap3A_802], %swap3A_805 {strides = array<i32>} : memref<40x128xf32, #tpu.memory_space<vmem>>, vector<1x16xf32>,
      %get3A_806 = arith.constant 0 : i32
      %get3A_807 = arith.index_cast %get3A_806 : i32 to index
      %get3A_808 = arith.index_cast %add3A_597 : i32 to index
      %get3A_809 = arith.constant 96 : index
      %get3A_810 = tpu.vector_load %arg6[%get3A_807, %get3A_808, %get3A_809] {strides = array<i32>} : memref<4x40x128xf32, #tpu.memory_space<vmem>>, vector<1x1x16xf32>,
      %get3A_811 = vector.shape_cast %get3A_810 : vector<1x1x16xf32> to vector<16xf32>
      %get3A_812 = arith.constant 1 : i32
      %get3A_813 = arith.index_cast %get3A_812 : i32 to index
      %get3A_814 = arith.index_cast %add3A_597 : i32 to index
      %get3A_815 = arith.constant 96 : index
      %get3A_816 = tpu.vector_load %arg6[%get3A_813, %get3A_814, %get3A_815] {strides = array<i32>} : memref<4x40x128xf32, #tpu.memory_space<vmem>>, vector<1x1x16xf32>,
      %get3A_817 = vector.shape_cast %get3A_816 : vector<1x1x16xf32> to vector<16xf32>
      %add3A_818 = arith.addf %get3A_811, %get3A_817 : vector<16xf32>
      %get3A_819 = arith.constant 2 : i32
      %get3A_820 = arith.index_cast %get3A_819 : i32 to index
      %get3A_821 = arith.index_cast %add3A_597 : i32 to index
      %get3A_822 = arith.constant 96 : index
      %get3A_823 = tpu.vector_load %arg6[%get3A_820, %get3A_821, %get3A_822] {strides = array<i32>} : memref<4x40x128xf32, #tpu.memory_space<vmem>>, vector<1x1x16xf32>,
      %get3A_824 = vector.shape_cast %get3A_823 : vector<1x1x16xf32> to vector<16xf32>
      %get3A_825 = arith.constant 3 : i32
      %get3A_826 = arith.index_cast %get3A_825 : i32 to index
      %get3A_827 = arith.index_cast %add3A_597 : i32 to index
      %get3A_828 = arith.constant 96 : index
      %get3A_829 = tpu.vector_load %arg6[%get3A_826, %get3A_827, %get3A_828] {strides = array<i32>} : memref<4x40x128xf32, #tpu.memory_space<vmem>>, vector<1x1x16xf32>,
      %get3A_830 = vector.shape_cast %get3A_829 : vector<1x1x16xf32> to vector<16xf32>
      %add3A_831 = arith.addf %get3A_824, %get3A_830 : vector<16xf32>
      %add3A_832 = arith.addf %add3A_818, %add3A_831 : vector<16xf32>
      %mul3A_833 = arith.constant 11.3137083 : f32
      %mul3A_834 = vector.broadcast %mul3A_833 : f32 to vector<16xf32>
      %mul3A_835 = arith.mulf %add3A_832, %mul3A_834 : vector<16xf32>
      %swap3A_836 = arith.index_cast %add3A_597 : i32 to index
      %swap3A_837 = arith.constant 96 : index
      %swap3A_838 = tpu.vector_load %arg8[%swap3A_836, %swap3A_837] {strides = array<i32>} : memref<40x128xf32, #tpu.memory_space<vmem>>, vector<1x16xf32>,
      %swap3A_839 = vector.shape_cast %swap3A_838 : vector<1x16xf32> to vector<16xf32>
      %swap3A_840 = vector.shape_cast %mul3A_835 : vector<16xf32> to vector<1x16xf32>
      tpu.vector_store %arg8[%swap3A_836, %swap3A_837], %swap3A_840 {strides = array<i32>} : memref<40x128xf32, #tpu.memory_space<vmem>>, vector<1x16xf32>,
      %get3A_841 = arith.constant 0 : i32
      %get3A_842 = arith.index_cast %get3A_841 : i32 to index
      %get3A_843 = arith.index_cast %add3A_597 : i32 to index
      %get3A_844 = arith.constant 112 : index
      %get3A_845 = tpu.vector_load %arg6[%get3A_842, %get3A_843, %get3A_844] {strides = array<i32>} : memref<4x40x128xf32, #tpu.memory_space<vmem>>, vector<1x1x16xf32>,
      %get3A_846 = vector.shape_cast %get3A_845 : vector<1x1x16xf32> to vector<16xf32>
      %get3A_847 = arith.constant 1 : i32
      %get3A_848 = arith.index_cast %get3A_847 : i32 to index
      %get3A_849 = arith.index_cast %add3A_597 : i32 to index
      %get3A_850 = arith.constant 112 : index
      %get3A_851 = tpu.vector_load %arg6[%get3A_848, %get3A_849, %get3A_850] {strides = array<i32>} : memref<4x40x128xf32, #tpu.memory_space<vmem>>, vector<1x1x16xf32>,
      %get3A_852 = vector.shape_cast %get3A_851 : vector<1x1x16xf32> to vector<16xf32>
      %add3A_853 = arith.addf %get3A_846, %get3A_852 : vector<16xf32>
      %get3A_854 = arith.constant 2 : i32
      %get3A_855 = arith.index_cast %get3A_854 : i32 to index
      %get3A_856 = arith.index_cast %add3A_597 : i32 to index
      %get3A_857 = arith.constant 112 : index
      %get3A_858 = tpu.vector_load %arg6[%get3A_855, %get3A_856, %get3A_857] {strides = array<i32>} : memref<4x40x128xf32, #tpu.memory_space<vmem>>, vector<1x1x16xf32>,
      %get3A_859 = vector.shape_cast %get3A_858 : vector<1x1x16xf32> to vector<16xf32>
      %get3A_860 = arith.constant 3 : i32
      %get3A_861 = arith.index_cast %get3A_860 : i32 to index
      %get3A_862 = arith.index_cast %add3A_597 : i32 to index
      %get3A_863 = arith.constant 112 : index
      %get3A_864 = tpu.vector_load %arg6[%get3A_861, %get3A_862, %get3A_863] {strides = array<i32>} : memref<4x40x128xf32, #tpu.memory_space<vmem>>, vector<1x1x16xf32>,
      %get3A_865 = vector.shape_cast %get3A_864 : vector<1x1x16xf32> to vector<16xf32>
      %add3A_866 = arith.addf %get3A_859, %get3A_865 : vector<16xf32>
      %add3A_867 = arith.addf %add3A_853, %add3A_866 : vector<16xf32>
      %mul3A_868 = arith.constant 11.3137083 : f32
      %mul3A_869 = vector.broadcast %mul3A_868 : f32 to vector<16xf32>
      %mul3A_870 = arith.mulf %add3A_867, %mul3A_869 : vector<16xf32>
      %swap3A_871 = arith.index_cast %add3A_597 : i32 to index
      %swap3A_872 = arith.constant 112 : index
      %swap3A_873 = tpu.vector_load %arg8[%swap3A_871, %swap3A_872] {strides = array<i32>} : memref<40x128xf32, #tpu.memory_space<vmem>>, vector<1x16xf32>,
      %swap3A_874 = vector.shape_cast %swap3A_873 : vector<1x16xf32> to vector<16xf32>
      %swap3A_875 = vector.shape_cast %mul3A_870 : vector<16xf32> to vector<1x16xf32>
      tpu.vector_store %arg8[%swap3A_871, %swap3A_872], %swap3A_875 {strides = array<i32>} : memref<40x128xf32, #tpu.memory_space<vmem>>, vector<1x16xf32>,
    }
    %scan3A_208 = arith.constant 40 : i32
    %add3A_209 = arith.constant 0 : i32
    %add3A_210 = arith.addi %mul3A_2, %add3A_209 : i32
    %dma_start3A_211 = arith.constant 0 : i32
    %dma_start3A_212 = tpu.memref_slice %arg4[%add3A_210, %dma_start3A_211] : memref<204800x128xf32, #tpu.memory_space<hbm>> -> memref<40x128xf32, #tpu.memory_space<hbm>>
    %dma_start3A_213 = arith.constant 0 : i32
    %dma_start3A_214 = tpu.memref_slice %arg4[%add3A_210, %dma_start3A_213] : memref<204800x128xf32, #tpu.memory_space<hbm>> -> memref<40x128xf32, #tpu.memory_space<hbm>>
    tpu.enqueue_dma source(%arg8 : memref<40x128xf32, #tpu.memory_space<vmem>>) target(%dma_start3A_214 : memref<40x128xf32, #tpu.memory_space<hbm>>) target_semaphore(%arg12 : memref<!tpu.dma_semaphore, #tpu.memory_space<semaphore_mem>>)
    %div3A_215 = arith.constant 2 : i32
    %div3A_216 = arith.constant 5 : i32
    %div3A_217 = arith.divsi %div3A_215, %div3A_216 : i32
    %rem3A_218 = arith.constant 2 : i32
    %rem3A_219 = arith.constant 5 : i32
    %rem3A_220 = arith.remsi %rem3A_218, %rem3A_219 : i32
    %mul3A_221 = arith.constant 40 : i32
    %mul3A_222 = arith.muli %rem3A_220, %mul3A_221 : i32
    %add3A_223 = arith.constant 0 : i32
    %add3A_224 = arith.addi %add3A_223, %mul3A_222 : i32
    %dma_start3A_225 = arith.constant 0 : i32
    %dma_start3A_226 = arith.constant 0 : i32
    %dma_start3A_227 = arith.constant 0 : i32
    %dma_start3A_228 = tpu.memref_slice %arg6[%dma_start3A_225, %dma_start3A_226, %dma_start3A_227] : memref<4x40x128xf32, #tpu.memory_space<vmem>> -> memref<1x40x128xf32, #tpu.memory_space<vmem>>
    %dma_start3A_229 = tpu.memref_squeeze %dma_start3A_228 : memref<1x40x128xf32, #tpu.memory_space<vmem>> -> memref<40x128xf32, #tpu.memory_space<vmem>>
    %dma_start3A_230 = tpu.memref_slice %arg5[%div3A_217, %add3A_224] : memref<32x800xi32, #tpu.memory_space<vmem>> -> memref<1x40xi32, #tpu.memory_space<vmem>>
    %dma_start3A_231 = tpu.memref_squeeze %dma_start3A_230 : memref<1x40xi32, #tpu.memory_space<vmem>> -> memref<40xi32, #tpu.memory_space<vmem>>
    %dma_start3A_232 = arith.constant 0 : i32
    %dma_start3A_233 = arith.constant 0 : i32
    %dma_start3A_234 = tpu.memref_slice %arg3[%dma_start3A_232, %dma_start3A_233] : memref<400000x128xf32, #tpu.memory_space<hbm>> -> memref<100000x128xf32, #tpu.memory_space<hbm>>
    %dma_start3A_235 = arith.constant 0 : i32
    %dma_start3A_236 = arith.constant 0 : i32
    %dma_start3A_237 = tpu.memref_slice %dma_start3A_234[%dma_start3A_235, %dma_start3A_236] : memref<100000x128xf32, #tpu.memory_space<hbm>> -> memref<100000x128xf32, #tpu.memory_space<hbm>>
    tpu.enqueue_indirect_dma source(%dma_start3A_237 : memref<100000x128xf32, #tpu.memory_space<hbm>>) target(%dma_start3A_229 : memref<40x128xf32, #tpu.memory_space<vmem>>) offsets(%dma_start3A_231 : memref<40xi32, #tpu.memory_space<vmem>>) semaphore(%arg10 : memref<!tpu.dma_semaphore, #tpu.memory_space<semaphore_mem>>)
    %add3A_238 = arith.constant 200 : i32
    %add3A_239 = arith.addi %add3A_238, %mul3A_222 : i32
    %dma_start3A_240 = arith.constant 1 : i32
    %dma_start3A_241 = arith.constant 0 : i32
    %dma_start3A_242 = arith.constant 0 : i32
    %dma_start3A_243 = tpu.memref_slice %arg6[%dma_start3A_240, %dma_start3A_241, %dma_start3A_242] : memref<4x40x128xf32, #tpu.memory_space<vmem>> -> memref<1x40x128xf32, #tpu.memory_space<vmem>>
    %dma_start3A_244 = tpu.memref_squeeze %dma_start3A_243 : memref<1x40x128xf32, #tpu.memory_space<vmem>> -> memref<40x128xf32, #tpu.memory_space<vmem>>
    %dma_start3A_245 = tpu.memref_slice %arg5[%div3A_217, %add3A_239] : memref<32x800xi32, #tpu.memory_space<vmem>> -> memref<1x40xi32, #tpu.memory_space<vmem>>
    %dma_start3A_246 = tpu.memref_squeeze %dma_start3A_245 : memref<1x40xi32, #tpu.memory_space<vmem>> -> memref<40xi32, #tpu.memory_space<vmem>>
    %dma_start3A_247 = arith.constant 100000 : i32
    %dma_start3A_248 = arith.constant 0 : i32
    %dma_start3A_249 = tpu.memref_slice %arg3[%dma_start3A_247, %dma_start3A_248] : memref<400000x128xf32, #tpu.memory_space<hbm>> -> memref<100000x128xf32, #tpu.memory_space<hbm>>
    %dma_start3A_250 = arith.constant 0 : i32
    %dma_start3A_251 = arith.constant 0 : i32
    %dma_start3A_252 = tpu.memref_slice %dma_start3A_249[%dma_start3A_250, %dma_start3A_251] : memref<100000x128xf32, #tpu.memory_space<hbm>> -> memref<100000x128xf32, #tpu.memory_space<hbm>>
    tpu.enqueue_indirect_dma source(%dma_start3A_252 : memref<100000x128xf32, #tpu.memory_space<hbm>>) target(%dma_start3A_244 : memref<40x128xf32, #tpu.memory_space<vmem>>) offsets(%dma_start3A_246 : memref<40xi32, #tpu.memory_space<vmem>>) semaphore(%arg10 : memref<!tpu.dma_semaphore, #tpu.memory_space<semaphore_mem>>)
    %add3A_253 = arith.constant 400 : i32
    %add3A_254 = arith.addi %add3A_253, %mul3A_222 : i32
    %dma_start3A_255 = arith.constant 2 : i32
    %dma_start3A_256 = arith.constant 0 : i32
    %dma_start3A_257 = arith.constant 0 : i32
    %dma_start3A_258 = tpu.memref_slice %arg6[%dma_start3A_255, %dma_start3A_256, %dma_start3A_257] : memref<4x40x128xf32, #tpu.memory_space<vmem>> -> memref<1x40x128xf32, #tpu.memory_space<vmem>>
    %dma_start3A_259 = tpu.memref_squeeze %dma_start3A_258 : memref<1x40x128xf32, #tpu.memory_space<vmem>> -> memref<40x128xf32, #tpu.memory_space<vmem>>
    %dma_start3A_260 = tpu.memref_slice %arg5[%div3A_217, %add3A_254] : memref<32x800xi32, #tpu.memory_space<vmem>> -> memref<1x40xi32, #tpu.memory_space<vmem>>
    %dma_start3A_261 = tpu.memref_squeeze %dma_start3A_260 : memref<1x40xi32, #tpu.memory_space<vmem>> -> memref<40xi32, #tpu.memory_space<vmem>>
    %dma_start3A_262 = arith.constant 200000 : i32
    %dma_start3A_263 = arith.constant 0 : i32
    %dma_start3A_264 = tpu.memref_slice %arg3[%dma_start3A_262, %dma_start3A_263] : memref<400000x128xf32, #tpu.memory_space<hbm>> -> memref<100000x128xf32, #tpu.memory_space<hbm>>
    %dma_start3A_265 = arith.constant 0 : i32
    %dma_start3A_266 = arith.constant 0 : i32
    %dma_start3A_267 = tpu.memref_slice %dma_start3A_264[%dma_start3A_265, %dma_start3A_266] : memref<100000x128xf32, #tpu.memory_space<hbm>> -> memref<100000x128xf32, #tpu.memory_space<hbm>>
    tpu.enqueue_indirect_dma source(%dma_start3A_267 : memref<100000x128xf32, #tpu.memory_space<hbm>>) target(%dma_start3A_259 : memref<40x128xf32, #tpu.memory_space<vmem>>) offsets(%dma_start3A_261 : memref<40xi32, #tpu.memory_space<vmem>>) semaphore(%arg10 : memref<!tpu.dma_semaphore, #tpu.memory_space<semaphore_mem>>)
    %add3A_268 = arith.constant 600 : i32
    %add3A_269 = arith.addi %add3A_268, %mul3A_222 : i32
    %dma_start3A_270 = arith.constant 3 : i32
    %dma_start3A_271 = arith.constant 0 : i32
    %dma_start3A_272 = arith.constant 0 : i32
    %dma_start3A_273 = tpu.memref_slice %arg6[%dma_start3A_270, %dma_start3A_271, %dma_start3A_272] : memref<4x40x128xf32, #tpu.memory_space<vmem>> -> memref<1x40x128xf32, #tpu.memory_space<vmem>>
    %dma_start3A_274 = tpu.memref_squeeze %dma_start3A_273 : memref<1x40x128xf32, #tpu.memory_space<vmem>> -> memref<40x128xf32, #tpu.memory_space<vmem>>
    %dma_start3A_275 = tpu.memref_slice %arg5[%div3A_217, %add3A_269] : memref<32x800xi32, #tpu.memory_space<vmem>> -> memref<1x40xi32, #tpu.memory_space<vmem>>
    %dma_start3A_276 = tpu.memref_squeeze %dma_start3A_275 : memref<1x40xi32, #tpu.memory_space<vmem>> -> memref<40xi32, #tpu.memory_space<vmem>>
    %dma_start3A_277 = arith.constant 300000 : i32
    %dma_start3A_278 = arith.constant 0 : i32
    %dma_start3A_279 = tpu.memref_slice %arg3[%dma_start3A_277, %dma_start3A_278] : memref<400000x128xf32, #tpu.memory_space<hbm>> -> memref<100000x128xf32, #tpu.memory_space<hbm>>
    %dma_start3A_280 = arith.constant 0 : i32
    %dma_start3A_281 = arith.constant 0 : i32
    %dma_start3A_282 = tpu.memref_slice %dma_start3A_279[%dma_start3A_280, %dma_start3A_281] : memref<100000x128xf32, #tpu.memory_space<hbm>> -> memref<100000x128xf32, #tpu.memory_space<hbm>>
    tpu.enqueue_indirect_dma source(%dma_start3A_282 : memref<100000x128xf32, #tpu.memory_space<hbm>>) target(%dma_start3A_274 : memref<40x128xf32, #tpu.memory_space<vmem>>) offsets(%dma_start3A_276 : memref<40xi32, #tpu.memory_space<vmem>>) semaphore(%arg10 : memref<!tpu.dma_semaphore, #tpu.memory_space<semaphore_mem>>)
    %dma_wait3A_283 = arith.constant 0 : i32
    %dma_wait3A_284 = arith.constant 0 : i32
    %dma_wait3A_285 = arith.constant 0 : i32
    %dma_wait3A_286 = tpu.memref_slice %arg7[%dma_wait3A_283, %dma_wait3A_284, %dma_wait3A_285] : memref<4x40x128xf32, #tpu.memory_space<vmem>> -> memref<1x40x128xf32, #tpu.memory_space<vmem>>
    %dma_wait3A_287 = tpu.memref_squeeze %dma_wait3A_286 : memref<1x40x128xf32, #tpu.memory_space<vmem>> -> memref<40x128xf32, #tpu.memory_space<vmem>>
    %dma_wait3A_288 = arith.constant 0 : i32
    %dma_wait3A_289 = arith.constant 0 : i32
    %dma_wait3A_290 = tpu.memref_slice %arg3[%dma_wait3A_288, %dma_wait3A_289] : memref<400000x128xf32, #tpu.memory_space<hbm>> -> memref<40x128xf32, #tpu.memory_space<hbm>>
    %dma_wait3A_291 = arith.constant 0 : i32
    %dma_wait3A_292 = arith.constant 0 : i32
    %dma_wait3A_293 = tpu.memref_slice %arg7[%dma_wait3A_283, %dma_wait3A_291, %dma_wait3A_292] : memref<4x40x128xf32, #tpu.memory_space<vmem>> -> memref<1x40x128xf32, #tpu.memory_space<vmem>>
    %dma_wait3A_294 = tpu.memref_squeeze %dma_wait3A_293 : memref<1x40x128xf32, #tpu.memory_space<vmem>> -> memref<40x128xf32, #tpu.memory_space<vmem>>
    %dma_wait3A_295 = arith.constant 0 : i32
    %dma_wait3A_296 = arith.constant 0 : i32
    %dma_wait3A_297 = tpu.memref_slice %arg3[%dma_wait3A_295, %dma_wait3A_296] : memref<400000x128xf32, #tpu.memory_space<hbm>> -> memref<40x128xf32, #tpu.memory_space<hbm>>
    tpu.wait_dma2 semaphore(%arg11 : memref<!tpu.dma_semaphore, #tpu.memory_space<semaphore_mem>>) src(%dma_wait3A_297 : memref<40x128xf32, #tpu.memory_space<hbm>>) dst(%dma_wait3A_294 : memref<40x128xf32, #tpu.memory_space<vmem>>)
    %dma_wait3A_298 = arith.constant 1 : i32
    %dma_wait3A_299 = arith.constant 0 : i32
    %dma_wait3A_300 = arith.constant 0 : i32
    %dma_wait3A_301 = tpu.memref_slice %arg7[%dma_wait3A_298, %dma_wait3A_299, %dma_wait3A_300] : memref<4x40x128xf32, #tpu.memory_space<vmem>> -> memref<1x40x128xf32, #tpu.memory_space<vmem>>
    %dma_wait3A_302 = tpu.memref_squeeze %dma_wait3A_301 : memref<1x40x128xf32, #tpu.memory_space<vmem>> -> memref<40x128xf32, #tpu.memory_space<vmem>>
    %dma_wait3A_303 = arith.constant 0 : i32
    %dma_wait3A_304 = arith.constant 0 : i32
    %dma_wait3A_305 = tpu.memref_slice %arg3[%dma_wait3A_303, %dma_wait3A_304] : memref<400000x128xf32, #tpu.memory_space<hbm>> -> memref<40x128xf32, #tpu.memory_space<hbm>>
    %dma_wait3A_306 = arith.constant 0 : i32
    %dma_wait3A_307 = arith.constant 0 : i32
    %dma_wait3A_308 = tpu.memref_slice %arg7[%dma_wait3A_298, %dma_wait3A_306, %dma_wait3A_307] : memref<4x40x128xf32, #tpu.memory_space<vmem>> -> memref<1x40x128xf32, #tpu.memory_space<vmem>>
    %dma_wait3A_309 = tpu.memref_squeeze %dma_wait3A_308 : memref<1x40x128xf32, #tpu.memory_space<vmem>> -> memref<40x128xf32, #tpu.memory_space<vmem>>
    %dma_wait3A_310 = arith.constant 0 : i32
    %dma_wait3A_311 = arith.constant 0 : i32
    %dma_wait3A_312 = tpu.memref_slice %arg3[%dma_wait3A_310, %dma_wait3A_311] : memref<400000x128xf32, #tpu.memory_space<hbm>> -> memref<40x128xf32, #tpu.memory_space<hbm>>
    tpu.wait_dma2 semaphore(%arg11 : memref<!tpu.dma_semaphore, #tpu.memory_space<semaphore_mem>>) src(%dma_wait3A_312 : memref<40x128xf32, #tpu.memory_space<hbm>>) dst(%dma_wait3A_309 : memref<40x128xf32, #tpu.memory_space<vmem>>)
    %dma_wait3A_313 = arith.constant 2 : i32
    %dma_wait3A_314 = arith.constant 0 : i32
    %dma_wait3A_315 = arith.constant 0 : i32
    %dma_wait3A_316 = tpu.memref_slice %arg7[%dma_wait3A_313, %dma_wait3A_314, %dma_wait3A_315] : memref<4x40x128xf32, #tpu.memory_space<vmem>> -> memref<1x40x128xf32, #tpu.memory_space<vmem>>
    %dma_wait3A_317 = tpu.memref_squeeze %dma_wait3A_316 : memref<1x40x128xf32, #tpu.memory_space<vmem>> -> memref<40x128xf32, #tpu.memory_space<vmem>>
    %dma_wait3A_318 = arith.constant 0 : i32
    %dma_wait3A_319 = arith.constant 0 : i32
    %dma_wait3A_320 = tpu.memref_slice %arg3[%dma_wait3A_318, %dma_wait3A_319] : memref<400000x128xf32, #tpu.memory_space<hbm>> -> memref<40x128xf32, #tpu.memory_space<hbm>>
    %dma_wait3A_321 = arith.constant 0 : i32
    %dma_wait3A_322 = arith.constant 0 : i32
    %dma_wait3A_323 = tpu.memref_slice %arg7[%dma_wait3A_313, %dma_wait3A_321, %dma_wait3A_322] : memref<4x40x128xf32, #tpu.memory_space<vmem>> -> memref<1x40x128xf32, #tpu.memory_space<vmem>>
    %dma_wait3A_324 = tpu.memref_squeeze %dma_wait3A_323 : memref<1x40x128xf32, #tpu.memory_space<vmem>> -> memref<40x128xf32, #tpu.memory_space<vmem>>
    %dma_wait3A_325 = arith.constant 0 : i32
    %dma_wait3A_326 = arith.constant 0 : i32
    %dma_wait3A_327 = tpu.memref_slice %arg3[%dma_wait3A_325, %dma_wait3A_326] : memref<400000x128xf32, #tpu.memory_space<hbm>> -> memref<40x128xf32, #tpu.memory_space<hbm>>
    tpu.wait_dma2 semaphore(%arg11 : memref<!tpu.dma_semaphore, #tpu.memory_space<semaphore_mem>>) src(%dma_wait3A_327 : memref<40x128xf32, #tpu.memory_space<hbm>>) dst(%dma_wait3A_324 : memref<40x128xf32, #tpu.memory_space<vmem>>)
    %dma_wait3A_328 = arith.constant 3 : i32
    %dma_wait3A_329 = arith.constant 0 : i32
    %dma_wait3A_330 = arith.constant 0 : i32
    %dma_wait3A_331 = tpu.memref_slice %arg7[%dma_wait3A_328, %dma_wait3A_329, %dma_wait3A_330] : memref<4x40x128xf32, #tpu.memory_space<vmem>> -> memref<1x40x128xf32, #tpu.memory_space<vmem>>
    %dma_wait3A_332 = tpu.memref_squeeze %dma_wait3A_331 : memref<1x40x128xf32, #tpu.memory_space<vmem>> -> memref<40x128xf32, #tpu.memory_space<vmem>>
    %dma_wait3A_333 = arith.constant 0 : i32
    %dma_wait3A_334 = arith.constant 0 : i32
    %dma_wait3A_335 = tpu.memref_slice %arg3[%dma_wait3A_333, %dma_wait3A_334] : memref<400000x128xf32, #tpu.memory_space<hbm>> -> memref<40x128xf32, #tpu.memory_space<hbm>>
    %dma_wait3A_336 = arith.constant 0 : i32
    %dma_wait3A_337 = arith.constant 0 : i32
    %dma_wait3A_338 = tpu.memref_slice %arg7[%dma_wait3A_328, %dma_wait3A_336, %dma_wait3A_337] : memref<4x40x128xf32, #tpu.memory_space<vmem>> -> memref<1x40x128xf32, #tpu.memory_space<vmem>>
    %dma_wait3A_339 = tpu.memref_squeeze %dma_wait3A_338 : memref<1x40x128xf32, #tpu.memory_space<vmem>> -> memref<40x128xf32, #tpu.memory_space<vmem>>
    %dma_wait3A_340 = arith.constant 0 : i32
    %dma_wait3A_341 = arith.constant 0 : i32
    %dma_wait3A_342 = tpu.memref_slice %arg3[%dma_wait3A_340, %dma_wait3A_341] : memref<400000x128xf32, #tpu.memory_space<hbm>> -> memref<40x128xf32, #tpu.memory_space<hbm>>
    tpu.wait_dma2 semaphore(%arg11 : memref<!tpu.dma_semaphore, #tpu.memory_space<semaphore_mem>>) src(%dma_wait3A_342 : memref<40x128xf32, #tpu.memory_space<hbm>>) dst(%dma_wait3A_339 : memref<40x128xf32, #tpu.memory_space<vmem>>)
    %scan3A_343 = arith.constant 0 : i32
    %scan3A_344 = arith.constant 40 : i32
    %scan3A_345 = arith.addi %scan3A_343, %scan3A_344 : i32
    %scan3A_346 = arith.constant 1 : i32
    scf.for %scan3A_593 = %scan3A_343 to %scan3A_345 step %scan3A_346  : i32 {
      %mul3A_594 = arith.constant 1 : i32
      %mul3A_595 = arith.muli %scan3A_593, %mul3A_594 : i32
      %add3A_596 = arith.constant 0 : i32
      %add3A_597 = arith.addi %add3A_596, %mul3A_595 : i32
      %get3A = arith.constant 0 : i32
      %get3A_598 = arith.index_cast %get3A : i32 to index
      %get3A_599 = arith.index_cast %add3A_597 : i32 to index
      %get3A_600 = arith.constant 0 : index
      %get3A_601 = tpu.vector_load %arg7[%get3A_598, %get3A_599, %get3A_600] {strides = array<i32>} : memref<4x40x128xf32, #tpu.memory_space<vmem>>, vector<1x1x16xf32>,
      %get3A_602 = vector.shape_cast %get3A_601 : vector<1x1x16xf32> to vector<16xf32>
      %get3A_603 = arith.constant 1 : i32
      %get3A_604 = arith.index_cast %get3A_603 : i32 to index
      %get3A_605 = arith.index_cast %add3A_597 : i32 to index
      %get3A_606 = arith.constant 0 : index
      %get3A_607 = tpu.vector_load %arg7[%get3A_604, %get3A_605, %get3A_606] {strides = array<i32>} : memref<4x40x128xf32, #tpu.memory_space<vmem>>, vector<1x1x16xf32>,
      %get3A_608 = vector.shape_cast %get3A_607 : vector<1x1x16xf32> to vector<16xf32>
      %add3A_609 = arith.addf %get3A_602, %get3A_608 : vector<16xf32>
      %get3A_610 = arith.constant 2 : i32
      %get3A_611 = arith.index_cast %get3A_610 : i32 to index
      %get3A_612 = arith.index_cast %add3A_597 : i32 to index
      %get3A_613 = arith.constant 0 : index
      %get3A_614 = tpu.vector_load %arg7[%get3A_611, %get3A_612, %get3A_613] {strides = array<i32>} : memref<4x40x128xf32, #tpu.memory_space<vmem>>, vector<1x1x16xf32>,
      %get3A_615 = vector.shape_cast %get3A_614 : vector<1x1x16xf32> to vector<16xf32>
      %get3A_616 = arith.constant 3 : i32
      %get3A_617 = arith.index_cast %get3A_616 : i32 to index
      %get3A_618 = arith.index_cast %add3A_597 : i32 to index
      %get3A_619 = arith.constant 0 : index
      %get3A_620 = tpu.vector_load %arg7[%get3A_617, %get3A_618, %get3A_619] {strides = array<i32>} : memref<4x40x128xf32, #tpu.memory_space<vmem>>, vector<1x1x16xf32>,
      %get3A_621 = vector.shape_cast %get3A_620 : vector<1x1x16xf32> to vector<16xf32>
      %add3A_622 = arith.addf %get3A_615, %get3A_621 : vector<16xf32>
      %add3A_623 = arith.addf %add3A_609, %add3A_622 : vector<16xf32>
      %mul3A_624 = arith.constant 11.3137083 : f32
      %mul3A_625 = vector.broadcast %mul3A_624 : f32 to vector<16xf32>
      %mul3A_626 = arith.mulf %add3A_623, %mul3A_625 : vector<16xf32>
      %swap3A = arith.index_cast %add3A_597 : i32 to index
      %swap3A_627 = arith.constant 0 : index
      %swap3A_628 = tpu.vector_load %arg9[%swap3A, %swap3A_627] {strides = array<i32>} : memref<40x128xf32, #tpu.memory_space<vmem>>, vector<1x16xf32>,
      %swap3A_629 = vector.shape_cast %swap3A_628 : vector<1x16xf32> to vector<16xf32>
      %swap3A_630 = vector.shape_cast %mul3A_626 : vector<16xf32> to vector<1x16xf32>
      tpu.vector_store %arg9[%swap3A, %swap3A_627], %swap3A_630 {strides = array<i32>} : memref<40x128xf32, #tpu.memory_space<vmem>>, vector<1x16xf32>,
      %get3A_631 = arith.constant 0 : i32
      %get3A_632 = arith.index_cast %get3A_631 : i32 to index
      %get3A_633 = arith.index_cast %add3A_597 : i32 to index
      %get3A_634 = arith.constant 16 : index
      %get3A_635 = tpu.vector_load %arg7[%get3A_632, %get3A_633, %get3A_634] {strides = array<i32>} : memref<4x40x128xf32, #tpu.memory_space<vmem>>, vector<1x1x16xf32>,
      %get3A_636 = vector.shape_cast %get3A_635 : vector<1x1x16xf32> to vector<16xf32>
      %get3A_637 = arith.constant 1 : i32
      %get3A_638 = arith.index_cast %get3A_637 : i32 to index
      %get3A_639 = arith.index_cast %add3A_597 : i32 to index
      %get3A_640 = arith.constant 16 : index
      %get3A_641 = tpu.vector_load %arg7[%get3A_638, %get3A_639, %get3A_640] {strides = array<i32>} : memref<4x40x128xf32, #tpu.memory_space<vmem>>, vector<1x1x16xf32>,
      %get3A_642 = vector.shape_cast %get3A_641 : vector<1x1x16xf32> to vector<16xf32>
      %add3A_643 = arith.addf %get3A_636, %get3A_642 : vector<16xf32>
      %get3A_644 = arith.constant 2 : i32
      %get3A_645 = arith.index_cast %get3A_644 : i32 to index
      %get3A_646 = arith.index_cast %add3A_597 : i32 to index
      %get3A_647 = arith.constant 16 : index
      %get3A_648 = tpu.vector_load %arg7[%get3A_645, %get3A_646, %get3A_647] {strides = array<i32>} : memref<4x40x128xf32, #tpu.memory_space<vmem>>, vector<1x1x16xf32>,
      %get3A_649 = vector.shape_cast %get3A_648 : vector<1x1x16xf32> to vector<16xf32>
      %get3A_650 = arith.constant 3 : i32
      %get3A_651 = arith.index_cast %get3A_650 : i32 to index
      %get3A_652 = arith.index_cast %add3A_597 : i32 to index
      %get3A_653 = arith.constant 16 : index
      %get3A_654 = tpu.vector_load %arg7[%get3A_651, %get3A_652, %get3A_653] {strides = array<i32>} : memref<4x40x128xf32, #tpu.memory_space<vmem>>, vector<1x1x16xf32>,
      %get3A_655 = vector.shape_cast %get3A_654 : vector<1x1x16xf32> to vector<16xf32>
      %add3A_656 = arith.addf %get3A_649, %get3A_655 : vector<16xf32>
      %add3A_657 = arith.addf %add3A_643, %add3A_656 : vector<16xf32>
      %mul3A_658 = arith.constant 11.3137083 : f32
      %mul3A_659 = vector.broadcast %mul3A_658 : f32 to vector<16xf32>
      %mul3A_660 = arith.mulf %add3A_657, %mul3A_659 : vector<16xf32>
      %swap3A_661 = arith.index_cast %add3A_597 : i32 to index
      %swap3A_662 = arith.constant 16 : index
      %swap3A_663 = tpu.vector_load %arg9[%swap3A_661, %swap3A_662] {strides = array<i32>} : memref<40x128xf32, #tpu.memory_space<vmem>>, vector<1x16xf32>,
      %swap3A_664 = vector.shape_cast %swap3A_663 : vector<1x16xf32> to vector<16xf32>
      %swap3A_665 = vector.shape_cast %mul3A_660 : vector<16xf32> to vector<1x16xf32>
      tpu.vector_store %arg9[%swap3A_661, %swap3A_662], %swap3A_665 {strides = array<i32>} : memref<40x128xf32, #tpu.memory_space<vmem>>, vector<1x16xf32>,
      %get3A_666 = arith.constant 0 : i32
      %get3A_667 = arith.index_cast %get3A_666 : i32 to index
      %get3A_668 = arith.index_cast %add3A_597 : i32 to index
      %get3A_669 = arith.constant 32 : index
      %get3A_670 = tpu.vector_load %arg7[%get3A_667, %get3A_668, %get3A_669] {strides = array<i32>} : memref<4x40x128xf32, #tpu.memory_space<vmem>>, vector<1x1x16xf32>,
      %get3A_671 = vector.shape_cast %get3A_670 : vector<1x1x16xf32> to vector<16xf32>
      %get3A_672 = arith.constant 1 : i32
      %get3A_673 = arith.index_cast %get3A_672 : i32 to index
      %get3A_674 = arith.index_cast %add3A_597 : i32 to index
      %get3A_675 = arith.constant 32 : index
      %get3A_676 = tpu.vector_load %arg7[%get3A_673, %get3A_674, %get3A_675] {strides = array<i32>} : memref<4x40x128xf32, #tpu.memory_space<vmem>>, vector<1x1x16xf32>,
      %get3A_677 = vector.shape_cast %get3A_676 : vector<1x1x16xf32> to vector<16xf32>
      %add3A_678 = arith.addf %get3A_671, %get3A_677 : vector<16xf32>
      %get3A_679 = arith.constant 2 : i32
      %get3A_680 = arith.index_cast %get3A_679 : i32 to index
      %get3A_681 = arith.index_cast %add3A_597 : i32 to index
      %get3A_682 = arith.constant 32 : index
      %get3A_683 = tpu.vector_load %arg7[%get3A_680, %get3A_681, %get3A_682] {strides = array<i32>} : memref<4x40x128xf32, #tpu.memory_space<vmem>>, vector<1x1x16xf32>,
      %get3A_684 = vector.shape_cast %get3A_683 : vector<1x1x16xf32> to vector<16xf32>
      %get3A_685 = arith.constant 3 : i32
      %get3A_686 = arith.index_cast %get3A_685 : i32 to index
      %get3A_687 = arith.index_cast %add3A_597 : i32 to index
      %get3A_688 = arith.constant 32 : index
      %get3A_689 = tpu.vector_load %arg7[%get3A_686, %get3A_687, %get3A_688] {strides = array<i32>} : memref<4x40x128xf32, #tpu.memory_space<vmem>>, vector<1x1x16xf32>,
      %get3A_690 = vector.shape_cast %get3A_689 : vector<1x1x16xf32> to vector<16xf32>
      %add3A_691 = arith.addf %get3A_684, %get3A_690 : vector<16xf32>
      %add3A_692 = arith.addf %add3A_678, %add3A_691 : vector<16xf32>
      %mul3A_693 = arith.constant 11.3137083 : f32
      %mul3A_694 = vector.broadcast %mul3A_693 : f32 to vector<16xf32>
      %mul3A_695 = arith.mulf %add3A_692, %mul3A_694 : vector<16xf32>
      %swap3A_696 = arith.index_cast %add3A_597 : i32 to index
      %swap3A_697 = arith.constant 32 : index
      %swap3A_698 = tpu.vector_load %arg9[%swap3A_696, %swap3A_697] {strides = array<i32>} : memref<40x128xf32, #tpu.memory_space<vmem>>, vector<1x16xf32>,
      %swap3A_699 = vector.shape_cast %swap3A_698 : vector<1x16xf32> to vector<16xf32>
      %swap3A_700 = vector.shape_cast %mul3A_695 : vector<16xf32> to vector<1x16xf32>
      tpu.vector_store %arg9[%swap3A_696, %swap3A_697], %swap3A_700 {strides = array<i32>} : memref<40x128xf32, #tpu.memory_space<vmem>>, vector<1x16xf32>,
      %get3A_701 = arith.constant 0 : i32
      %get3A_702 = arith.index_cast %get3A_701 : i32 to index
      %get3A_703 = arith.index_cast %add3A_597 : i32 to index
      %get3A_704 = arith.constant 48 : index
      %get3A_705 = tpu.vector_load %arg7[%get3A_702, %get3A_703, %get3A_704] {strides = array<i32>} : memref<4x40x128xf32, #tpu.memory_space<vmem>>, vector<1x1x16xf32>,
      %get3A_706 = vector.shape_cast %get3A_705 : vector<1x1x16xf32> to vector<16xf32>
      %get3A_707 = arith.constant 1 : i32
      %get3A_708 = arith.index_cast %get3A_707 : i32 to index
      %get3A_709 = arith.index_cast %add3A_597 : i32 to index
      %get3A_710 = arith.constant 48 : index
      %get3A_711 = tpu.vector_load %arg7[%get3A_708, %get3A_709, %get3A_710] {strides = array<i32>} : memref<4x40x128xf32, #tpu.memory_space<vmem>>, vector<1x1x16xf32>,
      %get3A_712 = vector.shape_cast %get3A_711 : vector<1x1x16xf32> to vector<16xf32>
      %add3A_713 = arith.addf %get3A_706, %get3A_712 : vector<16xf32>
      %get3A_714 = arith.constant 2 : i32
      %get3A_715 = arith.index_cast %get3A_714 : i32 to index
      %get3A_716 = arith.index_cast %add3A_597 : i32 to index
      %get3A_717 = arith.constant 48 : index
      %get3A_718 = tpu.vector_load %arg7[%get3A_715, %get3A_716, %get3A_717] {strides = array<i32>} : memref<4x40x128xf32, #tpu.memory_space<vmem>>, vector<1x1x16xf32>,
      %get3A_719 = vector.shape_cast %get3A_718 : vector<1x1x16xf32> to vector<16xf32>
      %get3A_720 = arith.constant 3 : i32
      %get3A_721 = arith.index_cast %get3A_720 : i32 to index
      %get3A_722 = arith.index_cast %add3A_597 : i32 to index
      %get3A_723 = arith.constant 48 : index
      %get3A_724 = tpu.vector_load %arg7[%get3A_721, %get3A_722, %get3A_723] {strides = array<i32>} : memref<4x40x128xf32, #tpu.memory_space<vmem>>, vector<1x1x16xf32>,
      %get3A_725 = vector.shape_cast %get3A_724 : vector<1x1x16xf32> to vector<16xf32>
      %add3A_726 = arith.addf %get3A_719, %get3A_725 : vector<16xf32>
      %add3A_727 = arith.addf %add3A_713, %add3A_726 : vector<16xf32>
      %mul3A_728 = arith.constant 11.3137083 : f32
      %mul3A_729 = vector.broadcast %mul3A_728 : f32 to vector<16xf32>
      %mul3A_730 = arith.mulf %add3A_727, %mul3A_729 : vector<16xf32>
      %swap3A_731 = arith.index_cast %add3A_597 : i32 to index
      %swap3A_732 = arith.constant 48 : index
      %swap3A_733 = tpu.vector_load %arg9[%swap3A_731, %swap3A_732] {strides = array<i32>} : memref<40x128xf32, #tpu.memory_space<vmem>>, vector<1x16xf32>,
      %swap3A_734 = vector.shape_cast %swap3A_733 : vector<1x16xf32> to vector<16xf32>
      %swap3A_735 = vector.shape_cast %mul3A_730 : vector<16xf32> to vector<1x16xf32>
      tpu.vector_store %arg9[%swap3A_731, %swap3A_732], %swap3A_735 {strides = array<i32>} : memref<40x128xf32, #tpu.memory_space<vmem>>, vector<1x16xf32>,
      %get3A_736 = arith.constant 0 : i32
      %get3A_737 = arith.index_cast %get3A_736 : i32 to index
      %get3A_738 = arith.index_cast %add3A_597 : i32 to index
      %get3A_739 = arith.constant 64 : index
      %get3A_740 = tpu.vector_load %arg7[%get3A_737, %get3A_738, %get3A_739] {strides = array<i32>} : memref<4x40x128xf32, #tpu.memory_space<vmem>>, vector<1x1x16xf32>,
      %get3A_741 = vector.shape_cast %get3A_740 : vector<1x1x16xf32> to vector<16xf32>
      %get3A_742 = arith.constant 1 : i32
      %get3A_743 = arith.index_cast %get3A_742 : i32 to index
      %get3A_744 = arith.index_cast %add3A_597 : i32 to index
      %get3A_745 = arith.constant 64 : index
      %get3A_746 = tpu.vector_load %arg7[%get3A_743, %get3A_744, %get3A_745] {strides = array<i32>} : memref<4x40x128xf32, #tpu.memory_space<vmem>>, vector<1x1x16xf32>,
      %get3A_747 = vector.shape_cast %get3A_746 : vector<1x1x16xf32> to vector<16xf32>
      %add3A_748 = arith.addf %get3A_741, %get3A_747 : vector<16xf32>
      %get3A_749 = arith.constant 2 : i32
      %get3A_750 = arith.index_cast %get3A_749 : i32 to index
      %get3A_751 = arith.index_cast %add3A_597 : i32 to index
      %get3A_752 = arith.constant 64 : index
      %get3A_753 = tpu.vector_load %arg7[%get3A_750, %get3A_751, %get3A_752] {strides = array<i32>} : memref<4x40x128xf32, #tpu.memory_space<vmem>>, vector<1x1x16xf32>,
      %get3A_754 = vector.shape_cast %get3A_753 : vector<1x1x16xf32> to vector<16xf32>
      %get3A_755 = arith.constant 3 : i32
      %get3A_756 = arith.index_cast %get3A_755 : i32 to index
      %get3A_757 = arith.index_cast %add3A_597 : i32 to index
      %get3A_758 = arith.constant 64 : index
      %get3A_759 = tpu.vector_load %arg7[%get3A_756, %get3A_757, %get3A_758] {strides = array<i32>} : memref<4x40x128xf32, #tpu.memory_space<vmem>>, vector<1x1x16xf32>,
      %get3A_760 = vector.shape_cast %get3A_759 : vector<1x1x16xf32> to vector<16xf32>
      %add3A_761 = arith.addf %get3A_754, %get3A_760 : vector<16xf32>
      %add3A_762 = arith.addf %add3A_748, %add3A_761 : vector<16xf32>
      %mul3A_763 = arith.constant 11.3137083 : f32
      %mul3A_764 = vector.broadcast %mul3A_763 : f32 to vector<16xf32>
      %mul3A_765 = arith.mulf %add3A_762, %mul3A_764 : vector<16xf32>
      %swap3A_766 = arith.index_cast %add3A_597 : i32 to index
      %swap3A_767 = arith.constant 64 : index
      %swap3A_768 = tpu.vector_load %arg9[%swap3A_766, %swap3A_767] {strides = array<i32>} : memref<40x128xf32, #tpu.memory_space<vmem>>, vector<1x16xf32>,
      %swap3A_769 = vector.shape_cast %swap3A_768 : vector<1x16xf32> to vector<16xf32>
      %swap3A_770 = vector.shape_cast %mul3A_765 : vector<16xf32> to vector<1x16xf32>
      tpu.vector_store %arg9[%swap3A_766, %swap3A_767], %swap3A_770 {strides = array<i32>} : memref<40x128xf32, #tpu.memory_space<vmem>>, vector<1x16xf32>,
      %get3A_771 = arith.constant 0 : i32
      %get3A_772 = arith.index_cast %get3A_771 : i32 to index
      %get3A_773 = arith.index_cast %add3A_597 : i32 to index
      %get3A_774 = arith.constant 80 : index
      %get3A_775 = tpu.vector_load %arg7[%get3A_772, %get3A_773, %get3A_774] {strides = array<i32>} : memref<4x40x128xf32, #tpu.memory_space<vmem>>, vector<1x1x16xf32>,
      %get3A_776 = vector.shape_cast %get3A_775 : vector<1x1x16xf32> to vector<16xf32>
      %get3A_777 = arith.constant 1 : i32
      %get3A_778 = arith.index_cast %get3A_777 : i32 to index
      %get3A_779 = arith.index_cast %add3A_597 : i32 to index
      %get3A_780 = arith.constant 80 : index
      %get3A_781 = tpu.vector_load %arg7[%get3A_778, %get3A_779, %get3A_780] {strides = array<i32>} : memref<4x40x128xf32, #tpu.memory_space<vmem>>, vector<1x1x16xf32>,
      %get3A_782 = vector.shape_cast %get3A_781 : vector<1x1x16xf32> to vector<16xf32>
      %add3A_783 = arith.addf %get3A_776, %get3A_782 : vector<16xf32>
      %get3A_784 = arith.constant 2 : i32
      %get3A_785 = arith.index_cast %get3A_784 : i32 to index
      %get3A_786 = arith.index_cast %add3A_597 : i32 to index
      %get3A_787 = arith.constant 80 : index
      %get3A_788 = tpu.vector_load %arg7[%get3A_785, %get3A_786, %get3A_787] {strides = array<i32>} : memref<4x40x128xf32, #tpu.memory_space<vmem>>, vector<1x1x16xf32>,
      %get3A_789 = vector.shape_cast %get3A_788 : vector<1x1x16xf32> to vector<16xf32>
      %get3A_790 = arith.constant 3 : i32
      %get3A_791 = arith.index_cast %get3A_790 : i32 to index
      %get3A_792 = arith.index_cast %add3A_597 : i32 to index
      %get3A_793 = arith.constant 80 : index
      %get3A_794 = tpu.vector_load %arg7[%get3A_791, %get3A_792, %get3A_793] {strides = array<i32>} : memref<4x40x128xf32, #tpu.memory_space<vmem>>, vector<1x1x16xf32>,
      %get3A_795 = vector.shape_cast %get3A_794 : vector<1x1x16xf32> to vector<16xf32>
      %add3A_796 = arith.addf %get3A_789, %get3A_795 : vector<16xf32>
      %add3A_797 = arith.addf %add3A_783, %add3A_796 : vector<16xf32>
      %mul3A_798 = arith.constant 11.3137083 : f32
      %mul3A_799 = vector.broadcast %mul3A_798 : f32 to vector<16xf32>
      %mul3A_800 = arith.mulf %add3A_797, %mul3A_799 : vector<16xf32>
      %swap3A_801 = arith.index_cast %add3A_597 : i32 to index
      %swap3A_802 = arith.constant 80 : index
      %swap3A_803 = tpu.vector_load %arg9[%swap3A_801, %swap3A_802] {strides = array<i32>} : memref<40x128xf32, #tpu.memory_space<vmem>>, vector<1x16xf32>,
      %swap3A_804 = vector.shape_cast %swap3A_803 : vector<1x16xf32> to vector<16xf32>
      %swap3A_805 = vector.shape_cast %mul3A_800 : vector<16xf32> to vector<1x16xf32>
      tpu.vector_store %arg9[%swap3A_801, %swap3A_802], %swap3A_805 {strides = array<i32>} : memref<40x128xf32, #tpu.memory_space<vmem>>, vector<1x16xf32>,
      %get3A_806 = arith.constant 0 : i32
      %get3A_807 = arith.index_cast %get3A_806 : i32 to index
      %get3A_808 = arith.index_cast %add3A_597 : i32 to index
      %get3A_809 = arith.constant 96 : index
      %get3A_810 = tpu.vector_load %arg7[%get3A_807, %get3A_808, %get3A_809] {strides = array<i32>} : memref<4x40x128xf32, #tpu.memory_space<vmem>>, vector<1x1x16xf32>,
      %get3A_811 = vector.shape_cast %get3A_810 : vector<1x1x16xf32> to vector<16xf32>
      %get3A_812 = arith.constant 1 : i32
      %get3A_813 = arith.index_cast %get3A_812 : i32 to index
      %get3A_814 = arith.index_cast %add3A_597 : i32 to index
      %get3A_815 = arith.constant 96 : index
      %get3A_816 = tpu.vector_load %arg7[%get3A_813, %get3A_814, %get3A_815] {strides = array<i32>} : memref<4x40x128xf32, #tpu.memory_space<vmem>>, vector<1x1x16xf32>,
      %get3A_817 = vector.shape_cast %get3A_816 : vector<1x1x16xf32> to vector<16xf32>
      %add3A_818 = arith.addf %get3A_811, %get3A_817 : vector<16xf32>
      %get3A_819 = arith.constant 2 : i32
      %get3A_820 = arith.index_cast %get3A_819 : i32 to index
      %get3A_821 = arith.index_cast %add3A_597 : i32 to index
      %get3A_822 = arith.constant 96 : index
      %get3A_823 = tpu.vector_load %arg7[%get3A_820, %get3A_821, %get3A_822] {strides = array<i32>} : memref<4x40x128xf32, #tpu.memory_space<vmem>>, vector<1x1x16xf32>,
      %get3A_824 = vector.shape_cast %get3A_823 : vector<1x1x16xf32> to vector<16xf32>
      %get3A_825 = arith.constant 3 : i32
      %get3A_826 = arith.index_cast %get3A_825 : i32 to index
      %get3A_827 = arith.index_cast %add3A_597 : i32 to index
      %get3A_828 = arith.constant 96 : index
      %get3A_829 = tpu.vector_load %arg7[%get3A_826, %get3A_827, %get3A_828] {strides = array<i32>} : memref<4x40x128xf32, #tpu.memory_space<vmem>>, vector<1x1x16xf32>,
      %get3A_830 = vector.shape_cast %get3A_829 : vector<1x1x16xf32> to vector<16xf32>
      %add3A_831 = arith.addf %get3A_824, %get3A_830 : vector<16xf32>
      %add3A_832 = arith.addf %add3A_818, %add3A_831 : vector<16xf32>
      %mul3A_833 = arith.constant 11.3137083 : f32
      %mul3A_834 = vector.broadcast %mul3A_833 : f32 to vector<16xf32>
      %mul3A_835 = arith.mulf %add3A_832, %mul3A_834 : vector<16xf32>
      %swap3A_836 = arith.index_cast %add3A_597 : i32 to index
      %swap3A_837 = arith.constant 96 : index
      %swap3A_838 = tpu.vector_load %arg9[%swap3A_836, %swap3A_837] {strides = array<i32>} : memref<40x128xf32, #tpu.memory_space<vmem>>, vector<1x16xf32>,
      %swap3A_839 = vector.shape_cast %swap3A_838 : vector<1x16xf32> to vector<16xf32>
      %swap3A_840 = vector.shape_cast %mul3A_835 : vector<16xf32> to vector<1x16xf32>
      tpu.vector_store %arg9[%swap3A_836, %swap3A_837], %swap3A_840 {strides = array<i32>} : memref<40x128xf32, #tpu.memory_space<vmem>>, vector<1x16xf32>,
      %get3A_841 = arith.constant 0 : i32
      %get3A_842 = arith.index_cast %get3A_841 : i32 to index
      %get3A_843 = arith.index_cast %add3A_597 : i32 to index
      %get3A_844 = arith.constant 112 : index
      %get3A_845 = tpu.vector_load %arg7[%get3A_842, %get3A_843, %get3A_844] {strides = array<i32>} : memref<4x40x128xf32, #tpu.memory_space<vmem>>, vector<1x1x16xf32>,
      %get3A_846 = vector.shape_cast %get3A_845 : vector<1x1x16xf32> to vector<16xf32>
      %get3A_847 = arith.constant 1 : i32
      %get3A_848 = arith.index_cast %get3A_847 : i32 to index
      %get3A_849 = arith.index_cast %add3A_597 : i32 to index
      %get3A_850 = arith.constant 112 : index
      %get3A_851 = tpu.vector_load %arg7[%get3A_848, %get3A_849, %get3A_850] {strides = array<i32>} : memref<4x40x128xf32, #tpu.memory_space<vmem>>, vector<1x1x16xf32>,
      %get3A_852 = vector.shape_cast %get3A_851 : vector<1x1x16xf32> to vector<16xf32>
      %add3A_853 = arith.addf %get3A_846, %get3A_852 : vector<16xf32>
      %get3A_854 = arith.constant 2 : i32
      %get3A_855 = arith.index_cast %get3A_854 : i32 to index
      %get3A_856 = arith.index_cast %add3A_597 : i32 to index
      %get3A_857 = arith.constant 112 : index
      %get3A_858 = tpu.vector_load %arg7[%get3A_855, %get3A_856, %get3A_857] {strides = array<i32>} : memref<4x40x128xf32, #tpu.memory_space<vmem>>, vector<1x1x16xf32>,
      %get3A_859 = vector.shape_cast %get3A_858 : vector<1x1x16xf32> to vector<16xf32>
      %get3A_860 = arith.constant 3 : i32
      %get3A_861 = arith.index_cast %get3A_860 : i32 to index
      %get3A_862 = arith.index_cast %add3A_597 : i32 to index
      %get3A_863 = arith.constant 112 : index
      %get3A_864 = tpu.vector_load %arg7[%get3A_861, %get3A_862, %get3A_863] {strides = array<i32>} : memref<4x40x128xf32, #tpu.memory_space<vmem>>, vector<1x1x16xf32>,
      %get3A_865 = vector.shape_cast %get3A_864 : vector<1x1x16xf32> to vector<16xf32>
      %add3A_866 = arith.addf %get3A_859, %get3A_865 : vector<16xf32>
      %add3A_867 = arith.addf %add3A_853, %add3A_866 : vector<16xf32>
      %mul3A_868 = arith.constant 11.3137083 : f32
      %mul3A_869 = vector.broadcast %mul3A_868 : f32 to vector<16xf32>
      %mul3A_870 = arith.mulf %add3A_867, %mul3A_869 : vector<16xf32>
      %swap3A_871 = arith.index_cast %add3A_597 : i32 to index
      %swap3A_872 = arith.constant 112 : index
      %swap3A_873 = tpu.vector_load %arg9[%swap3A_871, %swap3A_872] {strides = array<i32>} : memref<40x128xf32, #tpu.memory_space<vmem>>, vector<1x16xf32>,
      %swap3A_874 = vector.shape_cast %swap3A_873 : vector<1x16xf32> to vector<16xf32>
      %swap3A_875 = vector.shape_cast %mul3A_870 : vector<16xf32> to vector<1x16xf32>
      tpu.vector_store %arg9[%swap3A_871, %swap3A_872], %swap3A_875 {strides = array<i32>} : memref<40x128xf32, #tpu.memory_space<vmem>>, vector<1x16xf32>,
    }
    %scan3A_347 = arith.constant 40 : i32
    %add3A_348 = arith.constant 40 : i32
    %add3A_349 = arith.addi %mul3A_2, %add3A_348 : i32
    %dma_start3A_350 = arith.constant 0 : i32
    %dma_start3A_351 = tpu.memref_slice %arg4[%add3A_349, %dma_start3A_350] : memref<204800x128xf32, #tpu.memory_space<hbm>> -> memref<40x128xf32, #tpu.memory_space<hbm>>
    %dma_start3A_352 = arith.constant 0 : i32
    %dma_start3A_353 = tpu.memref_slice %arg4[%add3A_349, %dma_start3A_352] : memref<204800x128xf32, #tpu.memory_space<hbm>> -> memref<40x128xf32, #tpu.memory_space<hbm>>
    tpu.enqueue_dma source(%arg9 : memref<40x128xf32, #tpu.memory_space<vmem>>) target(%dma_start3A_353 : memref<40x128xf32, #tpu.memory_space<hbm>>) target_semaphore(%arg13 : memref<!tpu.dma_semaphore, #tpu.memory_space<semaphore_mem>>)
    %div3A_354 = arith.constant 3 : i32
    %div3A_355 = arith.constant 5 : i32
    %div3A_356 = arith.divsi %div3A_354, %div3A_355 : i32
    %rem3A_357 = arith.constant 3 : i32
    %rem3A_358 = arith.constant 5 : i32
    %rem3A_359 = arith.remsi %rem3A_357, %rem3A_358 : i32
    %mul3A_360 = arith.constant 40 : i32
    %mul3A_361 = arith.muli %rem3A_359, %mul3A_360 : i32
    %add3A_362 = arith.constant 0 : i32
    %add3A_363 = arith.addi %add3A_362, %mul3A_361 : i32
    %dma_start3A_364 = arith.constant 0 : i32
    %dma_start3A_365 = arith.constant 0 : i32
    %dma_start3A_366 = arith.constant 0 : i32
    %dma_start3A_367 = tpu.memref_slice %arg7[%dma_start3A_364, %dma_start3A_365, %dma_start3A_366] : memref<4x40x128xf32, #tpu.memory_space<vmem>> -> memref<1x40x128xf32, #tpu.memory_space<vmem>>
    %dma_start3A_368 = tpu.memref_squeeze %dma_start3A_367 : memref<1x40x128xf32, #tpu.memory_space<vmem>> -> memref<40x128xf32, #tpu.memory_space<vmem>>
    %dma_start3A_369 = tpu.memref_slice %arg5[%div3A_356, %add3A_363] : memref<32x800xi32, #tpu.memory_space<vmem>> -> memref<1x40xi32, #tpu.memory_space<vmem>>
    %dma_start3A_370 = tpu.memref_squeeze %dma_start3A_369 : memref<1x40xi32, #tpu.memory_space<vmem>> -> memref<40xi32, #tpu.memory_space<vmem>>
    %dma_start3A_371 = arith.constant 0 : i32
    %dma_start3A_372 = arith.constant 0 : i32
    %dma_start3A_373 = tpu.memref_slice %arg3[%dma_start3A_371, %dma_start3A_372] : memref<400000x128xf32, #tpu.memory_space<hbm>> -> memref<100000x128xf32, #tpu.memory_space<hbm>>
    %dma_start3A_374 = arith.constant 0 : i32
    %dma_start3A_375 = arith.constant 0 : i32
    %dma_start3A_376 = tpu.memref_slice %dma_start3A_373[%dma_start3A_374, %dma_start3A_375] : memref<100000x128xf32, #tpu.memory_space<hbm>> -> memref<100000x128xf32, #tpu.memory_space<hbm>>
    tpu.enqueue_indirect_dma source(%dma_start3A_376 : memref<100000x128xf32, #tpu.memory_space<hbm>>) target(%dma_start3A_368 : memref<40x128xf32, #tpu.memory_space<vmem>>) offsets(%dma_start3A_370 : memref<40xi32, #tpu.memory_space<vmem>>) semaphore(%arg11 : memref<!tpu.dma_semaphore, #tpu.memory_space<semaphore_mem>>)
    %add3A_377 = arith.constant 200 : i32
    %add3A_378 = arith.addi %add3A_377, %mul3A_361 : i32
    %dma_start3A_379 = arith.constant 1 : i32
    %dma_start3A_380 = arith.constant 0 : i32
    %dma_start3A_381 = arith.constant 0 : i32
    %dma_start3A_382 = tpu.memref_slice %arg7[%dma_start3A_379, %dma_start3A_380, %dma_start3A_381] : memref<4x40x128xf32, #tpu.memory_space<vmem>> -> memref<1x40x128xf32, #tpu.memory_space<vmem>>
    %dma_start3A_383 = tpu.memref_squeeze %dma_start3A_382 : memref<1x40x128xf32, #tpu.memory_space<vmem>> -> memref<40x128xf32, #tpu.memory_space<vmem>>
    %dma_start3A_384 = tpu.memref_slice %arg5[%div3A_356, %add3A_378] : memref<32x800xi32, #tpu.memory_space<vmem>> -> memref<1x40xi32, #tpu.memory_space<vmem>>
    %dma_start3A_385 = tpu.memref_squeeze %dma_start3A_384 : memref<1x40xi32, #tpu.memory_space<vmem>> -> memref<40xi32, #tpu.memory_space<vmem>>
    %dma_start3A_386 = arith.constant 100000 : i32
    %dma_start3A_387 = arith.constant 0 : i32
    %dma_start3A_388 = tpu.memref_slice %arg3[%dma_start3A_386, %dma_start3A_387] : memref<400000x128xf32, #tpu.memory_space<hbm>> -> memref<100000x128xf32, #tpu.memory_space<hbm>>
    %dma_start3A_389 = arith.constant 0 : i32
    %dma_start3A_390 = arith.constant 0 : i32
    %dma_start3A_391 = tpu.memref_slice %dma_start3A_388[%dma_start3A_389, %dma_start3A_390] : memref<100000x128xf32, #tpu.memory_space<hbm>> -> memref<100000x128xf32, #tpu.memory_space<hbm>>
    tpu.enqueue_indirect_dma source(%dma_start3A_391 : memref<100000x128xf32, #tpu.memory_space<hbm>>) target(%dma_start3A_383 : memref<40x128xf32, #tpu.memory_space<vmem>>) offsets(%dma_start3A_385 : memref<40xi32, #tpu.memory_space<vmem>>) semaphore(%arg11 : memref<!tpu.dma_semaphore, #tpu.memory_space<semaphore_mem>>)
    %add3A_392 = arith.constant 400 : i32
    %add3A_393 = arith.addi %add3A_392, %mul3A_361 : i32
    %dma_start3A_394 = arith.constant 2 : i32
    %dma_start3A_395 = arith.constant 0 : i32
    %dma_start3A_396 = arith.constant 0 : i32
    %dma_start3A_397 = tpu.memref_slice %arg7[%dma_start3A_394, %dma_start3A_395, %dma_start3A_396] : memref<4x40x128xf32, #tpu.memory_space<vmem>> -> memref<1x40x128xf32, #tpu.memory_space<vmem>>
    %dma_start3A_398 = tpu.memref_squeeze %dma_start3A_397 : memref<1x40x128xf32, #tpu.memory_space<vmem>> -> memref<40x128xf32, #tpu.memory_space<vmem>>
    %dma_start3A_399 = tpu.memref_slice %arg5[%div3A_356, %add3A_393] : memref<32x800xi32, #tpu.memory_space<vmem>> -> memref<1x40xi32, #tpu.memory_space<vmem>>
    %dma_start3A_400 = tpu.memref_squeeze %dma_start3A_399 : memref<1x40xi32, #tpu.memory_space<vmem>> -> memref<40xi32, #tpu.memory_space<vmem>>
    %dma_start3A_401 = arith.constant 200000 : i32
    %dma_start3A_402 = arith.constant 0 : i32
    %dma_start3A_403 = tpu.memref_slice %arg3[%dma_start3A_401, %dma_start3A_402] : memref<400000x128xf32, #tpu.memory_space<hbm>> -> memref<100000x128xf32, #tpu.memory_space<hbm>>
    %dma_start3A_404 = arith.constant 0 : i32
    %dma_start3A_405 = arith.constant 0 : i32
    %dma_start3A_406 = tpu.memref_slice %dma_start3A_403[%dma_start3A_404, %dma_start3A_405] : memref<100000x128xf32, #tpu.memory_space<hbm>> -> memref<100000x128xf32, #tpu.memory_space<hbm>>
    tpu.enqueue_indirect_dma source(%dma_start3A_406 : memref<100000x128xf32, #tpu.memory_space<hbm>>) target(%dma_start3A_398 : memref<40x128xf32, #tpu.memory_space<vmem>>) offsets(%dma_start3A_400 : memref<40xi32, #tpu.memory_space<vmem>>) semaphore(%arg11 : memref<!tpu.dma_semaphore, #tpu.memory_space<semaphore_mem>>)
    %add3A_407 = arith.constant 600 : i32
    %add3A_408 = arith.addi %add3A_407, %mul3A_361 : i32
    %dma_start3A_409 = arith.constant 3 : i32
    %dma_start3A_410 = arith.constant 0 : i32
    %dma_start3A_411 = arith.constant 0 : i32
    %dma_start3A_412 = tpu.memref_slice %arg7[%dma_start3A_409, %dma_start3A_410, %dma_start3A_411] : memref<4x40x128xf32, #tpu.memory_space<vmem>> -> memref<1x40x128xf32, #tpu.memory_space<vmem>>
    %dma_start3A_413 = tpu.memref_squeeze %dma_start3A_412 : memref<1x40x128xf32, #tpu.memory_space<vmem>> -> memref<40x128xf32, #tpu.memory_space<vmem>>
    %dma_start3A_414 = tpu.memref_slice %arg5[%div3A_356, %add3A_408] : memref<32x800xi32, #tpu.memory_space<vmem>> -> memref<1x40xi32, #tpu.memory_space<vmem>>
    %dma_start3A_415 = tpu.memref_squeeze %dma_start3A_414 : memref<1x40xi32, #tpu.memory_space<vmem>> -> memref<40xi32, #tpu.memory_space<vmem>>
    %dma_start3A_416 = arith.constant 300000 : i32
    %dma_start3A_417 = arith.constant 0 : i32
    %dma_start3A_418 = tpu.memref_slice %arg3[%dma_start3A_416, %dma_start3A_417] : memref<400000x128xf32, #tpu.memory_space<hbm>> -> memref<100000x128xf32, #tpu.memory_space<hbm>>
    %dma_start3A_419 = arith.constant 0 : i32
    %dma_start3A_420 = arith.constant 0 : i32
    %dma_start3A_421 = tpu.memref_slice %dma_start3A_418[%dma_start3A_419, %dma_start3A_420] : memref<100000x128xf32, #tpu.memory_space<hbm>> -> memref<100000x128xf32, #tpu.memory_space<hbm>>
    tpu.enqueue_indirect_dma source(%dma_start3A_421 : memref<100000x128xf32, #tpu.memory_space<hbm>>) target(%dma_start3A_413 : memref<40x128xf32, #tpu.memory_space<vmem>>) offsets(%dma_start3A_415 : memref<40xi32, #tpu.memory_space<vmem>>) semaphore(%arg11 : memref<!tpu.dma_semaphore, #tpu.memory_space<semaphore_mem>>)
    %scan3A_422 = arith.constant 0 : i32
    %scan3A_423 = arith.constant 78 : i32
    %scan3A_424 = arith.addi %scan3A_422, %scan3A_423 : i32
    %scan3A_425 = arith.constant 1 : i32
    scf.for %scan3A_593 = %scan3A_422 to %scan3A_424 step %scan3A_425  : i32 {
      %mul3A_594 = arith.constant 2 : i32
      %mul3A_595 = arith.muli %scan3A_593, %mul3A_594 : i32
      %add3A_596 = arith.constant 2 : i32
      %add3A_597 = arith.addi %add3A_596, %mul3A_595 : i32
      %add3A_598 = arith.constant 0 : i32
      %add3A_599 = arith.addi %add3A_597, %add3A_598 : i32
      %dma_wait3A_600 = arith.constant 0 : i32
      %dma_wait3A_601 = arith.constant 0 : i32
      %dma_wait3A_602 = arith.constant 0 : i32
      %dma_wait3A_603 = tpu.memref_slice %arg6[%dma_wait3A_600, %dma_wait3A_601, %dma_wait3A_602] : memref<4x40x128xf32, #tpu.memory_space<vmem>> -> memref<1x40x128xf32, #tpu.memory_space<vmem>>
      %dma_wait3A_604 = tpu.memref_squeeze %dma_wait3A_603 : memref<1x40x128xf32, #tpu.memory_space<vmem>> -> memref<40x128xf32, #tpu.memory_space<vmem>>
      %dma_wait3A_605 = arith.constant 0 : i32
      %dma_wait3A_606 = arith.constant 0 : i32
      %dma_wait3A_607 = tpu.memref_slice %arg3[%dma_wait3A_605, %dma_wait3A_606] : memref<400000x128xf32, #tpu.memory_space<hbm>> -> memref<40x128xf32, #tpu.memory_space<hbm>>
      %dma_wait3A_608 = arith.constant 0 : i32
      %dma_wait3A_609 = arith.constant 0 : i32
      %dma_wait3A_610 = tpu.memref_slice %arg6[%dma_wait3A_600, %dma_wait3A_608, %dma_wait3A_609] : memref<4x40x128xf32, #tpu.memory_space<vmem>> -> memref<1x40x128xf32, #tpu.memory_space<vmem>>
      %dma_wait3A_611 = tpu.memref_squeeze %dma_wait3A_610 : memref<1x40x128xf32, #tpu.memory_space<vmem>> -> memref<40x128xf32, #tpu.memory_space<vmem>>
      %dma_wait3A_612 = arith.constant 0 : i32
      %dma_wait3A_613 = arith.constant 0 : i32
      %dma_wait3A_614 = tpu.memref_slice %arg3[%dma_wait3A_612, %dma_wait3A_613] : memref<400000x128xf32, #tpu.memory_space<hbm>> -> memref<40x128xf32, #tpu.memory_space<hbm>>
      tpu.wait_dma2 semaphore(%arg10 : memref<!tpu.dma_semaphore, #tpu.memory_space<semaphore_mem>>) src(%dma_wait3A_614 : memref<40x128xf32, #tpu.memory_space<hbm>>) dst(%dma_wait3A_611 : memref<40x128xf32, #tpu.memory_space<vmem>>)
      %dma_wait3A_615 = arith.constant 1 : i32
      %dma_wait3A_616 = arith.constant 0 : i32
      %dma_wait3A_617 = arith.constant 0 : i32
      %dma_wait3A_618 = tpu.memref_slice %arg6[%dma_wait3A_615, %dma_wait3A_616, %dma_wait3A_617] : memref<4x40x128xf32, #tpu.memory_space<vmem>> -> memref<1x40x128xf32, #tpu.memory_space<vmem>>
      %dma_wait3A_619 = tpu.memref_squeeze %dma_wait3A_618 : memref<1x40x128xf32, #tpu.memory_space<vmem>> -> memref<40x128xf32, #tpu.memory_space<vmem>>
      %dma_wait3A_620 = arith.constant 0 : i32
      %dma_wait3A_621 = arith.constant 0 : i32
      %dma_wait3A_622 = tpu.memref_slice %arg3[%dma_wait3A_620, %dma_wait3A_621] : memref<400000x128xf32, #tpu.memory_space<hbm>> -> memref<40x128xf32, #tpu.memory_space<hbm>>
      %dma_wait3A_623 = arith.constant 0 : i32
      %dma_wait3A_624 = arith.constant 0 : i32
      %dma_wait3A_625 = tpu.memref_slice %arg6[%dma_wait3A_615, %dma_wait3A_623, %dma_wait3A_624] : memref<4x40x128xf32, #tpu.memory_space<vmem>> -> memref<1x40x128xf32, #tpu.memory_space<vmem>>
      %dma_wait3A_626 = tpu.memref_squeeze %dma_wait3A_625 : memref<1x40x128xf32, #tpu.memory_space<vmem>> -> memref<40x128xf32, #tpu.memory_space<vmem>>
      %dma_wait3A_627 = arith.constant 0 : i32
      %dma_wait3A_628 = arith.constant 0 : i32
      %dma_wait3A_629 = tpu.memref_slice %arg3[%dma_wait3A_627, %dma_wait3A_628] : memref<400000x128xf32, #tpu.memory_space<hbm>> -> memref<40x128xf32, #tpu.memory_space<hbm>>
      tpu.wait_dma2 semaphore(%arg10 : memref<!tpu.dma_semaphore, #tpu.memory_space<semaphore_mem>>) src(%dma_wait3A_629 : memref<40x128xf32, #tpu.memory_space<hbm>>) dst(%dma_wait3A_626 : memref<40x128xf32, #tpu.memory_space<vmem>>)
      %dma_wait3A_630 = arith.constant 2 : i32
      %dma_wait3A_631 = arith.constant 0 : i32
      %dma_wait3A_632 = arith.constant 0 : i32
      %dma_wait3A_633 = tpu.memref_slice %arg6[%dma_wait3A_630, %dma_wait3A_631, %dma_wait3A_632] : memref<4x40x128xf32, #tpu.memory_space<vmem>> -> memref<1x40x128xf32, #tpu.memory_space<vmem>>
      %dma_wait3A_634 = tpu.memref_squeeze %dma_wait3A_633 : memref<1x40x128xf32, #tpu.memory_space<vmem>> -> memref<40x128xf32, #tpu.memory_space<vmem>>
      %dma_wait3A_635 = arith.constant 0 : i32
      %dma_wait3A_636 = arith.constant 0 : i32
      %dma_wait3A_637 = tpu.memref_slice %arg3[%dma_wait3A_635, %dma_wait3A_636] : memref<400000x128xf32, #tpu.memory_space<hbm>> -> memref<40x128xf32, #tpu.memory_space<hbm>>
      %dma_wait3A_638 = arith.constant 0 : i32
      %dma_wait3A_639 = arith.constant 0 : i32
      %dma_wait3A_640 = tpu.memref_slice %arg6[%dma_wait3A_630, %dma_wait3A_638, %dma_wait3A_639] : memref<4x40x128xf32, #tpu.memory_space<vmem>> -> memref<1x40x128xf32, #tpu.memory_space<vmem>>
      %dma_wait3A_641 = tpu.memref_squeeze %dma_wait3A_640 : memref<1x40x128xf32, #tpu.memory_space<vmem>> -> memref<40x128xf32, #tpu.memory_space<vmem>>
      %dma_wait3A_642 = arith.constant 0 : i32
      %dma_wait3A_643 = arith.constant 0 : i32
      %dma_wait3A_644 = tpu.memref_slice %arg3[%dma_wait3A_642, %dma_wait3A_643] : memref<400000x128xf32, #tpu.memory_space<hbm>> -> memref<40x128xf32, #tpu.memory_space<hbm>>
      tpu.wait_dma2 semaphore(%arg10 : memref<!tpu.dma_semaphore, #tpu.memory_space<semaphore_mem>>) src(%dma_wait3A_644 : memref<40x128xf32, #tpu.memory_space<hbm>>) dst(%dma_wait3A_641 : memref<40x128xf32, #tpu.memory_space<vmem>>)
      %dma_wait3A_645 = arith.constant 3 : i32
      %dma_wait3A_646 = arith.constant 0 : i32
      %dma_wait3A_647 = arith.constant 0 : i32
      %dma_wait3A_648 = tpu.memref_slice %arg6[%dma_wait3A_645, %dma_wait3A_646, %dma_wait3A_647] : memref<4x40x128xf32, #tpu.memory_space<vmem>> -> memref<1x40x128xf32, #tpu.memory_space<vmem>>
      %dma_wait3A_649 = tpu.memref_squeeze %dma_wait3A_648 : memref<1x40x128xf32, #tpu.memory_space<vmem>> -> memref<40x128xf32, #tpu.memory_space<vmem>>
      %dma_wait3A_650 = arith.constant 0 : i32
      %dma_wait3A_651 = arith.constant 0 : i32
      %dma_wait3A_652 = tpu.memref_slice %arg3[%dma_wait3A_650, %dma_wait3A_651] : memref<400000x128xf32, #tpu.memory_space<hbm>> -> memref<40x128xf32, #tpu.memory_space<hbm>>
      %dma_wait3A_653 = arith.constant 0 : i32
      %dma_wait3A_654 = arith.constant 0 : i32
      %dma_wait3A_655 = tpu.memref_slice %arg6[%dma_wait3A_645, %dma_wait3A_653, %dma_wait3A_654] : memref<4x40x128xf32, #tpu.memory_space<vmem>> -> memref<1x40x128xf32, #tpu.memory_space<vmem>>
      %dma_wait3A_656 = tpu.memref_squeeze %dma_wait3A_655 : memref<1x40x128xf32, #tpu.memory_space<vmem>> -> memref<40x128xf32, #tpu.memory_space<vmem>>
      %dma_wait3A_657 = arith.constant 0 : i32
      %dma_wait3A_658 = arith.constant 0 : i32
      %dma_wait3A_659 = tpu.memref_slice %arg3[%dma_wait3A_657, %dma_wait3A_658] : memref<400000x128xf32, #tpu.memory_space<hbm>> -> memref<40x128xf32, #tpu.memory_space<hbm>>
      tpu.wait_dma2 semaphore(%arg10 : memref<!tpu.dma_semaphore, #tpu.memory_space<semaphore_mem>>) src(%dma_wait3A_659 : memref<40x128xf32, #tpu.memory_space<hbm>>) dst(%dma_wait3A_656 : memref<40x128xf32, #tpu.memory_space<vmem>>)
      %dma_wait3A_660 = arith.constant 0 : i32
      %dma_wait3A_661 = arith.constant 0 : i32
      %dma_wait3A_662 = tpu.memref_slice %arg4[%dma_wait3A_660, %dma_wait3A_661] : memref<204800x128xf32, #tpu.memory_space<hbm>> -> memref<40x128xf32, #tpu.memory_space<hbm>>
      %dma_wait3A_663 = arith.constant 0 : i32
      %dma_wait3A_664 = arith.constant 0 : i32
      %dma_wait3A_665 = tpu.memref_slice %arg4[%dma_wait3A_663, %dma_wait3A_664] : memref<204800x128xf32, #tpu.memory_space<hbm>> -> memref<40x128xf32, #tpu.memory_space<hbm>>
      tpu.wait_dma2 semaphore(%arg12 : memref<!tpu.dma_semaphore, #tpu.memory_space<semaphore_mem>>) src(%arg8 : memref<40x128xf32, #tpu.memory_space<vmem>>) dst(%dma_wait3A_665 : memref<40x128xf32, #tpu.memory_space<hbm>>)
      %scan3A_666 = arith.constant 0 : i32
      %scan3A_667 = arith.constant 40 : i32
      %scan3A_668 = arith.addi %scan3A_666, %scan3A_667 : i32
      %scan3A_669 = arith.constant 1 : i32
      scf.for %scan3A_894 = %scan3A_666 to %scan3A_668 step %scan3A_669  : i32 {
        %mul3A_895 = arith.constant 1 : i32
        %mul3A_896 = arith.muli %scan3A_894, %mul3A_895 : i32
        %add3A_897 = arith.constant 0 : i32
        %add3A_898 = arith.addi %add3A_897, %mul3A_896 : i32
        %get3A = arith.constant 0 : i32
        %get3A_899 = arith.index_cast %get3A : i32 to index
        %get3A_900 = arith.index_cast %add3A_898 : i32 to index
        %get3A_901 = arith.constant 0 : index
        %get3A_902 = tpu.vector_load %arg6[%get3A_899, %get3A_900, %get3A_901] {strides = array<i32>} : memref<4x40x128xf32, #tpu.memory_space<vmem>>, vector<1x1x16xf32>,
        %get3A_903 = vector.shape_cast %get3A_902 : vector<1x1x16xf32> to vector<16xf32>
        %get3A_904 = arith.constant 1 : i32
        %get3A_905 = arith.index_cast %get3A_904 : i32 to index
        %get3A_906 = arith.index_cast %add3A_898 : i32 to index
        %get3A_907 = arith.constant 0 : index
        %get3A_908 = tpu.vector_load %arg6[%get3A_905, %get3A_906, %get3A_907] {strides = array<i32>} : memref<4x40x128xf32, #tpu.memory_space<vmem>>, vector<1x1x16xf32>,
        %get3A_909 = vector.shape_cast %get3A_908 : vector<1x1x16xf32> to vector<16xf32>
        %add3A_910 = arith.addf %get3A_903, %get3A_909 : vector<16xf32>
        %get3A_911 = arith.constant 2 : i32
        %get3A_912 = arith.index_cast %get3A_911 : i32 to index
        %get3A_913 = arith.index_cast %add3A_898 : i32 to index
        %get3A_914 = arith.constant 0 : index
        %get3A_915 = tpu.vector_load %arg6[%get3A_912, %get3A_913, %get3A_914] {strides = array<i32>} : memref<4x40x128xf32, #tpu.memory_space<vmem>>, vector<1x1x16xf32>,
        %get3A_916 = vector.shape_cast %get3A_915 : vector<1x1x16xf32> to vector<16xf32>
        %get3A_917 = arith.constant 3 : i32
        %get3A_918 = arith.index_cast %get3A_917 : i32 to index
        %get3A_919 = arith.index_cast %add3A_898 : i32 to index
        %get3A_920 = arith.constant 0 : index
        %get3A_921 = tpu.vector_load %arg6[%get3A_918, %get3A_919, %get3A_920] {strides = array<i32>} : memref<4x40x128xf32, #tpu.memory_space<vmem>>, vector<1x1x16xf32>,
        %get3A_922 = vector.shape_cast %get3A_921 : vector<1x1x16xf32> to vector<16xf32>
        %add3A_923 = arith.addf %get3A_916, %get3A_922 : vector<16xf32>
        %add3A_924 = arith.addf %add3A_910, %add3A_923 : vector<16xf32>
        %mul3A_925 = arith.constant 11.3137083 : f32
        %mul3A_926 = vector.broadcast %mul3A_925 : f32 to vector<16xf32>
        %mul3A_927 = arith.mulf %add3A_924, %mul3A_926 : vector<16xf32>
        %swap3A = arith.index_cast %add3A_898 : i32 to index
        %swap3A_928 = arith.constant 0 : index
        %swap3A_929 = tpu.vector_load %arg8[%swap3A, %swap3A_928] {strides = array<i32>} : memref<40x128xf32, #tpu.memory_space<vmem>>, vector<1x16xf32>,
        %swap3A_930 = vector.shape_cast %swap3A_929 : vector<1x16xf32> to vector<16xf32>
        %swap3A_931 = vector.shape_cast %mul3A_927 : vector<16xf32> to vector<1x16xf32>
        tpu.vector_store %arg8[%swap3A, %swap3A_928], %swap3A_931 {strides = array<i32>} : memref<40x128xf32, #tpu.memory_space<vmem>>, vector<1x16xf32>,
        %get3A_932 = arith.constant 0 : i32
        %get3A_933 = arith.index_cast %get3A_932 : i32 to index
        %get3A_934 = arith.index_cast %add3A_898 : i32 to index
        %get3A_935 = arith.constant 16 : index
        %get3A_936 = tpu.vector_load %arg6[%get3A_933, %get3A_934, %get3A_935] {strides = array<i32>} : memref<4x40x128xf32, #tpu.memory_space<vmem>>, vector<1x1x16xf32>,
        %get3A_937 = vector.shape_cast %get3A_936 : vector<1x1x16xf32> to vector<16xf32>
        %get3A_938 = arith.constant 1 : i32
        %get3A_939 = arith.index_cast %get3A_938 : i32 to index
        %get3A_940 = arith.index_cast %add3A_898 : i32 to index
        %get3A_941 = arith.constant 16 : index
        %get3A_942 = tpu.vector_load %arg6[%get3A_939, %get3A_940, %get3A_941] {strides = array<i32>} : memref<4x40x128xf32, #tpu.memory_space<vmem>>, vector<1x1x16xf32>,
        %get3A_943 = vector.shape_cast %get3A_942 : vector<1x1x16xf32> to vector<16xf32>
        %add3A_944 = arith.addf %get3A_937, %get3A_943 : vector<16xf32>
        %get3A_945 = arith.constant 2 : i32
        %get3A_946 = arith.index_cast %get3A_945 : i32 to index
        %get3A_947 = arith.index_cast %add3A_898 : i32 to index
        %get3A_948 = arith.constant 16 : index
        %get3A_949 = tpu.vector_load %arg6[%get3A_946, %get3A_947, %get3A_948] {strides = array<i32>} : memref<4x40x128xf32, #tpu.memory_space<vmem>>, vector<1x1x16xf32>,
        %get3A_950 = vector.shape_cast %get3A_949 : vector<1x1x16xf32> to vector<16xf32>
        %get3A_951 = arith.constant 3 : i32
        %get3A_952 = arith.index_cast %get3A_951 : i32 to index
        %get3A_953 = arith.index_cast %add3A_898 : i32 to index
        %get3A_954 = arith.constant 16 : index
        %get3A_955 = tpu.vector_load %arg6[%get3A_952, %get3A_953, %get3A_954] {strides = array<i32>} : memref<4x40x128xf32, #tpu.memory_space<vmem>>, vector<1x1x16xf32>,
        %get3A_956 = vector.shape_cast %get3A_955 : vector<1x1x16xf32> to vector<16xf32>
        %add3A_957 = arith.addf %get3A_950, %get3A_956 : vector<16xf32>
        %add3A_958 = arith.addf %add3A_944, %add3A_957 : vector<16xf32>
        %mul3A_959 = arith.constant 11.3137083 : f32
        %mul3A_960 = vector.broadcast %mul3A_959 : f32 to vector<16xf32>
        %mul3A_961 = arith.mulf %add3A_958, %mul3A_960 : vector<16xf32>
        %swap3A_962 = arith.index_cast %add3A_898 : i32 to index
        %swap3A_963 = arith.constant 16 : index
        %swap3A_964 = tpu.vector_load %arg8[%swap3A_962, %swap3A_963] {strides = array<i32>} : memref<40x128xf32, #tpu.memory_space<vmem>>, vector<1x16xf32>,
        %swap3A_965 = vector.shape_cast %swap3A_964 : vector<1x16xf32> to vector<16xf32>
        %swap3A_966 = vector.shape_cast %mul3A_961 : vector<16xf32> to vector<1x16xf32>
        tpu.vector_store %arg8[%swap3A_962, %swap3A_963], %swap3A_966 {strides = array<i32>} : memref<40x128xf32, #tpu.memory_space<vmem>>, vector<1x16xf32>,
        %get3A_967 = arith.constant 0 : i32
        %get3A_968 = arith.index_cast %get3A_967 : i32 to index
        %get3A_969 = arith.index_cast %add3A_898 : i32 to index
        %get3A_970 = arith.constant 32 : index
        %get3A_971 = tpu.vector_load %arg6[%get3A_968, %get3A_969, %get3A_970] {strides = array<i32>} : memref<4x40x128xf32, #tpu.memory_space<vmem>>, vector<1x1x16xf32>,
        %get3A_972 = vector.shape_cast %get3A_971 : vector<1x1x16xf32> to vector<16xf32>
        %get3A_973 = arith.constant 1 : i32
        %get3A_974 = arith.index_cast %get3A_973 : i32 to index
        %get3A_975 = arith.index_cast %add3A_898 : i32 to index
        %get3A_976 = arith.constant 32 : index
        %get3A_977 = tpu.vector_load %arg6[%get3A_974, %get3A_975, %get3A_976] {strides = array<i32>} : memref<4x40x128xf32, #tpu.memory_space<vmem>>, vector<1x1x16xf32>,
        %get3A_978 = vector.shape_cast %get3A_977 : vector<1x1x16xf32> to vector<16xf32>
        %add3A_979 = arith.addf %get3A_972, %get3A_978 : vector<16xf32>
        %get3A_980 = arith.constant 2 : i32
        %get3A_981 = arith.index_cast %get3A_980 : i32 to index
        %get3A_982 = arith.index_cast %add3A_898 : i32 to index
        %get3A_983 = arith.constant 32 : index
        %get3A_984 = tpu.vector_load %arg6[%get3A_981, %get3A_982, %get3A_983] {strides = array<i32>} : memref<4x40x128xf32, #tpu.memory_space<vmem>>, vector<1x1x16xf32>,
        %get3A_985 = vector.shape_cast %get3A_984 : vector<1x1x16xf32> to vector<16xf32>
        %get3A_986 = arith.constant 3 : i32
        %get3A_987 = arith.index_cast %get3A_986 : i32 to index
        %get3A_988 = arith.index_cast %add3A_898 : i32 to index
        %get3A_989 = arith.constant 32 : index
        %get3A_990 = tpu.vector_load %arg6[%get3A_987, %get3A_988, %get3A_989] {strides = array<i32>} : memref<4x40x128xf32, #tpu.memory_space<vmem>>, vector<1x1x16xf32>,
        %get3A_991 = vector.shape_cast %get3A_990 : vector<1x1x16xf32> to vector<16xf32>
        %add3A_992 = arith.addf %get3A_985, %get3A_991 : vector<16xf32>
        %add3A_993 = arith.addf %add3A_979, %add3A_992 : vector<16xf32>
        %mul3A_994 = arith.constant 11.3137083 : f32
        %mul3A_995 = vector.broadcast %mul3A_994 : f32 to vector<16xf32>
        %mul3A_996 = arith.mulf %add3A_993, %mul3A_995 : vector<16xf32>
        %swap3A_997 = arith.index_cast %add3A_898 : i32 to index
        %swap3A_998 = arith.constant 32 : index
        %swap3A_999 = tpu.vector_load %arg8[%swap3A_997, %swap3A_998] {strides = array<i32>} : memref<40x128xf32, #tpu.memory_space<vmem>>, vector<1x16xf32>,
        %swap3A_1000 = vector.shape_cast %swap3A_999 : vector<1x16xf32> to vector<16xf32>
        %swap3A_1001 = vector.shape_cast %mul3A_996 : vector<16xf32> to vector<1x16xf32>
        tpu.vector_store %arg8[%swap3A_997, %swap3A_998], %swap3A_1001 {strides = array<i32>} : memref<40x128xf32, #tpu.memory_space<vmem>>, vector<1x16xf32>,
        %get3A_1002 = arith.constant 0 : i32
        %get3A_1003 = arith.index_cast %get3A_1002 : i32 to index
        %get3A_1004 = arith.index_cast %add3A_898 : i32 to index
        %get3A_1005 = arith.constant 48 : index
        %get3A_1006 = tpu.vector_load %arg6[%get3A_1003, %get3A_1004, %get3A_1005] {strides = array<i32>} : memref<4x40x128xf32, #tpu.memory_space<vmem>>, vector<1x1x16xf32>,
        %get3A_1007 = vector.shape_cast %get3A_1006 : vector<1x1x16xf32> to vector<16xf32>
        %get3A_1008 = arith.constant 1 : i32
        %get3A_1009 = arith.index_cast %get3A_1008 : i32 to index
        %get3A_1010 = arith.index_cast %add3A_898 : i32 to index
        %get3A_1011 = arith.constant 48 : index
        %get3A_1012 = tpu.vector_load %arg6[%get3A_1009, %get3A_1010, %get3A_1011] {strides = array<i32>} : memref<4x40x128xf32, #tpu.memory_space<vmem>>, vector<1x1x16xf32>,
        %get3A_1013 = vector.shape_cast %get3A_1012 : vector<1x1x16xf32> to vector<16xf32>
        %add3A_1014 = arith.addf %get3A_1007, %get3A_1013 : vector<16xf32>
        %get3A_1015 = arith.constant 2 : i32
        %get3A_1016 = arith.index_cast %get3A_1015 : i32 to index
        %get3A_1017 = arith.index_cast %add3A_898 : i32 to index
        %get3A_1018 = arith.constant 48 : index
        %get3A_1019 = tpu.vector_load %arg6[%get3A_1016, %get3A_1017, %get3A_1018] {strides = array<i32>} : memref<4x40x128xf32, #tpu.memory_space<vmem>>, vector<1x1x16xf32>,
        %get3A_1020 = vector.shape_cast %get3A_1019 : vector<1x1x16xf32> to vector<16xf32>
        %get3A_1021 = arith.constant 3 : i32
        %get3A_1022 = arith.index_cast %get3A_1021 : i32 to index
        %get3A_1023 = arith.index_cast %add3A_898 : i32 to index
        %get3A_1024 = arith.constant 48 : index
        %get3A_1025 = tpu.vector_load %arg6[%get3A_1022, %get3A_1023, %get3A_1024] {strides = array<i32>} : memref<4x40x128xf32, #tpu.memory_space<vmem>>, vector<1x1x16xf32>,
        %get3A_1026 = vector.shape_cast %get3A_1025 : vector<1x1x16xf32> to vector<16xf32>
        %add3A_1027 = arith.addf %get3A_1020, %get3A_1026 : vector<16xf32>
        %add3A_1028 = arith.addf %add3A_1014, %add3A_1027 : vector<16xf32>
        %mul3A_1029 = arith.constant 11.3137083 : f32
        %mul3A_1030 = vector.broadcast %mul3A_1029 : f32 to vector<16xf32>
        %mul3A_1031 = arith.mulf %add3A_1028, %mul3A_1030 : vector<16xf32>
        %swap3A_1032 = arith.index_cast %add3A_898 : i32 to index
        %swap3A_1033 = arith.constant 48 : index
        %swap3A_1034 = tpu.vector_load %arg8[%swap3A_1032, %swap3A_1033] {strides = array<i32>} : memref<40x128xf32, #tpu.memory_space<vmem>>, vector<1x16xf32>,
        %swap3A_1035 = vector.shape_cast %swap3A_1034 : vector<1x16xf32> to vector<16xf32>
        %swap3A_1036 = vector.shape_cast %mul3A_1031 : vector<16xf32> to vector<1x16xf32>
        tpu.vector_store %arg8[%swap3A_1032, %swap3A_1033], %swap3A_1036 {strides = array<i32>} : memref<40x128xf32, #tpu.memory_space<vmem>>, vector<1x16xf32>,
        %get3A_1037 = arith.constant 0 : i32
        %get3A_1038 = arith.index_cast %get3A_1037 : i32 to index
        %get3A_1039 = arith.index_cast %add3A_898 : i32 to index
        %get3A_1040 = arith.constant 64 : index
        %get3A_1041 = tpu.vector_load %arg6[%get3A_1038, %get3A_1039, %get3A_1040] {strides = array<i32>} : memref<4x40x128xf32, #tpu.memory_space<vmem>>, vector<1x1x16xf32>,
        %get3A_1042 = vector.shape_cast %get3A_1041 : vector<1x1x16xf32> to vector<16xf32>
        %get3A_1043 = arith.constant 1 : i32
        %get3A_1044 = arith.index_cast %get3A_1043 : i32 to index
        %get3A_1045 = arith.index_cast %add3A_898 : i32 to index
        %get3A_1046 = arith.constant 64 : index
        %get3A_1047 = tpu.vector_load %arg6[%get3A_1044, %get3A_1045, %get3A_1046] {strides = array<i32>} : memref<4x40x128xf32, #tpu.memory_space<vmem>>, vector<1x1x16xf32>,
        %get3A_1048 = vector.shape_cast %get3A_1047 : vector<1x1x16xf32> to vector<16xf32>
        %add3A_1049 = arith.addf %get3A_1042, %get3A_1048 : vector<16xf32>
        %get3A_1050 = arith.constant 2 : i32
        %get3A_1051 = arith.index_cast %get3A_1050 : i32 to index
        %get3A_1052 = arith.index_cast %add3A_898 : i32 to index
        %get3A_1053 = arith.constant 64 : index
        %get3A_1054 = tpu.vector_load %arg6[%get3A_1051, %get3A_1052, %get3A_1053] {strides = array<i32>} : memref<4x40x128xf32, #tpu.memory_space<vmem>>, vector<1x1x16xf32>,
        %get3A_1055 = vector.shape_cast %get3A_1054 : vector<1x1x16xf32> to vector<16xf32>
        %get3A_1056 = arith.constant 3 : i32
        %get3A_1057 = arith.index_cast %get3A_1056 : i32 to index
        %get3A_1058 = arith.index_cast %add3A_898 : i32 to index
        %get3A_1059 = arith.constant 64 : index
        %get3A_1060 = tpu.vector_load %arg6[%get3A_1057, %get3A_1058, %get3A_1059] {strides = array<i32>} : memref<4x40x128xf32, #tpu.memory_space<vmem>>, vector<1x1x16xf32>,
        %get3A_1061 = vector.shape_cast %get3A_1060 : vector<1x1x16xf32> to vector<16xf32>
        %add3A_1062 = arith.addf %get3A_1055, %get3A_1061 : vector<16xf32>
        %add3A_1063 = arith.addf %add3A_1049, %add3A_1062 : vector<16xf32>
        %mul3A_1064 = arith.constant 11.3137083 : f32
        %mul3A_1065 = vector.broadcast %mul3A_1064 : f32 to vector<16xf32>
        %mul3A_1066 = arith.mulf %add3A_1063, %mul3A_1065 : vector<16xf32>
        %swap3A_1067 = arith.index_cast %add3A_898 : i32 to index
        %swap3A_1068 = arith.constant 64 : index
        %swap3A_1069 = tpu.vector_load %arg8[%swap3A_1067, %swap3A_1068] {strides = array<i32>} : memref<40x128xf32, #tpu.memory_space<vmem>>, vector<1x16xf32>,
        %swap3A_1070 = vector.shape_cast %swap3A_1069 : vector<1x16xf32> to vector<16xf32>
        %swap3A_1071 = vector.shape_cast %mul3A_1066 : vector<16xf32> to vector<1x16xf32>
        tpu.vector_store %arg8[%swap3A_1067, %swap3A_1068], %swap3A_1071 {strides = array<i32>} : memref<40x128xf32, #tpu.memory_space<vmem>>, vector<1x16xf32>,
        %get3A_1072 = arith.constant 0 : i32
        %get3A_1073 = arith.index_cast %get3A_1072 : i32 to index
        %get3A_1074 = arith.index_cast %add3A_898 : i32 to index
        %get3A_1075 = arith.constant 80 : index
        %get3A_1076 = tpu.vector_load %arg6[%get3A_1073, %get3A_1074, %get3A_1075] {strides = array<i32>} : memref<4x40x128xf32, #tpu.memory_space<vmem>>, vector<1x1x16xf32>,
        %get3A_1077 = vector.shape_cast %get3A_1076 : vector<1x1x16xf32> to vector<16xf32>
        %get3A_1078 = arith.constant 1 : i32
        %get3A_1079 = arith.index_cast %get3A_1078 : i32 to index
        %get3A_1080 = arith.index_cast %add3A_898 : i32 to index
        %get3A_1081 = arith.constant 80 : index
        %get3A_1082 = tpu.vector_load %arg6[%get3A_1079, %get3A_1080, %get3A_1081] {strides = array<i32>} : memref<4x40x128xf32, #tpu.memory_space<vmem>>, vector<1x1x16xf32>,
        %get3A_1083 = vector.shape_cast %get3A_1082 : vector<1x1x16xf32> to vector<16xf32>
        %add3A_1084 = arith.addf %get3A_1077, %get3A_1083 : vector<16xf32>
        %get3A_1085 = arith.constant 2 : i32
        %get3A_1086 = arith.index_cast %get3A_1085 : i32 to index
        %get3A_1087 = arith.index_cast %add3A_898 : i32 to index
        %get3A_1088 = arith.constant 80 : index
        %get3A_1089 = tpu.vector_load %arg6[%get3A_1086, %get3A_1087, %get3A_1088] {strides = array<i32>} : memref<4x40x128xf32, #tpu.memory_space<vmem>>, vector<1x1x16xf32>,
        %get3A_1090 = vector.shape_cast %get3A_1089 : vector<1x1x16xf32> to vector<16xf32>
        %get3A_1091 = arith.constant 3 : i32
        %get3A_1092 = arith.index_cast %get3A_1091 : i32 to index
        %get3A_1093 = arith.index_cast %add3A_898 : i32 to index
        %get3A_1094 = arith.constant 80 : index
        %get3A_1095 = tpu.vector_load %arg6[%get3A_1092, %get3A_1093, %get3A_1094] {strides = array<i32>} : memref<4x40x128xf32, #tpu.memory_space<vmem>>, vector<1x1x16xf32>,
        %get3A_1096 = vector.shape_cast %get3A_1095 : vector<1x1x16xf32> to vector<16xf32>
        %add3A_1097 = arith.addf %get3A_1090, %get3A_1096 : vector<16xf32>
        %add3A_1098 = arith.addf %add3A_1084, %add3A_1097 : vector<16xf32>
        %mul3A_1099 = arith.constant 11.3137083 : f32
        %mul3A_1100 = vector.broadcast %mul3A_1099 : f32 to vector<16xf32>
        %mul3A_1101 = arith.mulf %add3A_1098, %mul3A_1100 : vector<16xf32>
        %swap3A_1102 = arith.index_cast %add3A_898 : i32 to index
        %swap3A_1103 = arith.constant 80 : index
        %swap3A_1104 = tpu.vector_load %arg8[%swap3A_1102, %swap3A_1103] {strides = array<i32>} : memref<40x128xf32, #tpu.memory_space<vmem>>, vector<1x16xf32>,
        %swap3A_1105 = vector.shape_cast %swap3A_1104 : vector<1x16xf32> to vector<16xf32>
        %swap3A_1106 = vector.shape_cast %mul3A_1101 : vector<16xf32> to vector<1x16xf32>
        tpu.vector_store %arg8[%swap3A_1102, %swap3A_1103], %swap3A_1106 {strides = array<i32>} : memref<40x128xf32, #tpu.memory_space<vmem>>, vector<1x16xf32>,
        %get3A_1107 = arith.constant 0 : i32
        %get3A_1108 = arith.index_cast %get3A_1107 : i32 to index
        %get3A_1109 = arith.index_cast %add3A_898 : i32 to index
        %get3A_1110 = arith.constant 96 : index
        %get3A_1111 = tpu.vector_load %arg6[%get3A_1108, %get3A_1109, %get3A_1110] {strides = array<i32>} : memref<4x40x128xf32, #tpu.memory_space<vmem>>, vector<1x1x16xf32>,
        %get3A_1112 = vector.shape_cast %get3A_1111 : vector<1x1x16xf32> to vector<16xf32>
        %get3A_1113 = arith.constant 1 : i32
        %get3A_1114 = arith.index_cast %get3A_1113 : i32 to index
        %get3A_1115 = arith.index_cast %add3A_898 : i32 to index
        %get3A_1116 = arith.constant 96 : index
        %get3A_1117 = tpu.vector_load %arg6[%get3A_1114, %get3A_1115, %get3A_1116] {strides = array<i32>} : memref<4x40x128xf32, #tpu.memory_space<vmem>>, vector<1x1x16xf32>,
        %get3A_1118 = vector.shape_cast %get3A_1117 : vector<1x1x16xf32> to vector<16xf32>
        %add3A_1119 = arith.addf %get3A_1112, %get3A_1118 : vector<16xf32>
        %get3A_1120 = arith.constant 2 : i32
        %get3A_1121 = arith.index_cast %get3A_1120 : i32 to index
        %get3A_1122 = arith.index_cast %add3A_898 : i32 to index
        %get3A_1123 = arith.constant 96 : index
        %get3A_1124 = tpu.vector_load %arg6[%get3A_1121, %get3A_1122, %get3A_1123] {strides = array<i32>} : memref<4x40x128xf32, #tpu.memory_space<vmem>>, vector<1x1x16xf32>,
        %get3A_1125 = vector.shape_cast %get3A_1124 : vector<1x1x16xf32> to vector<16xf32>
        %get3A_1126 = arith.constant 3 : i32
        %get3A_1127 = arith.index_cast %get3A_1126 : i32 to index
        %get3A_1128 = arith.index_cast %add3A_898 : i32 to index
        %get3A_1129 = arith.constant 96 : index
        %get3A_1130 = tpu.vector_load %arg6[%get3A_1127, %get3A_1128, %get3A_1129] {strides = array<i32>} : memref<4x40x128xf32, #tpu.memory_space<vmem>>, vector<1x1x16xf32>,
        %get3A_1131 = vector.shape_cast %get3A_1130 : vector<1x1x16xf32> to vector<16xf32>
        %add3A_1132 = arith.addf %get3A_1125, %get3A_1131 : vector<16xf32>
        %add3A_1133 = arith.addf %add3A_1119, %add3A_1132 : vector<16xf32>
        %mul3A_1134 = arith.constant 11.3137083 : f32
        %mul3A_1135 = vector.broadcast %mul3A_1134 : f32 to vector<16xf32>
        %mul3A_1136 = arith.mulf %add3A_1133, %mul3A_1135 : vector<16xf32>
        %swap3A_1137 = arith.index_cast %add3A_898 : i32 to index
        %swap3A_1138 = arith.constant 96 : index
        %swap3A_1139 = tpu.vector_load %arg8[%swap3A_1137, %swap3A_1138] {strides = array<i32>} : memref<40x128xf32, #tpu.memory_space<vmem>>, vector<1x16xf32>,
        %swap3A_1140 = vector.shape_cast %swap3A_1139 : vector<1x16xf32> to vector<16xf32>
        %swap3A_1141 = vector.shape_cast %mul3A_1136 : vector<16xf32> to vector<1x16xf32>
        tpu.vector_store %arg8[%swap3A_1137, %swap3A_1138], %swap3A_1141 {strides = array<i32>} : memref<40x128xf32, #tpu.memory_space<vmem>>, vector<1x16xf32>,
        %get3A_1142 = arith.constant 0 : i32
        %get3A_1143 = arith.index_cast %get3A_1142 : i32 to index
        %get3A_1144 = arith.index_cast %add3A_898 : i32 to index
        %get3A_1145 = arith.constant 112 : index
        %get3A_1146 = tpu.vector_load %arg6[%get3A_1143, %get3A_1144, %get3A_1145] {strides = array<i32>} : memref<4x40x128xf32, #tpu.memory_space<vmem>>, vector<1x1x16xf32>,
        %get3A_1147 = vector.shape_cast %get3A_1146 : vector<1x1x16xf32> to vector<16xf32>
        %get3A_1148 = arith.constant 1 : i32
        %get3A_1149 = arith.index_cast %get3A_1148 : i32 to index
        %get3A_1150 = arith.index_cast %add3A_898 : i32 to index
        %get3A_1151 = arith.constant 112 : index
        %get3A_1152 = tpu.vector_load %arg6[%get3A_1149, %get3A_1150, %get3A_1151] {strides = array<i32>} : memref<4x40x128xf32, #tpu.memory_space<vmem>>, vector<1x1x16xf32>,
        %get3A_1153 = vector.shape_cast %get3A_1152 : vector<1x1x16xf32> to vector<16xf32>
        %add3A_1154 = arith.addf %get3A_1147, %get3A_1153 : vector<16xf32>
        %get3A_1155 = arith.constant 2 : i32
        %get3A_1156 = arith.index_cast %get3A_1155 : i32 to index
        %get3A_1157 = arith.index_cast %add3A_898 : i32 to index
        %get3A_1158 = arith.constant 112 : index
        %get3A_1159 = tpu.vector_load %arg6[%get3A_1156, %get3A_1157, %get3A_1158] {strides = array<i32>} : memref<4x40x128xf32, #tpu.memory_space<vmem>>, vector<1x1x16xf32>,
        %get3A_1160 = vector.shape_cast %get3A_1159 : vector<1x1x16xf32> to vector<16xf32>
        %get3A_1161 = arith.constant 3 : i32
        %get3A_1162 = arith.index_cast %get3A_1161 : i32 to index
        %get3A_1163 = arith.index_cast %add3A_898 : i32 to index
        %get3A_1164 = arith.constant 112 : index
        %get3A_1165 = tpu.vector_load %arg6[%get3A_1162, %get3A_1163, %get3A_1164] {strides = array<i32>} : memref<4x40x128xf32, #tpu.memory_space<vmem>>, vector<1x1x16xf32>,
        %get3A_1166 = vector.shape_cast %get3A_1165 : vector<1x1x16xf32> to vector<16xf32>
        %add3A_1167 = arith.addf %get3A_1160, %get3A_1166 : vector<16xf32>
        %add3A_1168 = arith.addf %add3A_1154, %add3A_1167 : vector<16xf32>
        %mul3A_1169 = arith.constant 11.3137083 : f32
        %mul3A_1170 = vector.broadcast %mul3A_1169 : f32 to vector<16xf32>
        %mul3A_1171 = arith.mulf %add3A_1168, %mul3A_1170 : vector<16xf32>
        %swap3A_1172 = arith.index_cast %add3A_898 : i32 to index
        %swap3A_1173 = arith.constant 112 : index
        %swap3A_1174 = tpu.vector_load %arg8[%swap3A_1172, %swap3A_1173] {strides = array<i32>} : memref<40x128xf32, #tpu.memory_space<vmem>>, vector<1x16xf32>,
        %swap3A_1175 = vector.shape_cast %swap3A_1174 : vector<1x16xf32> to vector<16xf32>
        %swap3A_1176 = vector.shape_cast %mul3A_1171 : vector<16xf32> to vector<1x16xf32>
        tpu.vector_store %arg8[%swap3A_1172, %swap3A_1173], %swap3A_1176 {strides = array<i32>} : memref<40x128xf32, #tpu.memory_space<vmem>>, vector<1x16xf32>,
      }
      %scan3A_670 = arith.constant 40 : i32
      %mul3A_671 = arith.constant 40 : i32
      %mul3A_672 = arith.muli %add3A_599, %mul3A_671 : i32
      %add3A_673 = arith.addi %mul3A_2, %mul3A_672 : i32
      %dma_start3A_674 = arith.constant 0 : i32
      %dma_start3A_675 = tpu.memref_slice %arg4[%add3A_673, %dma_start3A_674] : memref<204800x128xf32, #tpu.memory_space<hbm>> -> memref<40x128xf32, #tpu.memory_space<hbm>>
      %dma_start3A_676 = arith.constant 0 : i32
      %dma_start3A_677 = tpu.memref_slice %arg4[%add3A_673, %dma_start3A_676] : memref<204800x128xf32, #tpu.memory_space<hbm>> -> memref<40x128xf32, #tpu.memory_space<hbm>>
      tpu.enqueue_dma source(%arg8 : memref<40x128xf32, #tpu.memory_space<vmem>>) target(%dma_start3A_677 : memref<40x128xf32, #tpu.memory_space<hbm>>) target_semaphore(%arg12 : memref<!tpu.dma_semaphore, #tpu.memory_space<semaphore_mem>>)
      %add3A_678 = arith.constant 2 : i32
      %add3A_679 = arith.addi %add3A_599, %add3A_678 : i32
      %div3A_680 = arith.constant 5 : i32
      %div3A_681 = arith.divsi %add3A_679, %div3A_680 : i32
      %rem3A_682 = arith.constant 5 : i32
      %rem3A_683 = arith.remsi %add3A_679, %rem3A_682 : i32
      %mul3A_684 = arith.constant 40 : i32
      %mul3A_685 = arith.muli %rem3A_683, %mul3A_684 : i32
      %add3A_686 = arith.constant 0 : i32
      %add3A_687 = arith.addi %add3A_686, %mul3A_685 : i32
      %dma_start3A_688 = arith.constant 0 : i32
      %dma_start3A_689 = arith.constant 0 : i32
      %dma_start3A_690 = arith.constant 0 : i32
      %dma_start3A_691 = tpu.memref_slice %arg6[%dma_start3A_688, %dma_start3A_689, %dma_start3A_690] : memref<4x40x128xf32, #tpu.memory_space<vmem>> -> memref<1x40x128xf32, #tpu.memory_space<vmem>>
      %dma_start3A_692 = tpu.memref_squeeze %dma_start3A_691 : memref<1x40x128xf32, #tpu.memory_space<vmem>> -> memref<40x128xf32, #tpu.memory_space<vmem>>
      %dma_start3A_693 = tpu.memref_slice %arg5[%div3A_681, %add3A_687] : memref<32x800xi32, #tpu.memory_space<vmem>> -> memref<1x40xi32, #tpu.memory_space<vmem>>
      %dma_start3A_694 = tpu.memref_squeeze %dma_start3A_693 : memref<1x40xi32, #tpu.memory_space<vmem>> -> memref<40xi32, #tpu.memory_space<vmem>>
      %dma_start3A_695 = arith.constant 0 : i32
      %dma_start3A_696 = arith.constant 0 : i32
      %dma_start3A_697 = tpu.memref_slice %arg3[%dma_start3A_695, %dma_start3A_696] : memref<400000x128xf32, #tpu.memory_space<hbm>> -> memref<100000x128xf32, #tpu.memory_space<hbm>>
      %dma_start3A_698 = arith.constant 0 : i32
      %dma_start3A_699 = arith.constant 0 : i32
      %dma_start3A_700 = tpu.memref_slice %dma_start3A_697[%dma_start3A_698, %dma_start3A_699] : memref<100000x128xf32, #tpu.memory_space<hbm>> -> memref<100000x128xf32, #tpu.memory_space<hbm>>
      tpu.enqueue_indirect_dma source(%dma_start3A_700 : memref<100000x128xf32, #tpu.memory_space<hbm>>) target(%dma_start3A_692 : memref<40x128xf32, #tpu.memory_space<vmem>>) offsets(%dma_start3A_694 : memref<40xi32, #tpu.memory_space<vmem>>) semaphore(%arg10 : memref<!tpu.dma_semaphore, #tpu.memory_space<semaphore_mem>>)
      %add3A_701 = arith.constant 200 : i32
      %add3A_702 = arith.addi %add3A_701, %mul3A_685 : i32
      %dma_start3A_703 = arith.constant 1 : i32
      %dma_start3A_704 = arith.constant 0 : i32
      %dma_start3A_705 = arith.constant 0 : i32
      %dma_start3A_706 = tpu.memref_slice %arg6[%dma_start3A_703, %dma_start3A_704, %dma_start3A_705] : memref<4x40x128xf32, #tpu.memory_space<vmem>> -> memref<1x40x128xf32, #tpu.memory_space<vmem>>
      %dma_start3A_707 = tpu.memref_squeeze %dma_start3A_706 : memref<1x40x128xf32, #tpu.memory_space<vmem>> -> memref<40x128xf32, #tpu.memory_space<vmem>>
      %dma_start3A_708 = tpu.memref_slice %arg5[%div3A_681, %add3A_702] : memref<32x800xi32, #tpu.memory_space<vmem>> -> memref<1x40xi32, #tpu.memory_space<vmem>>
      %dma_start3A_709 = tpu.memref_squeeze %dma_start3A_708 : memref<1x40xi32, #tpu.memory_space<vmem>> -> memref<40xi32, #tpu.memory_space<vmem>>
      %dma_start3A_710 = arith.constant 100000 : i32
      %dma_start3A_711 = arith.constant 0 : i32
      %dma_start3A_712 = tpu.memref_slice %arg3[%dma_start3A_710, %dma_start3A_711] : memref<400000x128xf32, #tpu.memory_space<hbm>> -> memref<100000x128xf32, #tpu.memory_space<hbm>>
      %dma_start3A_713 = arith.constant 0 : i32
      %dma_start3A_714 = arith.constant 0 : i32
      %dma_start3A_715 = tpu.memref_slice %dma_start3A_712[%dma_start3A_713, %dma_start3A_714] : memref<100000x128xf32, #tpu.memory_space<hbm>> -> memref<100000x128xf32, #tpu.memory_space<hbm>>
      tpu.enqueue_indirect_dma source(%dma_start3A_715 : memref<100000x128xf32, #tpu.memory_space<hbm>>) target(%dma_start3A_707 : memref<40x128xf32, #tpu.memory_space<vmem>>) offsets(%dma_start3A_709 : memref<40xi32, #tpu.memory_space<vmem>>) semaphore(%arg10 : memref<!tpu.dma_semaphore, #tpu.memory_space<semaphore_mem>>)
      %add3A_716 = arith.constant 400 : i32
      %add3A_717 = arith.addi %add3A_716, %mul3A_685 : i32
      %dma_start3A_718 = arith.constant 2 : i32
      %dma_start3A_719 = arith.constant 0 : i32
      %dma_start3A_720 = arith.constant 0 : i32
      %dma_start3A_721 = tpu.memref_slice %arg6[%dma_start3A_718, %dma_start3A_719, %dma_start3A_720] : memref<4x40x128xf32, #tpu.memory_space<vmem>> -> memref<1x40x128xf32, #tpu.memory_space<vmem>>
      %dma_start3A_722 = tpu.memref_squeeze %dma_start3A_721 : memref<1x40x128xf32, #tpu.memory_space<vmem>> -> memref<40x128xf32, #tpu.memory_space<vmem>>
      %dma_start3A_723 = tpu.memref_slice %arg5[%div3A_681, %add3A_717] : memref<32x800xi32, #tpu.memory_space<vmem>> -> memref<1x40xi32, #tpu.memory_space<vmem>>
      %dma_start3A_724 = tpu.memref_squeeze %dma_start3A_723 : memref<1x40xi32, #tpu.memory_space<vmem>> -> memref<40xi32, #tpu.memory_space<vmem>>
      %dma_start3A_725 = arith.constant 200000 : i32
      %dma_start3A_726 = arith.constant 0 : i32
      %dma_start3A_727 = tpu.memref_slice %arg3[%dma_start3A_725, %dma_start3A_726] : memref<400000x128xf32, #tpu.memory_space<hbm>> -> memref<100000x128xf32, #tpu.memory_space<hbm>>
      %dma_start3A_728 = arith.constant 0 : i32
      %dma_start3A_729 = arith.constant 0 : i32
      %dma_start3A_730 = tpu.memref_slice %dma_start3A_727[%dma_start3A_728, %dma_start3A_729] : memref<100000x128xf32, #tpu.memory_space<hbm>> -> memref<100000x128xf32, #tpu.memory_space<hbm>>
      tpu.enqueue_indirect_dma source(%dma_start3A_730 : memref<100000x128xf32, #tpu.memory_space<hbm>>) target(%dma_start3A_722 : memref<40x128xf32, #tpu.memory_space<vmem>>) offsets(%dma_start3A_724 : memref<40xi32, #tpu.memory_space<vmem>>) semaphore(%arg10 : memref<!tpu.dma_semaphore, #tpu.memory_space<semaphore_mem>>)
      %add3A_731 = arith.constant 600 : i32
      %add3A_732 = arith.addi %add3A_731, %mul3A_685 : i32
      %dma_start3A_733 = arith.constant 3 : i32
      %dma_start3A_734 = arith.constant 0 : i32
      %dma_start3A_735 = arith.constant 0 : i32
      %dma_start3A_736 = tpu.memref_slice %arg6[%dma_start3A_733, %dma_start3A_734, %dma_start3A_735] : memref<4x40x128xf32, #tpu.memory_space<vmem>> -> memref<1x40x128xf32, #tpu.memory_space<vmem>>
      %dma_start3A_737 = tpu.memref_squeeze %dma_start3A_736 : memref<1x40x128xf32, #tpu.memory_space<vmem>> -> memref<40x128xf32, #tpu.memory_space<vmem>>
      %dma_start3A_738 = tpu.memref_slice %arg5[%div3A_681, %add3A_732] : memref<32x800xi32, #tpu.memory_space<vmem>> -> memref<1x40xi32, #tpu.memory_space<vmem>>
      %dma_start3A_739 = tpu.memref_squeeze %dma_start3A_738 : memref<1x40xi32, #tpu.memory_space<vmem>> -> memref<40xi32, #tpu.memory_space<vmem>>
      %dma_start3A_740 = arith.constant 300000 : i32
      %dma_start3A_741 = arith.constant 0 : i32
      %dma_start3A_742 = tpu.memref_slice %arg3[%dma_start3A_740, %dma_start3A_741] : memref<400000x128xf32, #tpu.memory_space<hbm>> -> memref<100000x128xf32, #tpu.memory_space<hbm>>
      %dma_start3A_743 = arith.constant 0 : i32
      %dma_start3A_744 = arith.constant 0 : i32
      %dma_start3A_745 = tpu.memref_slice %dma_start3A_742[%dma_start3A_743, %dma_start3A_744] : memref<100000x128xf32, #tpu.memory_space<hbm>> -> memref<100000x128xf32, #tpu.memory_space<hbm>>
      tpu.enqueue_indirect_dma source(%dma_start3A_745 : memref<100000x128xf32, #tpu.memory_space<hbm>>) target(%dma_start3A_737 : memref<40x128xf32, #tpu.memory_space<vmem>>) offsets(%dma_start3A_739 : memref<40xi32, #tpu.memory_space<vmem>>) semaphore(%arg10 : memref<!tpu.dma_semaphore, #tpu.memory_space<semaphore_mem>>)
      %add3A_746 = arith.constant 1 : i32
      %add3A_747 = arith.addi %add3A_597, %add3A_746 : i32
      %dma_wait3A_748 = arith.constant 0 : i32
      %dma_wait3A_749 = arith.constant 0 : i32
      %dma_wait3A_750 = arith.constant 0 : i32
      %dma_wait3A_751 = tpu.memref_slice %arg7[%dma_wait3A_748, %dma_wait3A_749, %dma_wait3A_750] : memref<4x40x128xf32, #tpu.memory_space<vmem>> -> memref<1x40x128xf32, #tpu.memory_space<vmem>>
      %dma_wait3A_752 = tpu.memref_squeeze %dma_wait3A_751 : memref<1x40x128xf32, #tpu.memory_space<vmem>> -> memref<40x128xf32, #tpu.memory_space<vmem>>
      %dma_wait3A_753 = arith.constant 0 : i32
      %dma_wait3A_754 = arith.constant 0 : i32
      %dma_wait3A_755 = tpu.memref_slice %arg3[%dma_wait3A_753, %dma_wait3A_754] : memref<400000x128xf32, #tpu.memory_space<hbm>> -> memref<40x128xf32, #tpu.memory_space<hbm>>
      %dma_wait3A_756 = arith.constant 0 : i32
      %dma_wait3A_757 = arith.constant 0 : i32
      %dma_wait3A_758 = tpu.memref_slice %arg7[%dma_wait3A_748, %dma_wait3A_756, %dma_wait3A_757] : memref<4x40x128xf32, #tpu.memory_space<vmem>> -> memref<1x40x128xf32, #tpu.memory_space<vmem>>
      %dma_wait3A_759 = tpu.memref_squeeze %dma_wait3A_758 : memref<1x40x128xf32, #tpu.memory_space<vmem>> -> memref<40x128xf32, #tpu.memory_space<vmem>>
      %dma_wait3A_760 = arith.constant 0 : i32
      %dma_wait3A_761 = arith.constant 0 : i32
      %dma_wait3A_762 = tpu.memref_slice %arg3[%dma_wait3A_760, %dma_wait3A_761] : memref<400000x128xf32, #tpu.memory_space<hbm>> -> memref<40x128xf32, #tpu.memory_space<hbm>>
      tpu.wait_dma2 semaphore(%arg11 : memref<!tpu.dma_semaphore, #tpu.memory_space<semaphore_mem>>) src(%dma_wait3A_762 : memref<40x128xf32, #tpu.memory_space<hbm>>) dst(%dma_wait3A_759 : memref<40x128xf32, #tpu.memory_space<vmem>>)
      %dma_wait3A_763 = arith.constant 1 : i32
      %dma_wait3A_764 = arith.constant 0 : i32
      %dma_wait3A_765 = arith.constant 0 : i32
      %dma_wait3A_766 = tpu.memref_slice %arg7[%dma_wait3A_763, %dma_wait3A_764, %dma_wait3A_765] : memref<4x40x128xf32, #tpu.memory_space<vmem>> -> memref<1x40x128xf32, #tpu.memory_space<vmem>>
      %dma_wait3A_767 = tpu.memref_squeeze %dma_wait3A_766 : memref<1x40x128xf32, #tpu.memory_space<vmem>> -> memref<40x128xf32, #tpu.memory_space<vmem>>
      %dma_wait3A_768 = arith.constant 0 : i32
      %dma_wait3A_769 = arith.constant 0 : i32
      %dma_wait3A_770 = tpu.memref_slice %arg3[%dma_wait3A_768, %dma_wait3A_769] : memref<400000x128xf32, #tpu.memory_space<hbm>> -> memref<40x128xf32, #tpu.memory_space<hbm>>
      %dma_wait3A_771 = arith.constant 0 : i32
      %dma_wait3A_772 = arith.constant 0 : i32
      %dma_wait3A_773 = tpu.memref_slice %arg7[%dma_wait3A_763, %dma_wait3A_771, %dma_wait3A_772] : memref<4x40x128xf32, #tpu.memory_space<vmem>> -> memref<1x40x128xf32, #tpu.memory_space<vmem>>
      %dma_wait3A_774 = tpu.memref_squeeze %dma_wait3A_773 : memref<1x40x128xf32, #tpu.memory_space<vmem>> -> memref<40x128xf32, #tpu.memory_space<vmem>>
      %dma_wait3A_775 = arith.constant 0 : i32
      %dma_wait3A_776 = arith.constant 0 : i32
      %dma_wait3A_777 = tpu.memref_slice %arg3[%dma_wait3A_775, %dma_wait3A_776] : memref<400000x128xf32, #tpu.memory_space<hbm>> -> memref<40x128xf32, #tpu.memory_space<hbm>>
      tpu.wait_dma2 semaphore(%arg11 : memref<!tpu.dma_semaphore, #tpu.memory_space<semaphore_mem>>) src(%dma_wait3A_777 : memref<40x128xf32, #tpu.memory_space<hbm>>) dst(%dma_wait3A_774 : memref<40x128xf32, #tpu.memory_space<vmem>>)
      %dma_wait3A_778 = arith.constant 2 : i32
      %dma_wait3A_779 = arith.constant 0 : i32
      %dma_wait3A_780 = arith.constant 0 : i32
      %dma_wait3A_781 = tpu.memref_slice %arg7[%dma_wait3A_778, %dma_wait3A_779, %dma_wait3A_780] : memref<4x40x128xf32, #tpu.memory_space<vmem>> -> memref<1x40x128xf32, #tpu.memory_space<vmem>>
      %dma_wait3A_782 = tpu.memref_squeeze %dma_wait3A_781 : memref<1x40x128xf32, #tpu.memory_space<vmem>> -> memref<40x128xf32, #tpu.memory_space<vmem>>
      %dma_wait3A_783 = arith.constant 0 : i32
      %dma_wait3A_784 = arith.constant 0 : i32
      %dma_wait3A_785 = tpu.memref_slice %arg3[%dma_wait3A_783, %dma_wait3A_784] : memref<400000x128xf32, #tpu.memory_space<hbm>> -> memref<40x128xf32, #tpu.memory_space<hbm>>
      %dma_wait3A_786 = arith.constant 0 : i32
      %dma_wait3A_787 = arith.constant 0 : i32
      %dma_wait3A_788 = tpu.memref_slice %arg7[%dma_wait3A_778, %dma_wait3A_786, %dma_wait3A_787] : memref<4x40x128xf32, #tpu.memory_space<vmem>> -> memref<1x40x128xf32, #tpu.memory_space<vmem>>
      %dma_wait3A_789 = tpu.memref_squeeze %dma_wait3A_788 : memref<1x40x128xf32, #tpu.memory_space<vmem>> -> memref<40x128xf32, #tpu.memory_space<vmem>>
      %dma_wait3A_790 = arith.constant 0 : i32
      %dma_wait3A_791 = arith.constant 0 : i32
      %dma_wait3A_792 = tpu.memref_slice %arg3[%dma_wait3A_790, %dma_wait3A_791] : memref<400000x128xf32, #tpu.memory_space<hbm>> -> memref<40x128xf32, #tpu.memory_space<hbm>>
      tpu.wait_dma2 semaphore(%arg11 : memref<!tpu.dma_semaphore, #tpu.memory_space<semaphore_mem>>) src(%dma_wait3A_792 : memref<40x128xf32, #tpu.memory_space<hbm>>) dst(%dma_wait3A_789 : memref<40x128xf32, #tpu.memory_space<vmem>>)
      %dma_wait3A_793 = arith.constant 3 : i32
      %dma_wait3A_794 = arith.constant 0 : i32
      %dma_wait3A_795 = arith.constant 0 : i32
      %dma_wait3A_796 = tpu.memref_slice %arg7[%dma_wait3A_793, %dma_wait3A_794, %dma_wait3A_795] : memref<4x40x128xf32, #tpu.memory_space<vmem>> -> memref<1x40x128xf32, #tpu.memory_space<vmem>>
      %dma_wait3A_797 = tpu.memref_squeeze %dma_wait3A_796 : memref<1x40x128xf32, #tpu.memory_space<vmem>> -> memref<40x128xf32, #tpu.memory_space<vmem>>
      %dma_wait3A_798 = arith.constant 0 : i32
      %dma_wait3A_799 = arith.constant 0 : i32
      %dma_wait3A_800 = tpu.memref_slice %arg3[%dma_wait3A_798, %dma_wait3A_799] : memref<400000x128xf32, #tpu.memory_space<hbm>> -> memref<40x128xf32, #tpu.memory_space<hbm>>
      %dma_wait3A_801 = arith.constant 0 : i32
      %dma_wait3A_802 = arith.constant 0 : i32
      %dma_wait3A_803 = tpu.memref_slice %arg7[%dma_wait3A_793, %dma_wait3A_801, %dma_wait3A_802] : memref<4x40x128xf32, #tpu.memory_space<vmem>> -> memref<1x40x128xf32, #tpu.memory_space<vmem>>
      %dma_wait3A_804 = tpu.memref_squeeze %dma_wait3A_803 : memref<1x40x128xf32, #tpu.memory_space<vmem>> -> memref<40x128xf32, #tpu.memory_space<vmem>>
      %dma_wait3A_805 = arith.constant 0 : i32
      %dma_wait3A_806 = arith.constant 0 : i32
      %dma_wait3A_807 = tpu.memref_slice %arg3[%dma_wait3A_805, %dma_wait3A_806] : memref<400000x128xf32, #tpu.memory_space<hbm>> -> memref<40x128xf32, #tpu.memory_space<hbm>>
      tpu.wait_dma2 semaphore(%arg11 : memref<!tpu.dma_semaphore, #tpu.memory_space<semaphore_mem>>) src(%dma_wait3A_807 : memref<40x128xf32, #tpu.memory_space<hbm>>) dst(%dma_wait3A_804 : memref<40x128xf32, #tpu.memory_space<vmem>>)
      %dma_wait3A_808 = arith.constant 0 : i32
      %dma_wait3A_809 = arith.constant 0 : i32
      %dma_wait3A_810 = tpu.memref_slice %arg4[%dma_wait3A_808, %dma_wait3A_809] : memref<204800x128xf32, #tpu.memory_space<hbm>> -> memref<40x128xf32, #tpu.memory_space<hbm>>
      %dma_wait3A_811 = arith.constant 0 : i32
      %dma_wait3A_812 = arith.constant 0 : i32
      %dma_wait3A_813 = tpu.memref_slice %arg4[%dma_wait3A_811, %dma_wait3A_812] : memref<204800x128xf32, #tpu.memory_space<hbm>> -> memref<40x128xf32, #tpu.memory_space<hbm>>
      tpu.wait_dma2 semaphore(%arg13 : memref<!tpu.dma_semaphore, #tpu.memory_space<semaphore_mem>>) src(%arg9 : memref<40x128xf32, #tpu.memory_space<vmem>>) dst(%dma_wait3A_813 : memref<40x128xf32, #tpu.memory_space<hbm>>)
      %scan3A_814 = arith.constant 0 : i32
      %scan3A_815 = arith.constant 40 : i32
      %scan3A_816 = arith.addi %scan3A_814, %scan3A_815 : i32
      %scan3A_817 = arith.constant 1 : i32
      scf.for %scan3A_894 = %scan3A_814 to %scan3A_816 step %scan3A_817  : i32 {
        %mul3A_895 = arith.constant 1 : i32
        %mul3A_896 = arith.muli %scan3A_894, %mul3A_895 : i32
        %add3A_897 = arith.constant 0 : i32
        %add3A_898 = arith.addi %add3A_897, %mul3A_896 : i32
        %get3A = arith.constant 0 : i32
        %get3A_899 = arith.index_cast %get3A : i32 to index
        %get3A_900 = arith.index_cast %add3A_898 : i32 to index
        %get3A_901 = arith.constant 0 : index
        %get3A_902 = tpu.vector_load %arg7[%get3A_899, %get3A_900, %get3A_901] {strides = array<i32>} : memref<4x40x128xf32, #tpu.memory_space<vmem>>, vector<1x1x16xf32>,
        %get3A_903 = vector.shape_cast %get3A_902 : vector<1x1x16xf32> to vector<16xf32>
        %get3A_904 = arith.constant 1 : i32
        %get3A_905 = arith.index_cast %get3A_904 : i32 to index
        %get3A_906 = arith.index_cast %add3A_898 : i32 to index
        %get3A_907 = arith.constant 0 : index
        %get3A_908 = tpu.vector_load %arg7[%get3A_905, %get3A_906, %get3A_907] {strides = array<i32>} : memref<4x40x128xf32, #tpu.memory_space<vmem>>, vector<1x1x16xf32>,
        %get3A_909 = vector.shape_cast %get3A_908 : vector<1x1x16xf32> to vector<16xf32>
        %add3A_910 = arith.addf %get3A_903, %get3A_909 : vector<16xf32>
        %get3A_911 = arith.constant 2 : i32
        %get3A_912 = arith.index_cast %get3A_911 : i32 to index
        %get3A_913 = arith.index_cast %add3A_898 : i32 to index
        %get3A_914 = arith.constant 0 : index
        %get3A_915 = tpu.vector_load %arg7[%get3A_912, %get3A_913, %get3A_914] {strides = array<i32>} : memref<4x40x128xf32, #tpu.memory_space<vmem>>, vector<1x1x16xf32>,
        %get3A_916 = vector.shape_cast %get3A_915 : vector<1x1x16xf32> to vector<16xf32>
        %get3A_917 = arith.constant 3 : i32
        %get3A_918 = arith.index_cast %get3A_917 : i32 to index
        %get3A_919 = arith.index_cast %add3A_898 : i32 to index
        %get3A_920 = arith.constant 0 : index
        %get3A_921 = tpu.vector_load %arg7[%get3A_918, %get3A_919, %get3A_920] {strides = array<i32>} : memref<4x40x128xf32, #tpu.memory_space<vmem>>, vector<1x1x16xf32>,
        %get3A_922 = vector.shape_cast %get3A_921 : vector<1x1x16xf32> to vector<16xf32>
        %add3A_923 = arith.addf %get3A_916, %get3A_922 : vector<16xf32>
        %add3A_924 = arith.addf %add3A_910, %add3A_923 : vector<16xf32>
        %mul3A_925 = arith.constant 11.3137083 : f32
        %mul3A_926 = vector.broadcast %mul3A_925 : f32 to vector<16xf32>
        %mul3A_927 = arith.mulf %add3A_924, %mul3A_926 : vector<16xf32>
        %swap3A = arith.index_cast %add3A_898 : i32 to index
        %swap3A_928 = arith.constant 0 : index
        %swap3A_929 = tpu.vector_load %arg9[%swap3A, %swap3A_928] {strides = array<i32>} : memref<40x128xf32, #tpu.memory_space<vmem>>, vector<1x16xf32>,
        %swap3A_930 = vector.shape_cast %swap3A_929 : vector<1x16xf32> to vector<16xf32>
        %swap3A_931 = vector.shape_cast %mul3A_927 : vector<16xf32> to vector<1x16xf32>
        tpu.vector_store %arg9[%swap3A, %swap3A_928], %swap3A_931 {strides = array<i32>} : memref<40x128xf32, #tpu.memory_space<vmem>>, vector<1x16xf32>,
        %get3A_932 = arith.constant 0 : i32
        %get3A_933 = arith.index_cast %get3A_932 : i32 to index
        %get3A_934 = arith.index_cast %add3A_898 : i32 to index
        %get3A_935 = arith.constant 16 : index
        %get3A_936 = tpu.vector_load %arg7[%get3A_933, %get3A_934, %get3A_935] {strides = array<i32>} : memref<4x40x128xf32, #tpu.memory_space<vmem>>, vector<1x1x16xf32>,
        %get3A_937 = vector.shape_cast %get3A_936 : vector<1x1x16xf32> to vector<16xf32>
        %get3A_938 = arith.constant 1 : i32
        %get3A_939 = arith.index_cast %get3A_938 : i32 to index
        %get3A_940 = arith.index_cast %add3A_898 : i32 to index
        %get3A_941 = arith.constant 16 : index
        %get3A_942 = tpu.vector_load %arg7[%get3A_939, %get3A_940, %get3A_941] {strides = array<i32>} : memref<4x40x128xf32, #tpu.memory_space<vmem>>, vector<1x1x16xf32>,
        %get3A_943 = vector.shape_cast %get3A_942 : vector<1x1x16xf32> to vector<16xf32>
        %add3A_944 = arith.addf %get3A_937, %get3A_943 : vector<16xf32>
        %get3A_945 = arith.constant 2 : i32
        %get3A_946 = arith.index_cast %get3A_945 : i32 to index
        %get3A_947 = arith.index_cast %add3A_898 : i32 to index
        %get3A_948 = arith.constant 16 : index
        %get3A_949 = tpu.vector_load %arg7[%get3A_946, %get3A_947, %get3A_948] {strides = array<i32>} : memref<4x40x128xf32, #tpu.memory_space<vmem>>, vector<1x1x16xf32>,
        %get3A_950 = vector.shape_cast %get3A_949 : vector<1x1x16xf32> to vector<16xf32>
        %get3A_951 = arith.constant 3 : i32
        %get3A_952 = arith.index_cast %get3A_951 : i32 to index
        %get3A_953 = arith.index_cast %add3A_898 : i32 to index
        %get3A_954 = arith.constant 16 : index
        %get3A_955 = tpu.vector_load %arg7[%get3A_952, %get3A_953, %get3A_954] {strides = array<i32>} : memref<4x40x128xf32, #tpu.memory_space<vmem>>, vector<1x1x16xf32>,
        %get3A_956 = vector.shape_cast %get3A_955 : vector<1x1x16xf32> to vector<16xf32>
        %add3A_957 = arith.addf %get3A_950, %get3A_956 : vector<16xf32>
        %add3A_958 = arith.addf %add3A_944, %add3A_957 : vector<16xf32>
        %mul3A_959 = arith.constant 11.3137083 : f32
        %mul3A_960 = vector.broadcast %mul3A_959 : f32 to vector<16xf32>
        %mul3A_961 = arith.mulf %add3A_958, %mul3A_960 : vector<16xf32>
        %swap3A_962 = arith.index_cast %add3A_898 : i32 to index
        %swap3A_963 = arith.constant 16 : index
        %swap3A_964 = tpu.vector_load %arg9[%swap3A_962, %swap3A_963] {strides = array<i32>} : memref<40x128xf32, #tpu.memory_space<vmem>>, vector<1x16xf32>,
        %swap3A_965 = vector.shape_cast %swap3A_964 : vector<1x16xf32> to vector<16xf32>
        %swap3A_966 = vector.shape_cast %mul3A_961 : vector<16xf32> to vector<1x16xf32>
        tpu.vector_store %arg9[%swap3A_962, %swap3A_963], %swap3A_966 {strides = array<i32>} : memref<40x128xf32, #tpu.memory_space<vmem>>, vector<1x16xf32>,
        %get3A_967 = arith.constant 0 : i32
        %get3A_968 = arith.index_cast %get3A_967 : i32 to index
        %get3A_969 = arith.index_cast %add3A_898 : i32 to index
        %get3A_970 = arith.constant 32 : index
        %get3A_971 = tpu.vector_load %arg7[%get3A_968, %get3A_969, %get3A_970] {strides = array<i32>} : memref<4x40x128xf32, #tpu.memory_space<vmem>>, vector<1x1x16xf32>,
        %get3A_972 = vector.shape_cast %get3A_971 : vector<1x1x16xf32> to vector<16xf32>
        %get3A_973 = arith.constant 1 : i32
        %get3A_974 = arith.index_cast %get3A_973 : i32 to index
        %get3A_975 = arith.index_cast %add3A_898 : i32 to index
        %get3A_976 = arith.constant 32 : index
        %get3A_977 = tpu.vector_load %arg7[%get3A_974, %get3A_975, %get3A_976] {strides = array<i32>} : memref<4x40x128xf32, #tpu.memory_space<vmem>>, vector<1x1x16xf32>,
        %get3A_978 = vector.shape_cast %get3A_977 : vector<1x1x16xf32> to vector<16xf32>
        %add3A_979 = arith.addf %get3A_972, %get3A_978 : vector<16xf32>
        %get3A_980 = arith.constant 2 : i32
        %get3A_981 = arith.index_cast %get3A_980 : i32 to index
        %get3A_982 = arith.index_cast %add3A_898 : i32 to index
        %get3A_983 = arith.constant 32 : index
        %get3A_984 = tpu.vector_load %arg7[%get3A_981, %get3A_982, %get3A_983] {strides = array<i32>} : memref<4x40x128xf32, #tpu.memory_space<vmem>>, vector<1x1x16xf32>,
        %get3A_985 = vector.shape_cast %get3A_984 : vector<1x1x16xf32> to vector<16xf32>
        %get3A_986 = arith.constant 3 : i32
        %get3A_987 = arith.index_cast %get3A_986 : i32 to index
        %get3A_988 = arith.index_cast %add3A_898 : i32 to index
        %get3A_989 = arith.constant 32 : index
        %get3A_990 = tpu.vector_load %arg7[%get3A_987, %get3A_988, %get3A_989] {strides = array<i32>} : memref<4x40x128xf32, #tpu.memory_space<vmem>>, vector<1x1x16xf32>,
        %get3A_991 = vector.shape_cast %get3A_990 : vector<1x1x16xf32> to vector<16xf32>
        %add3A_992 = arith.addf %get3A_985, %get3A_991 : vector<16xf32>
        %add3A_993 = arith.addf %add3A_979, %add3A_992 : vector<16xf32>
        %mul3A_994 = arith.constant 11.3137083 : f32
        %mul3A_995 = vector.broadcast %mul3A_994 : f32 to vector<16xf32>
        %mul3A_996 = arith.mulf %add3A_993, %mul3A_995 : vector<16xf32>
        %swap3A_997 = arith.index_cast %add3A_898 : i32 to index
        %swap3A_998 = arith.constant 32 : index
        %swap3A_999 = tpu.vector_load %arg9[%swap3A_997, %swap3A_998] {strides = array<i32>} : memref<40x128xf32, #tpu.memory_space<vmem>>, vector<1x16xf32>,
        %swap3A_1000 = vector.shape_cast %swap3A_999 : vector<1x16xf32> to vector<16xf32>
        %swap3A_1001 = vector.shape_cast %mul3A_996 : vector<16xf32> to vector<1x16xf32>
        tpu.vector_store %arg9[%swap3A_997, %swap3A_998], %swap3A_1001 {strides = array<i32>} : memref<40x128xf32, #tpu.memory_space<vmem>>, vector<1x16xf32>,
        %get3A_1002 = arith.constant 0 : i32
        %get3A_1003 = arith.index_cast %get3A_1002 : i32 to index
        %get3A_1004 = arith.index_cast %add3A_898 : i32 to index
        %get3A_1005 = arith.constant 48 : index
        %get3A_1006 = tpu.vector_load %arg7[%get3A_1003, %get3A_1004, %get3A_1005] {strides = array<i32>} : memref<4x40x128xf32, #tpu.memory_space<vmem>>, vector<1x1x16xf32>,
        %get3A_1007 = vector.shape_cast %get3A_1006 : vector<1x1x16xf32> to vector<16xf32>
        %get3A_1008 = arith.constant 1 : i32
        %get3A_1009 = arith.index_cast %get3A_1008 : i32 to index
        %get3A_1010 = arith.index_cast %add3A_898 : i32 to index
        %get3A_1011 = arith.constant 48 : index
        %get3A_1012 = tpu.vector_load %arg7[%get3A_1009, %get3A_1010, %get3A_1011] {strides = array<i32>} : memref<4x40x128xf32, #tpu.memory_space<vmem>>, vector<1x1x16xf32>,
        %get3A_1013 = vector.shape_cast %get3A_1012 : vector<1x1x16xf32> to vector<16xf32>
        %add3A_1014 = arith.addf %get3A_1007, %get3A_1013 : vector<16xf32>
        %get3A_1015 = arith.constant 2 : i32
        %get3A_1016 = arith.index_cast %get3A_1015 : i32 to index
        %get3A_1017 = arith.index_cast %add3A_898 : i32 to index
        %get3A_1018 = arith.constant 48 : index
        %get3A_1019 = tpu.vector_load %arg7[%get3A_1016, %get3A_1017, %get3A_1018] {strides = array<i32>} : memref<4x40x128xf32, #tpu.memory_space<vmem>>, vector<1x1x16xf32>,
        %get3A_1020 = vector.shape_cast %get3A_1019 : vector<1x1x16xf32> to vector<16xf32>
        %get3A_1021 = arith.constant 3 : i32
        %get3A_1022 = arith.index_cast %get3A_1021 : i32 to index
        %get3A_1023 = arith.index_cast %add3A_898 : i32 to index
        %get3A_1024 = arith.constant 48 : index
        %get3A_1025 = tpu.vector_load %arg7[%get3A_1022, %get3A_1023, %get3A_1024] {strides = array<i32>} : memref<4x40x128xf32, #tpu.memory_space<vmem>>, vector<1x1x16xf32>,
        %get3A_1026 = vector.shape_cast %get3A_1025 : vector<1x1x16xf32> to vector<16xf32>
        %add3A_1027 = arith.addf %get3A_1020, %get3A_1026 : vector<16xf32>
        %add3A_1028 = arith.addf %add3A_1014, %add3A_1027 : vector<16xf32>
        %mul3A_1029 = arith.constant 11.3137083 : f32
        %mul3A_1030 = vector.broadcast %mul3A_1029 : f32 to vector<16xf32>
        %mul3A_1031 = arith.mulf %add3A_1028, %mul3A_1030 : vector<16xf32>
        %swap3A_1032 = arith.index_cast %add3A_898 : i32 to index
        %swap3A_1033 = arith.constant 48 : index
        %swap3A_1034 = tpu.vector_load %arg9[%swap3A_1032, %swap3A_1033] {strides = array<i32>} : memref<40x128xf32, #tpu.memory_space<vmem>>, vector<1x16xf32>,
        %swap3A_1035 = vector.shape_cast %swap3A_1034 : vector<1x16xf32> to vector<16xf32>
        %swap3A_1036 = vector.shape_cast %mul3A_1031 : vector<16xf32> to vector<1x16xf32>
        tpu.vector_store %arg9[%swap3A_1032, %swap3A_1033], %swap3A_1036 {strides = array<i32>} : memref<40x128xf32, #tpu.memory_space<vmem>>, vector<1x16xf32>,
        %get3A_1037 = arith.constant 0 : i32
        %get3A_1038 = arith.index_cast %get3A_1037 : i32 to index
        %get3A_1039 = arith.index_cast %add3A_898 : i32 to index
        %get3A_1040 = arith.constant 64 : index
        %get3A_1041 = tpu.vector_load %arg7[%get3A_1038, %get3A_1039, %get3A_1040] {strides = array<i32>} : memref<4x40x128xf32, #tpu.memory_space<vmem>>, vector<1x1x16xf32>,
        %get3A_1042 = vector.shape_cast %get3A_1041 : vector<1x1x16xf32> to vector<16xf32>
        %get3A_1043 = arith.constant 1 : i32
        %get3A_1044 = arith.index_cast %get3A_1043 : i32 to index
        %get3A_1045 = arith.index_cast %add3A_898 : i32 to index
        %get3A_1046 = arith.constant 64 : index
        %get3A_1047 = tpu.vector_load %arg7[%get3A_1044, %get3A_1045, %get3A_1046] {strides = array<i32>} : memref<4x40x128xf32, #tpu.memory_space<vmem>>, vector<1x1x16xf32>,
        %get3A_1048 = vector.shape_cast %get3A_1047 : vector<1x1x16xf32> to vector<16xf32>
        %add3A_1049 = arith.addf %get3A_1042, %get3A_1048 : vector<16xf32>
        %get3A_1050 = arith.constant 2 : i32
        %get3A_1051 = arith.index_cast %get3A_1050 : i32 to index
        %get3A_1052 = arith.index_cast %add3A_898 : i32 to index
        %get3A_1053 = arith.constant 64 : index
        %get3A_1054 = tpu.vector_load %arg7[%get3A_1051, %get3A_1052, %get3A_1053] {strides = array<i32>} : memref<4x40x128xf32, #tpu.memory_space<vmem>>, vector<1x1x16xf32>,
        %get3A_1055 = vector.shape_cast %get3A_1054 : vector<1x1x16xf32> to vector<16xf32>
        %get3A_1056 = arith.constant 3 : i32
        %get3A_1057 = arith.index_cast %get3A_1056 : i32 to index
        %get3A_1058 = arith.index_cast %add3A_898 : i32 to index
        %get3A_1059 = arith.constant 64 : index
        %get3A_1060 = tpu.vector_load %arg7[%get3A_1057, %get3A_1058, %get3A_1059] {strides = array<i32>} : memref<4x40x128xf32, #tpu.memory_space<vmem>>, vector<1x1x16xf32>,
        %get3A_1061 = vector.shape_cast %get3A_1060 : vector<1x1x16xf32> to vector<16xf32>
        %add3A_1062 = arith.addf %get3A_1055, %get3A_1061 : vector<16xf32>
        %add3A_1063 = arith.addf %add3A_1049, %add3A_1062 : vector<16xf32>
        %mul3A_1064 = arith.constant 11.3137083 : f32
        %mul3A_1065 = vector.broadcast %mul3A_1064 : f32 to vector<16xf32>
        %mul3A_1066 = arith.mulf %add3A_1063, %mul3A_1065 : vector<16xf32>
        %swap3A_1067 = arith.index_cast %add3A_898 : i32 to index
        %swap3A_1068 = arith.constant 64 : index
        %swap3A_1069 = tpu.vector_load %arg9[%swap3A_1067, %swap3A_1068] {strides = array<i32>} : memref<40x128xf32, #tpu.memory_space<vmem>>, vector<1x16xf32>,
        %swap3A_1070 = vector.shape_cast %swap3A_1069 : vector<1x16xf32> to vector<16xf32>
        %swap3A_1071 = vector.shape_cast %mul3A_1066 : vector<16xf32> to vector<1x16xf32>
        tpu.vector_store %arg9[%swap3A_1067, %swap3A_1068], %swap3A_1071 {strides = array<i32>} : memref<40x128xf32, #tpu.memory_space<vmem>>, vector<1x16xf32>,
        %get3A_1072 = arith.constant 0 : i32
        %get3A_1073 = arith.index_cast %get3A_1072 : i32 to index
        %get3A_1074 = arith.index_cast %add3A_898 : i32 to index
        %get3A_1075 = arith.constant 80 : index
        %get3A_1076 = tpu.vector_load %arg7[%get3A_1073, %get3A_1074, %get3A_1075] {strides = array<i32>} : memref<4x40x128xf32, #tpu.memory_space<vmem>>, vector<1x1x16xf32>,
        %get3A_1077 = vector.shape_cast %get3A_1076 : vector<1x1x16xf32> to vector<16xf32>
        %get3A_1078 = arith.constant 1 : i32
        %get3A_1079 = arith.index_cast %get3A_1078 : i32 to index
        %get3A_1080 = arith.index_cast %add3A_898 : i32 to index
        %get3A_1081 = arith.constant 80 : index
        %get3A_1082 = tpu.vector_load %arg7[%get3A_1079, %get3A_1080, %get3A_1081] {strides = array<i32>} : memref<4x40x128xf32, #tpu.memory_space<vmem>>, vector<1x1x16xf32>,
        %get3A_1083 = vector.shape_cast %get3A_1082 : vector<1x1x16xf32> to vector<16xf32>
        %add3A_1084 = arith.addf %get3A_1077, %get3A_1083 : vector<16xf32>
        %get3A_1085 = arith.constant 2 : i32
        %get3A_1086 = arith.index_cast %get3A_1085 : i32 to index
        %get3A_1087 = arith.index_cast %add3A_898 : i32 to index
        %get3A_1088 = arith.constant 80 : index
        %get3A_1089 = tpu.vector_load %arg7[%get3A_1086, %get3A_1087, %get3A_1088] {strides = array<i32>} : memref<4x40x128xf32, #tpu.memory_space<vmem>>, vector<1x1x16xf32>,
        %get3A_1090 = vector.shape_cast %get3A_1089 : vector<1x1x16xf32> to vector<16xf32>
        %get3A_1091 = arith.constant 3 : i32
        %get3A_1092 = arith.index_cast %get3A_1091 : i32 to index
        %get3A_1093 = arith.index_cast %add3A_898 : i32 to index
        %get3A_1094 = arith.constant 80 : index
        %get3A_1095 = tpu.vector_load %arg7[%get3A_1092, %get3A_1093, %get3A_1094] {strides = array<i32>} : memref<4x40x128xf32, #tpu.memory_space<vmem>>, vector<1x1x16xf32>,
        %get3A_1096 = vector.shape_cast %get3A_1095 : vector<1x1x16xf32> to vector<16xf32>
        %add3A_1097 = arith.addf %get3A_1090, %get3A_1096 : vector<16xf32>
        %add3A_1098 = arith.addf %add3A_1084, %add3A_1097 : vector<16xf32>
        %mul3A_1099 = arith.constant 11.3137083 : f32
        %mul3A_1100 = vector.broadcast %mul3A_1099 : f32 to vector<16xf32>
        %mul3A_1101 = arith.mulf %add3A_1098, %mul3A_1100 : vector<16xf32>
        %swap3A_1102 = arith.index_cast %add3A_898 : i32 to index
        %swap3A_1103 = arith.constant 80 : index
        %swap3A_1104 = tpu.vector_load %arg9[%swap3A_1102, %swap3A_1103] {strides = array<i32>} : memref<40x128xf32, #tpu.memory_space<vmem>>, vector<1x16xf32>,
        %swap3A_1105 = vector.shape_cast %swap3A_1104 : vector<1x16xf32> to vector<16xf32>
        %swap3A_1106 = vector.shape_cast %mul3A_1101 : vector<16xf32> to vector<1x16xf32>
        tpu.vector_store %arg9[%swap3A_1102, %swap3A_1103], %swap3A_1106 {strides = array<i32>} : memref<40x128xf32, #tpu.memory_space<vmem>>, vector<1x16xf32>,
        %get3A_1107 = arith.constant 0 : i32
        %get3A_1108 = arith.index_cast %get3A_1107 : i32 to index
        %get3A_1109 = arith.index_cast %add3A_898 : i32 to index
        %get3A_1110 = arith.constant 96 : index
        %get3A_1111 = tpu.vector_load %arg7[%get3A_1108, %get3A_1109, %get3A_1110] {strides = array<i32>} : memref<4x40x128xf32, #tpu.memory_space<vmem>>, vector<1x1x16xf32>,
        %get3A_1112 = vector.shape_cast %get3A_1111 : vector<1x1x16xf32> to vector<16xf32>
        %get3A_1113 = arith.constant 1 : i32
        %get3A_1114 = arith.index_cast %get3A_1113 : i32 to index
        %get3A_1115 = arith.index_cast %add3A_898 : i32 to index
        %get3A_1116 = arith.constant 96 : index
        %get3A_1117 = tpu.vector_load %arg7[%get3A_1114, %get3A_1115, %get3A_1116] {strides = array<i32>} : memref<4x40x128xf32, #tpu.memory_space<vmem>>, vector<1x1x16xf32>,
        %get3A_1118 = vector.shape_cast %get3A_1117 : vector<1x1x16xf32> to vector<16xf32>
        %add3A_1119 = arith.addf %get3A_1112, %get3A_1118 : vector<16xf32>
        %get3A_1120 = arith.constant 2 : i32
        %get3A_1121 = arith.index_cast %get3A_1120 : i32 to index
        %get3A_1122 = arith.index_cast %add3A_898 : i32 to index
        %get3A_1123 = arith.constant 96 : index
        %get3A_1124 = tpu.vector_load %arg7[%get3A_1121, %get3A_1122, %get3A_1123] {strides = array<i32>} : memref<4x40x128xf32, #tpu.memory_space<vmem>>, vector<1x1x16xf32>,
        %get3A_1125 = vector.shape_cast %get3A_1124 : vector<1x1x16xf32> to vector<16xf32>
        %get3A_1126 = arith.constant 3 : i32
        %get3A_1127 = arith.index_cast %get3A_1126 : i32 to index
        %get3A_1128 = arith.index_cast %add3A_898 : i32 to index
        %get3A_1129 = arith.constant 96 : index
        %get3A_1130 = tpu.vector_load %arg7[%get3A_1127, %get3A_1128, %get3A_1129] {strides = array<i32>} : memref<4x40x128xf32, #tpu.memory_space<vmem>>, vector<1x1x16xf32>,
        %get3A_1131 = vector.shape_cast %get3A_1130 : vector<1x1x16xf32> to vector<16xf32>
        %add3A_1132 = arith.addf %get3A_1125, %get3A_1131 : vector<16xf32>
        %add3A_1133 = arith.addf %add3A_1119, %add3A_1132 : vector<16xf32>
        %mul3A_1134 = arith.constant 11.3137083 : f32
        %mul3A_1135 = vector.broadcast %mul3A_1134 : f32 to vector<16xf32>
        %mul3A_1136 = arith.mulf %add3A_1133, %mul3A_1135 : vector<16xf32>
        %swap3A_1137 = arith.index_cast %add3A_898 : i32 to index
        %swap3A_1138 = arith.constant 96 : index
        %swap3A_1139 = tpu.vector_load %arg9[%swap3A_1137, %swap3A_1138] {strides = array<i32>} : memref<40x128xf32, #tpu.memory_space<vmem>>, vector<1x16xf32>,
        %swap3A_1140 = vector.shape_cast %swap3A_1139 : vector<1x16xf32> to vector<16xf32>
        %swap3A_1141 = vector.shape_cast %mul3A_1136 : vector<16xf32> to vector<1x16xf32>
        tpu.vector_store %arg9[%swap3A_1137, %swap3A_1138], %swap3A_1141 {strides = array<i32>} : memref<40x128xf32, #tpu.memory_space<vmem>>, vector<1x16xf32>,
        %get3A_1142 = arith.constant 0 : i32
        %get3A_1143 = arith.index_cast %get3A_1142 : i32 to index
        %get3A_1144 = arith.index_cast %add3A_898 : i32 to index
        %get3A_1145 = arith.constant 112 : index
        %get3A_1146 = tpu.vector_load %arg7[%get3A_1143, %get3A_1144, %get3A_1145] {strides = array<i32>} : memref<4x40x128xf32, #tpu.memory_space<vmem>>, vector<1x1x16xf32>,
        %get3A_1147 = vector.shape_cast %get3A_1146 : vector<1x1x16xf32> to vector<16xf32>
        %get3A_1148 = arith.constant 1 : i32
        %get3A_1149 = arith.index_cast %get3A_1148 : i32 to index
        %get3A_1150 = arith.index_cast %add3A_898 : i32 to index
        %get3A_1151 = arith.constant 112 : index
        %get3A_1152 = tpu.vector_load %arg7[%get3A_1149, %get3A_1150, %get3A_1151] {strides = array<i32>} : memref<4x40x128xf32, #tpu.memory_space<vmem>>, vector<1x1x16xf32>,
        %get3A_1153 = vector.shape_cast %get3A_1152 : vector<1x1x16xf32> to vector<16xf32>
        %add3A_1154 = arith.addf %get3A_1147, %get3A_1153 : vector<16xf32>
        %get3A_1155 = arith.constant 2 : i32
        %get3A_1156 = arith.index_cast %get3A_1155 : i32 to index
        %get3A_1157 = arith.index_cast %add3A_898 : i32 to index
        %get3A_1158 = arith.constant 112 : index
        %get3A_1159 = tpu.vector_load %arg7[%get3A_1156, %get3A_1157, %get3A_1158] {strides = array<i32>} : memref<4x40x128xf32, #tpu.memory_space<vmem>>, vector<1x1x16xf32>,
        %get3A_1160 = vector.shape_cast %get3A_1159 : vector<1x1x16xf32> to vector<16xf32>
        %get3A_1161 = arith.constant 3 : i32
        %get3A_1162 = arith.index_cast %get3A_1161 : i32 to index
        %get3A_1163 = arith.index_cast %add3A_898 : i32 to index
        %get3A_1164 = arith.constant 112 : index
        %get3A_1165 = tpu.vector_load %arg7[%get3A_1162, %get3A_1163, %get3A_1164] {strides = array<i32>} : memref<4x40x128xf32, #tpu.memory_space<vmem>>, vector<1x1x16xf32>,
        %get3A_1166 = vector.shape_cast %get3A_1165 : vector<1x1x16xf32> to vector<16xf32>
        %add3A_1167 = arith.addf %get3A_1160, %get3A_1166 : vector<16xf32>
        %add3A_1168 = arith.addf %add3A_1154, %add3A_1167 : vector<16xf32>
        %mul3A_1169 = arith.constant 11.3137083 : f32
        %mul3A_1170 = vector.broadcast %mul3A_1169 : f32 to vector<16xf32>
        %mul3A_1171 = arith.mulf %add3A_1168, %mul3A_1170 : vector<16xf32>
        %swap3A_1172 = arith.index_cast %add3A_898 : i32 to index
        %swap3A_1173 = arith.constant 112 : index
        %swap3A_1174 = tpu.vector_load %arg9[%swap3A_1172, %swap3A_1173] {strides = array<i32>} : memref<40x128xf32, #tpu.memory_space<vmem>>, vector<1x16xf32>,
        %swap3A_1175 = vector.shape_cast %swap3A_1174 : vector<1x16xf32> to vector<16xf32>
        %swap3A_1176 = vector.shape_cast %mul3A_1171 : vector<16xf32> to vector<1x16xf32>
        tpu.vector_store %arg9[%swap3A_1172, %swap3A_1173], %swap3A_1176 {strides = array<i32>} : memref<40x128xf32, #tpu.memory_space<vmem>>, vector<1x16xf32>,
      }
      %scan3A_818 = arith.constant 40 : i32
      %mul3A_819 = arith.constant 40 : i32
      %mul3A_820 = arith.muli %add3A_747, %mul3A_819 : i32
      %add3A_821 = arith.addi %mul3A_2, %mul3A_820 : i32
      %dma_start3A_822 = arith.constant 0 : i32
      %dma_start3A_823 = tpu.memref_slice %arg4[%add3A_821, %dma_start3A_822] : memref<204800x128xf32, #tpu.memory_space<hbm>> -> memref<40x128xf32, #tpu.memory_space<hbm>>
      %dma_start3A_824 = arith.constant 0 : i32
      %dma_start3A_825 = tpu.memref_slice %arg4[%add3A_821, %dma_start3A_824] : memref<204800x128xf32, #tpu.memory_space<hbm>> -> memref<40x128xf32, #tpu.memory_space<hbm>>
      tpu.enqueue_dma source(%arg9 : memref<40x128xf32, #tpu.memory_space<vmem>>) target(%dma_start3A_825 : memref<40x128xf32, #tpu.memory_space<hbm>>) target_semaphore(%arg13 : memref<!tpu.dma_semaphore, #tpu.memory_space<semaphore_mem>>)
      %add3A_826 = arith.constant 2 : i32
      %add3A_827 = arith.addi %add3A_747, %add3A_826 : i32
      %div3A_828 = arith.constant 5 : i32
      %div3A_829 = arith.divsi %add3A_827, %div3A_828 : i32
      %rem3A_830 = arith.constant 5 : i32
      %rem3A_831 = arith.remsi %add3A_827, %rem3A_830 : i32
      %mul3A_832 = arith.constant 40 : i32
      %mul3A_833 = arith.muli %rem3A_831, %mul3A_832 : i32
      %add3A_834 = arith.constant 0 : i32
      %add3A_835 = arith.addi %add3A_834, %mul3A_833 : i32
      %dma_start3A_836 = arith.constant 0 : i32
      %dma_start3A_837 = arith.constant 0 : i32
      %dma_start3A_838 = arith.constant 0 : i32
      %dma_start3A_839 = tpu.memref_slice %arg7[%dma_start3A_836, %dma_start3A_837, %dma_start3A_838] : memref<4x40x128xf32, #tpu.memory_space<vmem>> -> memref<1x40x128xf32, #tpu.memory_space<vmem>>
      %dma_start3A_840 = tpu.memref_squeeze %dma_start3A_839 : memref<1x40x128xf32, #tpu.memory_space<vmem>> -> memref<40x128xf32, #tpu.memory_space<vmem>>
      %dma_start3A_841 = tpu.memref_slice %arg5[%div3A_829, %add3A_835] : memref<32x800xi32, #tpu.memory_space<vmem>> -> memref<1x40xi32, #tpu.memory_space<vmem>>
      %dma_start3A_842 = tpu.memref_squeeze %dma_start3A_841 : memref<1x40xi32, #tpu.memory_space<vmem>> -> memref<40xi32, #tpu.memory_space<vmem>>
      %dma_start3A_843 = arith.constant 0 : i32
      %dma_start3A_844 = arith.constant 0 : i32
      %dma_start3A_845 = tpu.memref_slice %arg3[%dma_start3A_843, %dma_start3A_844] : memref<400000x128xf32, #tpu.memory_space<hbm>> -> memref<100000x128xf32, #tpu.memory_space<hbm>>
      %dma_start3A_846 = arith.constant 0 : i32
      %dma_start3A_847 = arith.constant 0 : i32
      %dma_start3A_848 = tpu.memref_slice %dma_start3A_845[%dma_start3A_846, %dma_start3A_847] : memref<100000x128xf32, #tpu.memory_space<hbm>> -> memref<100000x128xf32, #tpu.memory_space<hbm>>
      tpu.enqueue_indirect_dma source(%dma_start3A_848 : memref<100000x128xf32, #tpu.memory_space<hbm>>) target(%dma_start3A_840 : memref<40x128xf32, #tpu.memory_space<vmem>>) offsets(%dma_start3A_842 : memref<40xi32, #tpu.memory_space<vmem>>) semaphore(%arg11 : memref<!tpu.dma_semaphore, #tpu.memory_space<semaphore_mem>>)
      %add3A_849 = arith.constant 200 : i32
      %add3A_850 = arith.addi %add3A_849, %mul3A_833 : i32
      %dma_start3A_851 = arith.constant 1 : i32
      %dma_start3A_852 = arith.constant 0 : i32
      %dma_start3A_853 = arith.constant 0 : i32
      %dma_start3A_854 = tpu.memref_slice %arg7[%dma_start3A_851, %dma_start3A_852, %dma_start3A_853] : memref<4x40x128xf32, #tpu.memory_space<vmem>> -> memref<1x40x128xf32, #tpu.memory_space<vmem>>
      %dma_start3A_855 = tpu.memref_squeeze %dma_start3A_854 : memref<1x40x128xf32, #tpu.memory_space<vmem>> -> memref<40x128xf32, #tpu.memory_space<vmem>>
      %dma_start3A_856 = tpu.memref_slice %arg5[%div3A_829, %add3A_850] : memref<32x800xi32, #tpu.memory_space<vmem>> -> memref<1x40xi32, #tpu.memory_space<vmem>>
      %dma_start3A_857 = tpu.memref_squeeze %dma_start3A_856 : memref<1x40xi32, #tpu.memory_space<vmem>> -> memref<40xi32, #tpu.memory_space<vmem>>
      %dma_start3A_858 = arith.constant 100000 : i32
      %dma_start3A_859 = arith.constant 0 : i32
      %dma_start3A_860 = tpu.memref_slice %arg3[%dma_start3A_858, %dma_start3A_859] : memref<400000x128xf32, #tpu.memory_space<hbm>> -> memref<100000x128xf32, #tpu.memory_space<hbm>>
      %dma_start3A_861 = arith.constant 0 : i32
      %dma_start3A_862 = arith.constant 0 : i32
      %dma_start3A_863 = tpu.memref_slice %dma_start3A_860[%dma_start3A_861, %dma_start3A_862] : memref<100000x128xf32, #tpu.memory_space<hbm>> -> memref<100000x128xf32, #tpu.memory_space<hbm>>
      tpu.enqueue_indirect_dma source(%dma_start3A_863 : memref<100000x128xf32, #tpu.memory_space<hbm>>) target(%dma_start3A_855 : memref<40x128xf32, #tpu.memory_space<vmem>>) offsets(%dma_start3A_857 : memref<40xi32, #tpu.memory_space<vmem>>) semaphore(%arg11 : memref<!tpu.dma_semaphore, #tpu.memory_space<semaphore_mem>>)
      %add3A_864 = arith.constant 400 : i32
      %add3A_865 = arith.addi %add3A_864, %mul3A_833 : i32
      %dma_start3A_866 = arith.constant 2 : i32
      %dma_start3A_867 = arith.constant 0 : i32
      %dma_start3A_868 = arith.constant 0 : i32
      %dma_start3A_869 = tpu.memref_slice %arg7[%dma_start3A_866, %dma_start3A_867, %dma_start3A_868] : memref<4x40x128xf32, #tpu.memory_space<vmem>> -> memref<1x40x128xf32, #tpu.memory_space<vmem>>
      %dma_start3A_870 = tpu.memref_squeeze %dma_start3A_869 : memref<1x40x128xf32, #tpu.memory_space<vmem>> -> memref<40x128xf32, #tpu.memory_space<vmem>>
      %dma_start3A_871 = tpu.memref_slice %arg5[%div3A_829, %add3A_865] : memref<32x800xi32, #tpu.memory_space<vmem>> -> memref<1x40xi32, #tpu.memory_space<vmem>>
      %dma_start3A_872 = tpu.memref_squeeze %dma_start3A_871 : memref<1x40xi32, #tpu.memory_space<vmem>> -> memref<40xi32, #tpu.memory_space<vmem>>
      %dma_start3A_873 = arith.constant 200000 : i32
      %dma_start3A_874 = arith.constant 0 : i32
      %dma_start3A_875 = tpu.memref_slice %arg3[%dma_start3A_873, %dma_start3A_874] : memref<400000x128xf32, #tpu.memory_space<hbm>> -> memref<100000x128xf32, #tpu.memory_space<hbm>>
      %dma_start3A_876 = arith.constant 0 : i32
      %dma_start3A_877 = arith.constant 0 : i32
      %dma_start3A_878 = tpu.memref_slice %dma_start3A_875[%dma_start3A_876, %dma_start3A_877] : memref<100000x128xf32, #tpu.memory_space<hbm>> -> memref<100000x128xf32, #tpu.memory_space<hbm>>
      tpu.enqueue_indirect_dma source(%dma_start3A_878 : memref<100000x128xf32, #tpu.memory_space<hbm>>) target(%dma_start3A_870 : memref<40x128xf32, #tpu.memory_space<vmem>>) offsets(%dma_start3A_872 : memref<40xi32, #tpu.memory_space<vmem>>) semaphore(%arg11 : memref<!tpu.dma_semaphore, #tpu.memory_space<semaphore_mem>>)
      %add3A_879 = arith.constant 600 : i32
      %add3A_880 = arith.addi %add3A_879, %mul3A_833 : i32
      %dma_start3A_881 = arith.constant 3 : i32
      %dma_start3A_882 = arith.constant 0 : i32
      %dma_start3A_883 = arith.constant 0 : i32
      %dma_start3A_884 = tpu.memref_slice %arg7[%dma_start3A_881, %dma_start3A_882, %dma_start3A_883] : memref<4x40x128xf32, #tpu.memory_space<vmem>> -> memref<1x40x128xf32, #tpu.memory_space<vmem>>
      %dma_start3A_885 = tpu.memref_squeeze %dma_start3A_884 : memref<1x40x128xf32, #tpu.memory_space<vmem>> -> memref<40x128xf32, #tpu.memory_space<vmem>>
      %dma_start3A_886 = tpu.memref_slice %arg5[%div3A_829, %add3A_880] : memref<32x800xi32, #tpu.memory_space<vmem>> -> memref<1x40xi32, #tpu.memory_space<vmem>>
      %dma_start3A_887 = tpu.memref_squeeze %dma_start3A_886 : memref<1x40xi32, #tpu.memory_space<vmem>> -> memref<40xi32, #tpu.memory_space<vmem>>
      %dma_start3A_888 = arith.constant 300000 : i32
      %dma_start3A_889 = arith.constant 0 : i32
      %dma_start3A_890 = tpu.memref_slice %arg3[%dma_start3A_888, %dma_start3A_889] : memref<400000x128xf32, #tpu.memory_space<hbm>> -> memref<100000x128xf32, #tpu.memory_space<hbm>>
      %dma_start3A_891 = arith.constant 0 : i32
      %dma_start3A_892 = arith.constant 0 : i32
      %dma_start3A_893 = tpu.memref_slice %dma_start3A_890[%dma_start3A_891, %dma_start3A_892] : memref<100000x128xf32, #tpu.memory_space<hbm>> -> memref<100000x128xf32, #tpu.memory_space<hbm>>
      tpu.enqueue_indirect_dma source(%dma_start3A_893 : memref<100000x128xf32, #tpu.memory_space<hbm>>) target(%dma_start3A_885 : memref<40x128xf32, #tpu.memory_space<vmem>>) offsets(%dma_start3A_887 : memref<40xi32, #tpu.memory_space<vmem>>) semaphore(%arg11 : memref<!tpu.dma_semaphore, #tpu.memory_space<semaphore_mem>>)
    }
    %scan3A_426 = arith.constant 78 : i32
    %dma_wait3A_427 = arith.constant 0 : i32
    %dma_wait3A_428 = arith.constant 0 : i32
    %dma_wait3A_429 = arith.constant 0 : i32
    %dma_wait3A_430 = tpu.memref_slice %arg6[%dma_wait3A_427, %dma_wait3A_428, %dma_wait3A_429] : memref<4x40x128xf32, #tpu.memory_space<vmem>> -> memref<1x40x128xf32, #tpu.memory_space<vmem>>
    %dma_wait3A_431 = tpu.memref_squeeze %dma_wait3A_430 : memref<1x40x128xf32, #tpu.memory_space<vmem>> -> memref<40x128xf32, #tpu.memory_space<vmem>>
    %dma_wait3A_432 = arith.constant 0 : i32
    %dma_wait3A_433 = arith.constant 0 : i32
    %dma_wait3A_434 = tpu.memref_slice %arg3[%dma_wait3A_432, %dma_wait3A_433] : memref<400000x128xf32, #tpu.memory_space<hbm>> -> memref<40x128xf32, #tpu.memory_space<hbm>>
    %dma_wait3A_435 = arith.constant 0 : i32
    %dma_wait3A_436 = arith.constant 0 : i32
    %dma_wait3A_437 = tpu.memref_slice %arg6[%dma_wait3A_427, %dma_wait3A_435, %dma_wait3A_436] : memref<4x40x128xf32, #tpu.memory_space<vmem>> -> memref<1x40x128xf32, #tpu.memory_space<vmem>>
    %dma_wait3A_438 = tpu.memref_squeeze %dma_wait3A_437 : memref<1x40x128xf32, #tpu.memory_space<vmem>> -> memref<40x128xf32, #tpu.memory_space<vmem>>
    %dma_wait3A_439 = arith.constant 0 : i32
    %dma_wait3A_440 = arith.constant 0 : i32
    %dma_wait3A_441 = tpu.memref_slice %arg3[%dma_wait3A_439, %dma_wait3A_440] : memref<400000x128xf32, #tpu.memory_space<hbm>> -> memref<40x128xf32, #tpu.memory_space<hbm>>
    tpu.wait_dma2 semaphore(%arg10 : memref<!tpu.dma_semaphore, #tpu.memory_space<semaphore_mem>>) src(%dma_wait3A_441 : memref<40x128xf32, #tpu.memory_space<hbm>>) dst(%dma_wait3A_438 : memref<40x128xf32, #tpu.memory_space<vmem>>)
    %dma_wait3A_442 = arith.constant 1 : i32
    %dma_wait3A_443 = arith.constant 0 : i32
    %dma_wait3A_444 = arith.constant 0 : i32
    %dma_wait3A_445 = tpu.memref_slice %arg6[%dma_wait3A_442, %dma_wait3A_443, %dma_wait3A_444] : memref<4x40x128xf32, #tpu.memory_space<vmem>> -> memref<1x40x128xf32, #tpu.memory_space<vmem>>
    %dma_wait3A_446 = tpu.memref_squeeze %dma_wait3A_445 : memref<1x40x128xf32, #tpu.memory_space<vmem>> -> memref<40x128xf32, #tpu.memory_space<vmem>>
    %dma_wait3A_447 = arith.constant 0 : i32
    %dma_wait3A_448 = arith.constant 0 : i32
    %dma_wait3A_449 = tpu.memref_slice %arg3[%dma_wait3A_447, %dma_wait3A_448] : memref<400000x128xf32, #tpu.memory_space<hbm>> -> memref<40x128xf32, #tpu.memory_space<hbm>>
    %dma_wait3A_450 = arith.constant 0 : i32
    %dma_wait3A_451 = arith.constant 0 : i32
    %dma_wait3A_452 = tpu.memref_slice %arg6[%dma_wait3A_442, %dma_wait3A_450, %dma_wait3A_451] : memref<4x40x128xf32, #tpu.memory_space<vmem>> -> memref<1x40x128xf32, #tpu.memory_space<vmem>>
    %dma_wait3A_453 = tpu.memref_squeeze %dma_wait3A_452 : memref<1x40x128xf32, #tpu.memory_space<vmem>> -> memref<40x128xf32, #tpu.memory_space<vmem>>
    %dma_wait3A_454 = arith.constant 0 : i32
    %dma_wait3A_455 = arith.constant 0 : i32
    %dma_wait3A_456 = tpu.memref_slice %arg3[%dma_wait3A_454, %dma_wait3A_455] : memref<400000x128xf32, #tpu.memory_space<hbm>> -> memref<40x128xf32, #tpu.memory_space<hbm>>
    tpu.wait_dma2 semaphore(%arg10 : memref<!tpu.dma_semaphore, #tpu.memory_space<semaphore_mem>>) src(%dma_wait3A_456 : memref<40x128xf32, #tpu.memory_space<hbm>>) dst(%dma_wait3A_453 : memref<40x128xf32, #tpu.memory_space<vmem>>)
    %dma_wait3A_457 = arith.constant 2 : i32
    %dma_wait3A_458 = arith.constant 0 : i32
    %dma_wait3A_459 = arith.constant 0 : i32
    %dma_wait3A_460 = tpu.memref_slice %arg6[%dma_wait3A_457, %dma_wait3A_458, %dma_wait3A_459] : memref<4x40x128xf32, #tpu.memory_space<vmem>> -> memref<1x40x128xf32, #tpu.memory_space<vmem>>
    %dma_wait3A_461 = tpu.memref_squeeze %dma_wait3A_460 : memref<1x40x128xf32, #tpu.memory_space<vmem>> -> memref<40x128xf32, #tpu.memory_space<vmem>>
    %dma_wait3A_462 = arith.constant 0 : i32
    %dma_wait3A_463 = arith.constant 0 : i32
    %dma_wait3A_464 = tpu.memref_slice %arg3[%dma_wait3A_462, %dma_wait3A_463] : memref<400000x128xf32, #tpu.memory_space<hbm>> -> memref<40x128xf32, #tpu.memory_space<hbm>>
    %dma_wait3A_465 = arith.constant 0 : i32
    %dma_wait3A_466 = arith.constant 0 : i32
    %dma_wait3A_467 = tpu.memref_slice %arg6[%dma_wait3A_457, %dma_wait3A_465, %dma_wait3A_466] : memref<4x40x128xf32, #tpu.memory_space<vmem>> -> memref<1x40x128xf32, #tpu.memory_space<vmem>>
    %dma_wait3A_468 = tpu.memref_squeeze %dma_wait3A_467 : memref<1x40x128xf32, #tpu.memory_space<vmem>> -> memref<40x128xf32, #tpu.memory_space<vmem>>
    %dma_wait3A_469 = arith.constant 0 : i32
    %dma_wait3A_470 = arith.constant 0 : i32
    %dma_wait3A_471 = tpu.memref_slice %arg3[%dma_wait3A_469, %dma_wait3A_470] : memref<400000x128xf32, #tpu.memory_space<hbm>> -> memref<40x128xf32, #tpu.memory_space<hbm>>
    tpu.wait_dma2 semaphore(%arg10 : memref<!tpu.dma_semaphore, #tpu.memory_space<semaphore_mem>>) src(%dma_wait3A_471 : memref<40x128xf32, #tpu.memory_space<hbm>>) dst(%dma_wait3A_468 : memref<40x128xf32, #tpu.memory_space<vmem>>)
    %dma_wait3A_472 = arith.constant 3 : i32
    %dma_wait3A_473 = arith.constant 0 : i32
    %dma_wait3A_474 = arith.constant 0 : i32
    %dma_wait3A_475 = tpu.memref_slice %arg6[%dma_wait3A_472, %dma_wait3A_473, %dma_wait3A_474] : memref<4x40x128xf32, #tpu.memory_space<vmem>> -> memref<1x40x128xf32, #tpu.memory_space<vmem>>
    %dma_wait3A_476 = tpu.memref_squeeze %dma_wait3A_475 : memref<1x40x128xf32, #tpu.memory_space<vmem>> -> memref<40x128xf32, #tpu.memory_space<vmem>>
    %dma_wait3A_477 = arith.constant 0 : i32
    %dma_wait3A_478 = arith.constant 0 : i32
    %dma_wait3A_479 = tpu.memref_slice %arg3[%dma_wait3A_477, %dma_wait3A_478] : memref<400000x128xf32, #tpu.memory_space<hbm>> -> memref<40x128xf32, #tpu.memory_space<hbm>>
    %dma_wait3A_480 = arith.constant 0 : i32
    %dma_wait3A_481 = arith.constant 0 : i32
    %dma_wait3A_482 = tpu.memref_slice %arg6[%dma_wait3A_472, %dma_wait3A_480, %dma_wait3A_481] : memref<4x40x128xf32, #tpu.memory_space<vmem>> -> memref<1x40x128xf32, #tpu.memory_space<vmem>>
    %dma_wait3A_483 = tpu.memref_squeeze %dma_wait3A_482 : memref<1x40x128xf32, #tpu.memory_space<vmem>> -> memref<40x128xf32, #tpu.memory_space<vmem>>
    %dma_wait3A_484 = arith.constant 0 : i32
    %dma_wait3A_485 = arith.constant 0 : i32
    %dma_wait3A_486 = tpu.memref_slice %arg3[%dma_wait3A_484, %dma_wait3A_485] : memref<400000x128xf32, #tpu.memory_space<hbm>> -> memref<40x128xf32, #tpu.memory_space<hbm>>
    tpu.wait_dma2 semaphore(%arg10 : memref<!tpu.dma_semaphore, #tpu.memory_space<semaphore_mem>>) src(%dma_wait3A_486 : memref<40x128xf32, #tpu.memory_space<hbm>>) dst(%dma_wait3A_483 : memref<40x128xf32, #tpu.memory_space<vmem>>)
    %dma_wait3A_487 = arith.constant 0 : i32
    %dma_wait3A_488 = arith.constant 0 : i32
    %dma_wait3A_489 = tpu.memref_slice %arg4[%dma_wait3A_487, %dma_wait3A_488] : memref<204800x128xf32, #tpu.memory_space<hbm>> -> memref<40x128xf32, #tpu.memory_space<hbm>>
    %dma_wait3A_490 = arith.constant 0 : i32
    %dma_wait3A_491 = arith.constant 0 : i32
    %dma_wait3A_492 = tpu.memref_slice %arg4[%dma_wait3A_490, %dma_wait3A_491] : memref<204800x128xf32, #tpu.memory_space<hbm>> -> memref<40x128xf32, #tpu.memory_space<hbm>>
    tpu.wait_dma2 semaphore(%arg12 : memref<!tpu.dma_semaphore, #tpu.memory_space<semaphore_mem>>) src(%arg8 : memref<40x128xf32, #tpu.memory_space<vmem>>) dst(%dma_wait3A_492 : memref<40x128xf32, #tpu.memory_space<hbm>>)
    %scan3A_493 = arith.constant 0 : i32
    %scan3A_494 = arith.constant 40 : i32
    %scan3A_495 = arith.addi %scan3A_493, %scan3A_494 : i32
    %scan3A_496 = arith.constant 1 : i32
    scf.for %scan3A_593 = %scan3A_493 to %scan3A_495 step %scan3A_496  : i32 {
      %mul3A_594 = arith.constant 1 : i32
      %mul3A_595 = arith.muli %scan3A_593, %mul3A_594 : i32
      %add3A_596 = arith.constant 0 : i32
      %add3A_597 = arith.addi %add3A_596, %mul3A_595 : i32
      %get3A = arith.constant 0 : i32
      %get3A_598 = arith.index_cast %get3A : i32 to index
      %get3A_599 = arith.index_cast %add3A_597 : i32 to index
      %get3A_600 = arith.constant 0 : index
      %get3A_601 = tpu.vector_load %arg6[%get3A_598, %get3A_599, %get3A_600] {strides = array<i32>} : memref<4x40x128xf32, #tpu.memory_space<vmem>>, vector<1x1x16xf32>,
      %get3A_602 = vector.shape_cast %get3A_601 : vector<1x1x16xf32> to vector<16xf32>
      %get3A_603 = arith.constant 1 : i32
      %get3A_604 = arith.index_cast %get3A_603 : i32 to index
      %get3A_605 = arith.index_cast %add3A_597 : i32 to index
      %get3A_606 = arith.constant 0 : index
      %get3A_607 = tpu.vector_load %arg6[%get3A_604, %get3A_605, %get3A_606] {strides = array<i32>} : memref<4x40x128xf32, #tpu.memory_space<vmem>>, vector<1x1x16xf32>,
      %get3A_608 = vector.shape_cast %get3A_607 : vector<1x1x16xf32> to vector<16xf32>
      %add3A_609 = arith.addf %get3A_602, %get3A_608 : vector<16xf32>
      %get3A_610 = arith.constant 2 : i32
      %get3A_611 = arith.index_cast %get3A_610 : i32 to index
      %get3A_612 = arith.index_cast %add3A_597 : i32 to index
      %get3A_613 = arith.constant 0 : index
      %get3A_614 = tpu.vector_load %arg6[%get3A_611, %get3A_612, %get3A_613] {strides = array<i32>} : memref<4x40x128xf32, #tpu.memory_space<vmem>>, vector<1x1x16xf32>,
      %get3A_615 = vector.shape_cast %get3A_614 : vector<1x1x16xf32> to vector<16xf32>
      %get3A_616 = arith.constant 3 : i32
      %get3A_617 = arith.index_cast %get3A_616 : i32 to index
      %get3A_618 = arith.index_cast %add3A_597 : i32 to index
      %get3A_619 = arith.constant 0 : index
      %get3A_620 = tpu.vector_load %arg6[%get3A_617, %get3A_618, %get3A_619] {strides = array<i32>} : memref<4x40x128xf32, #tpu.memory_space<vmem>>, vector<1x1x16xf32>,
      %get3A_621 = vector.shape_cast %get3A_620 : vector<1x1x16xf32> to vector<16xf32>
      %add3A_622 = arith.addf %get3A_615, %get3A_621 : vector<16xf32>
      %add3A_623 = arith.addf %add3A_609, %add3A_622 : vector<16xf32>
      %mul3A_624 = arith.constant 11.3137083 : f32
      %mul3A_625 = vector.broadcast %mul3A_624 : f32 to vector<16xf32>
      %mul3A_626 = arith.mulf %add3A_623, %mul3A_625 : vector<16xf32>
      %swap3A = arith.index_cast %add3A_597 : i32 to index
      %swap3A_627 = arith.constant 0 : index
      %swap3A_628 = tpu.vector_load %arg8[%swap3A, %swap3A_627] {strides = array<i32>} : memref<40x128xf32, #tpu.memory_space<vmem>>, vector<1x16xf32>,
      %swap3A_629 = vector.shape_cast %swap3A_628 : vector<1x16xf32> to vector<16xf32>
      %swap3A_630 = vector.shape_cast %mul3A_626 : vector<16xf32> to vector<1x16xf32>
      tpu.vector_store %arg8[%swap3A, %swap3A_627], %swap3A_630 {strides = array<i32>} : memref<40x128xf32, #tpu.memory_space<vmem>>, vector<1x16xf32>,
      %get3A_631 = arith.constant 0 : i32
      %get3A_632 = arith.index_cast %get3A_631 : i32 to index
      %get3A_633 = arith.index_cast %add3A_597 : i32 to index
      %get3A_634 = arith.constant 16 : index
      %get3A_635 = tpu.vector_load %arg6[%get3A_632, %get3A_633, %get3A_634] {strides = array<i32>} : memref<4x40x128xf32, #tpu.memory_space<vmem>>, vector<1x1x16xf32>,
      %get3A_636 = vector.shape_cast %get3A_635 : vector<1x1x16xf32> to vector<16xf32>
      %get3A_637 = arith.constant 1 : i32
      %get3A_638 = arith.index_cast %get3A_637 : i32 to index
      %get3A_639 = arith.index_cast %add3A_597 : i32 to index
      %get3A_640 = arith.constant 16 : index
      %get3A_641 = tpu.vector_load %arg6[%get3A_638, %get3A_639, %get3A_640] {strides = array<i32>} : memref<4x40x128xf32, #tpu.memory_space<vmem>>, vector<1x1x16xf32>,
      %get3A_642 = vector.shape_cast %get3A_641 : vector<1x1x16xf32> to vector<16xf32>
      %add3A_643 = arith.addf %get3A_636, %get3A_642 : vector<16xf32>
      %get3A_644 = arith.constant 2 : i32
      %get3A_645 = arith.index_cast %get3A_644 : i32 to index
      %get3A_646 = arith.index_cast %add3A_597 : i32 to index
      %get3A_647 = arith.constant 16 : index
      %get3A_648 = tpu.vector_load %arg6[%get3A_645, %get3A_646, %get3A_647] {strides = array<i32>} : memref<4x40x128xf32, #tpu.memory_space<vmem>>, vector<1x1x16xf32>,
      %get3A_649 = vector.shape_cast %get3A_648 : vector<1x1x16xf32> to vector<16xf32>
      %get3A_650 = arith.constant 3 : i32
      %get3A_651 = arith.index_cast %get3A_650 : i32 to index
      %get3A_652 = arith.index_cast %add3A_597 : i32 to index
      %get3A_653 = arith.constant 16 : index
      %get3A_654 = tpu.vector_load %arg6[%get3A_651, %get3A_652, %get3A_653] {strides = array<i32>} : memref<4x40x128xf32, #tpu.memory_space<vmem>>, vector<1x1x16xf32>,
      %get3A_655 = vector.shape_cast %get3A_654 : vector<1x1x16xf32> to vector<16xf32>
      %add3A_656 = arith.addf %get3A_649, %get3A_655 : vector<16xf32>
      %add3A_657 = arith.addf %add3A_643, %add3A_656 : vector<16xf32>
      %mul3A_658 = arith.constant 11.3137083 : f32
      %mul3A_659 = vector.broadcast %mul3A_658 : f32 to vector<16xf32>
      %mul3A_660 = arith.mulf %add3A_657, %mul3A_659 : vector<16xf32>
      %swap3A_661 = arith.index_cast %add3A_597 : i32 to index
      %swap3A_662 = arith.constant 16 : index
      %swap3A_663 = tpu.vector_load %arg8[%swap3A_661, %swap3A_662] {strides = array<i32>} : memref<40x128xf32, #tpu.memory_space<vmem>>, vector<1x16xf32>,
      %swap3A_664 = vector.shape_cast %swap3A_663 : vector<1x16xf32> to vector<16xf32>
      %swap3A_665 = vector.shape_cast %mul3A_660 : vector<16xf32> to vector<1x16xf32>
      tpu.vector_store %arg8[%swap3A_661, %swap3A_662], %swap3A_665 {strides = array<i32>} : memref<40x128xf32, #tpu.memory_space<vmem>>, vector<1x16xf32>,
      %get3A_666 = arith.constant 0 : i32
      %get3A_667 = arith.index_cast %get3A_666 : i32 to index
      %get3A_668 = arith.index_cast %add3A_597 : i32 to index
      %get3A_669 = arith.constant 32 : index
      %get3A_670 = tpu.vector_load %arg6[%get3A_667, %get3A_668, %get3A_669] {strides = array<i32>} : memref<4x40x128xf32, #tpu.memory_space<vmem>>, vector<1x1x16xf32>,
      %get3A_671 = vector.shape_cast %get3A_670 : vector<1x1x16xf32> to vector<16xf32>
      %get3A_672 = arith.constant 1 : i32
      %get3A_673 = arith.index_cast %get3A_672 : i32 to index
      %get3A_674 = arith.index_cast %add3A_597 : i32 to index
      %get3A_675 = arith.constant 32 : index
      %get3A_676 = tpu.vector_load %arg6[%get3A_673, %get3A_674, %get3A_675] {strides = array<i32>} : memref<4x40x128xf32, #tpu.memory_space<vmem>>, vector<1x1x16xf32>,
      %get3A_677 = vector.shape_cast %get3A_676 : vector<1x1x16xf32> to vector<16xf32>
      %add3A_678 = arith.addf %get3A_671, %get3A_677 : vector<16xf32>
      %get3A_679 = arith.constant 2 : i32
      %get3A_680 = arith.index_cast %get3A_679 : i32 to index
      %get3A_681 = arith.index_cast %add3A_597 : i32 to index
      %get3A_682 = arith.constant 32 : index
      %get3A_683 = tpu.vector_load %arg6[%get3A_680, %get3A_681, %get3A_682] {strides = array<i32>} : memref<4x40x128xf32, #tpu.memory_space<vmem>>, vector<1x1x16xf32>,
      %get3A_684 = vector.shape_cast %get3A_683 : vector<1x1x16xf32> to vector<16xf32>
      %get3A_685 = arith.constant 3 : i32
      %get3A_686 = arith.index_cast %get3A_685 : i32 to index
      %get3A_687 = arith.index_cast %add3A_597 : i32 to index
      %get3A_688 = arith.constant 32 : index
      %get3A_689 = tpu.vector_load %arg6[%get3A_686, %get3A_687, %get3A_688] {strides = array<i32>} : memref<4x40x128xf32, #tpu.memory_space<vmem>>, vector<1x1x16xf32>,
      %get3A_690 = vector.shape_cast %get3A_689 : vector<1x1x16xf32> to vector<16xf32>
      %add3A_691 = arith.addf %get3A_684, %get3A_690 : vector<16xf32>
      %add3A_692 = arith.addf %add3A_678, %add3A_691 : vector<16xf32>
      %mul3A_693 = arith.constant 11.3137083 : f32
      %mul3A_694 = vector.broadcast %mul3A_693 : f32 to vector<16xf32>
      %mul3A_695 = arith.mulf %add3A_692, %mul3A_694 : vector<16xf32>
      %swap3A_696 = arith.index_cast %add3A_597 : i32 to index
      %swap3A_697 = arith.constant 32 : index
      %swap3A_698 = tpu.vector_load %arg8[%swap3A_696, %swap3A_697] {strides = array<i32>} : memref<40x128xf32, #tpu.memory_space<vmem>>, vector<1x16xf32>,
      %swap3A_699 = vector.shape_cast %swap3A_698 : vector<1x16xf32> to vector<16xf32>
      %swap3A_700 = vector.shape_cast %mul3A_695 : vector<16xf32> to vector<1x16xf32>
      tpu.vector_store %arg8[%swap3A_696, %swap3A_697], %swap3A_700 {strides = array<i32>} : memref<40x128xf32, #tpu.memory_space<vmem>>, vector<1x16xf32>,
      %get3A_701 = arith.constant 0 : i32
      %get3A_702 = arith.index_cast %get3A_701 : i32 to index
      %get3A_703 = arith.index_cast %add3A_597 : i32 to index
      %get3A_704 = arith.constant 48 : index
      %get3A_705 = tpu.vector_load %arg6[%get3A_702, %get3A_703, %get3A_704] {strides = array<i32>} : memref<4x40x128xf32, #tpu.memory_space<vmem>>, vector<1x1x16xf32>,
      %get3A_706 = vector.shape_cast %get3A_705 : vector<1x1x16xf32> to vector<16xf32>
      %get3A_707 = arith.constant 1 : i32
      %get3A_708 = arith.index_cast %get3A_707 : i32 to index
      %get3A_709 = arith.index_cast %add3A_597 : i32 to index
      %get3A_710 = arith.constant 48 : index
      %get3A_711 = tpu.vector_load %arg6[%get3A_708, %get3A_709, %get3A_710] {strides = array<i32>} : memref<4x40x128xf32, #tpu.memory_space<vmem>>, vector<1x1x16xf32>,
      %get3A_712 = vector.shape_cast %get3A_711 : vector<1x1x16xf32> to vector<16xf32>
      %add3A_713 = arith.addf %get3A_706, %get3A_712 : vector<16xf32>
      %get3A_714 = arith.constant 2 : i32
      %get3A_715 = arith.index_cast %get3A_714 : i32 to index
      %get3A_716 = arith.index_cast %add3A_597 : i32 to index
      %get3A_717 = arith.constant 48 : index
      %get3A_718 = tpu.vector_load %arg6[%get3A_715, %get3A_716, %get3A_717] {strides = array<i32>} : memref<4x40x128xf32, #tpu.memory_space<vmem>>, vector<1x1x16xf32>,
      %get3A_719 = vector.shape_cast %get3A_718 : vector<1x1x16xf32> to vector<16xf32>
      %get3A_720 = arith.constant 3 : i32
      %get3A_721 = arith.index_cast %get3A_720 : i32 to index
      %get3A_722 = arith.index_cast %add3A_597 : i32 to index
      %get3A_723 = arith.constant 48 : index
      %get3A_724 = tpu.vector_load %arg6[%get3A_721, %get3A_722, %get3A_723] {strides = array<i32>} : memref<4x40x128xf32, #tpu.memory_space<vmem>>, vector<1x1x16xf32>,
      %get3A_725 = vector.shape_cast %get3A_724 : vector<1x1x16xf32> to vector<16xf32>
      %add3A_726 = arith.addf %get3A_719, %get3A_725 : vector<16xf32>
      %add3A_727 = arith.addf %add3A_713, %add3A_726 : vector<16xf32>
      %mul3A_728 = arith.constant 11.3137083 : f32
      %mul3A_729 = vector.broadcast %mul3A_728 : f32 to vector<16xf32>
      %mul3A_730 = arith.mulf %add3A_727, %mul3A_729 : vector<16xf32>
      %swap3A_731 = arith.index_cast %add3A_597 : i32 to index
      %swap3A_732 = arith.constant 48 : index
      %swap3A_733 = tpu.vector_load %arg8[%swap3A_731, %swap3A_732] {strides = array<i32>} : memref<40x128xf32, #tpu.memory_space<vmem>>, vector<1x16xf32>,
      %swap3A_734 = vector.shape_cast %swap3A_733 : vector<1x16xf32> to vector<16xf32>
      %swap3A_735 = vector.shape_cast %mul3A_730 : vector<16xf32> to vector<1x16xf32>
      tpu.vector_store %arg8[%swap3A_731, %swap3A_732], %swap3A_735 {strides = array<i32>} : memref<40x128xf32, #tpu.memory_space<vmem>>, vector<1x16xf32>,
      %get3A_736 = arith.constant 0 : i32
      %get3A_737 = arith.index_cast %get3A_736 : i32 to index
      %get3A_738 = arith.index_cast %add3A_597 : i32 to index
      %get3A_739 = arith.constant 64 : index
      %get3A_740 = tpu.vector_load %arg6[%get3A_737, %get3A_738, %get3A_739] {strides = array<i32>} : memref<4x40x128xf32, #tpu.memory_space<vmem>>, vector<1x1x16xf32>,
      %get3A_741 = vector.shape_cast %get3A_740 : vector<1x1x16xf32> to vector<16xf32>
      %get3A_742 = arith.constant 1 : i32
      %get3A_743 = arith.index_cast %get3A_742 : i32 to index
      %get3A_744 = arith.index_cast %add3A_597 : i32 to index
      %get3A_745 = arith.constant 64 : index
      %get3A_746 = tpu.vector_load %arg6[%get3A_743, %get3A_744, %get3A_745] {strides = array<i32>} : memref<4x40x128xf32, #tpu.memory_space<vmem>>, vector<1x1x16xf32>,
      %get3A_747 = vector.shape_cast %get3A_746 : vector<1x1x16xf32> to vector<16xf32>
      %add3A_748 = arith.addf %get3A_741, %get3A_747 : vector<16xf32>
      %get3A_749 = arith.constant 2 : i32
      %get3A_750 = arith.index_cast %get3A_749 : i32 to index
      %get3A_751 = arith.index_cast %add3A_597 : i32 to index
      %get3A_752 = arith.constant 64 : index
      %get3A_753 = tpu.vector_load %arg6[%get3A_750, %get3A_751, %get3A_752] {strides = array<i32>} : memref<4x40x128xf32, #tpu.memory_space<vmem>>, vector<1x1x16xf32>,
      %get3A_754 = vector.shape_cast %get3A_753 : vector<1x1x16xf32> to vector<16xf32>
      %get3A_755 = arith.constant 3 : i32
      %get3A_756 = arith.index_cast %get3A_755 : i32 to index
      %get3A_757 = arith.index_cast %add3A_597 : i32 to index
      %get3A_758 = arith.constant 64 : index
      %get3A_759 = tpu.vector_load %arg6[%get3A_756, %get3A_757, %get3A_758] {strides = array<i32>} : memref<4x40x128xf32, #tpu.memory_space<vmem>>, vector<1x1x16xf32>,
      %get3A_760 = vector.shape_cast %get3A_759 : vector<1x1x16xf32> to vector<16xf32>
      %add3A_761 = arith.addf %get3A_754, %get3A_760 : vector<16xf32>
      %add3A_762 = arith.addf %add3A_748, %add3A_761 : vector<16xf32>
      %mul3A_763 = arith.constant 11.3137083 : f32
      %mul3A_764 = vector.broadcast %mul3A_763 : f32 to vector<16xf32>
      %mul3A_765 = arith.mulf %add3A_762, %mul3A_764 : vector<16xf32>
      %swap3A_766 = arith.index_cast %add3A_597 : i32 to index
      %swap3A_767 = arith.constant 64 : index
      %swap3A_768 = tpu.vector_load %arg8[%swap3A_766, %swap3A_767] {strides = array<i32>} : memref<40x128xf32, #tpu.memory_space<vmem>>, vector<1x16xf32>,
      %swap3A_769 = vector.shape_cast %swap3A_768 : vector<1x16xf32> to vector<16xf32>
      %swap3A_770 = vector.shape_cast %mul3A_765 : vector<16xf32> to vector<1x16xf32>
      tpu.vector_store %arg8[%swap3A_766, %swap3A_767], %swap3A_770 {strides = array<i32>} : memref<40x128xf32, #tpu.memory_space<vmem>>, vector<1x16xf32>,
      %get3A_771 = arith.constant 0 : i32
      %get3A_772 = arith.index_cast %get3A_771 : i32 to index
      %get3A_773 = arith.index_cast %add3A_597 : i32 to index
      %get3A_774 = arith.constant 80 : index
      %get3A_775 = tpu.vector_load %arg6[%get3A_772, %get3A_773, %get3A_774] {strides = array<i32>} : memref<4x40x128xf32, #tpu.memory_space<vmem>>, vector<1x1x16xf32>,
      %get3A_776 = vector.shape_cast %get3A_775 : vector<1x1x16xf32> to vector<16xf32>
      %get3A_777 = arith.constant 1 : i32
      %get3A_778 = arith.index_cast %get3A_777 : i32 to index
      %get3A_779 = arith.index_cast %add3A_597 : i32 to index
      %get3A_780 = arith.constant 80 : index
      %get3A_781 = tpu.vector_load %arg6[%get3A_778, %get3A_779, %get3A_780] {strides = array<i32>} : memref<4x40x128xf32, #tpu.memory_space<vmem>>, vector<1x1x16xf32>,
      %get3A_782 = vector.shape_cast %get3A_781 : vector<1x1x16xf32> to vector<16xf32>
      %add3A_783 = arith.addf %get3A_776, %get3A_782 : vector<16xf32>
      %get3A_784 = arith.constant 2 : i32
      %get3A_785 = arith.index_cast %get3A_784 : i32 to index
      %get3A_786 = arith.index_cast %add3A_597 : i32 to index
      %get3A_787 = arith.constant 80 : index
      %get3A_788 = tpu.vector_load %arg6[%get3A_785, %get3A_786, %get3A_787] {strides = array<i32>} : memref<4x40x128xf32, #tpu.memory_space<vmem>>, vector<1x1x16xf32>,
      %get3A_789 = vector.shape_cast %get3A_788 : vector<1x1x16xf32> to vector<16xf32>
      %get3A_790 = arith.constant 3 : i32
      %get3A_791 = arith.index_cast %get3A_790 : i32 to index
      %get3A_792 = arith.index_cast %add3A_597 : i32 to index
      %get3A_793 = arith.constant 80 : index
      %get3A_794 = tpu.vector_load %arg6[%get3A_791, %get3A_792, %get3A_793] {strides = array<i32>} : memref<4x40x128xf32, #tpu.memory_space<vmem>>, vector<1x1x16xf32>,
      %get3A_795 = vector.shape_cast %get3A_794 : vector<1x1x16xf32> to vector<16xf32>
      %add3A_796 = arith.addf %get3A_789, %get3A_795 : vector<16xf32>
      %add3A_797 = arith.addf %add3A_783, %add3A_796 : vector<16xf32>
      %mul3A_798 = arith.constant 11.3137083 : f32
      %mul3A_799 = vector.broadcast %mul3A_798 : f32 to vector<16xf32>
      %mul3A_800 = arith.mulf %add3A_797, %mul3A_799 : vector<16xf32>
      %swap3A_801 = arith.index_cast %add3A_597 : i32 to index
      %swap3A_802 = arith.constant 80 : index
      %swap3A_803 = tpu.vector_load %arg8[%swap3A_801, %swap3A_802] {strides = array<i32>} : memref<40x128xf32, #tpu.memory_space<vmem>>, vector<1x16xf32>,
      %swap3A_804 = vector.shape_cast %swap3A_803 : vector<1x16xf32> to vector<16xf32>
      %swap3A_805 = vector.shape_cast %mul3A_800 : vector<16xf32> to vector<1x16xf32>
      tpu.vector_store %arg8[%swap3A_801, %swap3A_802], %swap3A_805 {strides = array<i32>} : memref<40x128xf32, #tpu.memory_space<vmem>>, vector<1x16xf32>,
      %get3A_806 = arith.constant 0 : i32
      %get3A_807 = arith.index_cast %get3A_806 : i32 to index
      %get3A_808 = arith.index_cast %add3A_597 : i32 to index
      %get3A_809 = arith.constant 96 : index
      %get3A_810 = tpu.vector_load %arg6[%get3A_807, %get3A_808, %get3A_809] {strides = array<i32>} : memref<4x40x128xf32, #tpu.memory_space<vmem>>, vector<1x1x16xf32>,
      %get3A_811 = vector.shape_cast %get3A_810 : vector<1x1x16xf32> to vector<16xf32>
      %get3A_812 = arith.constant 1 : i32
      %get3A_813 = arith.index_cast %get3A_812 : i32 to index
      %get3A_814 = arith.index_cast %add3A_597 : i32 to index
      %get3A_815 = arith.constant 96 : index
      %get3A_816 = tpu.vector_load %arg6[%get3A_813, %get3A_814, %get3A_815] {strides = array<i32>} : memref<4x40x128xf32, #tpu.memory_space<vmem>>, vector<1x1x16xf32>,
      %get3A_817 = vector.shape_cast %get3A_816 : vector<1x1x16xf32> to vector<16xf32>
      %add3A_818 = arith.addf %get3A_811, %get3A_817 : vector<16xf32>
      %get3A_819 = arith.constant 2 : i32
      %get3A_820 = arith.index_cast %get3A_819 : i32 to index
      %get3A_821 = arith.index_cast %add3A_597 : i32 to index
      %get3A_822 = arith.constant 96 : index
      %get3A_823 = tpu.vector_load %arg6[%get3A_820, %get3A_821, %get3A_822] {strides = array<i32>} : memref<4x40x128xf32, #tpu.memory_space<vmem>>, vector<1x1x16xf32>,
      %get3A_824 = vector.shape_cast %get3A_823 : vector<1x1x16xf32> to vector<16xf32>
      %get3A_825 = arith.constant 3 : i32
      %get3A_826 = arith.index_cast %get3A_825 : i32 to index
      %get3A_827 = arith.index_cast %add3A_597 : i32 to index
      %get3A_828 = arith.constant 96 : index
      %get3A_829 = tpu.vector_load %arg6[%get3A_826, %get3A_827, %get3A_828] {strides = array<i32>} : memref<4x40x128xf32, #tpu.memory_space<vmem>>, vector<1x1x16xf32>,
      %get3A_830 = vector.shape_cast %get3A_829 : vector<1x1x16xf32> to vector<16xf32>
      %add3A_831 = arith.addf %get3A_824, %get3A_830 : vector<16xf32>
      %add3A_832 = arith.addf %add3A_818, %add3A_831 : vector<16xf32>
      %mul3A_833 = arith.constant 11.3137083 : f32
      %mul3A_834 = vector.broadcast %mul3A_833 : f32 to vector<16xf32>
      %mul3A_835 = arith.mulf %add3A_832, %mul3A_834 : vector<16xf32>
      %swap3A_836 = arith.index_cast %add3A_597 : i32 to index
      %swap3A_837 = arith.constant 96 : index
      %swap3A_838 = tpu.vector_load %arg8[%swap3A_836, %swap3A_837] {strides = array<i32>} : memref<40x128xf32, #tpu.memory_space<vmem>>, vector<1x16xf32>,
      %swap3A_839 = vector.shape_cast %swap3A_838 : vector<1x16xf32> to vector<16xf32>
      %swap3A_840 = vector.shape_cast %mul3A_835 : vector<16xf32> to vector<1x16xf32>
      tpu.vector_store %arg8[%swap3A_836, %swap3A_837], %swap3A_840 {strides = array<i32>} : memref<40x128xf32, #tpu.memory_space<vmem>>, vector<1x16xf32>,
      %get3A_841 = arith.constant 0 : i32
      %get3A_842 = arith.index_cast %get3A_841 : i32 to index
      %get3A_843 = arith.index_cast %add3A_597 : i32 to index
      %get3A_844 = arith.constant 112 : index
      %get3A_845 = tpu.vector_load %arg6[%get3A_842, %get3A_843, %get3A_844] {strides = array<i32>} : memref<4x40x128xf32, #tpu.memory_space<vmem>>, vector<1x1x16xf32>,
      %get3A_846 = vector.shape_cast %get3A_845 : vector<1x1x16xf32> to vector<16xf32>
      %get3A_847 = arith.constant 1 : i32
      %get3A_848 = arith.index_cast %get3A_847 : i32 to index
      %get3A_849 = arith.index_cast %add3A_597 : i32 to index
      %get3A_850 = arith.constant 112 : index
      %get3A_851 = tpu.vector_load %arg6[%get3A_848, %get3A_849, %get3A_850] {strides = array<i32>} : memref<4x40x128xf32, #tpu.memory_space<vmem>>, vector<1x1x16xf32>,
      %get3A_852 = vector.shape_cast %get3A_851 : vector<1x1x16xf32> to vector<16xf32>
      %add3A_853 = arith.addf %get3A_846, %get3A_852 : vector<16xf32>
      %get3A_854 = arith.constant 2 : i32
      %get3A_855 = arith.index_cast %get3A_854 : i32 to index
      %get3A_856 = arith.index_cast %add3A_597 : i32 to index
      %get3A_857 = arith.constant 112 : index
      %get3A_858 = tpu.vector_load %arg6[%get3A_855, %get3A_856, %get3A_857] {strides = array<i32>} : memref<4x40x128xf32, #tpu.memory_space<vmem>>, vector<1x1x16xf32>,
      %get3A_859 = vector.shape_cast %get3A_858 : vector<1x1x16xf32> to vector<16xf32>
      %get3A_860 = arith.constant 3 : i32
      %get3A_861 = arith.index_cast %get3A_860 : i32 to index
      %get3A_862 = arith.index_cast %add3A_597 : i32 to index
      %get3A_863 = arith.constant 112 : index
      %get3A_864 = tpu.vector_load %arg6[%get3A_861, %get3A_862, %get3A_863] {strides = array<i32>} : memref<4x40x128xf32, #tpu.memory_space<vmem>>, vector<1x1x16xf32>,
      %get3A_865 = vector.shape_cast %get3A_864 : vector<1x1x16xf32> to vector<16xf32>
      %add3A_866 = arith.addf %get3A_859, %get3A_865 : vector<16xf32>
      %add3A_867 = arith.addf %add3A_853, %add3A_866 : vector<16xf32>
      %mul3A_868 = arith.constant 11.3137083 : f32
      %mul3A_869 = vector.broadcast %mul3A_868 : f32 to vector<16xf32>
      %mul3A_870 = arith.mulf %add3A_867, %mul3A_869 : vector<16xf32>
      %swap3A_871 = arith.index_cast %add3A_597 : i32 to index
      %swap3A_872 = arith.constant 112 : index
      %swap3A_873 = tpu.vector_load %arg8[%swap3A_871, %swap3A_872] {strides = array<i32>} : memref<40x128xf32, #tpu.memory_space<vmem>>, vector<1x16xf32>,
      %swap3A_874 = vector.shape_cast %swap3A_873 : vector<1x16xf32> to vector<16xf32>
      %swap3A_875 = vector.shape_cast %mul3A_870 : vector<16xf32> to vector<1x16xf32>
      tpu.vector_store %arg8[%swap3A_871, %swap3A_872], %swap3A_875 {strides = array<i32>} : memref<40x128xf32, #tpu.memory_space<vmem>>, vector<1x16xf32>,
    }
    %scan3A_497 = arith.constant 40 : i32
    %add3A_498 = arith.constant 6320 : i32
    %add3A_499 = arith.addi %mul3A_2, %add3A_498 : i32
    %dma_start3A_500 = arith.constant 0 : i32
    %dma_start3A_501 = tpu.memref_slice %arg4[%add3A_499, %dma_start3A_500] : memref<204800x128xf32, #tpu.memory_space<hbm>> -> memref<40x128xf32, #tpu.memory_space<hbm>>
    %dma_start3A_502 = arith.constant 0 : i32
    %dma_start3A_503 = tpu.memref_slice %arg4[%add3A_499, %dma_start3A_502] : memref<204800x128xf32, #tpu.memory_space<hbm>> -> memref<40x128xf32, #tpu.memory_space<hbm>>
    tpu.enqueue_dma source(%arg8 : memref<40x128xf32, #tpu.memory_space<vmem>>) target(%dma_start3A_503 : memref<40x128xf32, #tpu.memory_space<hbm>>) target_semaphore(%arg12 : memref<!tpu.dma_semaphore, #tpu.memory_space<semaphore_mem>>)
    %dma_wait3A_504 = arith.constant 0 : i32
    %dma_wait3A_505 = arith.constant 0 : i32
    %dma_wait3A_506 = arith.constant 0 : i32
    %dma_wait3A_507 = tpu.memref_slice %arg7[%dma_wait3A_504, %dma_wait3A_505, %dma_wait3A_506] : memref<4x40x128xf32, #tpu.memory_space<vmem>> -> memref<1x40x128xf32, #tpu.memory_space<vmem>>
    %dma_wait3A_508 = tpu.memref_squeeze %dma_wait3A_507 : memref<1x40x128xf32, #tpu.memory_space<vmem>> -> memref<40x128xf32, #tpu.memory_space<vmem>>
    %dma_wait3A_509 = arith.constant 0 : i32
    %dma_wait3A_510 = arith.constant 0 : i32
    %dma_wait3A_511 = tpu.memref_slice %arg3[%dma_wait3A_509, %dma_wait3A_510] : memref<400000x128xf32, #tpu.memory_space<hbm>> -> memref<40x128xf32, #tpu.memory_space<hbm>>
    %dma_wait3A_512 = arith.constant 0 : i32
    %dma_wait3A_513 = arith.constant 0 : i32
    %dma_wait3A_514 = tpu.memref_slice %arg7[%dma_wait3A_504, %dma_wait3A_512, %dma_wait3A_513] : memref<4x40x128xf32, #tpu.memory_space<vmem>> -> memref<1x40x128xf32, #tpu.memory_space<vmem>>
    %dma_wait3A_515 = tpu.memref_squeeze %dma_wait3A_514 : memref<1x40x128xf32, #tpu.memory_space<vmem>> -> memref<40x128xf32, #tpu.memory_space<vmem>>
    %dma_wait3A_516 = arith.constant 0 : i32
    %dma_wait3A_517 = arith.constant 0 : i32
    %dma_wait3A_518 = tpu.memref_slice %arg3[%dma_wait3A_516, %dma_wait3A_517] : memref<400000x128xf32, #tpu.memory_space<hbm>> -> memref<40x128xf32, #tpu.memory_space<hbm>>
    tpu.wait_dma2 semaphore(%arg11 : memref<!tpu.dma_semaphore, #tpu.memory_space<semaphore_mem>>) src(%dma_wait3A_518 : memref<40x128xf32, #tpu.memory_space<hbm>>) dst(%dma_wait3A_515 : memref<40x128xf32, #tpu.memory_space<vmem>>)
    %dma_wait3A_519 = arith.constant 1 : i32
    %dma_wait3A_520 = arith.constant 0 : i32
    %dma_wait3A_521 = arith.constant 0 : i32
    %dma_wait3A_522 = tpu.memref_slice %arg7[%dma_wait3A_519, %dma_wait3A_520, %dma_wait3A_521] : memref<4x40x128xf32, #tpu.memory_space<vmem>> -> memref<1x40x128xf32, #tpu.memory_space<vmem>>
    %dma_wait3A_523 = tpu.memref_squeeze %dma_wait3A_522 : memref<1x40x128xf32, #tpu.memory_space<vmem>> -> memref<40x128xf32, #tpu.memory_space<vmem>>
    %dma_wait3A_524 = arith.constant 0 : i32
    %dma_wait3A_525 = arith.constant 0 : i32
    %dma_wait3A_526 = tpu.memref_slice %arg3[%dma_wait3A_524, %dma_wait3A_525] : memref<400000x128xf32, #tpu.memory_space<hbm>> -> memref<40x128xf32, #tpu.memory_space<hbm>>
    %dma_wait3A_527 = arith.constant 0 : i32
    %dma_wait3A_528 = arith.constant 0 : i32
    %dma_wait3A_529 = tpu.memref_slice %arg7[%dma_wait3A_519, %dma_wait3A_527, %dma_wait3A_528] : memref<4x40x128xf32, #tpu.memory_space<vmem>> -> memref<1x40x128xf32, #tpu.memory_space<vmem>>
    %dma_wait3A_530 = tpu.memref_squeeze %dma_wait3A_529 : memref<1x40x128xf32, #tpu.memory_space<vmem>> -> memref<40x128xf32, #tpu.memory_space<vmem>>
    %dma_wait3A_531 = arith.constant 0 : i32
    %dma_wait3A_532 = arith.constant 0 : i32
    %dma_wait3A_533 = tpu.memref_slice %arg3[%dma_wait3A_531, %dma_wait3A_532] : memref<400000x128xf32, #tpu.memory_space<hbm>> -> memref<40x128xf32, #tpu.memory_space<hbm>>
    tpu.wait_dma2 semaphore(%arg11 : memref<!tpu.dma_semaphore, #tpu.memory_space<semaphore_mem>>) src(%dma_wait3A_533 : memref<40x128xf32, #tpu.memory_space<hbm>>) dst(%dma_wait3A_530 : memref<40x128xf32, #tpu.memory_space<vmem>>)
    %dma_wait3A_534 = arith.constant 2 : i32
    %dma_wait3A_535 = arith.constant 0 : i32
    %dma_wait3A_536 = arith.constant 0 : i32
    %dma_wait3A_537 = tpu.memref_slice %arg7[%dma_wait3A_534, %dma_wait3A_535, %dma_wait3A_536] : memref<4x40x128xf32, #tpu.memory_space<vmem>> -> memref<1x40x128xf32, #tpu.memory_space<vmem>>
    %dma_wait3A_538 = tpu.memref_squeeze %dma_wait3A_537 : memref<1x40x128xf32, #tpu.memory_space<vmem>> -> memref<40x128xf32, #tpu.memory_space<vmem>>
    %dma_wait3A_539 = arith.constant 0 : i32
    %dma_wait3A_540 = arith.constant 0 : i32
    %dma_wait3A_541 = tpu.memref_slice %arg3[%dma_wait3A_539, %dma_wait3A_540] : memref<400000x128xf32, #tpu.memory_space<hbm>> -> memref<40x128xf32, #tpu.memory_space<hbm>>
    %dma_wait3A_542 = arith.constant 0 : i32
    %dma_wait3A_543 = arith.constant 0 : i32
    %dma_wait3A_544 = tpu.memref_slice %arg7[%dma_wait3A_534, %dma_wait3A_542, %dma_wait3A_543] : memref<4x40x128xf32, #tpu.memory_space<vmem>> -> memref<1x40x128xf32, #tpu.memory_space<vmem>>
    %dma_wait3A_545 = tpu.memref_squeeze %dma_wait3A_544 : memref<1x40x128xf32, #tpu.memory_space<vmem>> -> memref<40x128xf32, #tpu.memory_space<vmem>>
    %dma_wait3A_546 = arith.constant 0 : i32
    %dma_wait3A_547 = arith.constant 0 : i32
    %dma_wait3A_548 = tpu.memref_slice %arg3[%dma_wait3A_546, %dma_wait3A_547] : memref<400000x128xf32, #tpu.memory_space<hbm>> -> memref<40x128xf32, #tpu.memory_space<hbm>>
    tpu.wait_dma2 semaphore(%arg11 : memref<!tpu.dma_semaphore, #tpu.memory_space<semaphore_mem>>) src(%dma_wait3A_548 : memref<40x128xf32, #tpu.memory_space<hbm>>) dst(%dma_wait3A_545 : memref<40x128xf32, #tpu.memory_space<vmem>>)
    %dma_wait3A_549 = arith.constant 3 : i32
    %dma_wait3A_550 = arith.constant 0 : i32
    %dma_wait3A_551 = arith.constant 0 : i32
    %dma_wait3A_552 = tpu.memref_slice %arg7[%dma_wait3A_549, %dma_wait3A_550, %dma_wait3A_551] : memref<4x40x128xf32, #tpu.memory_space<vmem>> -> memref<1x40x128xf32, #tpu.memory_space<vmem>>
    %dma_wait3A_553 = tpu.memref_squeeze %dma_wait3A_552 : memref<1x40x128xf32, #tpu.memory_space<vmem>> -> memref<40x128xf32, #tpu.memory_space<vmem>>
    %dma_wait3A_554 = arith.constant 0 : i32
    %dma_wait3A_555 = arith.constant 0 : i32
    %dma_wait3A_556 = tpu.memref_slice %arg3[%dma_wait3A_554, %dma_wait3A_555] : memref<400000x128xf32, #tpu.memory_space<hbm>> -> memref<40x128xf32, #tpu.memory_space<hbm>>
    %dma_wait3A_557 = arith.constant 0 : i32
    %dma_wait3A_558 = arith.constant 0 : i32
    %dma_wait3A_559 = tpu.memref_slice %arg7[%dma_wait3A_549, %dma_wait3A_557, %dma_wait3A_558] : memref<4x40x128xf32, #tpu.memory_space<vmem>> -> memref<1x40x128xf32, #tpu.memory_space<vmem>>
    %dma_wait3A_560 = tpu.memref_squeeze %dma_wait3A_559 : memref<1x40x128xf32, #tpu.memory_space<vmem>> -> memref<40x128xf32, #tpu.memory_space<vmem>>
    %dma_wait3A_561 = arith.constant 0 : i32
    %dma_wait3A_562 = arith.constant 0 : i32
    %dma_wait3A_563 = tpu.memref_slice %arg3[%dma_wait3A_561, %dma_wait3A_562] : memref<400000x128xf32, #tpu.memory_space<hbm>> -> memref<40x128xf32, #tpu.memory_space<hbm>>
    tpu.wait_dma2 semaphore(%arg11 : memref<!tpu.dma_semaphore, #tpu.memory_space<semaphore_mem>>) src(%dma_wait3A_563 : memref<40x128xf32, #tpu.memory_space<hbm>>) dst(%dma_wait3A_560 : memref<40x128xf32, #tpu.memory_space<vmem>>)
    %dma_wait3A_564 = arith.constant 0 : i32
    %dma_wait3A_565 = arith.constant 0 : i32
    %dma_wait3A_566 = tpu.memref_slice %arg4[%dma_wait3A_564, %dma_wait3A_565] : memref<204800x128xf32, #tpu.memory_space<hbm>> -> memref<40x128xf32, #tpu.memory_space<hbm>>
    %dma_wait3A_567 = arith.constant 0 : i32
    %dma_wait3A_568 = arith.constant 0 : i32
    %dma_wait3A_569 = tpu.memref_slice %arg4[%dma_wait3A_567, %dma_wait3A_568] : memref<204800x128xf32, #tpu.memory_space<hbm>> -> memref<40x128xf32, #tpu.memory_space<hbm>>
    tpu.wait_dma2 semaphore(%arg13 : memref<!tpu.dma_semaphore, #tpu.memory_space<semaphore_mem>>) src(%arg9 : memref<40x128xf32, #tpu.memory_space<vmem>>) dst(%dma_wait3A_569 : memref<40x128xf32, #tpu.memory_space<hbm>>)
    %scan3A_570 = arith.constant 0 : i32
    %scan3A_571 = arith.constant 40 : i32
    %scan3A_572 = arith.addi %scan3A_570, %scan3A_571 : i32
    %scan3A_573 = arith.constant 1 : i32
    scf.for %scan3A_593 = %scan3A_570 to %scan3A_572 step %scan3A_573  : i32 {
      %mul3A_594 = arith.constant 1 : i32
      %mul3A_595 = arith.muli %scan3A_593, %mul3A_594 : i32
      %add3A_596 = arith.constant 0 : i32
      %add3A_597 = arith.addi %add3A_596, %mul3A_595 : i32
      %get3A = arith.constant 0 : i32
      %get3A_598 = arith.index_cast %get3A : i32 to index
      %get3A_599 = arith.index_cast %add3A_597 : i32 to index
      %get3A_600 = arith.constant 0 : index
      %get3A_601 = tpu.vector_load %arg7[%get3A_598, %get3A_599, %get3A_600] {strides = array<i32>} : memref<4x40x128xf32, #tpu.memory_space<vmem>>, vector<1x1x16xf32>,
      %get3A_602 = vector.shape_cast %get3A_601 : vector<1x1x16xf32> to vector<16xf32>
      %get3A_603 = arith.constant 1 : i32
      %get3A_604 = arith.index_cast %get3A_603 : i32 to index
      %get3A_605 = arith.index_cast %add3A_597 : i32 to index
      %get3A_606 = arith.constant 0 : index
      %get3A_607 = tpu.vector_load %arg7[%get3A_604, %get3A_605, %get3A_606] {strides = array<i32>} : memref<4x40x128xf32, #tpu.memory_space<vmem>>, vector<1x1x16xf32>,
      %get3A_608 = vector.shape_cast %get3A_607 : vector<1x1x16xf32> to vector<16xf32>
      %add3A_609 = arith.addf %get3A_602, %get3A_608 : vector<16xf32>
      %get3A_610 = arith.constant 2 : i32
      %get3A_611 = arith.index_cast %get3A_610 : i32 to index
      %get3A_612 = arith.index_cast %add3A_597 : i32 to index
      %get3A_613 = arith.constant 0 : index
      %get3A_614 = tpu.vector_load %arg7[%get3A_611, %get3A_612, %get3A_613] {strides = array<i32>} : memref<4x40x128xf32, #tpu.memory_space<vmem>>, vector<1x1x16xf32>,
      %get3A_615 = vector.shape_cast %get3A_614 : vector<1x1x16xf32> to vector<16xf32>
      %get3A_616 = arith.constant 3 : i32
      %get3A_617 = arith.index_cast %get3A_616 : i32 to index
      %get3A_618 = arith.index_cast %add3A_597 : i32 to index
      %get3A_619 = arith.constant 0 : index
      %get3A_620 = tpu.vector_load %arg7[%get3A_617, %get3A_618, %get3A_619] {strides = array<i32>} : memref<4x40x128xf32, #tpu.memory_space<vmem>>, vector<1x1x16xf32>,
      %get3A_621 = vector.shape_cast %get3A_620 : vector<1x1x16xf32> to vector<16xf32>
      %add3A_622 = arith.addf %get3A_615, %get3A_621 : vector<16xf32>
      %add3A_623 = arith.addf %add3A_609, %add3A_622 : vector<16xf32>
      %mul3A_624 = arith.constant 11.3137083 : f32
      %mul3A_625 = vector.broadcast %mul3A_624 : f32 to vector<16xf32>
      %mul3A_626 = arith.mulf %add3A_623, %mul3A_625 : vector<16xf32>
      %swap3A = arith.index_cast %add3A_597 : i32 to index
      %swap3A_627 = arith.constant 0 : index
      %swap3A_628 = tpu.vector_load %arg9[%swap3A, %swap3A_627] {strides = array<i32>} : memref<40x128xf32, #tpu.memory_space<vmem>>, vector<1x16xf32>,
      %swap3A_629 = vector.shape_cast %swap3A_628 : vector<1x16xf32> to vector<16xf32>
      %swap3A_630 = vector.shape_cast %mul3A_626 : vector<16xf32> to vector<1x16xf32>
      tpu.vector_store %arg9[%swap3A, %swap3A_627], %swap3A_630 {strides = array<i32>} : memref<40x128xf32, #tpu.memory_space<vmem>>, vector<1x16xf32>,
      %get3A_631 = arith.constant 0 : i32
      %get3A_632 = arith.index_cast %get3A_631 : i32 to index
      %get3A_633 = arith.index_cast %add3A_597 : i32 to index
      %get3A_634 = arith.constant 16 : index
      %get3A_635 = tpu.vector_load %arg7[%get3A_632, %get3A_633, %get3A_634] {strides = array<i32>} : memref<4x40x128xf32, #tpu.memory_space<vmem>>, vector<1x1x16xf32>,
      %get3A_636 = vector.shape_cast %get3A_635 : vector<1x1x16xf32> to vector<16xf32>
      %get3A_637 = arith.constant 1 : i32
      %get3A_638 = arith.index_cast %get3A_637 : i32 to index
      %get3A_639 = arith.index_cast %add3A_597 : i32 to index
      %get3A_640 = arith.constant 16 : index
      %get3A_641 = tpu.vector_load %arg7[%get3A_638, %get3A_639, %get3A_640] {strides = array<i32>} : memref<4x40x128xf32, #tpu.memory_space<vmem>>, vector<1x1x16xf32>,
      %get3A_642 = vector.shape_cast %get3A_641 : vector<1x1x16xf32> to vector<16xf32>
      %add3A_643 = arith.addf %get3A_636, %get3A_642 : vector<16xf32>
      %get3A_644 = arith.constant 2 : i32
      %get3A_645 = arith.index_cast %get3A_644 : i32 to index
      %get3A_646 = arith.index_cast %add3A_597 : i32 to index
      %get3A_647 = arith.constant 16 : index
      %get3A_648 = tpu.vector_load %arg7[%get3A_645, %get3A_646, %get3A_647] {strides = array<i32>} : memref<4x40x128xf32, #tpu.memory_space<vmem>>, vector<1x1x16xf32>,
      %get3A_649 = vector.shape_cast %get3A_648 : vector<1x1x16xf32> to vector<16xf32>
      %get3A_650 = arith.constant 3 : i32
      %get3A_651 = arith.index_cast %get3A_650 : i32 to index
      %get3A_652 = arith.index_cast %add3A_597 : i32 to index
      %get3A_653 = arith.constant 16 : index
      %get3A_654 = tpu.vector_load %arg7[%get3A_651, %get3A_652, %get3A_653] {strides = array<i32>} : memref<4x40x128xf32, #tpu.memory_space<vmem>>, vector<1x1x16xf32>,
      %get3A_655 = vector.shape_cast %get3A_654 : vector<1x1x16xf32> to vector<16xf32>
      %add3A_656 = arith.addf %get3A_649, %get3A_655 : vector<16xf32>
      %add3A_657 = arith.addf %add3A_643, %add3A_656 : vector<16xf32>
      %mul3A_658 = arith.constant 11.3137083 : f32
      %mul3A_659 = vector.broadcast %mul3A_658 : f32 to vector<16xf32>
      %mul3A_660 = arith.mulf %add3A_657, %mul3A_659 : vector<16xf32>
      %swap3A_661 = arith.index_cast %add3A_597 : i32 to index
      %swap3A_662 = arith.constant 16 : index
      %swap3A_663 = tpu.vector_load %arg9[%swap3A_661, %swap3A_662] {strides = array<i32>} : memref<40x128xf32, #tpu.memory_space<vmem>>, vector<1x16xf32>,
      %swap3A_664 = vector.shape_cast %swap3A_663 : vector<1x16xf32> to vector<16xf32>
      %swap3A_665 = vector.shape_cast %mul3A_660 : vector<16xf32> to vector<1x16xf32>
      tpu.vector_store %arg9[%swap3A_661, %swap3A_662], %swap3A_665 {strides = array<i32>} : memref<40x128xf32, #tpu.memory_space<vmem>>, vector<1x16xf32>,
      %get3A_666 = arith.constant 0 : i32
      %get3A_667 = arith.index_cast %get3A_666 : i32 to index
      %get3A_668 = arith.index_cast %add3A_597 : i32 to index
      %get3A_669 = arith.constant 32 : index
      %get3A_670 = tpu.vector_load %arg7[%get3A_667, %get3A_668, %get3A_669] {strides = array<i32>} : memref<4x40x128xf32, #tpu.memory_space<vmem>>, vector<1x1x16xf32>,
      %get3A_671 = vector.shape_cast %get3A_670 : vector<1x1x16xf32> to vector<16xf32>
      %get3A_672 = arith.constant 1 : i32
      %get3A_673 = arith.index_cast %get3A_672 : i32 to index
      %get3A_674 = arith.index_cast %add3A_597 : i32 to index
      %get3A_675 = arith.constant 32 : index
      %get3A_676 = tpu.vector_load %arg7[%get3A_673, %get3A_674, %get3A_675] {strides = array<i32>} : memref<4x40x128xf32, #tpu.memory_space<vmem>>, vector<1x1x16xf32>,
      %get3A_677 = vector.shape_cast %get3A_676 : vector<1x1x16xf32> to vector<16xf32>
      %add3A_678 = arith.addf %get3A_671, %get3A_677 : vector<16xf32>
      %get3A_679 = arith.constant 2 : i32
      %get3A_680 = arith.index_cast %get3A_679 : i32 to index
      %get3A_681 = arith.index_cast %add3A_597 : i32 to index
      %get3A_682 = arith.constant 32 : index
      %get3A_683 = tpu.vector_load %arg7[%get3A_680, %get3A_681, %get3A_682] {strides = array<i32>} : memref<4x40x128xf32, #tpu.memory_space<vmem>>, vector<1x1x16xf32>,
      %get3A_684 = vector.shape_cast %get3A_683 : vector<1x1x16xf32> to vector<16xf32>
      %get3A_685 = arith.constant 3 : i32
      %get3A_686 = arith.index_cast %get3A_685 : i32 to index
      %get3A_687 = arith.index_cast %add3A_597 : i32 to index
      %get3A_688 = arith.constant 32 : index
      %get3A_689 = tpu.vector_load %arg7[%get3A_686, %get3A_687, %get3A_688] {strides = array<i32>} : memref<4x40x128xf32, #tpu.memory_space<vmem>>, vector<1x1x16xf32>,
      %get3A_690 = vector.shape_cast %get3A_689 : vector<1x1x16xf32> to vector<16xf32>
      %add3A_691 = arith.addf %get3A_684, %get3A_690 : vector<16xf32>
      %add3A_692 = arith.addf %add3A_678, %add3A_691 : vector<16xf32>
      %mul3A_693 = arith.constant 11.3137083 : f32
      %mul3A_694 = vector.broadcast %mul3A_693 : f32 to vector<16xf32>
      %mul3A_695 = arith.mulf %add3A_692, %mul3A_694 : vector<16xf32>
      %swap3A_696 = arith.index_cast %add3A_597 : i32 to index
      %swap3A_697 = arith.constant 32 : index
      %swap3A_698 = tpu.vector_load %arg9[%swap3A_696, %swap3A_697] {strides = array<i32>} : memref<40x128xf32, #tpu.memory_space<vmem>>, vector<1x16xf32>,
      %swap3A_699 = vector.shape_cast %swap3A_698 : vector<1x16xf32> to vector<16xf32>
      %swap3A_700 = vector.shape_cast %mul3A_695 : vector<16xf32> to vector<1x16xf32>
      tpu.vector_store %arg9[%swap3A_696, %swap3A_697], %swap3A_700 {strides = array<i32>} : memref<40x128xf32, #tpu.memory_space<vmem>>, vector<1x16xf32>,
      %get3A_701 = arith.constant 0 : i32
      %get3A_702 = arith.index_cast %get3A_701 : i32 to index
      %get3A_703 = arith.index_cast %add3A_597 : i32 to index
      %get3A_704 = arith.constant 48 : index
      %get3A_705 = tpu.vector_load %arg7[%get3A_702, %get3A_703, %get3A_704] {strides = array<i32>} : memref<4x40x128xf32, #tpu.memory_space<vmem>>, vector<1x1x16xf32>,
      %get3A_706 = vector.shape_cast %get3A_705 : vector<1x1x16xf32> to vector<16xf32>
      %get3A_707 = arith.constant 1 : i32
      %get3A_708 = arith.index_cast %get3A_707 : i32 to index
      %get3A_709 = arith.index_cast %add3A_597 : i32 to index
      %get3A_710 = arith.constant 48 : index
      %get3A_711 = tpu.vector_load %arg7[%get3A_708, %get3A_709, %get3A_710] {strides = array<i32>} : memref<4x40x128xf32, #tpu.memory_space<vmem>>, vector<1x1x16xf32>,
      %get3A_712 = vector.shape_cast %get3A_711 : vector<1x1x16xf32> to vector<16xf32>
      %add3A_713 = arith.addf %get3A_706, %get3A_712 : vector<16xf32>
      %get3A_714 = arith.constant 2 : i32
      %get3A_715 = arith.index_cast %get3A_714 : i32 to index
      %get3A_716 = arith.index_cast %add3A_597 : i32 to index
      %get3A_717 = arith.constant 48 : index
      %get3A_718 = tpu.vector_load %arg7[%get3A_715, %get3A_716, %get3A_717] {strides = array<i32>} : memref<4x40x128xf32, #tpu.memory_space<vmem>>, vector<1x1x16xf32>,
      %get3A_719 = vector.shape_cast %get3A_718 : vector<1x1x16xf32> to vector<16xf32>
      %get3A_720 = arith.constant 3 : i32
      %get3A_721 = arith.index_cast %get3A_720 : i32 to index
      %get3A_722 = arith.index_cast %add3A_597 : i32 to index
      %get3A_723 = arith.constant 48 : index
      %get3A_724 = tpu.vector_load %arg7[%get3A_721, %get3A_722, %get3A_723] {strides = array<i32>} : memref<4x40x128xf32, #tpu.memory_space<vmem>>, vector<1x1x16xf32>,
      %get3A_725 = vector.shape_cast %get3A_724 : vector<1x1x16xf32> to vector<16xf32>
      %add3A_726 = arith.addf %get3A_719, %get3A_725 : vector<16xf32>
      %add3A_727 = arith.addf %add3A_713, %add3A_726 : vector<16xf32>
      %mul3A_728 = arith.constant 11.3137083 : f32
      %mul3A_729 = vector.broadcast %mul3A_728 : f32 to vector<16xf32>
      %mul3A_730 = arith.mulf %add3A_727, %mul3A_729 : vector<16xf32>
      %swap3A_731 = arith.index_cast %add3A_597 : i32 to index
      %swap3A_732 = arith.constant 48 : index
      %swap3A_733 = tpu.vector_load %arg9[%swap3A_731, %swap3A_732] {strides = array<i32>} : memref<40x128xf32, #tpu.memory_space<vmem>>, vector<1x16xf32>,
      %swap3A_734 = vector.shape_cast %swap3A_733 : vector<1x16xf32> to vector<16xf32>
      %swap3A_735 = vector.shape_cast %mul3A_730 : vector<16xf32> to vector<1x16xf32>
      tpu.vector_store %arg9[%swap3A_731, %swap3A_732], %swap3A_735 {strides = array<i32>} : memref<40x128xf32, #tpu.memory_space<vmem>>, vector<1x16xf32>,
      %get3A_736 = arith.constant 0 : i32
      %get3A_737 = arith.index_cast %get3A_736 : i32 to index
      %get3A_738 = arith.index_cast %add3A_597 : i32 to index
      %get3A_739 = arith.constant 64 : index
      %get3A_740 = tpu.vector_load %arg7[%get3A_737, %get3A_738, %get3A_739] {strides = array<i32>} : memref<4x40x128xf32, #tpu.memory_space<vmem>>, vector<1x1x16xf32>,
      %get3A_741 = vector.shape_cast %get3A_740 : vector<1x1x16xf32> to vector<16xf32>
      %get3A_742 = arith.constant 1 : i32
      %get3A_743 = arith.index_cast %get3A_742 : i32 to index
      %get3A_744 = arith.index_cast %add3A_597 : i32 to index
      %get3A_745 = arith.constant 64 : index
      %get3A_746 = tpu.vector_load %arg7[%get3A_743, %get3A_744, %get3A_745] {strides = array<i32>} : memref<4x40x128xf32, #tpu.memory_space<vmem>>, vector<1x1x16xf32>,
      %get3A_747 = vector.shape_cast %get3A_746 : vector<1x1x16xf32> to vector<16xf32>
      %add3A_748 = arith.addf %get3A_741, %get3A_747 : vector<16xf32>
      %get3A_749 = arith.constant 2 : i32
      %get3A_750 = arith.index_cast %get3A_749 : i32 to index
      %get3A_751 = arith.index_cast %add3A_597 : i32 to index
      %get3A_752 = arith.constant 64 : index
      %get3A_753 = tpu.vector_load %arg7[%get3A_750, %get3A_751, %get3A_752] {strides = array<i32>} : memref<4x40x128xf32, #tpu.memory_space<vmem>>, vector<1x1x16xf32>,
      %get3A_754 = vector.shape_cast %get3A_753 : vector<1x1x16xf32> to vector<16xf32>
      %get3A_755 = arith.constant 3 : i32
      %get3A_756 = arith.index_cast %get3A_755 : i32 to index
      %get3A_757 = arith.index_cast %add3A_597 : i32 to index
      %get3A_758 = arith.constant 64 : index
      %get3A_759 = tpu.vector_load %arg7[%get3A_756, %get3A_757, %get3A_758] {strides = array<i32>} : memref<4x40x128xf32, #tpu.memory_space<vmem>>, vector<1x1x16xf32>,
      %get3A_760 = vector.shape_cast %get3A_759 : vector<1x1x16xf32> to vector<16xf32>
      %add3A_761 = arith.addf %get3A_754, %get3A_760 : vector<16xf32>
      %add3A_762 = arith.addf %add3A_748, %add3A_761 : vector<16xf32>
      %mul3A_763 = arith.constant 11.3137083 : f32
      %mul3A_764 = vector.broadcast %mul3A_763 : f32 to vector<16xf32>
      %mul3A_765 = arith.mulf %add3A_762, %mul3A_764 : vector<16xf32>
      %swap3A_766 = arith.index_cast %add3A_597 : i32 to index
      %swap3A_767 = arith.constant 64 : index
      %swap3A_768 = tpu.vector_load %arg9[%swap3A_766, %swap3A_767] {strides = array<i32>} : memref<40x128xf32, #tpu.memory_space<vmem>>, vector<1x16xf32>,
      %swap3A_769 = vector.shape_cast %swap3A_768 : vector<1x16xf32> to vector<16xf32>
      %swap3A_770 = vector.shape_cast %mul3A_765 : vector<16xf32> to vector<1x16xf32>
      tpu.vector_store %arg9[%swap3A_766, %swap3A_767], %swap3A_770 {strides = array<i32>} : memref<40x128xf32, #tpu.memory_space<vmem>>, vector<1x16xf32>,
      %get3A_771 = arith.constant 0 : i32
      %get3A_772 = arith.index_cast %get3A_771 : i32 to index
      %get3A_773 = arith.index_cast %add3A_597 : i32 to index
      %get3A_774 = arith.constant 80 : index
      %get3A_775 = tpu.vector_load %arg7[%get3A_772, %get3A_773, %get3A_774] {strides = array<i32>} : memref<4x40x128xf32, #tpu.memory_space<vmem>>, vector<1x1x16xf32>,
      %get3A_776 = vector.shape_cast %get3A_775 : vector<1x1x16xf32> to vector<16xf32>
      %get3A_777 = arith.constant 1 : i32
      %get3A_778 = arith.index_cast %get3A_777 : i32 to index
      %get3A_779 = arith.index_cast %add3A_597 : i32 to index
      %get3A_780 = arith.constant 80 : index
      %get3A_781 = tpu.vector_load %arg7[%get3A_778, %get3A_779, %get3A_780] {strides = array<i32>} : memref<4x40x128xf32, #tpu.memory_space<vmem>>, vector<1x1x16xf32>,
      %get3A_782 = vector.shape_cast %get3A_781 : vector<1x1x16xf32> to vector<16xf32>
      %add3A_783 = arith.addf %get3A_776, %get3A_782 : vector<16xf32>
      %get3A_784 = arith.constant 2 : i32
      %get3A_785 = arith.index_cast %get3A_784 : i32 to index
      %get3A_786 = arith.index_cast %add3A_597 : i32 to index
      %get3A_787 = arith.constant 80 : index
      %get3A_788 = tpu.vector_load %arg7[%get3A_785, %get3A_786, %get3A_787] {strides = array<i32>} : memref<4x40x128xf32, #tpu.memory_space<vmem>>, vector<1x1x16xf32>,
      %get3A_789 = vector.shape_cast %get3A_788 : vector<1x1x16xf32> to vector<16xf32>
      %get3A_790 = arith.constant 3 : i32
      %get3A_791 = arith.index_cast %get3A_790 : i32 to index
      %get3A_792 = arith.index_cast %add3A_597 : i32 to index
      %get3A_793 = arith.constant 80 : index
      %get3A_794 = tpu.vector_load %arg7[%get3A_791, %get3A_792, %get3A_793] {strides = array<i32>} : memref<4x40x128xf32, #tpu.memory_space<vmem>>, vector<1x1x16xf32>,
      %get3A_795 = vector.shape_cast %get3A_794 : vector<1x1x16xf32> to vector<16xf32>
      %add3A_796 = arith.addf %get3A_789, %get3A_795 : vector<16xf32>
      %add3A_797 = arith.addf %add3A_783, %add3A_796 : vector<16xf32>
      %mul3A_798 = arith.constant 11.3137083 : f32
      %mul3A_799 = vector.broadcast %mul3A_798 : f32 to vector<16xf32>
      %mul3A_800 = arith.mulf %add3A_797, %mul3A_799 : vector<16xf32>
      %swap3A_801 = arith.index_cast %add3A_597 : i32 to index
      %swap3A_802 = arith.constant 80 : index
      %swap3A_803 = tpu.vector_load %arg9[%swap3A_801, %swap3A_802] {strides = array<i32>} : memref<40x128xf32, #tpu.memory_space<vmem>>, vector<1x16xf32>,
      %swap3A_804 = vector.shape_cast %swap3A_803 : vector<1x16xf32> to vector<16xf32>
      %swap3A_805 = vector.shape_cast %mul3A_800 : vector<16xf32> to vector<1x16xf32>
      tpu.vector_store %arg9[%swap3A_801, %swap3A_802], %swap3A_805 {strides = array<i32>} : memref<40x128xf32, #tpu.memory_space<vmem>>, vector<1x16xf32>,
      %get3A_806 = arith.constant 0 : i32
      %get3A_807 = arith.index_cast %get3A_806 : i32 to index
      %get3A_808 = arith.index_cast %add3A_597 : i32 to index
      %get3A_809 = arith.constant 96 : index
      %get3A_810 = tpu.vector_load %arg7[%get3A_807, %get3A_808, %get3A_809] {strides = array<i32>} : memref<4x40x128xf32, #tpu.memory_space<vmem>>, vector<1x1x16xf32>,
      %get3A_811 = vector.shape_cast %get3A_810 : vector<1x1x16xf32> to vector<16xf32>
      %get3A_812 = arith.constant 1 : i32
      %get3A_813 = arith.index_cast %get3A_812 : i32 to index
      %get3A_814 = arith.index_cast %add3A_597 : i32 to index
      %get3A_815 = arith.constant 96 : index
      %get3A_816 = tpu.vector_load %arg7[%get3A_813, %get3A_814, %get3A_815] {strides = array<i32>} : memref<4x40x128xf32, #tpu.memory_space<vmem>>, vector<1x1x16xf32>,
      %get3A_817 = vector.shape_cast %get3A_816 : vector<1x1x16xf32> to vector<16xf32>
      %add3A_818 = arith.addf %get3A_811, %get3A_817 : vector<16xf32>
      %get3A_819 = arith.constant 2 : i32
      %get3A_820 = arith.index_cast %get3A_819 : i32 to index
      %get3A_821 = arith.index_cast %add3A_597 : i32 to index
      %get3A_822 = arith.constant 96 : index
      %get3A_823 = tpu.vector_load %arg7[%get3A_820, %get3A_821, %get3A_822] {strides = array<i32>} : memref<4x40x128xf32, #tpu.memory_space<vmem>>, vector<1x1x16xf32>,
      %get3A_824 = vector.shape_cast %get3A_823 : vector<1x1x16xf32> to vector<16xf32>
      %get3A_825 = arith.constant 3 : i32
      %get3A_826 = arith.index_cast %get3A_825 : i32 to index
      %get3A_827 = arith.index_cast %add3A_597 : i32 to index
      %get3A_828 = arith.constant 96 : index
      %get3A_829 = tpu.vector_load %arg7[%get3A_826, %get3A_827, %get3A_828] {strides = array<i32>} : memref<4x40x128xf32, #tpu.memory_space<vmem>>, vector<1x1x16xf32>,
      %get3A_830 = vector.shape_cast %get3A_829 : vector<1x1x16xf32> to vector<16xf32>
      %add3A_831 = arith.addf %get3A_824, %get3A_830 : vector<16xf32>
      %add3A_832 = arith.addf %add3A_818, %add3A_831 : vector<16xf32>
      %mul3A_833 = arith.constant 11.3137083 : f32
      %mul3A_834 = vector.broadcast %mul3A_833 : f32 to vector<16xf32>
      %mul3A_835 = arith.mulf %add3A_832, %mul3A_834 : vector<16xf32>
      %swap3A_836 = arith.index_cast %add3A_597 : i32 to index
      %swap3A_837 = arith.constant 96 : index
      %swap3A_838 = tpu.vector_load %arg9[%swap3A_836, %swap3A_837] {strides = array<i32>} : memref<40x128xf32, #tpu.memory_space<vmem>>, vector<1x16xf32>,
      %swap3A_839 = vector.shape_cast %swap3A_838 : vector<1x16xf32> to vector<16xf32>
      %swap3A_840 = vector.shape_cast %mul3A_835 : vector<16xf32> to vector<1x16xf32>
      tpu.vector_store %arg9[%swap3A_836, %swap3A_837], %swap3A_840 {strides = array<i32>} : memref<40x128xf32, #tpu.memory_space<vmem>>, vector<1x16xf32>,
      %get3A_841 = arith.constant 0 : i32
      %get3A_842 = arith.index_cast %get3A_841 : i32 to index
      %get3A_843 = arith.index_cast %add3A_597 : i32 to index
      %get3A_844 = arith.constant 112 : index
      %get3A_845 = tpu.vector_load %arg7[%get3A_842, %get3A_843, %get3A_844] {strides = array<i32>} : memref<4x40x128xf32, #tpu.memory_space<vmem>>, vector<1x1x16xf32>,
      %get3A_846 = vector.shape_cast %get3A_845 : vector<1x1x16xf32> to vector<16xf32>
      %get3A_847 = arith.constant 1 : i32
      %get3A_848 = arith.index_cast %get3A_847 : i32 to index
      %get3A_849 = arith.index_cast %add3A_597 : i32 to index
      %get3A_850 = arith.constant 112 : index
      %get3A_851 = tpu.vector_load %arg7[%get3A_848, %get3A_849, %get3A_850] {strides = array<i32>} : memref<4x40x128xf32, #tpu.memory_space<vmem>>, vector<1x1x16xf32>,
      %get3A_852 = vector.shape_cast %get3A_851 : vector<1x1x16xf32> to vector<16xf32>
      %add3A_853 = arith.addf %get3A_846, %get3A_852 : vector<16xf32>
      %get3A_854 = arith.constant 2 : i32
      %get3A_855 = arith.index_cast %get3A_854 : i32 to index
      %get3A_856 = arith.index_cast %add3A_597 : i32 to index
      %get3A_857 = arith.constant 112 : index
      %get3A_858 = tpu.vector_load %arg7[%get3A_855, %get3A_856, %get3A_857] {strides = array<i32>} : memref<4x40x128xf32, #tpu.memory_space<vmem>>, vector<1x1x16xf32>,
      %get3A_859 = vector.shape_cast %get3A_858 : vector<1x1x16xf32> to vector<16xf32>
      %get3A_860 = arith.constant 3 : i32
      %get3A_861 = arith.index_cast %get3A_860 : i32 to index
      %get3A_862 = arith.index_cast %add3A_597 : i32 to index
      %get3A_863 = arith.constant 112 : index
      %get3A_864 = tpu.vector_load %arg7[%get3A_861, %get3A_862, %get3A_863] {strides = array<i32>} : memref<4x40x128xf32, #tpu.memory_space<vmem>>, vector<1x1x16xf32>,
      %get3A_865 = vector.shape_cast %get3A_864 : vector<1x1x16xf32> to vector<16xf32>
      %add3A_866 = arith.addf %get3A_859, %get3A_865 : vector<16xf32>
      %add3A_867 = arith.addf %add3A_853, %add3A_866 : vector<16xf32>
      %mul3A_868 = arith.constant 11.3137083 : f32
      %mul3A_869 = vector.broadcast %mul3A_868 : f32 to vector<16xf32>
      %mul3A_870 = arith.mulf %add3A_867, %mul3A_869 : vector<16xf32>
      %swap3A_871 = arith.index_cast %add3A_597 : i32 to index
      %swap3A_872 = arith.constant 112 : index
      %swap3A_873 = tpu.vector_load %arg9[%swap3A_871, %swap3A_872] {strides = array<i32>} : memref<40x128xf32, #tpu.memory_space<vmem>>, vector<1x16xf32>,
      %swap3A_874 = vector.shape_cast %swap3A_873 : vector<1x16xf32> to vector<16xf32>
      %swap3A_875 = vector.shape_cast %mul3A_870 : vector<16xf32> to vector<1x16xf32>
      tpu.vector_store %arg9[%swap3A_871, %swap3A_872], %swap3A_875 {strides = array<i32>} : memref<40x128xf32, #tpu.memory_space<vmem>>, vector<1x16xf32>,
    }
    %scan3A_574 = arith.constant 40 : i32
    %add3A_575 = arith.constant 6360 : i32
    %add3A_576 = arith.addi %mul3A_2, %add3A_575 : i32
    %dma_start3A_577 = arith.constant 0 : i32
    %dma_start3A_578 = tpu.memref_slice %arg4[%add3A_576, %dma_start3A_577] : memref<204800x128xf32, #tpu.memory_space<hbm>> -> memref<40x128xf32, #tpu.memory_space<hbm>>
    %dma_start3A_579 = arith.constant 0 : i32
    %dma_start3A_580 = tpu.memref_slice %arg4[%add3A_576, %dma_start3A_579] : memref<204800x128xf32, #tpu.memory_space<hbm>> -> memref<40x128xf32, #tpu.memory_space<hbm>>
    tpu.enqueue_dma source(%arg9 : memref<40x128xf32, #tpu.memory_space<vmem>>) target(%dma_start3A_580 : memref<40x128xf32, #tpu.memory_space<hbm>>) target_semaphore(%arg13 : memref<!tpu.dma_semaphore, #tpu.memory_space<semaphore_mem>>)
    %dma_wait3A_581 = arith.constant 0 : i32
    %dma_wait3A_582 = arith.constant 0 : i32
    %dma_wait3A_583 = tpu.memref_slice %arg4[%dma_wait3A_581, %dma_wait3A_582] : memref<204800x128xf32, #tpu.memory_space<hbm>> -> memref<40x128xf32, #tpu.memory_space<hbm>>
    %dma_wait3A_584 = arith.constant 0 : i32
    %dma_wait3A_585 = arith.constant 0 : i32
    %dma_wait3A_586 = tpu.memref_slice %arg4[%dma_wait3A_584, %dma_wait3A_585] : memref<204800x128xf32, #tpu.memory_space<hbm>> -> memref<40x128xf32, #tpu.memory_space<hbm>>
    tpu.wait_dma2 semaphore(%arg12 : memref<!tpu.dma_semaphore, #tpu.memory_space<semaphore_mem>>) src(%arg8 : memref<40x128xf32, #tpu.memory_space<vmem>>) dst(%dma_wait3A_586 : memref<40x128xf32, #tpu.memory_space<hbm>>)
    %dma_wait3A_587 = arith.constant 0 : i32
    %dma_wait3A_588 = arith.constant 0 : i32
    %dma_wait3A_589 = tpu.memref_slice %arg4[%dma_wait3A_587, %dma_wait3A_588] : memref<204800x128xf32, #tpu.memory_space<hbm>> -> memref<40x128xf32, #tpu.memory_space<hbm>>
    %dma_wait3A_590 = arith.constant 0 : i32
    %dma_wait3A_591 = arith.constant 0 : i32
    %dma_wait3A_592 = tpu.memref_slice %arg4[%dma_wait3A_590, %dma_wait3A_591] : memref<204800x128xf32, #tpu.memory_space<hbm>> -> memref<40x128xf32, #tpu.memory_space<hbm>>
    tpu.wait_dma2 semaphore(%arg13 : memref<!tpu.dma_semaphore, #tpu.memory_space<semaphore_mem>>) src(%arg9 : memref<40x128xf32, #tpu.memory_space<vmem>>) dst(%dma_wait3A_592 : memref<40x128xf32, #tpu.memory_space<hbm>>)
    return
  }
}

</mosaic_0001>

<sc_bundles>
// kernel: kernel.3.cloned.1.call-start
scs
__scs_entry_jumppad:
0x0: {  	(pc) =	sbr.rel $0x88, $3  }
0x1: {  	(tag) =	ssettag $0x0;
	lr =	simm.s32 $0x1  }
0x2: {  	[smem:$0x3F9F] =	sst lr;
	_ =	strace $0xD0000000  }
0x3: {  	_ = 	snop  }
0x4: {  	_ = 	snop  }
0x5: {  	_ = 	snop  }
0x6: {  	_ = 	snop  }
0x7: {  	_ = 	snop  }
__scs_overlays_trampoline_lowered:
0x8: {  	[smem:$0x3FAE] =	sst s0  }
0x9: {  	[smem:$0x3FAF] =	sst s1  }
0xa: {  	[smem:$0x3FB0] =	sst s2  }
0xb: {  	[smem:$0x3FB1] =	sst s3  }
0xc: {  	[smem:$0x3FB2] =	sst s4  }
0xd: {  	[smem:$0x3FB3] =	sst s5  }
0xe: {  	[smem:$0x3FB4] =	sst s6  }
0xf: {  	[smem:$0x3FB5] =	sst s7  }
0x10: {  	[smem:$0x3FB6] =	sst s8  }
0x11: {  	[smem:$0x3FB7] =	sst s9;
	s0 =	simm.s32 @!p0 $0x0  }
0x12: {  	s1 =	sld [smem:$0x3F9D];
	s0 =	simm.s32 @p0 $0x1  }
0x13: {  	[smem:$0x3FB8] =	sst s0;
	s0 =	simm.s32 @!p1 $0x0  }
0x14: {  	s2 =	sld [smem:$0x3F9C];
	s0 =	simm.s32 @p1 $0x1  }
0x15: {  	[smem:$0x3FB9] =	sst s0;
	s0 =	simm.s32 @!p2 $0x0  }
0x16: {  	s3 =	sld [smem:$0x3FDB];
	s0 =	simm.s32 @p2 $0x1  }
0x17: {  	s4 =	simm.s32 $0x1BF5;
	[smem:$0x3FBB] =	sst s0  }
0x18: {  	s0 =	sld [smem:$0x3F9E];
	_ =	swait.ge [sflag:s4], $0x0  }
0x19: {  	s7 =	sld [smem:$0x3F9F]  }
0x1a: {  	s8 =	sadd.s32 $0xFFFFE003, lr  }
0x1b: {  	s9 =	sadd.s32 $0xFFFFFEF7, lr;
	s5 =	simm.s32 $0xFFFFFFFF;
	p2 =	slt.u32 s8, $0xFFFFF086  }
0x1c: {  	p1 =	slt.u32 s9, $0xF7A;
	s5 =	simm.s32 @!p2 $0x0  }
0x1d: {  	s5 =	simm.s32 @p1 $0x1;
	p0 =	seq.s32 s7, s2  }
0x1e: {  	s7 =	smul.u32 @!p0 $0xF7A, s2;
	p2 =	seq.s32 @!p0 s5, $0x0  }
0x1f: {  	s9 =	smul.u32 $0xF7A, s1;
	s8 =	simm.s32 @!p0 $0x1BF5;
	p2 =	por !p2, p0  }
0x20: {  	[sflag:s8] =	ssyncset.s32 @!p0 $0xFFFFF086;
	s6 =	sadd.s32 @!p0 s3, s7;
	s7 =	simm.s32 @!p0 $0x108  }
0x21: {  	s3 =	sadd.s32 s3, s9;
	s6 =	sadd.s32 @!p0 $0x88, s6;
	s7 =	simm.s32 @p2 $0x1082  }
0x22: {  	[simem:s7], [sflag:s8] =	dma.local @!p0 [hbm:s6], $0xF7A  }
0x23: {  	s9 =	sor.u32 $0xD0000000, s2;
	s6 =	simm.s32 $0x108;
	_ =	swait.ge @!p0 [sflag:s8], $0x0  }
0x24: {  	s3 =	sadd.s32 $0x88, s3;
	s6 =	simm.s32 @!p1 $0x1082;
	[sflag:s4] =	ssyncset.s32 $0xFFFFF086  }
0x25: {  	[simem:s6], [sflag:s4] =	dma.local [hbm:s3], $0xF7A  }
0x26: {  	[smem:$0x3F9F] =	sst s1;
	(tag) =	ssettag s2;
	_ =	strace s9  }
0x27: {  	s1 =	sld [smem:$0x3FAF]  }
0x28: {  	s2 =	sld [smem:$0x3FB0]  }
0x29: {  	s4 =	sld [smem:$0x3FB2]  }
0x2a: {  	p0 =	seq.s32 s5, $0x0;
	s5 =	sld [smem:$0x3FB3]  }
0x2b: {  	s6 =	sld [smem:$0x3FB4]  }
0x2c: {  	s7 =	sld [smem:$0x3FB5]  }
0x2d: {  	s3 =	simm.s32 $0x108;
	s8 =	sld [smem:$0x3FB6]  }
0x2e: {  	s3 =	simm.s32 @!p0 $0x1082;
	s9 =	sld [smem:$0x3FB7]  }
0x2f: {  	lr =	sadd.s32 s0, s3;
	s0 =	sld [smem:$0x3FAE]  }
0x30: {  	s3 =	sld [smem:$0x3FB1]  }
0x31: {  	[smem:$0x3FBA] =	sst s10  }
0x32: {  	s10 =	sld [smem:$0x3FB8];
	_ =	sdelay $0x3  }
0x33: {  	p0 =	seq.s32 s10, $0x1;
	s10 =	sld [smem:$0x3FBA];
	_ =	sdelay $0x3  }
0x34: {  	[smem:$0x3FBA] =	sst s10  }
0x35: {  	s10 =	sld [smem:$0x3FB9];
	_ =	sdelay $0x3  }
0x36: {  	p1 =	seq.s32 s10, $0x1;
	s10 =	sld [smem:$0x3FBA];
	_ =	sdelay $0x3  }
0x37: {  	[smem:$0x3FBA] =	sst s10  }
0x38: {  	s10 =	sld [smem:$0x3FBB]  }
0x39: {  	_ = 	snop;
	(pc) =	sbr.ind lr, $3  }
0x3a: {  	_ = 	snop  }
0x3b: {  	_ = 	snop  }
0x3c: {  	p2 =	seq.s32 s10, $0x1;
	s10 =	sld [smem:$0x3FBA]  }
0x3d: {  	_ =	shalt  }
0x3e: {  	_ =	shalt  }
0x3f: {  	_ =	shalt  }
0x40: {  	_ =	shalt  }
0x41: {  	_ =	shalt  }
0x42: {  	_ =	shalt  }
0x43: {  	_ =	shalt  }
0x44: {  	_ =	shalt  }
0x45: {  	_ =	shalt  }
0x46: {  	_ =	shalt  }
0x47: {  	_ =	shalt  }
0x48: {  	_ =	shalt  }
0x49: {  	_ =	shalt  }
0x4a: {  	_ =	shalt  }
0x4b: {  	_ =	shalt  }
0x4c: {  	_ =	shalt  }
0x4d: {  	_ =	shalt  }
0x4e: {  	_ =	shalt  }
0x4f: {  	_ =	shalt  }
0x50: {  	_ =	shalt  }
0x51: {  	_ =	shalt  }
0x52: {  	_ =	shalt  }
0x53: {  	_ =	shalt  }
0x54: {  	_ =	shalt  }
0x55: {  	_ =	shalt  }
0x56: {  	_ =	shalt  }
0x57: {  	_ =	shalt  }
0x58: {  	_ =	shalt  }
0x59: {  	_ =	shalt  }
0x5a: {  	_ =	shalt  }
0x5b: {  	_ =	shalt  }
0x5c: {  	_ =	shalt  }
0x5d: {  	_ =	shalt  }
0x5e: {  	_ =	shalt  }
0x5f: {  	_ =	shalt  }
0x60: {  	_ =	shalt  }
0x61: {  	_ =	shalt  }
0x62: {  	_ =	shalt  }
0x63: {  	_ =	shalt  }
0x64: {  	_ =	shalt  }
0x65: {  	_ =	shalt  }
0x66: {  	_ =	shalt  }
0x67: {  	_ =	shalt  }
0x68: {  	_ =	shalt  }
0x69: {  	_ =	shalt  }
0x6a: {  	_ =	shalt  }
0x6b: {  	_ =	shalt  }
0x6c: {  	_ =	shalt  }
0x6d: {  	_ =	shalt  }
0x6e: {  	_ =	shalt  }
0x6f: {  	_ =	shalt  }
0x70: {  	_ =	shalt  }
0x71: {  	_ =	shalt  }
0x72: {  	_ =	shalt  }
0x73: {  	_ =	shalt  }
0x74: {  	_ =	shalt  }
0x75: {  	_ =	shalt  }
0x76: {  	_ =	shalt  }
0x77: {  	_ =	shalt  }
0x78: {  	_ =	shalt  }
0x79: {  	_ =	shalt  }
0x7a: {  	_ =	shalt  }
0x7b: {  	_ =	shalt  }
0x7c: {  	_ =	shalt  }
0x7d: {  	_ =	shalt  }
0x7e: {  	_ =	shalt  }
0x7f: {  	_ =	shalt  }
0x80: {  	_ =	shalt  }
0x81: {  	_ =	shalt  }
0x82: {  	_ =	shalt  }
0x83: {  	_ =	shalt  }
0x84: {  	_ =	shalt  }
0x85: {  	_ =	shalt  }
0x86: {  	_ =	shalt  }
0x87: {  	_ =	shalt  }
.Lfunc_end0:
.L_simem_size_0:
called_computation_lowered:
.L_overlay_start_0:
0x88: {  	s2 =	sld [smem:$0x3FD9]  }
0x89: {  	s3 =	sld [smem:$0x3FFE];
	_ =	sdelay $0x1  }
0x8a: {  	s1 =	srdreg.scid  }
0x8b: {  	s0 =	sand.u32 $0x1, s1  }
0x8c: {  	s17 =	sshll.u32 s0, $0xA;
	s2 =	sadd.s32 s3, s2  }
0x8d: {  	s2 =	sadd.s32 s2, s17  }
0x8e: {  	[smem:$0x3FC6] =	sst s2  }
0x8f: {  	_ = 	snop  }
0x90: {  	s2 =	sld [smem:$0x3FC8]  }
0x91: {  	s18 =	sld [smem:$0x3FD0];
	(tm) =	ssettm $0x1  }
0x92: {  	s4 =	sld [smem:$0x3FFB];
	_ =	sdelay $0x3  }
0x93: {  	_ =	strace s4  }
0x94: {  	s4 =	sld [smem:$0x3FFC];
	_ =	sdelay $0x3  }
0x95: {  	_ =	strace s4  }
0x96: {  	s4 =	sld [smem:$0x3FFD];
	_ =	sdelay $0x3  }
0x97: {  	_ =	strace s4  }
0x98: {  	_ =	strace $0x8FFFFFFF  }
0x99: {  	s19 =	sld [smem:$0x3FDB];
	_ =	sdelay $0x1  }
0x9a: {  	s5 =	simm.s32 $_scs_section_size  }
0x9b: {  	s6 =	simm.s32 $_size__tile_overlayer_lowered;
	s7 =	simm.s32 $_tile_overlayer_lowered  }
0x9c: {  	s22 =	simm.s32 $0x1BFF;
	s21 =	sshll.u32 s7, $0x1;
	s4 =	sadd.s32 s5, s19  }
0x9d: {  	s8 =	simm.s32 $0x0;
	s20 =	sshll.u32 s6, $0x1;
	s6 =	sadd.s32 s21, s4  }
0x9e: {  	[timem:s8], [sflag:s22] =	dma.local [hbm:s6], s20  }
0x9f: {  	_ =	swait.ge [sflag:s22], s20  }
0xa0: {  	s5 =	ssub.s32 $0x0, s20;
	[sflag:s22] =	ssyncset.done $0x0  }
0xa1: {  	[sflag:s22] =	ssyncadd.s32 s5;
	_ =	sdelay $0x1  }
0xa2: {  	s23 =	simm.s32 $0x1B8B  }
0xa3: {  	_ =	swait.ge [sflag:s23], $0x1  }
0xa4: {  	[sflag:s23] =	ssyncset.done $0x0  }
0xa5: {  	s25 =	simm.s32 $0x1B8E;
	s24 =	sld [smem:$0x3FFE];
	[sflag:s23] =	ssyncadd.s32 $0xFFFFFFFF  }
0xa6: {  	s26 =	simm.s32 $execute0_lowered;
	[smem:$0x3FD2] =	sst s25  }
0xa7: {  	s6 =	sshll.u32 s26, $0x1;
	_ =	strace $0x80000046;
	[dreg:$0x1] =	wrdreg $0xFFFFFFFF  }
0xa8: {  	s28 =	simm.s32 $_size_execute0_lowered;
	s4 =	sadd.s32 s4, s6;
	[dreg:$0x0] =	wrdreg $0x0  }
0xa9: {  	s6 =	sshll.u32 s28, $0x1;
	[dreg:$0x2] =	wrdreg s4  }
0xaa: {  	[dreg:$0x3] =	wrdreg s6  }
0xab: {  	[dreg:$0x4] =	wrdreg $0xC0  }
0xac: {  	_ =	task [dreg:s8], $0x5FFFF  }
0xad: {  	[dreg:$0x1] =	wrdreg $0xFFFFFFFF  }
0xae: {  	[dreg:$0x0] =	wrdreg $0x60  }
0xaf: {  	[dreg:$0x2] =	wrdreg s24  }
0xb0: {  	[dreg:$0x3] =	wrdreg s2  }
0xb1: {  	[dreg:$0x4] =	wrdreg s18  }
0xb2: {  	[dreg:$0x5] =	wrdreg $0x9  }
0xb3: {  	_ =	task.clear_ibuf [dreg:s8], $0x6FFFF;
	_ =	strace $0x90000046  }
0xb4: {  	s29 =	simm.s32 $0x9;
	_ =	strace $0x80000048  }
0xb5: {  	_ =	swait.ge [sflag:s29], $0x1  }
0xb6: {  	[sflag:s29] =	ssyncadd.s32 $0xFFFFFFFF  }
0xb7: {  	_ =	strace $0x90000048  }
0xb8: {  	_ =	sfence  }
0xb9: {  	s30 =	sld [smem:$0x0];
	_ =	sdelay $0x2  }
0xba: {  	s31 =	sshll.u32 s1, $0xD;
	s1 =	sshrl.u32 s1, $0x2  }
0xbb: {  	s3 =	sand.u32 $0x4000, s31;
	s1 =	sadd.s32 s1, s30  }
0xbc: {  	s0 =	sor.u32 s3, s0;
	s1 =	sshll.u32 s1, $0x11  }
0xbd: {  	s0 =	sor.u32 s1, s0  }
0xbe: {  	s0 =	sadd.s32 $0x8F2B, s0  }
0xbf: {  	[sflag:s0] =	ssyncadd.remote.s32 $0x1  }
0xc0: {  	_ =	sfence.sel $0xFFFF  }
0xc1: {  	[dreg:$0x0] =	wrdreg $0xFFFFFFFF;
	(pc) =	sbr.abs _section_cstart, $3  }
0xc2: {  	[dreg:$0x1] =	wrdreg $0xFFFFFFFF  }
0xc3: {  	_ =	task.clear_ibuf [dreg:s8], $0x2FFFF;
	_ =	strace $0x9FFFFFFF  }
0xc4: {  	(tm) =	ssettm $0x7FFFFFFF  }
0xc5: {  	_ =	shalt  }
tec
execute0_lowered:
.L_overlay_start_1:
0x0: {  	(tag) =	ssettag $0x1  }
0x1: {  	s0 =	rddreg [dreg:$0x0]  }
0x2: {  	s2 =	rddreg [dreg:$0x1];
	s1 =	srdreg.scid  }
0x3: {  	s4 =	stileid.u32;
	s3 =	rddreg [dreg:$0x2];
	s17 =	simm.s32 $0x28  }
0x4: {  	s18 =	simm.s32 $0x6400;
	s20 =	simm.s32 $0x7800;
	s22 =	simm.s32 $0x8C00  }
0x5: {  	s28 =	simm.s32 $0xC800;
	s1 =	sand.u32 $0x1, s1;
	s5 =	sshll.u32 s4, $0x1  }
0x6: {  	s30 =	simm.s32 $0xDC00;
	s19 =	simm.s32 $0x10400;
	s5 =	sor.u32 s1, s5  }
0x7: {  	s31 =	simm.s32 $0x2;
	s21 =	simm.s32 $0x11800;
	s6 =	smul.u32 $0xC80, s5  }
0x8: {  	s29 =	simm.s32 $0x4;
	s4 =	simm.s32 $0x0;
	s8 =	smul.u32 $0x19000, s5  }
0x9: {  	[smem:$0x7FF] =	sst s4;
	s1 =	ssub.s32 $0x2, s1;
	s9 =	smul.u32 $0xC8000, s5  }
0xa: {  	_ =	strace $0x80000047;
	s7 =	sshrl.u32 s1, $0x1;
	s5 =	smul.u32 $0x1900, s5  }
0xb: {  	s1 =	ssub.s32 s1, s7;
	s7 =	sadd.s32 $0x30D400, s2;
	s0 =	sadd.s32 s6, s0  }
0xc: {  	s6 =	sadd.s32 $0x186A00, s2;
	s8 =	sadd.s32 s3, s8;
	s24 =	sshrl.u32 s9, $0x3  }
0xd: {  	s9 =	sadd.s32 $0x493E00, s2;
	s11 =	sor.u32 $0x50, s5;
	s12 =	sor.u32 $0x78, s5  }
0xe: {  	s26 =	smax.u32 s1, $0x1;
	s1 =	simm.s32 $0xF000;
	[dreg:$0x5] =	wrdreg s8  }
0xf: {  	s0 =	sadd.s32 $0x400, s0;
	s8 =	sadd.s32 $0x280, s8;
	[dreg:$0x9] =	wrdreg s26  }
0x10: {  	s26 =	simm.s32 $0x3;
	[dreg:$0x4] =	wrdreg s0;
	s0 =	sadd.s32 s3, s24  }
0x11: {  	[dreg:$0x6] =	wrdreg s8;
	s24 =	simm.s32 $0xA000;
	s25 =	sadd.s32 $0x18B00, s0  }
0x12: {  	s8 =	simm.s32 $0x0;
	s0 =	sadd.s32 $0x18D80, s0;
	[dreg:$0x7] =	wrdreg s25  }
0x13: {  	[dreg:$0x8] =	wrdreg s0;
	s25 =	simm.s32 $0xB400;
	s0 =	simm.s32 $0x1  }
.LBB2_1:
0x14: {  	[dreg:$0xa] =	wrdreg s8  }
0x15: {  	s5 =	rddreg [dreg:$0x4];
	s8 =	simm.s32 $0x5  }
0x16: {  	[tilespmem:s4], [sflag:$0x5] =	stream.linear.gather [hbm4b:s5+s4], $0x6400, $0x38;
	[tilespmem:$0x12C00] =	vst v63  }
0x17: {  	_ =	swait.ge [sflag:s8], $0x6400  }
0x18: {  	[sflag:s8] =	ssyncset.done $0x0  }
0x19: {  	[sflag:s8] =	ssyncadd.s32 $0xFFFF9C00  }
0x1a: {  	[tilespmem:s18], [sflag:$0x1] =	stream.indirect.gather [hbm4b:s2+s17], $0x80, s4, s17, $0xb8;
	[tilespmem:$0x12C00] =	vst v63  }
0x1b: {  	s10 =	simm.s32 $0xC8  }
0x1c: {  	[tilespmem:s20], [sflag:$0x1] =	stream.indirect.gather [hbm4b:s6+s17], $0x80, s10, s17, $0xb8;
	[tilespmem:$0x12C00] =	vst v63  }
0x1d: {  	s13 =	simm.s32 $0x190  }
0x1e: {  	[tilespmem:s22], [sflag:$0x1] =	stream.indirect.gather [hbm4b:s7+s17], $0x80, s13, s17, $0xb8;
	[tilespmem:$0x12C00] =	vst v63  }
0x1f: {  	s14 =	simm.s32 $0x258  }
0x20: {  	[tilespmem:s24], [sflag:$0x1] =	stream.indirect.gather [hbm4b:s9+s17], $0x80, s14, s17, $0xb8;
	[tilespmem:$0x12C00] =	vst v63  }
0x21: {  	_ = 	snop  }
0x22: {  	[tilespmem:s25], [sflag:$0x2] =	stream.indirect.gather [hbm4b:s2+s17], $0x80, s17, s17, $0xb8;
	[tilespmem:$0x12C00] =	vst v63  }
0x23: {  	s15 =	simm.s32 $0xF0  }
0x24: {  	[tilespmem:s28], [sflag:$0x2] =	stream.indirect.gather [hbm4b:s6+s17], $0x80, s15, s17, $0xb8;
	[tilespmem:$0x12C00] =	vst v63  }
0x25: {  	s16 =	simm.s32 $0x1B8  }
0x26: {  	[tilespmem:s30], [sflag:$0x2] =	stream.indirect.gather [hbm4b:s7+s17], $0x80, s16, s17, $0xb8;
	[tilespmem:$0x12C00] =	vst v63  }
0x27: {  	s23 =	simm.s32 $0x280  }
0x28: {  	[tilespmem:s1], [sflag:$0x2] =	stream.indirect.gather [hbm4b:s9+s17], $0x80, s23, s17, $0xb8;
	[tilespmem:$0x12C00] =	vst v63  }
0x29: {  	_ =	swait.ge [sflag:s0], $0x1400  }
0x2a: {  	[sflag:s0] =	ssyncset.done $0x0  }
0x2b: {  	[sflag:s0] =	ssyncadd.s32 $0xFFFFEC00  }
0x2c: {  	_ =	swait.ge [sflag:s0], $0x1400  }
0x2d: {  	[sflag:s0] =	ssyncset.done $0x0  }
0x2e: {  	[sflag:s0] =	ssyncadd.s32 $0xFFFFEC00  }
0x2f: {  	_ =	swait.ge [sflag:s0], $0x1400  }
0x30: {  	[sflag:s0] =	ssyncset.done $0x0  }
0x31: {  	[sflag:s0] =	ssyncadd.s32 $0xFFFFEC00  }
0x32: {  	_ =	swait.ge [sflag:s0], $0x1400  }
0x33: {  	[sflag:s0] =	ssyncset.done $0x0  }
0x34: {  	s5 =	simm.s32 $0x0;
	[sflag:s0] =	ssyncadd.s32 $0xFFFFEC00  }
0x35: {  	v0 =	vld [tilespmem:s5+$0x6470]  }
0x36: {  	v1 =	vld [tilespmem:s5+$0x7870]  }
0x37: {  	v2 =	vld [tilespmem:s5+$0x8C70]  }
0x38: {  	v3 =	vld [tilespmem:s5+$0xA070]  }
0x39: {  	v4 =	vld [tilespmem:s5+$0x6400]  }
0x3a: {  	v5 =	vld [tilespmem:s5+$0x7800]  }
0x3b: {  	v6 =	vld [tilespmem:s5+$0x8C00]  }
0x3c: {  	v7 =	vld [tilespmem:s5+$0xA000]  }
0x3d: {  	v8 =	vld [tilespmem:s5+$0x6410]  }
0x3e: {  	v0 =	vadd.f32 v1, v0;
	v1 =	vadd.f32 v3, v2;
	v2 =	vld [tilespmem:s5+$0x7810]  }
0x3f: {  	v3 =	vld [tilespmem:s5+$0x8C10]  }
0x40: {  	v0 =	vadd.f32 v1, v0;
	v1 =	vld [tilespmem:s5+$0xA010]  }
0x41: {  	v9 =	vld [tilespmem:s5+$0x6420];
	v4 =	vadd.f32 v5, v4;
	v5 =	vadd.f32 v7, v6  }
0x42: {  	v6 =	vld [tilespmem:s5+$0x7820]  }
0x43: {  	v7 =	vld [tilespmem:s5+$0x8C20];
	v4 =	vadd.f32 v5, v4;
	v0 =	vmul.f32 $1.131370830e+01, v0  }
0x44: {  	v5 =	vld [tilespmem:s5+$0x6430]  }
0x45: {  	v4 =	vmul.f32 $1.131370830e+01, v4;
	v2 =	vadd.f32 v2, v8;
	[tilespmem:s5+$0x10470] =	vst v0;
	v0 =	vld [tilespmem:s5+$0xA020];
	v1 =	vadd.f32 v1, v3  }
0x46: {  	v8 =	vld [tilespmem:s5+$0x6440]  }
0x47: {  	[tilespmem:s5+$0x10400] =	vst v4;
	v4 =	vld [tilespmem:s5+$0xA030];
	v1 =	vadd.f32 v1, v2  }
0x48: {  	v3 =	vld [tilespmem:s5+$0x7830]  }
0x49: {  	v2 =	vld [tilespmem:s5+$0x8C30];
	v1 =	vmul.f32 $1.131370830e+01, v1  }
0x4a: {  	v6 =	vadd.f32 v6, v9;
	v0 =	vadd.f32 v0, v7;
	v7 =	vld [tilespmem:s5+$0x7840]  }
0x4b: {  	[tilespmem:s5+$0x10410] =	vst v1;
	v1 =	vld [tilespmem:s5+$0x8C40]  }
0x4c: {  	v0 =	vadd.f32 v0, v6;
	v6 =	vld [tilespmem:s5+$0xA040]  }
0x4d: {  	v63 =	vld [tilespmem:s5+$0x6450]  }
0x4e: {  	v10 =	vld [tilespmem:s5+$0xA050];
	v3 =	vadd.f32 v3, v5;
	v2 =	vadd.f32 v4, v2;
	v0 =	vmul.f32 $1.131370830e+01, v0  }
0x4f: {  	v5 =	vld [tilespmem:s5+$0x7850]  }
0x50: {  	[tilespmem:s5+$0x10420] =	vst v0;
	v0 =	vadd.f32 v2, v3;
	v2 =	vld [tilespmem:s5+$0x8C50]  }
0x51: {  	v11 =	vld [tilespmem:s5+$0x6460];
	v4 =	vadd.f32 v7, v8;
	v1 =	vadd.f32 v6, v1  }
0x52: {  	v12 =	vld [tilespmem:s5+$0x7860];
	v0 =	vmul.f32 $1.131370830e+01, v0  }
0x53: {  	v3 =	vld [tilespmem:s5+$0x8C60];
	v1 =	vadd.f32 v1, v4  }
0x54: {  	s10 =	simm.s32 $0x80;
	v4 =	vld [tilespmem:s5+$0xA060];
	[tilespmem:s5+$0x10430] =	vst v0  }
0x55: {  	v5 =	vadd.f32 v5, v63;
	v0 =	vld [tilespmem:s10+$0x6470];
	v6 =	vmul.f32 $1.131370830e+01, v1;
	v7 =	vadd.f32 v10, v2  }
0x56: {  	v1 =	vld [tilespmem:s10+$0x7870]  }
0x57: {  	s13 =	simm.s32 $0x400;
	v2 =	vld [tilespmem:s10+$0x8C70];
	[tilespmem:s5+$0x10440] =	vst v6;
	v6 =	vadd.f32 v7, v5;
	v5 =	vadd.f32 v12, v11  }
.LBB2_2:
0x58: {  	p0 =	sne.s32 s13, $0x4E00;
	v7 =	vld [tilespmem:s10+$0xA070]  }
0x59: {  	v8 =	vld [tilespmem:s10+$0x6400];
	v6 =	vmul.f32 $1.131370830e+01, v6;
	v3 =	vadd.f32 v4, v3  }
0x5a: {  	v4 =	vld [tilespmem:s10+$0x7800]  }
0x5b: {  	v9 =	vld [tilespmem:s10+$0x8C00];
	[tilespmem:s5+$0x10450] =	vst v6;
	v3 =	vadd.f32 v3, v5  }
0x5c: {  	v5 =	vld [tilespmem:s10+$0xA000]  }
0x5d: {  	v0 =	vadd.f32 v1, v0;
	v6 =	vld [tilespmem:s10+$0x6410];
	v1 =	vadd.f32 v7, v2;
	v2 =	vmul.f32 $1.131370830e+01, v3  }
0x5e: {  	v3 =	vld [tilespmem:s10+$0x7810]  }
0x5f: {  	v4 =	vadd.f32 v4, v8;
	v7 =	vld [tilespmem:s10+$0x8C10];
	v0 =	vadd.f32 v1, v0;
	[tilespmem:s5+$0x10460] =	vst v2;
	s5 =	smov.u32 s10  }
0x60: {  	v1 =	vld [tilespmem:s5+$0xA010]  }
0x61: {  	v2 =	vadd.f32 v5, v9;
	v5 =	vld [tilespmem:s5+$0x6420];
	v0 =	vmul.f32 $1.131370830e+01, v0  }
0x62: {  	v8 =	vld [tilespmem:s5+$0x7820]  }
0x63: {  	v2 =	vadd.f32 v2, v4;
	v3 =	vadd.f32 v3, v6;
	v4 =	vld [tilespmem:s5+$0x8C20];
	[tilespmem:s5+$0x10470] =	vst v0  }
0x64: {  	v0 =	vld [tilespmem:s5+$0xA020]  }
0x65: {  	v2 =	vmul.f32 $1.131370830e+01, v2;
	v1 =	vadd.f32 v1, v7;
	v6 =	vld [tilespmem:s5+$0x6430]  }
0x66: {  	v7 =	vld [tilespmem:s5+$0x7830]  }
0x67: {  	[tilespmem:s5+$0x10400] =	vst v2;
	v1 =	vadd.f32 v1, v3;
	v2 =	vadd.f32 v8, v5;
	v3 =	vld [tilespmem:s5+$0x8C30]  }
0x68: {  	v5 =	vld [tilespmem:s5+$0xA030]  }
0x69: {  	v1 =	vmul.f32 $1.131370830e+01, v1;
	v0 =	vadd.f32 v0, v4;
	v4 =	vld [tilespmem:s5+$0x6440]  }
0x6a: {  	v8 =	vld [tilespmem:s5+$0x7840]  }
0x6b: {  	[tilespmem:s5+$0x10410] =	vst v1;
	v0 =	vadd.f32 v0, v2;
	v1 =	vadd.f32 v7, v6;
	v2 =	vld [tilespmem:s5+$0x8C40]  }
0x6c: {  	v6 =	vld [tilespmem:s5+$0xA040]  }
0x6d: {  	v0 =	vmul.f32 $1.131370830e+01, v0;
	v3 =	vadd.f32 v5, v3;
	v5 =	vld [tilespmem:s5+$0x6450]  }
0x6e: {  	v7 =	vld [tilespmem:s5+$0x7850]  }
0x6f: {  	[tilespmem:s5+$0x10420] =	vst v0;
	v0 =	vadd.f32 v3, v1;
	v1 =	vadd.f32 v8, v4;
	v8 =	vld [tilespmem:s5+$0x8C50]  }
0x70: {  	v9 =	vld [tilespmem:s5+$0xA050]  }
0x71: {  	v0 =	vmul.f32 $1.131370830e+01, v0;
	v2 =	vadd.f32 v6, v2;
	v10 =	vld [tilespmem:s5+$0x6460]  }
0x72: {  	v11 =	vld [tilespmem:s5+$0x7860]  }
.Ltmp0:
0x73: {  	[tilespmem:s5+$0x10430] =	vst v0;
	v1 =	vadd.f32 v2, v1;
	v5 =	vadd.f32 v7, v5;
	v3 =	vld [tilespmem:s5+$0x8C60];
	(pc) =	sbr.rel @p0 .LBB2_2-.Ltmp0, $4  }
0x74: {  	s10 =	sshra.s32 s13, $0x2;
	v4 =	vld [tilespmem:s5+$0xA060]  }
0x75: {  	v0 =	vld [tilespmem:s10+$0x6470];
	v6 =	vmul.f32 $1.131370830e+01, v1;
	v7 =	vadd.f32 v9, v8  }
0x76: {  	v1 =	vld [tilespmem:s10+$0x7870]  }
0x77: {  	s13 =	sadd.s32 $0x200, s13;
	v2 =	vld [tilespmem:s10+$0x8C70];
	[tilespmem:s5+$0x10440] =	vst v6;
	v6 =	vadd.f32 v7, v5;
	v5 =	vadd.f32 v11, v10  }
0x78: {  	v7 =	vld [tilespmem:s10+$0xA070]  }
0x79: {  	v8 =	vld [tilespmem:s10+$0x6400];
	v6 =	vmul.f32 $1.131370830e+01, v6;
	v3 =	vadd.f32 v4, v3  }
0x7a: {  	v9 =	vld [tilespmem:s10+$0x7800]  }
0x7b: {  	v4 =	vld [tilespmem:s10+$0x8C00];
	[tilespmem:s5+$0x10450] =	vst v6;
	v3 =	vadd.f32 v3, v5  }
0x7c: {  	v5 =	vld [tilespmem:s10+$0xA000]  }
0x7d: {  	v6 =	vld [tilespmem:s10+$0x6410];
	v3 =	vmul.f32 $1.131370830e+01, v3  }
0x7e: {  	v0 =	vadd.f32 v1, v0;
	v10 =	vld [tilespmem:s10+$0x7810];
	v1 =	vadd.f32 v7, v2  }
0x7f: {  	v2 =	vld [tilespmem:s10+$0x8C10];
	[tilespmem:s5+$0x10460] =	vst v3  }
0x80: {  	v0 =	vadd.f32 v1, v0;
	v1 =	vld [tilespmem:s10+$0xA010]  }
0x81: {  	v3 =	vld [tilespmem:s10+$0x6420]  }
0x82: {  	v7 =	vadd.f32 v9, v8;
	v8 =	vld [tilespmem:s10+$0x8C20];
	v4 =	vadd.f32 v5, v4  }
0x83: {  	v58 =	vld [tilespmem:s10+$0x6440];
	v0 =	vmul.f32 $1.131370830e+01, v0  }
0x84: {  	v5 =	vld [tilespmem:s10+$0x7820];
	v4 =	vadd.f32 v4, v7  }
0x85: {  	[tilespmem:s10+$0x10470] =	vst v0;
	v0 =	vld [tilespmem:s10+$0xA020]  }
0x86: {  	v7 =	vld [tilespmem:s10+$0x6430];
	v4 =	vmul.f32 $1.131370830e+01, v4  }
0x87: {  	v6 =	vadd.f32 v10, v6;
	v1 =	vadd.f32 v1, v2;
	v2 =	vld [tilespmem:s10+$0x7830]  }
0x88: {  	[tilespmem:s10+$0x10400] =	vst v4;
	v4 =	vld [tilespmem:s10+$0x8C30]  }
0x89: {  	v1 =	vadd.f32 v1, v6;
	v6 =	vld [tilespmem:s10+$0xA030]  }
0x8a: {  	v59 =	vld [tilespmem:s10+$0x7860];
	v3 =	vadd.f32 v5, v3;
	v0 =	vadd.f32 v0, v8  }
0x8b: {  	v11 =	vld [tilespmem:s10+$0xA060]  }
0x8c: {  	v5 =	vld [tilespmem:s10+$0x7840];
	v0 =	vadd.f32 v0, v3  }
0x8d: {  	v8 =	vld [tilespmem:s10+$0x6450];
	v1 =	vmul.f32 $1.131370830e+01, v1  }
0x8e: {  	v3 =	vld [tilespmem:s10+$0xA040];
	v2 =	vadd.f32 v2, v7;
	v0 =	vmul.f32 $1.131370830e+01, v0;
	v4 =	vadd.f32 v6, v4  }
0x8f: {  	v7 =	vld [tilespmem:s10+$0x6460];
	[tilespmem:s10+$0x10410] =	vst v1  }
0x90: {  	v1 =	vld [tilespmem:s10+$0x8C40];
	[tilespmem:s10+$0x10420] =	vst v0;
	v0 =	vadd.f32 v4, v2  }
0x91: {  	v6 =	vld [tilespmem:s10+$0x7850]  }
0x92: {  	v2 =	vld [tilespmem:s10+$0x8C50];
	v0 =	vmul.f32 $1.131370830e+01, v0  }
0x93: {  	v4 =	vld [tilespmem:s10+$0xA050]  }
0x94: {  	[tilespmem:s10+$0x10430] =	vst v0;
	v0 =	vld [tilespmem:s10+$0x8C60];
	_ =	sdelay $0x1  }
0x95: {  	v5 =	vadd.f32 v5, v58;
	v1 =	vadd.f32 v3, v1  }
0x96: {  	v3 =	vadd.f32 v6, v8  }
0x97: {  	v1 =	vadd.f32 v1, v5;
	v2 =	vadd.f32 v4, v2  }
0x98: {  	v4 =	vadd.f32 v59, v7;
	v0 =	vadd.f32 v11, v0  }
0x99: {  	v2 =	vadd.f32 v2, v3  }
0x9a: {  	v1 =	vmul.f32 $1.131370830e+01, v1;
	v0 =	vadd.f32 v0, v4  }
0x9b: {  	v2 =	vmul.f32 $1.131370830e+01, v2  }
0x9c: {  	[tilespmem:s10+$0x10440] =	vst v1;
	v0 =	vmul.f32 $1.131370830e+01, v0  }
0x9d: {  	[tilespmem:s10+$0x10450] =	vst v2  }
0x9e: {  	s13 =	simm.s32 $0x0;
	s8 =	rddreg [dreg:$0x5];
	[tilespmem:s10+$0x10460] =	vst v0  }
0x9f: {  	[hbm4b:s8+s13] =	stream.linear.scatter [tilespmem:s19], [sflag:$0x3], $0x1400, $0x38;
	[tilespmem:$0x12C00] =	vst v63  }
0xa0: {  	s14 =	simm.s32 $0x50  }
0xa1: {  	[tilespmem:s18], [sflag:$0x1] =	stream.indirect.gather [hbm4b:s2+s17], $0x80, s14, s17, $0xb8;
	[tilespmem:$0x12C00] =	vst v63  }
0xa2: {  	s15 =	simm.s32 $0x118  }
0xa3: {  	[tilespmem:s20], [sflag:$0x1] =	stream.indirect.gather [hbm4b:s6+s17], $0x80, s15, s17, $0xb8;
	[tilespmem:$0x12C00] =	vst v63  }
0xa4: {  	s16 =	simm.s32 $0x1E0  }
0xa5: {  	[tilespmem:s22], [sflag:$0x1] =	stream.indirect.gather [hbm4b:s7+s17], $0x80, s16, s17, $0xb8;
	[tilespmem:$0x12C00] =	vst v63  }
0xa6: {  	s23 =	simm.s32 $0x2A8  }
0xa7: {  	[tilespmem:s24], [sflag:$0x1] =	stream.indirect.gather [hbm4b:s9+s17], $0x80, s23, s17, $0xb8;
	[tilespmem:$0x12C00] =	vst v63  }
0xa8: {  	_ =	swait.ge [sflag:s31], $0x1400  }
0xa9: {  	[sflag:s31] =	ssyncset.done $0x0  }
0xaa: {  	[sflag:s31] =	ssyncadd.s32 $0xFFFFEC00  }
0xab: {  	_ =	swait.ge [sflag:s31], $0x1400  }
0xac: {  	[sflag:s31] =	ssyncset.done $0x0  }
0xad: {  	[sflag:s31] =	ssyncadd.s32 $0xFFFFEC00  }
0xae: {  	_ =	swait.ge [sflag:s31], $0x1400  }
0xaf: {  	[sflag:s31] =	ssyncset.done $0x0  }
0xb0: {  	[sflag:s31] =	ssyncadd.s32 $0xFFFFEC00  }
0xb1: {  	_ =	swait.ge [sflag:s31], $0x1400  }
0xb2: {  	[sflag:s31] =	ssyncset.done $0x0  }
0xb3: {  	s5 =	simm.s32 $0x0;
	[sflag:s31] =	ssyncadd.s32 $0xFFFFEC00  }
0xb4: {  	v0 =	vld [tilespmem:s5+$0xB470]  }
0xb5: {  	v1 =	vld [tilespmem:s5+$0xC870]  }
0xb6: {  	v2 =	vld [tilespmem:s5+$0xDC70]  }
0xb7: {  	v3 =	vld [tilespmem:s5+$0xF070]  }
0xb8: {  	v4 =	vld [tilespmem:s5+$0xB400]  }
0xb9: {  	v5 =	vld [tilespmem:s5+$0xC800]  }
0xba: {  	v6 =	vld [tilespmem:s5+$0xDC00]  }
0xbb: {  	v7 =	vld [tilespmem:s5+$0xF000]  }
0xbc: {  	v8 =	vld [tilespmem:s5+$0xB410]  }
0xbd: {  	v0 =	vadd.f32 v1, v0;
	v1 =	vadd.f32 v3, v2;
	v2 =	vld [tilespmem:s5+$0xC810]  }
0xbe: {  	v3 =	vld [tilespmem:s5+$0xDC10]  }
0xbf: {  	v0 =	vadd.f32 v1, v0;
	v1 =	vld [tilespmem:s5+$0xF010]  }
0xc0: {  	v60 =	vld [tilespmem:s5+$0xB420];
	v4 =	vadd.f32 v5, v4;
	v5 =	vadd.f32 v7, v6  }
0xc1: {  	v6 =	vld [tilespmem:s5+$0xC820]  }
0xc2: {  	v7 =	vld [tilespmem:s5+$0xDC20];
	v4 =	vadd.f32 v5, v4;
	v0 =	vmul.f32 $1.131370830e+01, v0  }
0xc3: {  	v5 =	vld [tilespmem:s5+$0xB430]  }
0xc4: {  	v4 =	vmul.f32 $1.131370830e+01, v4;
	v2 =	vadd.f32 v2, v8;
	[tilespmem:s5+$0x11870] =	vst v0;
	v0 =	vld [tilespmem:s5+$0xF020];
	v1 =	vadd.f32 v1, v3  }
0xc5: {  	v8 =	vld [tilespmem:s5+$0xB440]  }
0xc6: {  	[tilespmem:s5+$0x11800] =	vst v4;
	v4 =	vld [tilespmem:s5+$0xF030];
	v1 =	vadd.f32 v1, v2  }
0xc7: {  	v3 =	vld [tilespmem:s5+$0xC830]  }
0xc8: {  	v2 =	vld [tilespmem:s5+$0xDC30];
	v1 =	vmul.f32 $1.131370830e+01, v1  }
0xc9: {  	v6 =	vadd.f32 v6, v60;
	v0 =	vadd.f32 v0, v7;
	v7 =	vld [tilespmem:s5+$0xC840]  }
0xca: {  	[tilespmem:s5+$0x11810] =	vst v1;
	v1 =	vld [tilespmem:s5+$0xDC40]  }
0xcb: {  	v0 =	vadd.f32 v0, v6;
	v6 =	vld [tilespmem:s5+$0xF040]  }
0xcc: {  	v61 =	vld [tilespmem:s5+$0xB450]  }
0xcd: {  	v62 =	vld [tilespmem:s5+$0xF050];
	v3 =	vadd.f32 v3, v5;
	v2 =	vadd.f32 v4, v2;
	v0 =	vmul.f32 $1.131370830e+01, v0  }
0xce: {  	v5 =	vld [tilespmem:s5+$0xC850]  }
0xcf: {  	[tilespmem:s5+$0x11820] =	vst v0;
	v0 =	vadd.f32 v2, v3;
	v2 =	vld [tilespmem:s5+$0xDC50]  }
0xd0: {  	v63 =	vld [tilespmem:s5+$0xB460];
	v4 =	vadd.f32 v7, v8;
	v1 =	vadd.f32 v6, v1  }
0xd1: {  	v12 =	vld [tilespmem:s5+$0xC860];
	v0 =	vmul.f32 $1.131370830e+01, v0  }
0xd2: {  	v3 =	vld [tilespmem:s5+$0xDC60];
	v1 =	vadd.f32 v1, v4  }
0xd3: {  	s10 =	simm.s32 $0x80;
	v4 =	vld [tilespmem:s5+$0xF060];
	[tilespmem:s5+$0x11830] =	vst v0  }
0xd4: {  	v5 =	vadd.f32 v5, v61;
	v0 =	vld [tilespmem:s10+$0xB470];
	v6 =	vmul.f32 $1.131370830e+01, v1;
	v7 =	vadd.f32 v62, v2  }
0xd5: {  	v1 =	vld [tilespmem:s10+$0xC870]  }
0xd6: {  	s13 =	simm.s32 $0x400;
	v2 =	vld [tilespmem:s10+$0xDC70];
	[tilespmem:s5+$0x11840] =	vst v6;
	v6 =	vadd.f32 v7, v5;
	v5 =	vadd.f32 v12, v63  }
.LBB2_4:
0xd7: {  	p0 =	sne.s32 s13, $0x4E00;
	v7 =	vld [tilespmem:s10+$0xF070]  }
0xd8: {  	v8 =	vld [tilespmem:s10+$0xB400];
	v6 =	vmul.f32 $1.131370830e+01, v6;
	v3 =	vadd.f32 v4, v3  }
0xd9: {  	v4 =	vld [tilespmem:s10+$0xC800]  }
0xda: {  	v9 =	vld [tilespmem:s10+$0xDC00];
	[tilespmem:s5+$0x11850] =	vst v6;
	v3 =	vadd.f32 v3, v5  }
0xdb: {  	v5 =	vld [tilespmem:s10+$0xF000]  }
0xdc: {  	v0 =	vadd.f32 v1, v0;
	v6 =	vld [tilespmem:s10+$0xB410];
	v1 =	vadd.f32 v7, v2;
	v2 =	vmul.f32 $1.131370830e+01, v3  }
0xdd: {  	v3 =	vld [tilespmem:s10+$0xC810]  }
0xde: {  	v4 =	vadd.f32 v4, v8;
	v7 =	vld [tilespmem:s10+$0xDC10];
	v0 =	vadd.f32 v1, v0;
	[tilespmem:s5+$0x11860] =	vst v2;
	s5 =	smov.u32 s10  }
0xdf: {  	v1 =	vld [tilespmem:s5+$0xF010]  }
0xe0: {  	v2 =	vadd.f32 v5, v9;
	v5 =	vld [tilespmem:s5+$0xB420];
	v0 =	vmul.f32 $1.131370830e+01, v0  }
0xe1: {  	v8 =	vld [tilespmem:s5+$0xC820]  }
0xe2: {  	v2 =	vadd.f32 v2, v4;
	v3 =	vadd.f32 v3, v6;
	v4 =	vld [tilespmem:s5+$0xDC20];
	[tilespmem:s5+$0x11870] =	vst v0  }
0xe3: {  	v0 =	vld [tilespmem:s5+$0xF020]  }
0xe4: {  	v2 =	vmul.f32 $1.131370830e+01, v2;
	v1 =	vadd.f32 v1, v7;
	v6 =	vld [tilespmem:s5+$0xB430]  }
0xe5: {  	v7 =	vld [tilespmem:s5+$0xC830]  }
0xe6: {  	[tilespmem:s5+$0x11800] =	vst v2;
	v1 =	vadd.f32 v1, v3;
	v2 =	vadd.f32 v8, v5;
	v3 =	vld [tilespmem:s5+$0xDC30]  }
0xe7: {  	v5 =	vld [tilespmem:s5+$0xF030]  }
0xe8: {  	v1 =	vmul.f32 $1.131370830e+01, v1;
	v0 =	vadd.f32 v0, v4;
	v4 =	vld [tilespmem:s5+$0xB440]  }
0xe9: {  	v8 =	vld [tilespmem:s5+$0xC840]  }
0xea: {  	[tilespmem:s5+$0x11810] =	vst v1;
	v0 =	vadd.f32 v0, v2;
	v1 =	vadd.f32 v7, v6;
	v2 =	vld [tilespmem:s5+$0xDC40]  }
0xeb: {  	v6 =	vld [tilespmem:s5+$0xF040]  }
0xec: {  	v0 =	vmul.f32 $1.131370830e+01, v0;
	v3 =	vadd.f32 v5, v3;
	v5 =	vld [tilespmem:s5+$0xB450]  }
0xed: {  	v7 =	vld [tilespmem:s5+$0xC850]  }
0xee: {  	[tilespmem:s5+$0x11820] =	vst v0;
	v0 =	vadd.f32 v3, v1;
	v1 =	vadd.f32 v8, v4;
	v8 =	vld [tilespmem:s5+$0xDC50]  }
0xef: {  	v9 =	vld [tilespmem:s5+$0xF050]  }
0xf0: {  	v0 =	vmul.f32 $1.131370830e+01, v0;
	v2 =	vadd.f32 v6, v2;
	v10 =	vld [tilespmem:s5+$0xB460]  }
0xf1: {  	v11 =	vld [tilespmem:s5+$0xC860]  }
.Ltmp1:
0xf2: {  	[tilespmem:s5+$0x11830] =	vst v0;
	v1 =	vadd.f32 v2, v1;
	v5 =	vadd.f32 v7, v5;
	v3 =	vld [tilespmem:s5+$0xDC60];
	(pc) =	sbr.rel @p0 .LBB2_4-.Ltmp1, $4  }
0xf3: {  	s10 =	sshra.s32 s13, $0x2;
	v4 =	vld [tilespmem:s5+$0xF060]  }
0xf4: {  	v0 =	vld [tilespmem:s10+$0xB470];
	v6 =	vmul.f32 $1.131370830e+01, v1;
	v7 =	vadd.f32 v9, v8  }
0xf5: {  	v1 =	vld [tilespmem:s10+$0xC870]  }
0xf6: {  	s13 =	sadd.s32 $0x200, s13;
	v2 =	vld [tilespmem:s10+$0xDC70];
	[tilespmem:s5+$0x11840] =	vst v6;
	v6 =	vadd.f32 v7, v5;
	v5 =	vadd.f32 v11, v10  }
0xf7: {  	v7 =	vld [tilespmem:s10+$0xF070]  }
0xf8: {  	v8 =	vld [tilespmem:s10+$0xB400];
	v6 =	vmul.f32 $1.131370830e+01, v6;
	v3 =	vadd.f32 v4, v3  }
0xf9: {  	v9 =	vld [tilespmem:s10+$0xC800]  }
0xfa: {  	v37 =	vld [tilespmem:s10+$0xDC00];
	[tilespmem:s5+$0x11850] =	vst v6;
	v3 =	vadd.f32 v3, v5  }
0xfb: {  	v38 =	vld [tilespmem:s10+$0xF000]  }
0xfc: {  	v6 =	vld [tilespmem:s10+$0xB410];
	v3 =	vmul.f32 $1.131370830e+01, v3  }
0xfd: {  	v10 =	vld [tilespmem:s10+$0xC810]  }
0xfe: {  	v40 =	vld [tilespmem:s10+$0xDC10];
	[tilespmem:s5+$0x11860] =	vst v3  }
0xff: {  	v41 =	vld [tilespmem:s10+$0xF010]  }
0x100: {  	v3 =	vld [tilespmem:s10+$0xB420]  }
0x101: {  	v43 =	vld [tilespmem:s10+$0xC820]  }
0x102: {  	v44 =	vld [tilespmem:s10+$0xDC20]  }
0x103: {  	v45 =	vld [tilespmem:s10+$0xF020]  }
0x104: {  	v46 =	vld [tilespmem:s10+$0xB430]  }
0x105: {  	v47 =	vld [tilespmem:s10+$0xC830]  }
0x106: {  	v48 =	vld [tilespmem:s10+$0xDC30]  }
0x107: {  	v49 =	vld [tilespmem:s10+$0xF030]  }
0x108: {  	v50 =	vld [tilespmem:s10+$0xB440]  }
0x109: {  	v51 =	vld [tilespmem:s10+$0xC840]  }
0x10a: {  	v0 =	vadd.f32 v1, v0;
	v39 =	vadd.f32 v7, v2;
	v52 =	vld [tilespmem:s10+$0xDC40]  }
0x10b: {  	v42 =	vadd.f32 v9, v8;
	v53 =	vld [tilespmem:s10+$0xF040]  }
0x10c: {  	v0 =	vadd.f32 v39, v0;
	v54 =	vld [tilespmem:s10+$0xB450];
	v4 =	vadd.f32 v38, v37  }
0x10d: {  	v55 =	vld [tilespmem:s10+$0xC850]  }
0x10e: {  	v57 =	vld [tilespmem:s10+$0xDC50];
	v0 =	vmul.f32 $1.131370830e+01, v0;
	v4 =	vadd.f32 v4, v42  }
0x10f: {  	v58 =	vld [tilespmem:s10+$0xF050];
	v6 =	vadd.f32 v10, v6  }
0x110: {  	v59 =	vld [tilespmem:s10+$0xB460];
	[tilespmem:s10+$0x11870] =	vst v0;
	v4 =	vmul.f32 $1.131370830e+01, v4;
	v3 =	vadd.f32 v43, v3;
	v0 =	vadd.f32 v45, v44  }
0x111: {  	v60 =	vld [tilespmem:s10+$0xC860];
	v1 =	vadd.f32 v41, v40;
	v2 =	vadd.f32 v47, v46  }
0x112: {  	v61 =	vld [tilespmem:s10+$0xDC60];
	[tilespmem:s10+$0x11800] =	vst v4;
	v0 =	vadd.f32 v0, v3;
	v4 =	vadd.f32 v49, v48  }
0x113: {  	v11 =	vld [tilespmem:s10+$0xF060];
	v1 =	vadd.f32 v1, v6  }
0x114: {  	v0 =	vmul.f32 $1.131370830e+01, v0;
	v56 =	vadd.f32 v4, v2  }
0x115: {  	v5 =	vadd.f32 v51, v50;
	v1 =	vmul.f32 $1.131370830e+01, v1  }
0x116: {  	v62 =	vadd.f32 v55, v54;
	v2 =	vadd.f32 v58, v57;
	[tilespmem:s10+$0x11820] =	vst v0;
	v0 =	vmul.f32 $1.131370830e+01, v56  }
0x117: {  	v63 =	vadd.f32 v60, v59;
	[tilespmem:s10+$0x11810] =	vst v1;
	v1 =	vadd.f32 v53, v52  }
0x118: {  	v2 =	vadd.f32 v2, v62;
	[tilespmem:s10+$0x11830] =	vst v0;
	v0 =	vadd.f32 v11, v61  }
0x119: {  	v1 =	vadd.f32 v1, v5  }
0x11a: {  	v2 =	vmul.f32 $1.131370830e+01, v2;
	v0 =	vadd.f32 v0, v63  }
0x11b: {  	v1 =	vmul.f32 $1.131370830e+01, v1  }
0x11c: {  	[tilespmem:s10+$0x11850] =	vst v2;
	v0 =	vmul.f32 $1.131370830e+01, v0  }
0x11d: {  	[tilespmem:s10+$0x11840] =	vst v1  }
0x11e: {  	s8 =	rddreg [dreg:$0x6];
	s5 =	simm.s32 $0x0;
	[tilespmem:s10+$0x11860] =	vst v0  }
0x11f: {  	[hbm4b:s8+s5] =	stream.linear.scatter [tilespmem:s21], [sflag:$0x4], $0x1400, $0x38;
	[tilespmem:$0x12C00] =	vst v63  }
0x120: {  	s14 =	simm.s32 $0x78  }
0x121: {  	[tilespmem:s25], [sflag:$0x2] =	stream.indirect.gather [hbm4b:s2+s17], $0x80, s14, s17, $0xb8;
	[tilespmem:$0x12C00] =	vst v63  }
0x122: {  	s15 =	simm.s32 $0x140  }
0x123: {  	[tilespmem:s28], [sflag:$0x2] =	stream.indirect.gather [hbm4b:s6+s17], $0x80, s15, s17, $0xb8;
	[tilespmem:$0x12C00] =	vst v63  }
0x124: {  	s16 =	simm.s32 $0x208  }
0x125: {  	[tilespmem:s30], [sflag:$0x2] =	stream.indirect.gather [hbm4b:s7+s17], $0x80, s16, s17, $0xb8;
	[tilespmem:$0x12C00] =	vst v63  }
0x126: {  	s23 =	simm.s32 $0x2D0  }
0x127: {  	[tilespmem:s1], [sflag:$0x2] =	stream.indirect.gather [hbm4b:s9+s17], $0x80, s23, s17, $0xb8;
	[tilespmem:$0x12C00] =	vst v63  }
.LBB2_6:
0x128: {  	_ =	swait.ge [sflag:s0], $0x1400  }
0x129: {  	[sflag:s0] =	ssyncset.done $0x0  }
0x12a: {  	[sflag:s0] =	ssyncadd.s32 $0xFFFFEC00  }
0x12b: {  	_ =	swait.ge [sflag:s0], $0x1400  }
0x12c: {  	[sflag:s0] =	ssyncset.done $0x0  }
0x12d: {  	[sflag:s0] =	ssyncadd.s32 $0xFFFFEC00  }
0x12e: {  	_ =	swait.ge [sflag:s0], $0x1400  }
0x12f: {  	[sflag:s0] =	ssyncset.done $0x0  }
0x130: {  	[sflag:s0] =	ssyncadd.s32 $0xFFFFEC00  }
0x131: {  	_ =	swait.ge [sflag:s0], $0x1400  }
0x132: {  	[sflag:s0] =	ssyncset.done $0x0  }
0x133: {  	[sflag:s0] =	ssyncadd.s32 $0xFFFFEC00  }
0x134: {  	_ =	swait.ge [sflag:s26], $0x1400  }
0x135: {  	[sflag:s26] =	ssyncset.done $0x0  }
0x136: {  	s10 =	simm.s32 $0x0;
	[sflag:s26] =	ssyncadd.s32 $0xFFFFEC00  }
0x137: {  	v0 =	vld [tilespmem:s10+$0x6470]  }
0x138: {  	v1 =	vld [tilespmem:s10+$0x7870]  }
0x139: {  	v2 =	vld [tilespmem:s10+$0x8C70]  }
0x13a: {  	v3 =	vld [tilespmem:s10+$0xA070]  }
0x13b: {  	v4 =	vld [tilespmem:s10+$0x6400]  }
0x13c: {  	v5 =	vld [tilespmem:s10+$0x7800]  }
0x13d: {  	v6 =	vld [tilespmem:s10+$0x8C00]  }
0x13e: {  	v7 =	vld [tilespmem:s10+$0xA000]  }
0x13f: {  	v8 =	vld [tilespmem:s10+$0x6410]  }
0x140: {  	v0 =	vadd.f32 v1, v0;
	v1 =	vadd.f32 v3, v2;
	v2 =	vld [tilespmem:s10+$0x7810]  }
0x141: {  	v3 =	vld [tilespmem:s10+$0x8C10]  }
0x142: {  	v0 =	vadd.f32 v1, v0;
	v1 =	vld [tilespmem:s10+$0xA010]  }
0x143: {  	v9 =	vld [tilespmem:s10+$0x6420];
	v4 =	vadd.f32 v5, v4;
	v5 =	vadd.f32 v7, v6  }
0x144: {  	v6 =	vld [tilespmem:s10+$0x7820]  }
0x145: {  	v7 =	vld [tilespmem:s10+$0x8C20];
	v4 =	vadd.f32 v5, v4;
	v0 =	vmul.f32 $1.131370830e+01, v0  }
0x146: {  	v5 =	vld [tilespmem:s10+$0x6430]  }
0x147: {  	v4 =	vmul.f32 $1.131370830e+01, v4;
	v2 =	vadd.f32 v2, v8;
	[tilespmem:s10+$0x10470] =	vst v0;
	v0 =	vld [tilespmem:s10+$0xA020];
	v1 =	vadd.f32 v1, v3  }
0x148: {  	v8 =	vld [tilespmem:s10+$0x6440]  }
0x149: {  	[tilespmem:s10+$0x10400] =	vst v4;
	v4 =	vld [tilespmem:s10+$0xA030];
	v1 =	vadd.f32 v1, v2  }
0x14a: {  	v3 =	vld [tilespmem:s10+$0x7830]  }
0x14b: {  	v2 =	vld [tilespmem:s10+$0x8C30];
	v1 =	vmul.f32 $1.131370830e+01, v1  }
0x14c: {  	v6 =	vadd.f32 v6, v9;
	v0 =	vadd.f32 v0, v7;
	v7 =	vld [tilespmem:s10+$0x7840]  }
0x14d: {  	[tilespmem:s10+$0x10410] =	vst v1;
	v1 =	vld [tilespmem:s10+$0x8C40]  }
0x14e: {  	v0 =	vadd.f32 v0, v6;
	v6 =	vld [tilespmem:s10+$0xA040]  }
0x14f: {  	v63 =	vld [tilespmem:s10+$0x6450]  }
0x150: {  	v10 =	vld [tilespmem:s10+$0xA050];
	v3 =	vadd.f32 v3, v5;
	v2 =	vadd.f32 v4, v2;
	v0 =	vmul.f32 $1.131370830e+01, v0  }
0x151: {  	v5 =	vld [tilespmem:s10+$0x7850]  }
0x152: {  	[tilespmem:s10+$0x10420] =	vst v0;
	v0 =	vadd.f32 v2, v3;
	v2 =	vld [tilespmem:s10+$0x8C50]  }
0x153: {  	v11 =	vld [tilespmem:s10+$0x6460];
	v4 =	vadd.f32 v7, v8;
	v1 =	vadd.f32 v6, v1  }
0x154: {  	v12 =	vld [tilespmem:s10+$0x7860];
	v0 =	vmul.f32 $1.131370830e+01, v0  }
0x155: {  	v3 =	vld [tilespmem:s10+$0x8C60];
	v1 =	vadd.f32 v1, v4  }
0x156: {  	s14 =	simm.s32 $0x80;
	v4 =	vld [tilespmem:s10+$0xA060];
	[tilespmem:s10+$0x10430] =	vst v0  }
0x157: {  	v5 =	vadd.f32 v5, v63;
	v0 =	vld [tilespmem:s14+$0x6470];
	v6 =	vmul.f32 $1.131370830e+01, v1;
	v7 =	vadd.f32 v10, v2  }
0x158: {  	v1 =	vld [tilespmem:s14+$0x7870]  }
0x159: {  	s13 =	simm.s32 $0x400;
	v2 =	vld [tilespmem:s14+$0x8C70];
	[tilespmem:s10+$0x10440] =	vst v6;
	v6 =	vadd.f32 v7, v5;
	v5 =	vadd.f32 v12, v11  }
.LBB2_7:
0x15a: {  	p0 =	sne.s32 s13, $0x4E00;
	v7 =	vld [tilespmem:s14+$0xA070]  }
0x15b: {  	v8 =	vld [tilespmem:s14+$0x6400];
	v6 =	vmul.f32 $1.131370830e+01, v6;
	v3 =	vadd.f32 v4, v3  }
0x15c: {  	v4 =	vld [tilespmem:s14+$0x7800]  }
0x15d: {  	v9 =	vld [tilespmem:s14+$0x8C00];
	[tilespmem:s10+$0x10450] =	vst v6;
	v3 =	vadd.f32 v3, v5  }
0x15e: {  	v5 =	vld [tilespmem:s14+$0xA000]  }
0x15f: {  	v0 =	vadd.f32 v1, v0;
	v6 =	vld [tilespmem:s14+$0x6410];
	v1 =	vadd.f32 v7, v2;
	v2 =	vmul.f32 $1.131370830e+01, v3  }
0x160: {  	v3 =	vld [tilespmem:s14+$0x7810]  }
0x161: {  	v4 =	vadd.f32 v4, v8;
	v7 =	vld [tilespmem:s14+$0x8C10];
	v0 =	vadd.f32 v1, v0;
	[tilespmem:s10+$0x10460] =	vst v2;
	s10 =	smov.u32 s14  }
0x162: {  	v1 =	vld [tilespmem:s10+$0xA010]  }
0x163: {  	v2 =	vadd.f32 v5, v9;
	v5 =	vld [tilespmem:s10+$0x6420];
	v0 =	vmul.f32 $1.131370830e+01, v0  }
0x164: {  	v8 =	vld [tilespmem:s10+$0x7820]  }
0x165: {  	v2 =	vadd.f32 v2, v4;
	v3 =	vadd.f32 v3, v6;
	v4 =	vld [tilespmem:s10+$0x8C20];
	[tilespmem:s10+$0x10470] =	vst v0  }
0x166: {  	v0 =	vld [tilespmem:s10+$0xA020]  }
0x167: {  	v2 =	vmul.f32 $1.131370830e+01, v2;
	v1 =	vadd.f32 v1, v7;
	v6 =	vld [tilespmem:s10+$0x6430]  }
0x168: {  	v7 =	vld [tilespmem:s10+$0x7830]  }
0x169: {  	[tilespmem:s10+$0x10400] =	vst v2;
	v1 =	vadd.f32 v1, v3;
	v2 =	vadd.f32 v8, v5;
	v3 =	vld [tilespmem:s10+$0x8C30]  }
0x16a: {  	v5 =	vld [tilespmem:s10+$0xA030]  }
0x16b: {  	v1 =	vmul.f32 $1.131370830e+01, v1;
	v0 =	vadd.f32 v0, v4;
	v4 =	vld [tilespmem:s10+$0x6440]  }
0x16c: {  	v8 =	vld [tilespmem:s10+$0x7840]  }
0x16d: {  	[tilespmem:s10+$0x10410] =	vst v1;
	v0 =	vadd.f32 v0, v2;
	v1 =	vadd.f32 v7, v6;
	v2 =	vld [tilespmem:s10+$0x8C40]  }
0x16e: {  	v6 =	vld [tilespmem:s10+$0xA040]  }
0x16f: {  	v0 =	vmul.f32 $1.131370830e+01, v0;
	v3 =	vadd.f32 v5, v3;
	v5 =	vld [tilespmem:s10+$0x6450]  }
0x170: {  	v7 =	vld [tilespmem:s10+$0x7850]  }
0x171: {  	[tilespmem:s10+$0x10420] =	vst v0;
	v0 =	vadd.f32 v3, v1;
	v1 =	vadd.f32 v8, v4;
	v8 =	vld [tilespmem:s10+$0x8C50]  }
0x172: {  	v9 =	vld [tilespmem:s10+$0xA050]  }
0x173: {  	v0 =	vmul.f32 $1.131370830e+01, v0;
	v2 =	vadd.f32 v6, v2;
	v10 =	vld [tilespmem:s10+$0x6460]  }
0x174: {  	v11 =	vld [tilespmem:s10+$0x7860]  }
.Ltmp2:
0x175: {  	[tilespmem:s10+$0x10430] =	vst v0;
	v1 =	vadd.f32 v2, v1;
	v5 =	vadd.f32 v7, v5;
	v3 =	vld [tilespmem:s10+$0x8C60];
	(pc) =	sbr.rel @p0 .LBB2_7-.Ltmp2, $4  }
0x176: {  	s14 =	sshra.s32 s13, $0x2;
	v4 =	vld [tilespmem:s10+$0xA060]  }
0x177: {  	v0 =	vld [tilespmem:s14+$0x6470];
	v6 =	vmul.f32 $1.131370830e+01, v1;
	v7 =	vadd.f32 v9, v8  }
0x178: {  	v1 =	vld [tilespmem:s14+$0x7870]  }
0x179: {  	s13 =	sadd.s32 $0x200, s13;
	v2 =	vld [tilespmem:s14+$0x8C70];
	[tilespmem:s10+$0x10440] =	vst v6;
	v6 =	vadd.f32 v7, v5;
	v5 =	vadd.f32 v11, v10  }
0x17a: {  	v7 =	vld [tilespmem:s14+$0xA070]  }
0x17b: {  	v8 =	vld [tilespmem:s14+$0x6400];
	v6 =	vmul.f32 $1.131370830e+01, v6;
	v3 =	vadd.f32 v4, v3  }
0x17c: {  	v9 =	vld [tilespmem:s14+$0x7800]  }
0x17d: {  	v4 =	vld [tilespmem:s14+$0x8C00];
	[tilespmem:s10+$0x10450] =	vst v6;
	v3 =	vadd.f32 v3, v5  }
0x17e: {  	v5 =	vld [tilespmem:s14+$0xA000]  }
0x17f: {  	v6 =	vld [tilespmem:s14+$0x6410];
	v3 =	vmul.f32 $1.131370830e+01, v3  }
0x180: {  	v0 =	vadd.f32 v1, v0;
	v10 =	vld [tilespmem:s14+$0x7810];
	v1 =	vadd.f32 v7, v2  }
0x181: {  	v2 =	vld [tilespmem:s14+$0x8C10];
	[tilespmem:s10+$0x10460] =	vst v3  }
0x182: {  	v0 =	vadd.f32 v1, v0;
	v1 =	vld [tilespmem:s14+$0xA010]  }
0x183: {  	v3 =	vld [tilespmem:s14+$0x6420]  }
0x184: {  	v7 =	vadd.f32 v9, v8;
	v8 =	vld [tilespmem:s14+$0x8C20];
	v4 =	vadd.f32 v5, v4  }
0x185: {  	v58 =	vld [tilespmem:s14+$0x6440];
	v0 =	vmul.f32 $1.131370830e+01, v0  }
0x186: {  	v5 =	vld [tilespmem:s14+$0x7820];
	v4 =	vadd.f32 v4, v7  }
0x187: {  	[tilespmem:s14+$0x10470] =	vst v0;
	v0 =	vld [tilespmem:s14+$0xA020]  }
0x188: {  	v7 =	vld [tilespmem:s14+$0x6430];
	v4 =	vmul.f32 $1.131370830e+01, v4  }
0x189: {  	v6 =	vadd.f32 v10, v6;
	v1 =	vadd.f32 v1, v2;
	v2 =	vld [tilespmem:s14+$0x7830]  }
0x18a: {  	[tilespmem:s14+$0x10400] =	vst v4;
	v4 =	vld [tilespmem:s14+$0x8C30]  }
0x18b: {  	v1 =	vadd.f32 v1, v6;
	v6 =	vld [tilespmem:s14+$0xA030]  }
0x18c: {  	v59 =	vld [tilespmem:s14+$0x7860];
	v3 =	vadd.f32 v5, v3;
	v0 =	vadd.f32 v0, v8  }
0x18d: {  	v11 =	vld [tilespmem:s14+$0xA060]  }
0x18e: {  	v5 =	vld [tilespmem:s14+$0x7840];
	v0 =	vadd.f32 v0, v3  }
0x18f: {  	v8 =	vld [tilespmem:s14+$0x6450];
	v1 =	vmul.f32 $1.131370830e+01, v1  }
0x190: {  	v3 =	vld [tilespmem:s14+$0xA040];
	v2 =	vadd.f32 v2, v7;
	v0 =	vmul.f32 $1.131370830e+01, v0;
	v4 =	vadd.f32 v6, v4  }
0x191: {  	v7 =	vld [tilespmem:s14+$0x6460];
	[tilespmem:s14+$0x10410] =	vst v1  }
0x192: {  	v1 =	vld [tilespmem:s14+$0x8C40];
	[tilespmem:s14+$0x10420] =	vst v0;
	v0 =	vadd.f32 v4, v2  }
0x193: {  	v6 =	vld [tilespmem:s14+$0x7850]  }
0x194: {  	v2 =	vld [tilespmem:s14+$0x8C50];
	v0 =	vmul.f32 $1.131370830e+01, v0  }
0x195: {  	v4 =	vld [tilespmem:s14+$0xA050]  }
0x196: {  	[tilespmem:s14+$0x10430] =	vst v0;
	v0 =	vld [tilespmem:s14+$0x8C60];
	_ =	sdelay $0x1  }
0x197: {  	v5 =	vadd.f32 v5, v58;
	v1 =	vadd.f32 v3, v1  }
0x198: {  	s13 =	sshll.u32 s5, $0x1;
	v3 =	vadd.f32 v6, v8  }
0x199: {  	s8 =	sadd.s32 $0x4, s13;
	v1 =	vadd.f32 v1, v5;
	v2 =	vadd.f32 v4, v2  }
0x19a: {  	s15 =	smulhi.u32 $0x66666667, s8;
	v4 =	vadd.f32 v59, v7;
	v0 =	vadd.f32 v11, v0  }
0x19b: {  	s10 =	smul.u32 $0x50, s5;
	v2 =	vadd.f32 v2, v3  }
0x19c: {  	s15 =	sshrl.u32 s15, $0x1;
	v1 =	vmul.f32 $1.131370830e+01, v1;
	v0 =	vadd.f32 v0, v4  }
0x19d: {  	s23 =	smul.u32 $0x5, s15;
	s16 =	sadd.s32 s10, s11;
	v2 =	vmul.f32 $1.131370830e+01, v2  }
0x19e: {  	s16 =	sshll.u32 s16, $0x4;
	[tilespmem:s14+$0x10440] =	vst v1;
	v0 =	vmul.f32 $1.131370830e+01, v0  }
0x19f: {  	s15 =	smul.u32 $0xC80, s15;
	s8 =	ssub.s32 s8, s23;
	s16 =	sand.u32 $0x1FFFFF00, s16;
	[tilespmem:s14+$0x10450] =	vst v2  }
0x1a0: {  	s23 =	simm.s32 $0x0;
	s8 =	smul.u32 $0xA0, s8;
	s16 =	sadd.s32 s3, s16;
	[tilespmem:s14+$0x10460] =	vst v0  }
0x1a1: {  	[hbm4b:s16+s23] =	stream.linear.scatter [tilespmem:s19], [sflag:$0x3], $0x1400, $0x38;
	[tilespmem:$0x12C00] =	vst v63  }
0x1a2: {  	s8 =	sshrl.u32 s8, $0x2;
	s16 =	sshra.s32 s15, $0x2  }
0x1a3: {  	s8 =	sadd.s32 s8, s16  }
0x1a4: {  	[tilespmem:s18], [sflag:$0x1] =	stream.indirect.gather [hbm4b:s2+s17], $0x80, s8, s17, $0xb8;
	[tilespmem:$0x12C00] =	vst v63  }
0x1a5: {  	s14 =	sadd.s32 $0xC8, s8  }
0x1a6: {  	[tilespmem:s20], [sflag:$0x1] =	stream.indirect.gather [hbm4b:s6+s17], $0x80, s14, s17, $0xb8;
	[tilespmem:$0x12C00] =	vst v63  }
0x1a7: {  	s23 =	sadd.s32 $0x190, s8  }
0x1a8: {  	[tilespmem:s22], [sflag:$0x1] =	stream.indirect.gather [hbm4b:s7+s17], $0x80, s23, s17, $0xb8;
	[tilespmem:$0x12C00] =	vst v63  }
0x1a9: {  	s8 =	sadd.s32 $0x258, s8  }
0x1aa: {  	[tilespmem:s24], [sflag:$0x1] =	stream.indirect.gather [hbm4b:s9+s17], $0x80, s8, s17, $0xb8;
	[tilespmem:$0x12C00] =	vst v63  }
0x1ab: {  	_ =	swait.ge [sflag:s31], $0x1400  }
0x1ac: {  	[sflag:s31] =	ssyncset.done $0x0  }
0x1ad: {  	[sflag:s31] =	ssyncadd.s32 $0xFFFFEC00  }
0x1ae: {  	_ =	swait.ge [sflag:s31], $0x1400  }
0x1af: {  	[sflag:s31] =	ssyncset.done $0x0  }
0x1b0: {  	[sflag:s31] =	ssyncadd.s32 $0xFFFFEC00  }
0x1b1: {  	_ =	swait.ge [sflag:s31], $0x1400  }
0x1b2: {  	[sflag:s31] =	ssyncset.done $0x0  }
0x1b3: {  	[sflag:s31] =	ssyncadd.s32 $0xFFFFEC00  }
0x1b4: {  	_ =	swait.ge [sflag:s31], $0x1400  }
0x1b5: {  	[sflag:s31] =	ssyncset.done $0x0  }
0x1b6: {  	[sflag:s31] =	ssyncadd.s32 $0xFFFFEC00  }
0x1b7: {  	_ =	swait.ge [sflag:s29], $0x1400  }
0x1b8: {  	[sflag:s29] =	ssyncset.done $0x0  }
0x1b9: {  	s14 =	simm.s32 $0x0;
	[sflag:s29] =	ssyncadd.s32 $0xFFFFEC00  }
0x1ba: {  	v0 =	vld [tilespmem:s14+$0xB470]  }
0x1bb: {  	v1 =	vld [tilespmem:s14+$0xC870]  }
0x1bc: {  	v2 =	vld [tilespmem:s14+$0xDC70]  }
0x1bd: {  	v3 =	vld [tilespmem:s14+$0xF070]  }
0x1be: {  	v4 =	vld [tilespmem:s14+$0xB400]  }
0x1bf: {  	v5 =	vld [tilespmem:s14+$0xC800]  }
0x1c0: {  	v6 =	vld [tilespmem:s14+$0xDC00]  }
0x1c1: {  	v7 =	vld [tilespmem:s14+$0xF000]  }
0x1c2: {  	v8 =	vld [tilespmem:s14+$0xB410]  }
0x1c3: {  	v0 =	vadd.f32 v1, v0;
	v1 =	vadd.f32 v3, v2;
	v2 =	vld [tilespmem:s14+$0xC810]  }
0x1c4: {  	v3 =	vld [tilespmem:s14+$0xDC10]  }
0x1c5: {  	v0 =	vadd.f32 v1, v0;
	v1 =	vld [tilespmem:s14+$0xF010]  }
0x1c6: {  	v60 =	vld [tilespmem:s14+$0xB420];
	v4 =	vadd.f32 v5, v4;
	v5 =	vadd.f32 v7, v6  }
0x1c7: {  	v6 =	vld [tilespmem:s14+$0xC820]  }
0x1c8: {  	v7 =	vld [tilespmem:s14+$0xDC20];
	v4 =	vadd.f32 v5, v4;
	v0 =	vmul.f32 $1.131370830e+01, v0  }
0x1c9: {  	v5 =	vld [tilespmem:s14+$0xB430]  }
0x1ca: {  	v4 =	vmul.f32 $1.131370830e+01, v4;
	v2 =	vadd.f32 v2, v8;
	[tilespmem:s14+$0x11870] =	vst v0;
	v0 =	vld [tilespmem:s14+$0xF020];
	v1 =	vadd.f32 v1, v3  }
0x1cb: {  	v8 =	vld [tilespmem:s14+$0xB440]  }
0x1cc: {  	[tilespmem:s14+$0x11800] =	vst v4;
	v4 =	vld [tilespmem:s14+$0xF030];
	v1 =	vadd.f32 v1, v2  }
0x1cd: {  	v3 =	vld [tilespmem:s14+$0xC830]  }
0x1ce: {  	v2 =	vld [tilespmem:s14+$0xDC30];
	v1 =	vmul.f32 $1.131370830e+01, v1  }
0x1cf: {  	v6 =	vadd.f32 v6, v60;
	v0 =	vadd.f32 v0, v7;
	v7 =	vld [tilespmem:s14+$0xC840]  }
0x1d0: {  	[tilespmem:s14+$0x11810] =	vst v1;
	v1 =	vld [tilespmem:s14+$0xDC40]  }
0x1d1: {  	v0 =	vadd.f32 v0, v6;
	v6 =	vld [tilespmem:s14+$0xF040]  }
0x1d2: {  	v61 =	vld [tilespmem:s14+$0xB450]  }
0x1d3: {  	v62 =	vld [tilespmem:s14+$0xF050];
	v3 =	vadd.f32 v3, v5;
	v2 =	vadd.f32 v4, v2;
	v0 =	vmul.f32 $1.131370830e+01, v0  }
0x1d4: {  	v5 =	vld [tilespmem:s14+$0xC850]  }
0x1d5: {  	[tilespmem:s14+$0x11820] =	vst v0;
	v0 =	vadd.f32 v2, v3;
	v2 =	vld [tilespmem:s14+$0xDC50]  }
0x1d6: {  	v63 =	vld [tilespmem:s14+$0xB460];
	v4 =	vadd.f32 v7, v8;
	v1 =	vadd.f32 v6, v1  }
0x1d7: {  	v12 =	vld [tilespmem:s14+$0xC860];
	v0 =	vmul.f32 $1.131370830e+01, v0  }
0x1d8: {  	v3 =	vld [tilespmem:s14+$0xDC60];
	v1 =	vadd.f32 v1, v4  }
0x1d9: {  	s15 =	simm.s32 $0x80;
	v4 =	vld [tilespmem:s14+$0xF060];
	[tilespmem:s14+$0x11830] =	vst v0  }
0x1da: {  	v5 =	vadd.f32 v5, v61;
	v0 =	vld [tilespmem:s15+$0xB470];
	v6 =	vmul.f32 $1.131370830e+01, v1;
	v7 =	vadd.f32 v62, v2  }
0x1db: {  	v1 =	vld [tilespmem:s15+$0xC870]  }
0x1dc: {  	s8 =	simm.s32 $0x400;
	v2 =	vld [tilespmem:s15+$0xDC70];
	[tilespmem:s14+$0x11840] =	vst v6;
	v6 =	vadd.f32 v7, v5;
	v5 =	vadd.f32 v12, v63  }
.LBB2_9:
0x1dd: {  	p0 =	sne.s32 s8, $0x4E00;
	v7 =	vld [tilespmem:s15+$0xF070]  }
0x1de: {  	v8 =	vld [tilespmem:s15+$0xB400];
	v6 =	vmul.f32 $1.131370830e+01, v6;
	v3 =	vadd.f32 v4, v3  }
0x1df: {  	v4 =	vld [tilespmem:s15+$0xC800]  }
0x1e0: {  	v9 =	vld [tilespmem:s15+$0xDC00];
	[tilespmem:s14+$0x11850] =	vst v6;
	v3 =	vadd.f32 v3, v5  }
0x1e1: {  	v5 =	vld [tilespmem:s15+$0xF000]  }
0x1e2: {  	v0 =	vadd.f32 v1, v0;
	v6 =	vld [tilespmem:s15+$0xB410];
	v1 =	vadd.f32 v7, v2;
	v2 =	vmul.f32 $1.131370830e+01, v3  }
0x1e3: {  	v3 =	vld [tilespmem:s15+$0xC810]  }
0x1e4: {  	v4 =	vadd.f32 v4, v8;
	v7 =	vld [tilespmem:s15+$0xDC10];
	v0 =	vadd.f32 v1, v0;
	[tilespmem:s14+$0x11860] =	vst v2;
	s14 =	smov.u32 s15  }
0x1e5: {  	v1 =	vld [tilespmem:s14+$0xF010]  }
0x1e6: {  	v2 =	vadd.f32 v5, v9;
	v5 =	vld [tilespmem:s14+$0xB420];
	v0 =	vmul.f32 $1.131370830e+01, v0  }
0x1e7: {  	v8 =	vld [tilespmem:s14+$0xC820]  }
0x1e8: {  	v2 =	vadd.f32 v2, v4;
	v3 =	vadd.f32 v3, v6;
	v4 =	vld [tilespmem:s14+$0xDC20];
	[tilespmem:s14+$0x11870] =	vst v0  }
0x1e9: {  	v0 =	vld [tilespmem:s14+$0xF020]  }
0x1ea: {  	v2 =	vmul.f32 $1.131370830e+01, v2;
	v1 =	vadd.f32 v1, v7;
	v6 =	vld [tilespmem:s14+$0xB430]  }
0x1eb: {  	v7 =	vld [tilespmem:s14+$0xC830]  }
0x1ec: {  	[tilespmem:s14+$0x11800] =	vst v2;
	v1 =	vadd.f32 v1, v3;
	v2 =	vadd.f32 v8, v5;
	v3 =	vld [tilespmem:s14+$0xDC30]  }
0x1ed: {  	v5 =	vld [tilespmem:s14+$0xF030]  }
0x1ee: {  	v1 =	vmul.f32 $1.131370830e+01, v1;
	v0 =	vadd.f32 v0, v4;
	v4 =	vld [tilespmem:s14+$0xB440]  }
0x1ef: {  	v8 =	vld [tilespmem:s14+$0xC840]  }
0x1f0: {  	[tilespmem:s14+$0x11810] =	vst v1;
	v0 =	vadd.f32 v0, v2;
	v1 =	vadd.f32 v7, v6;
	v2 =	vld [tilespmem:s14+$0xDC40]  }
0x1f1: {  	v6 =	vld [tilespmem:s14+$0xF040]  }
0x1f2: {  	v0 =	vmul.f32 $1.131370830e+01, v0;
	v3 =	vadd.f32 v5, v3;
	v5 =	vld [tilespmem:s14+$0xB450]  }
0x1f3: {  	v7 =	vld [tilespmem:s14+$0xC850]  }
0x1f4: {  	[tilespmem:s14+$0x11820] =	vst v0;
	v0 =	vadd.f32 v3, v1;
	v1 =	vadd.f32 v8, v4;
	v8 =	vld [tilespmem:s14+$0xDC50]  }
0x1f5: {  	v9 =	vld [tilespmem:s14+$0xF050]  }
0x1f6: {  	v0 =	vmul.f32 $1.131370830e+01, v0;
	v2 =	vadd.f32 v6, v2;
	v10 =	vld [tilespmem:s14+$0xB460]  }
0x1f7: {  	v11 =	vld [tilespmem:s14+$0xC860]  }
.Ltmp3:
0x1f8: {  	[tilespmem:s14+$0x11830] =	vst v0;
	v1 =	vadd.f32 v2, v1;
	v5 =	vadd.f32 v7, v5;
	v3 =	vld [tilespmem:s14+$0xDC60];
	(pc) =	sbr.rel @p0 .LBB2_9-.Ltmp3, $4  }
0x1f9: {  	s15 =	sshra.s32 s8, $0x2;
	v4 =	vld [tilespmem:s14+$0xF060]  }
0x1fa: {  	v0 =	vld [tilespmem:s15+$0xB470];
	v6 =	vmul.f32 $1.131370830e+01, v1;
	v7 =	vadd.f32 v9, v8  }
0x1fb: {  	v1 =	vld [tilespmem:s15+$0xC870]  }
0x1fc: {  	s8 =	sadd.s32 $0x200, s8;
	v2 =	vld [tilespmem:s15+$0xDC70];
	[tilespmem:s14+$0x11840] =	vst v6;
	v6 =	vadd.f32 v7, v5;
	v5 =	vadd.f32 v11, v10  }
0x1fd: {  	v7 =	vld [tilespmem:s15+$0xF070]  }
0x1fe: {  	v8 =	vld [tilespmem:s15+$0xB400];
	v6 =	vmul.f32 $1.131370830e+01, v6;
	v3 =	vadd.f32 v4, v3  }
0x1ff: {  	v9 =	vld [tilespmem:s15+$0xC800]  }
0x200: {  	v37 =	vld [tilespmem:s15+$0xDC00];
	[tilespmem:s14+$0x11850] =	vst v6;
	v3 =	vadd.f32 v3, v5  }
0x201: {  	v38 =	vld [tilespmem:s15+$0xF000]  }
0x202: {  	v6 =	vld [tilespmem:s15+$0xB410];
	v3 =	vmul.f32 $1.131370830e+01, v3  }
0x203: {  	v10 =	vld [tilespmem:s15+$0xC810]  }
0x204: {  	v40 =	vld [tilespmem:s15+$0xDC10];
	[tilespmem:s14+$0x11860] =	vst v3  }
0x205: {  	v41 =	vld [tilespmem:s15+$0xF010]  }
0x206: {  	v3 =	vld [tilespmem:s15+$0xB420]  }
0x207: {  	v43 =	vld [tilespmem:s15+$0xC820]  }
0x208: {  	v44 =	vld [tilespmem:s15+$0xDC20]  }
0x209: {  	v45 =	vld [tilespmem:s15+$0xF020]  }
0x20a: {  	v46 =	vld [tilespmem:s15+$0xB430]  }
0x20b: {  	v47 =	vld [tilespmem:s15+$0xC830]  }
0x20c: {  	v48 =	vld [tilespmem:s15+$0xDC30]  }
0x20d: {  	v49 =	vld [tilespmem:s15+$0xF030]  }
0x20e: {  	v50 =	vld [tilespmem:s15+$0xB440]  }
0x20f: {  	v51 =	vld [tilespmem:s15+$0xC840]  }
0x210: {  	v0 =	vadd.f32 v1, v0;
	v39 =	vadd.f32 v7, v2;
	v52 =	vld [tilespmem:s15+$0xDC40]  }
0x211: {  	v42 =	vadd.f32 v9, v8;
	v53 =	vld [tilespmem:s15+$0xF040]  }
0x212: {  	v0 =	vadd.f32 v39, v0;
	v54 =	vld [tilespmem:s15+$0xB450];
	v4 =	vadd.f32 v38, v37  }
0x213: {  	v55 =	vld [tilespmem:s15+$0xC850]  }
0x214: {  	v57 =	vld [tilespmem:s15+$0xDC50];
	v0 =	vmul.f32 $1.131370830e+01, v0;
	v4 =	vadd.f32 v4, v42  }
0x215: {  	v58 =	vld [tilespmem:s15+$0xF050];
	v6 =	vadd.f32 v10, v6  }
0x216: {  	v59 =	vld [tilespmem:s15+$0xB460];
	[tilespmem:s15+$0x11870] =	vst v0;
	v4 =	vmul.f32 $1.131370830e+01, v4;
	v3 =	vadd.f32 v43, v3;
	v0 =	vadd.f32 v45, v44  }
0x217: {  	v60 =	vld [tilespmem:s15+$0xC860];
	v1 =	vadd.f32 v41, v40;
	v2 =	vadd.f32 v47, v46  }
0x218: {  	v61 =	vld [tilespmem:s15+$0xDC60];
	[tilespmem:s15+$0x11800] =	vst v4;
	v0 =	vadd.f32 v0, v3;
	v4 =	vadd.f32 v49, v48  }
0x219: {  	v11 =	vld [tilespmem:s15+$0xF060];
	v1 =	vadd.f32 v1, v6  }
0x21a: {  	v0 =	vmul.f32 $1.131370830e+01, v0;
	v56 =	vadd.f32 v4, v2  }
0x21b: {  	s8 =	sadd.s32 $0x5, s13;
	v5 =	vadd.f32 v51, v50;
	v1 =	vmul.f32 $1.131370830e+01, v1  }
0x21c: {  	s13 =	smulhi.u32 $0x66666667, s8;
	v62 =	vadd.f32 v55, v54;
	v2 =	vadd.f32 v58, v57;
	[tilespmem:s15+$0x11820] =	vst v0;
	v0 =	vmul.f32 $1.131370830e+01, v56  }
0x21d: {  	v63 =	vadd.f32 v60, v59;
	[tilespmem:s15+$0x11810] =	vst v1;
	v1 =	vadd.f32 v53, v52  }
0x21e: {  	s13 =	sshrl.u32 s13, $0x1;
	v2 =	vadd.f32 v2, v62;
	[tilespmem:s15+$0x11830] =	vst v0;
	v0 =	vadd.f32 v11, v61  }
0x21f: {  	s23 =	smul.u32 $0x5, s13;
	v1 =	vadd.f32 v1, v5  }
0x220: {  	v2 =	vmul.f32 $1.131370830e+01, v2;
	v0 =	vadd.f32 v0, v63  }
0x221: {  	s10 =	sadd.s32 s10, s12;
	s13 =	smul.u32 $0xC80, s13;
	s8 =	ssub.s32 s8, s23;
	v1 =	vmul.f32 $1.131370830e+01, v1  }
0x222: {  	s10 =	sshll.u32 s10, $0x4;
	s8 =	smul.u32 $0xA0, s8;
	[tilespmem:s15+$0x11850] =	vst v2;
	v0 =	vmul.f32 $1.131370830e+01, v0  }
0x223: {  	s10 =	sand.u32 $0x1FFFFF80, s10;
	[tilespmem:s15+$0x11840] =	vst v1  }
0x224: {  	s10 =	sadd.s32 s3, s10;
	s16 =	sshra.s32 s13, $0x2;
	s8 =	sshrl.u32 s8, $0x2;
	[tilespmem:s15+$0x11860] =	vst v0  }
0x225: {  	[hbm4b:s10+s4] =	stream.linear.scatter [tilespmem:s21], [sflag:$0x4], $0x1400, $0x38;
	[tilespmem:$0x12C00] =	vst v63  }
0x226: {  	s5 =	sadd.s32 $0x1, s5;
	s8 =	sadd.s32 s8, s16  }
0x227: {  	[tilespmem:s25], [sflag:$0x2] =	stream.indirect.gather [hbm4b:s2+s17], $0x80, s8, s17, $0xb8;
	[tilespmem:$0x12C00] =	vst v63  }
0x228: {  	p0 =	sne.s32 s5, $0x4E;
	s10 =	sadd.s32 $0xC8, s8  }
0x229: {  	[tilespmem:s28], [sflag:$0x2] =	stream.indirect.gather [hbm4b:s6+s17], $0x80, s10, s17, $0xb8;
	[tilespmem:$0x12C00] =	vst v63  }
.Ltmp4:
0x22a: {  	_ = 	snop;
	(pc) =	sbr.rel @p0 .LBB2_6-.Ltmp4, $4  }
0x22b: {  	s23 =	sadd.s32 $0x190, s8  }
0x22c: {  	[tilespmem:s30], [sflag:$0x2] =	stream.indirect.gather [hbm4b:s7+s17], $0x80, s23, s17, $0xb8;
	[tilespmem:$0x12C00] =	vst v63  }
0x22d: {  	s8 =	sadd.s32 $0x258, s8  }
0x22e: {  	[tilespmem:s1], [sflag:$0x2] =	stream.indirect.gather [hbm4b:s9+s17], $0x80, s8, s17, $0xb8;
	[tilespmem:$0x12C00] =	vst v63  }
0x22f: {  	_ =	swait.ge [sflag:s0], $0x1400  }
0x230: {  	[sflag:s0] =	ssyncset.done $0x0  }
0x231: {  	[sflag:s0] =	ssyncadd.s32 $0xFFFFEC00  }
0x232: {  	_ =	swait.ge [sflag:s0], $0x1400  }
0x233: {  	[sflag:s0] =	ssyncset.done $0x0  }
0x234: {  	[sflag:s0] =	ssyncadd.s32 $0xFFFFEC00  }
0x235: {  	_ =	swait.ge [sflag:s0], $0x1400  }
0x236: {  	[sflag:s0] =	ssyncset.done $0x0  }
0x237: {  	[sflag:s0] =	ssyncadd.s32 $0xFFFFEC00  }
0x238: {  	_ =	swait.ge [sflag:s0], $0x1400  }
0x239: {  	[sflag:s0] =	ssyncset.done $0x0  }
0x23a: {  	[sflag:s0] =	ssyncadd.s32 $0xFFFFEC00  }
0x23b: {  	_ =	swait.ge [sflag:s26], $0x1400  }
0x23c: {  	[sflag:s26] =	ssyncset.done $0x0  }
0x23d: {  	s5 =	simm.s32 $0x0;
	[sflag:s26] =	ssyncadd.s32 $0xFFFFEC00  }
0x23e: {  	v0 =	vld [tilespmem:s5+$0x6470]  }
0x23f: {  	v1 =	vld [tilespmem:s5+$0x7870]  }
0x240: {  	v2 =	vld [tilespmem:s5+$0x8C70]  }
0x241: {  	v3 =	vld [tilespmem:s5+$0xA070]  }
0x242: {  	v4 =	vld [tilespmem:s5+$0x6400]  }
0x243: {  	v5 =	vld [tilespmem:s5+$0x7800]  }
0x244: {  	v6 =	vld [tilespmem:s5+$0x8C00]  }
0x245: {  	v7 =	vld [tilespmem:s5+$0xA000]  }
0x246: {  	v8 =	vld [tilespmem:s5+$0x6410]  }
0x247: {  	v0 =	vadd.f32 v1, v0;
	v1 =	vadd.f32 v3, v2;
	v2 =	vld [tilespmem:s5+$0x7810]  }
0x248: {  	v3 =	vld [tilespmem:s5+$0x8C10]  }
0x249: {  	v0 =	vadd.f32 v1, v0;
	v1 =	vld [tilespmem:s5+$0xA010]  }
0x24a: {  	v9 =	vld [tilespmem:s5+$0x6420];
	v4 =	vadd.f32 v5, v4;
	v5 =	vadd.f32 v7, v6  }
0x24b: {  	v6 =	vld [tilespmem:s5+$0x7820]  }
0x24c: {  	v7 =	vld [tilespmem:s5+$0x8C20];
	v4 =	vadd.f32 v5, v4;
	v0 =	vmul.f32 $1.131370830e+01, v0  }
0x24d: {  	v5 =	vld [tilespmem:s5+$0x6430]  }
0x24e: {  	v4 =	vmul.f32 $1.131370830e+01, v4;
	v2 =	vadd.f32 v2, v8;
	[tilespmem:s5+$0x10470] =	vst v0;
	v0 =	vld [tilespmem:s5+$0xA020];
	v1 =	vadd.f32 v1, v3  }
0x24f: {  	v8 =	vld [tilespmem:s5+$0x6440]  }
0x250: {  	[tilespmem:s5+$0x10400] =	vst v4;
	v4 =	vld [tilespmem:s5+$0xA030];
	v1 =	vadd.f32 v1, v2  }
0x251: {  	v3 =	vld [tilespmem:s5+$0x7830]  }
0x252: {  	v2 =	vld [tilespmem:s5+$0x8C30];
	v1 =	vmul.f32 $1.131370830e+01, v1  }
0x253: {  	v6 =	vadd.f32 v6, v9;
	v0 =	vadd.f32 v0, v7;
	v7 =	vld [tilespmem:s5+$0x7840]  }
0x254: {  	[tilespmem:s5+$0x10410] =	vst v1;
	v1 =	vld [tilespmem:s5+$0x8C40]  }
0x255: {  	v0 =	vadd.f32 v0, v6;
	v6 =	vld [tilespmem:s5+$0xA040]  }
0x256: {  	v63 =	vld [tilespmem:s5+$0x6450]  }
0x257: {  	v10 =	vld [tilespmem:s5+$0xA050];
	v3 =	vadd.f32 v3, v5;
	v2 =	vadd.f32 v4, v2;
	v0 =	vmul.f32 $1.131370830e+01, v0  }
0x258: {  	v5 =	vld [tilespmem:s5+$0x7850]  }
0x259: {  	[tilespmem:s5+$0x10420] =	vst v0;
	v0 =	vadd.f32 v2, v3;
	v2 =	vld [tilespmem:s5+$0x8C50]  }
0x25a: {  	v11 =	vld [tilespmem:s5+$0x6460];
	v4 =	vadd.f32 v7, v8;
	v1 =	vadd.f32 v6, v1  }
0x25b: {  	v12 =	vld [tilespmem:s5+$0x7860];
	v0 =	vmul.f32 $1.131370830e+01, v0  }
0x25c: {  	v3 =	vld [tilespmem:s5+$0x8C60];
	v1 =	vadd.f32 v1, v4  }
0x25d: {  	s10 =	simm.s32 $0x80;
	v4 =	vld [tilespmem:s5+$0xA060];
	[tilespmem:s5+$0x10430] =	vst v0  }
0x25e: {  	v5 =	vadd.f32 v5, v63;
	v0 =	vld [tilespmem:s10+$0x6470];
	v6 =	vmul.f32 $1.131370830e+01, v1;
	v7 =	vadd.f32 v10, v2  }
0x25f: {  	v1 =	vld [tilespmem:s10+$0x7870]  }
0x260: {  	s8 =	simm.s32 $0x400;
	v2 =	vld [tilespmem:s10+$0x8C70];
	[tilespmem:s5+$0x10440] =	vst v6;
	v6 =	vadd.f32 v7, v5;
	v5 =	vadd.f32 v12, v11  }
.LBB2_12:
0x261: {  	p0 =	sne.s32 s8, $0x4E00;
	v7 =	vld [tilespmem:s10+$0xA070]  }
0x262: {  	v8 =	vld [tilespmem:s10+$0x6400];
	v6 =	vmul.f32 $1.131370830e+01, v6;
	v3 =	vadd.f32 v4, v3  }
0x263: {  	v4 =	vld [tilespmem:s10+$0x7800]  }
0x264: {  	v9 =	vld [tilespmem:s10+$0x8C00];
	[tilespmem:s5+$0x10450] =	vst v6;
	v3 =	vadd.f32 v3, v5  }
0x265: {  	v5 =	vld [tilespmem:s10+$0xA000]  }
0x266: {  	v0 =	vadd.f32 v1, v0;
	v6 =	vld [tilespmem:s10+$0x6410];
	v1 =	vadd.f32 v7, v2;
	v2 =	vmul.f32 $1.131370830e+01, v3  }
0x267: {  	v3 =	vld [tilespmem:s10+$0x7810]  }
0x268: {  	v4 =	vadd.f32 v4, v8;
	v7 =	vld [tilespmem:s10+$0x8C10];
	v0 =	vadd.f32 v1, v0;
	[tilespmem:s5+$0x10460] =	vst v2;
	s5 =	smov.u32 s10  }
0x269: {  	v1 =	vld [tilespmem:s5+$0xA010]  }
0x26a: {  	v2 =	vadd.f32 v5, v9;
	v5 =	vld [tilespmem:s5+$0x6420];
	v0 =	vmul.f32 $1.131370830e+01, v0  }
0x26b: {  	v8 =	vld [tilespmem:s5+$0x7820]  }
0x26c: {  	v2 =	vadd.f32 v2, v4;
	v3 =	vadd.f32 v3, v6;
	v4 =	vld [tilespmem:s5+$0x8C20];
	[tilespmem:s5+$0x10470] =	vst v0  }
0x26d: {  	v0 =	vld [tilespmem:s5+$0xA020]  }
0x26e: {  	v2 =	vmul.f32 $1.131370830e+01, v2;
	v1 =	vadd.f32 v1, v7;
	v6 =	vld [tilespmem:s5+$0x6430]  }
0x26f: {  	v7 =	vld [tilespmem:s5+$0x7830]  }
0x270: {  	[tilespmem:s5+$0x10400] =	vst v2;
	v1 =	vadd.f32 v1, v3;
	v2 =	vadd.f32 v8, v5;
	v3 =	vld [tilespmem:s5+$0x8C30]  }
0x271: {  	v5 =	vld [tilespmem:s5+$0xA030]  }
0x272: {  	v1 =	vmul.f32 $1.131370830e+01, v1;
	v0 =	vadd.f32 v0, v4;
	v4 =	vld [tilespmem:s5+$0x6440]  }
0x273: {  	v8 =	vld [tilespmem:s5+$0x7840]  }
0x274: {  	[tilespmem:s5+$0x10410] =	vst v1;
	v0 =	vadd.f32 v0, v2;
	v1 =	vadd.f32 v7, v6;
	v2 =	vld [tilespmem:s5+$0x8C40]  }
0x275: {  	v6 =	vld [tilespmem:s5+$0xA040]  }
0x276: {  	v0 =	vmul.f32 $1.131370830e+01, v0;
	v3 =	vadd.f32 v5, v3;
	v5 =	vld [tilespmem:s5+$0x6450]  }
0x277: {  	v7 =	vld [tilespmem:s5+$0x7850]  }
0x278: {  	[tilespmem:s5+$0x10420] =	vst v0;
	v0 =	vadd.f32 v3, v1;
	v1 =	vadd.f32 v8, v4;
	v8 =	vld [tilespmem:s5+$0x8C50]  }
0x279: {  	v9 =	vld [tilespmem:s5+$0xA050]  }
0x27a: {  	v0 =	vmul.f32 $1.131370830e+01, v0;
	v2 =	vadd.f32 v6, v2;
	v10 =	vld [tilespmem:s5+$0x6460]  }
0x27b: {  	v11 =	vld [tilespmem:s5+$0x7860]  }
.Ltmp5:
0x27c: {  	[tilespmem:s5+$0x10430] =	vst v0;
	v1 =	vadd.f32 v2, v1;
	v5 =	vadd.f32 v7, v5;
	v3 =	vld [tilespmem:s5+$0x8C60];
	(pc) =	sbr.rel @p0 .LBB2_12-.Ltmp5, $4  }
0x27d: {  	s10 =	sshra.s32 s8, $0x2;
	v4 =	vld [tilespmem:s5+$0xA060]  }
0x27e: {  	v0 =	vld [tilespmem:s10+$0x6470];
	v6 =	vmul.f32 $1.131370830e+01, v1;
	v7 =	vadd.f32 v9, v8  }
0x27f: {  	v1 =	vld [tilespmem:s10+$0x7870]  }
0x280: {  	s8 =	sadd.s32 $0x200, s8;
	v2 =	vld [tilespmem:s10+$0x8C70];
	[tilespmem:s5+$0x10440] =	vst v6;
	v6 =	vadd.f32 v7, v5;
	v5 =	vadd.f32 v11, v10  }
0x281: {  	v7 =	vld [tilespmem:s10+$0xA070]  }
0x282: {  	v8 =	vld [tilespmem:s10+$0x6400];
	v6 =	vmul.f32 $1.131370830e+01, v6;
	v3 =	vadd.f32 v4, v3  }
0x283: {  	v9 =	vld [tilespmem:s10+$0x7800]  }
0x284: {  	v4 =	vld [tilespmem:s10+$0x8C00];
	[tilespmem:s5+$0x10450] =	vst v6;
	v3 =	vadd.f32 v3, v5  }
0x285: {  	v5 =	vld [tilespmem:s10+$0xA000]  }
0x286: {  	v6 =	vld [tilespmem:s10+$0x6410];
	v3 =	vmul.f32 $1.131370830e+01, v3  }
0x287: {  	v0 =	vadd.f32 v1, v0;
	v10 =	vld [tilespmem:s10+$0x7810];
	v1 =	vadd.f32 v7, v2  }
0x288: {  	v2 =	vld [tilespmem:s10+$0x8C10];
	[tilespmem:s5+$0x10460] =	vst v3  }
0x289: {  	v0 =	vadd.f32 v1, v0;
	v1 =	vld [tilespmem:s10+$0xA010]  }
0x28a: {  	v3 =	vld [tilespmem:s10+$0x6420]  }
0x28b: {  	v7 =	vadd.f32 v9, v8;
	v8 =	vld [tilespmem:s10+$0x8C20];
	v4 =	vadd.f32 v5, v4  }
0x28c: {  	v58 =	vld [tilespmem:s10+$0x6440];
	v0 =	vmul.f32 $1.131370830e+01, v0  }
0x28d: {  	v5 =	vld [tilespmem:s10+$0x7820];
	v4 =	vadd.f32 v4, v7  }
0x28e: {  	[tilespmem:s10+$0x10470] =	vst v0;
	v0 =	vld [tilespmem:s10+$0xA020]  }
0x28f: {  	v7 =	vld [tilespmem:s10+$0x6430];
	v4 =	vmul.f32 $1.131370830e+01, v4  }
0x290: {  	v6 =	vadd.f32 v10, v6;
	v1 =	vadd.f32 v1, v2;
	v2 =	vld [tilespmem:s10+$0x7830]  }
0x291: {  	[tilespmem:s10+$0x10400] =	vst v4;
	v4 =	vld [tilespmem:s10+$0x8C30]  }
0x292: {  	v1 =	vadd.f32 v1, v6;
	v6 =	vld [tilespmem:s10+$0xA030]  }
0x293: {  	v59 =	vld [tilespmem:s10+$0x7860];
	v3 =	vadd.f32 v5, v3;
	v0 =	vadd.f32 v0, v8  }
0x294: {  	v11 =	vld [tilespmem:s10+$0xA060]  }
0x295: {  	v5 =	vld [tilespmem:s10+$0x7840];
	v0 =	vadd.f32 v0, v3  }
0x296: {  	v8 =	vld [tilespmem:s10+$0x6450];
	v1 =	vmul.f32 $1.131370830e+01, v1  }
0x297: {  	v3 =	vld [tilespmem:s10+$0xA040];
	v2 =	vadd.f32 v2, v7;
	v0 =	vmul.f32 $1.131370830e+01, v0;
	v4 =	vadd.f32 v6, v4  }
0x298: {  	v7 =	vld [tilespmem:s10+$0x6460];
	[tilespmem:s10+$0x10410] =	vst v1  }
0x299: {  	v1 =	vld [tilespmem:s10+$0x8C40];
	[tilespmem:s10+$0x10420] =	vst v0;
	v0 =	vadd.f32 v4, v2  }
0x29a: {  	v6 =	vld [tilespmem:s10+$0x7850]  }
0x29b: {  	v2 =	vld [tilespmem:s10+$0x8C50];
	v0 =	vmul.f32 $1.131370830e+01, v0  }
0x29c: {  	v4 =	vld [tilespmem:s10+$0xA050]  }
0x29d: {  	[tilespmem:s10+$0x10430] =	vst v0;
	v0 =	vld [tilespmem:s10+$0x8C60];
	_ =	sdelay $0x1  }
0x29e: {  	v5 =	vadd.f32 v5, v58;
	v1 =	vadd.f32 v3, v1  }
0x29f: {  	v3 =	vadd.f32 v6, v8  }
0x2a0: {  	v1 =	vadd.f32 v1, v5;
	v2 =	vadd.f32 v4, v2  }
0x2a1: {  	v4 =	vadd.f32 v59, v7;
	v0 =	vadd.f32 v11, v0  }
0x2a2: {  	v2 =	vadd.f32 v2, v3  }
0x2a3: {  	v1 =	vmul.f32 $1.131370830e+01, v1;
	v0 =	vadd.f32 v0, v4  }
0x2a4: {  	v2 =	vmul.f32 $1.131370830e+01, v2  }
0x2a5: {  	[tilespmem:s10+$0x10440] =	vst v1;
	v0 =	vmul.f32 $1.131370830e+01, v0  }
0x2a6: {  	[tilespmem:s10+$0x10450] =	vst v2  }
0x2a7: {  	s23 =	simm.s32 $0x0;
	s8 =	rddreg [dreg:$0x7];
	[tilespmem:s10+$0x10460] =	vst v0  }
0x2a8: {  	[hbm4b:s8+s23] =	stream.linear.scatter [tilespmem:s19], [sflag:$0x3], $0x1400, $0x38;
	[tilespmem:$0x12C00] =	vst v63  }
0x2a9: {  	_ =	swait.ge [sflag:s31], $0x1400  }
0x2aa: {  	[sflag:s31] =	ssyncset.done $0x0  }
0x2ab: {  	[sflag:s31] =	ssyncadd.s32 $0xFFFFEC00  }
0x2ac: {  	_ =	swait.ge [sflag:s31], $0x1400  }
0x2ad: {  	[sflag:s31] =	ssyncset.done $0x0  }
0x2ae: {  	[sflag:s31] =	ssyncadd.s32 $0xFFFFEC00  }
0x2af: {  	_ =	swait.ge [sflag:s31], $0x1400  }
0x2b0: {  	[sflag:s31] =	ssyncset.done $0x0  }
0x2b1: {  	[sflag:s31] =	ssyncadd.s32 $0xFFFFEC00  }
0x2b2: {  	_ =	swait.ge [sflag:s31], $0x1400  }
0x2b3: {  	[sflag:s31] =	ssyncset.done $0x0  }
0x2b4: {  	[sflag:s31] =	ssyncadd.s32 $0xFFFFEC00  }
0x2b5: {  	_ =	swait.ge [sflag:s29], $0x1400  }
0x2b6: {  	[sflag:s29] =	ssyncset.done $0x0  }
0x2b7: {  	s5 =	simm.s32 $0x0;
	[sflag:s29] =	ssyncadd.s32 $0xFFFFEC00  }
0x2b8: {  	v0 =	vld [tilespmem:s5+$0xB470]  }
0x2b9: {  	v1 =	vld [tilespmem:s5+$0xC870]  }
0x2ba: {  	v2 =	vld [tilespmem:s5+$0xDC70]  }
0x2bb: {  	v3 =	vld [tilespmem:s5+$0xF070]  }
0x2bc: {  	v4 =	vld [tilespmem:s5+$0xB400]  }
0x2bd: {  	v5 =	vld [tilespmem:s5+$0xC800]  }
0x2be: {  	v6 =	vld [tilespmem:s5+$0xDC00]  }
0x2bf: {  	v7 =	vld [tilespmem:s5+$0xF000]  }
0x2c0: {  	v8 =	vld [tilespmem:s5+$0xB410]  }
0x2c1: {  	v0 =	vadd.f32 v1, v0;
	v1 =	vadd.f32 v3, v2;
	v2 =	vld [tilespmem:s5+$0xC810]  }
0x2c2: {  	v3 =	vld [tilespmem:s5+$0xDC10]  }
0x2c3: {  	v0 =	vadd.f32 v1, v0;
	v1 =	vld [tilespmem:s5+$0xF010]  }
0x2c4: {  	v60 =	vld [tilespmem:s5+$0xB420];
	v4 =	vadd.f32 v5, v4;
	v5 =	vadd.f32 v7, v6  }
0x2c5: {  	v6 =	vld [tilespmem:s5+$0xC820]  }
0x2c6: {  	v7 =	vld [tilespmem:s5+$0xDC20];
	v4 =	vadd.f32 v5, v4;
	v0 =	vmul.f32 $1.131370830e+01, v0  }
0x2c7: {  	v5 =	vld [tilespmem:s5+$0xB430]  }
0x2c8: {  	v4 =	vmul.f32 $1.131370830e+01, v4;
	v2 =	vadd.f32 v2, v8;
	[tilespmem:s5+$0x11870] =	vst v0;
	v0 =	vld [tilespmem:s5+$0xF020];
	v1 =	vadd.f32 v1, v3  }
0x2c9: {  	v8 =	vld [tilespmem:s5+$0xB440]  }
0x2ca: {  	[tilespmem:s5+$0x11800] =	vst v4;
	v4 =	vld [tilespmem:s5+$0xF030];
	v1 =	vadd.f32 v1, v2  }
0x2cb: {  	v3 =	vld [tilespmem:s5+$0xC830]  }
0x2cc: {  	v2 =	vld [tilespmem:s5+$0xDC30];
	v1 =	vmul.f32 $1.131370830e+01, v1  }
0x2cd: {  	v6 =	vadd.f32 v6, v60;
	v0 =	vadd.f32 v0, v7;
	v7 =	vld [tilespmem:s5+$0xC840]  }
0x2ce: {  	[tilespmem:s5+$0x11810] =	vst v1;
	v1 =	vld [tilespmem:s5+$0xDC40]  }
0x2cf: {  	v0 =	vadd.f32 v0, v6;
	v6 =	vld [tilespmem:s5+$0xF040]  }
0x2d0: {  	v61 =	vld [tilespmem:s5+$0xB450]  }
0x2d1: {  	v62 =	vld [tilespmem:s5+$0xF050];
	v3 =	vadd.f32 v3, v5;
	v2 =	vadd.f32 v4, v2;
	v0 =	vmul.f32 $1.131370830e+01, v0  }
0x2d2: {  	v5 =	vld [tilespmem:s5+$0xC850]  }
0x2d3: {  	[tilespmem:s5+$0x11820] =	vst v0;
	v0 =	vadd.f32 v2, v3;
	v2 =	vld [tilespmem:s5+$0xDC50]  }
0x2d4: {  	v63 =	vld [tilespmem:s5+$0xB460];
	v4 =	vadd.f32 v7, v8;
	v1 =	vadd.f32 v6, v1  }
0x2d5: {  	v12 =	vld [tilespmem:s5+$0xC860];
	v0 =	vmul.f32 $1.131370830e+01, v0  }
0x2d6: {  	v3 =	vld [tilespmem:s5+$0xDC60];
	v1 =	vadd.f32 v1, v4  }
0x2d7: {  	s10 =	simm.s32 $0x80;
	v4 =	vld [tilespmem:s5+$0xF060];
	[tilespmem:s5+$0x11830] =	vst v0  }
0x2d8: {  	v5 =	vadd.f32 v5, v61;
	v0 =	vld [tilespmem:s10+$0xB470];
	v6 =	vmul.f32 $1.131370830e+01, v1;
	v7 =	vadd.f32 v62, v2  }
0x2d9: {  	v1 =	vld [tilespmem:s10+$0xC870]  }
0x2da: {  	s8 =	simm.s32 $0x400;
	v2 =	vld [tilespmem:s10+$0xDC70];
	[tilespmem:s5+$0x11840] =	vst v6;
	v6 =	vadd.f32 v7, v5;
	v5 =	vadd.f32 v12, v63  }
.LBB2_14:
0x2db: {  	p0 =	sne.s32 s8, $0x4E00;
	v7 =	vld [tilespmem:s10+$0xF070]  }
0x2dc: {  	v8 =	vld [tilespmem:s10+$0xB400];
	v6 =	vmul.f32 $1.131370830e+01, v6;
	v3 =	vadd.f32 v4, v3  }
0x2dd: {  	v4 =	vld [tilespmem:s10+$0xC800]  }
0x2de: {  	v9 =	vld [tilespmem:s10+$0xDC00];
	[tilespmem:s5+$0x11850] =	vst v6;
	v3 =	vadd.f32 v3, v5  }
0x2df: {  	v5 =	vld [tilespmem:s10+$0xF000]  }
0x2e0: {  	v0 =	vadd.f32 v1, v0;
	v6 =	vld [tilespmem:s10+$0xB410];
	v1 =	vadd.f32 v7, v2;
	v2 =	vmul.f32 $1.131370830e+01, v3  }
0x2e1: {  	v3 =	vld [tilespmem:s10+$0xC810]  }
0x2e2: {  	v4 =	vadd.f32 v4, v8;
	v7 =	vld [tilespmem:s10+$0xDC10];
	v0 =	vadd.f32 v1, v0;
	[tilespmem:s5+$0x11860] =	vst v2;
	s5 =	smov.u32 s10  }
0x2e3: {  	v1 =	vld [tilespmem:s5+$0xF010]  }
0x2e4: {  	v2 =	vadd.f32 v5, v9;
	v5 =	vld [tilespmem:s5+$0xB420];
	v0 =	vmul.f32 $1.131370830e+01, v0  }
0x2e5: {  	v8 =	vld [tilespmem:s5+$0xC820]  }
0x2e6: {  	v2 =	vadd.f32 v2, v4;
	v3 =	vadd.f32 v3, v6;
	v4 =	vld [tilespmem:s5+$0xDC20];
	[tilespmem:s5+$0x11870] =	vst v0  }
0x2e7: {  	v0 =	vld [tilespmem:s5+$0xF020]  }
0x2e8: {  	v2 =	vmul.f32 $1.131370830e+01, v2;
	v1 =	vadd.f32 v1, v7;
	v6 =	vld [tilespmem:s5+$0xB430]  }
0x2e9: {  	v7 =	vld [tilespmem:s5+$0xC830]  }
0x2ea: {  	[tilespmem:s5+$0x11800] =	vst v2;
	v1 =	vadd.f32 v1, v3;
	v2 =	vadd.f32 v8, v5;
	v3 =	vld [tilespmem:s5+$0xDC30]  }
0x2eb: {  	v5 =	vld [tilespmem:s5+$0xF030]  }
0x2ec: {  	v1 =	vmul.f32 $1.131370830e+01, v1;
	v0 =	vadd.f32 v0, v4;
	v4 =	vld [tilespmem:s5+$0xB440]  }
0x2ed: {  	v8 =	vld [tilespmem:s5+$0xC840]  }
0x2ee: {  	[tilespmem:s5+$0x11810] =	vst v1;
	v0 =	vadd.f32 v0, v2;
	v1 =	vadd.f32 v7, v6;
	v2 =	vld [tilespmem:s5+$0xDC40]  }
0x2ef: {  	v6 =	vld [tilespmem:s5+$0xF040]  }
0x2f0: {  	v0 =	vmul.f32 $1.131370830e+01, v0;
	v3 =	vadd.f32 v5, v3;
	v5 =	vld [tilespmem:s5+$0xB450]  }
0x2f1: {  	v7 =	vld [tilespmem:s5+$0xC850]  }
0x2f2: {  	[tilespmem:s5+$0x11820] =	vst v0;
	v0 =	vadd.f32 v3, v1;
	v1 =	vadd.f32 v8, v4;
	v8 =	vld [tilespmem:s5+$0xDC50]  }
0x2f3: {  	v9 =	vld [tilespmem:s5+$0xF050]  }
0x2f4: {  	v0 =	vmul.f32 $1.131370830e+01, v0;
	v2 =	vadd.f32 v6, v2;
	v10 =	vld [tilespmem:s5+$0xB460]  }
0x2f5: {  	v11 =	vld [tilespmem:s5+$0xC860]  }
.Ltmp6:
0x2f6: {  	[tilespmem:s5+$0x11830] =	vst v0;
	v1 =	vadd.f32 v2, v1;
	v5 =	vadd.f32 v7, v5;
	v3 =	vld [tilespmem:s5+$0xDC60];
	(pc) =	sbr.rel @p0 .LBB2_14-.Ltmp6, $4  }
0x2f7: {  	s10 =	sshra.s32 s8, $0x2;
	v4 =	vld [tilespmem:s5+$0xF060]  }
0x2f8: {  	v0 =	vld [tilespmem:s10+$0xB470];
	v6 =	vmul.f32 $1.131370830e+01, v1;
	v7 =	vadd.f32 v9, v8  }
0x2f9: {  	v1 =	vld [tilespmem:s10+$0xC870]  }
0x2fa: {  	s8 =	sadd.s32 $0x200, s8;
	v2 =	vld [tilespmem:s10+$0xDC70];
	[tilespmem:s5+$0x11840] =	vst v6;
	v6 =	vadd.f32 v7, v5;
	v5 =	vadd.f32 v11, v10  }
0x2fb: {  	v7 =	vld [tilespmem:s10+$0xF070]  }
0x2fc: {  	v8 =	vld [tilespmem:s10+$0xB400];
	v6 =	vmul.f32 $1.131370830e+01, v6;
	v3 =	vadd.f32 v4, v3  }
0x2fd: {  	v9 =	vld [tilespmem:s10+$0xC800]  }
0x2fe: {  	v37 =	vld [tilespmem:s10+$0xDC00];
	[tilespmem:s5+$0x11850] =	vst v6;
	v3 =	vadd.f32 v3, v5  }
0x2ff: {  	v38 =	vld [tilespmem:s10+$0xF000]  }
0x300: {  	v6 =	vld [tilespmem:s10+$0xB410];
	v3 =	vmul.f32 $1.131370830e+01, v3  }
0x301: {  	v10 =	vld [tilespmem:s10+$0xC810]  }
0x302: {  	v40 =	vld [tilespmem:s10+$0xDC10];
	[tilespmem:s5+$0x11860] =	vst v3  }
0x303: {  	v41 =	vld [tilespmem:s10+$0xF010]  }
0x304: {  	v3 =	vld [tilespmem:s10+$0xB420]  }
0x305: {  	v43 =	vld [tilespmem:s10+$0xC820]  }
0x306: {  	v44 =	vld [tilespmem:s10+$0xDC20]  }
0x307: {  	v45 =	vld [tilespmem:s10+$0xF020]  }
0x308: {  	v46 =	vld [tilespmem:s10+$0xB430]  }
0x309: {  	v47 =	vld [tilespmem:s10+$0xC830]  }
0x30a: {  	v48 =	vld [tilespmem:s10+$0xDC30]  }
0x30b: {  	v49 =	vld [tilespmem:s10+$0xF030]  }
0x30c: {  	v50 =	vld [tilespmem:s10+$0xB440]  }
0x30d: {  	v51 =	vld [tilespmem:s10+$0xC840]  }
0x30e: {  	v0 =	vadd.f32 v1, v0;
	v39 =	vadd.f32 v7, v2;
	v52 =	vld [tilespmem:s10+$0xDC40]  }
0x30f: {  	v42 =	vadd.f32 v9, v8;
	v53 =	vld [tilespmem:s10+$0xF040]  }
0x310: {  	v0 =	vadd.f32 v39, v0;
	v54 =	vld [tilespmem:s10+$0xB450];
	v4 =	vadd.f32 v38, v37  }
0x311: {  	v55 =	vld [tilespmem:s10+$0xC850]  }
0x312: {  	v57 =	vld [tilespmem:s10+$0xDC50];
	v0 =	vmul.f32 $1.131370830e+01, v0;
	v4 =	vadd.f32 v4, v42  }
0x313: {  	v58 =	vld [tilespmem:s10+$0xF050];
	v6 =	vadd.f32 v10, v6  }
0x314: {  	v59 =	vld [tilespmem:s10+$0xB460];
	[tilespmem:s10+$0x11870] =	vst v0;
	v4 =	vmul.f32 $1.131370830e+01, v4;
	v3 =	vadd.f32 v43, v3;
	v0 =	vadd.f32 v45, v44  }
0x315: {  	v60 =	vld [tilespmem:s10+$0xC860];
	v1 =	vadd.f32 v41, v40;
	v2 =	vadd.f32 v47, v46  }
0x316: {  	v61 =	vld [tilespmem:s10+$0xDC60];
	[tilespmem:s10+$0x11800] =	vst v4;
	v0 =	vadd.f32 v0, v3;
	v4 =	vadd.f32 v49, v48  }
0x317: {  	v11 =	vld [tilespmem:s10+$0xF060];
	v1 =	vadd.f32 v1, v6  }
0x318: {  	v0 =	vmul.f32 $1.131370830e+01, v0;
	v56 =	vadd.f32 v4, v2  }
0x319: {  	v5 =	vadd.f32 v51, v50;
	v1 =	vmul.f32 $1.131370830e+01, v1  }
0x31a: {  	v62 =	vadd.f32 v55, v54;
	v2 =	vadd.f32 v58, v57;
	[tilespmem:s10+$0x11820] =	vst v0;
	v0 =	vmul.f32 $1.131370830e+01, v56  }
0x31b: {  	v63 =	vadd.f32 v60, v59;
	[tilespmem:s10+$0x11810] =	vst v1;
	v1 =	vadd.f32 v53, v52  }
0x31c: {  	v2 =	vadd.f32 v2, v62;
	[tilespmem:s10+$0x11830] =	vst v0;
	v0 =	vadd.f32 v11, v61  }
0x31d: {  	v1 =	vadd.f32 v1, v5  }
0x31e: {  	v2 =	vmul.f32 $1.131370830e+01, v2;
	v0 =	vadd.f32 v0, v63  }
0x31f: {  	v1 =	vmul.f32 $1.131370830e+01, v1  }
0x320: {  	[tilespmem:s10+$0x11850] =	vst v2;
	v0 =	vmul.f32 $1.131370830e+01, v0  }
0x321: {  	[tilespmem:s10+$0x11840] =	vst v1  }
0x322: {  	s16 =	rddreg [dreg:$0x8];
	[tilespmem:s10+$0x11860] =	vst v0  }
0x323: {  	[hbm4b:s16+s4] =	stream.linear.scatter [tilespmem:s21], [sflag:$0x4], $0x1400, $0x38;
	[tilespmem:$0x12C00] =	vst v63  }
0x324: {  	_ =	swait.ge [sflag:s26], $0x1400  }
0x325: {  	[sflag:s26] =	ssyncset.done $0x0  }
0x326: {  	[sflag:s26] =	ssyncadd.s32 $0xFFFFEC00  }
0x327: {  	_ =	swait.ge [sflag:s29], $0x1400  }
0x328: {  	s8 =	rddreg [dreg:$0xa]  }
0x329: {  	s23 =	rddreg [dreg:$0x9];
	s8 =	sadd.s32 $0x1, s8  }
0x32a: {  	p0 =	sne.s32 s8, s23  }
.Ltmp7:
0x32b: {  	_ = 	snop;
	(pc) =	sbr.rel @p0 .LBB2_1-.Ltmp7, $3  }
0x32c: {  	_ =	sdelay $0x1  }
0x32d: {  	[sflag:s29] =	ssyncset.done $0x0  }
0x32e: {  	[sflag:s29] =	ssyncadd.s32 $0xFFFFEC00  }
0x32f: {  	_ =	sfence.sel $0x180000  }
0x330: {  	[bflag:$0x0] =	sbarrier.arrive $0xFFFF  }
0x331: {  	_ =	strace $0x90000047  }
0x332: {  	s0 =	stileid.u32;
	[bflag:$0x2] =	sbarrier.arrive $0xFFFF  }
0x333: {  	p0 =	sne.s32 s0, $0x0;
	s0 =	rddreg [dreg:$0x3]  }
0x334: {  	s0 =	sadd.s32 @!p0 $0x100000, s0  }
0x335: {  	[sflag:s0] =	ssyncadd.tile.s32 @!p0 $0x1;
	_ =	shalt  }
.Lfunc_end2:
_tile_overlayer_lowered:
.L_overlay_start_2:
0x336: {  	(tag) =	ssettag $0x2  }
0x337: {  	s0 =	rddreg [dreg:$0x0];
	s2 =	stileid.u32  }
0x338: {  	s1 =	rddreg [dreg:$0x1];
	p0 =	sne.s32 s2, $0x0  }
0x339: {  	s3 =	rddreg [dreg:$0x2];
	[bflag:$0x3] =	sbarrier.arrive $0xFFFF;
	s2 =	simm.s32 @!p0 $0x1C06  }
0x33a: {  	[timem:s3], [sflag:s2] =	dma.local @!p0 [hbm:s0], s1  }
0x33b: {  	s0 =	simm.s32 @!p0 $0x6  }
0x33c: {  	_ =	swait.ge @!p0 [sflag:s0], s1  }
0x33d: {  	s1 =	ssub.s32 @!p0 $0x0, s1;
	[sflag:s0] =	ssyncset.done @!p0 $0x0  }
0x33e: {  	[sflag:s0] =	ssyncadd.s32 @!p0 s1  }
0x33f: {  	[bflag:$0x3] =	sbarrier.arrive $0xFFFF  }
0x340: {  	_ =	shalt  }

</sc_bundles>
